<compile_context>
chip_gen: v7x
topology: tpu7x:2x2x1
jax: 0.10.2.dev20260603
libtpu: 0.0.44.dev20260713+nightly
codegen_flags: <defaults>
</compile_context>

<pallas_src>
import functools

import jax
import jax.numpy as jnp
from jax import lax
from jax.experimental import pallas as pl
from jax.experimental.pallas import tpu as pltpu
from jax.experimental.pallas import tpu_sc as plsc

N = 10000
E = 160000
D = 256
DE = 16
H = 512
GC = 128
NG = H // GC
NGH = 2
CHUNK = 128
NCH = E // CHUNK
NWORK = 32
FLUSH_ROWS = 624
FLUSH_TAIL = N - 16 * FLUSH_ROWS
CH2 = 40
NJOB = E // CH2
JROWS = 2 * NGH * CH2
OROWS = NGH * CH2


def _proj_body(x_ref, w_ref, out_ref):
    x = x_ref[...]
    for t in range(2 * NG):
        r0 = D * (t // NG)
        c0 = GC * (t % NG)
        out_ref[t] = jnp.dot(x, w_ref[r0:r0 + D, c0:c0 + GC],
                             preferred_element_type=jnp.float32)


def _tc_proj(x, w1):
    nb = 2000
    return pl.pallas_call(
        _proj_body,
        grid=(N // nb,),
        in_specs=[
            pl.BlockSpec((nb, D), lambda n: (n, 0)),
            pl.BlockSpec((2 * D + DE, H), lambda n: (0, 0)),
        ],
        out_specs=pl.BlockSpec((2 * NG, nb, GC), lambda n: (0, n, 0)),
        out_shape=jax.ShapeDtypeStruct((2 * NG, N, GC), jnp.float32),
    )(x, w1)


def _gather_body(p8, idx_h, out, idxa, idxb, bufa, bufb,
                 gsema, gsemb, wsema, wsemb):
    c = lax.axis_index("c")
    s = lax.axis_index("s")
    wid = s * 2 + c

    def load_idx(ibuf, j):
        r = wid + NWORK * j
        pltpu.sync_copy(idx_h.at[pl.ds(r * JROWS, JROWS)], ibuf)

    def issue_gathers(ibuf, dbuf, gsem):
        for t in range(2 * NGH):
            pltpu.async_copy(p8.at[ibuf.at[pl.ds(t * CH2, CH2)]],
                             dbuf.at[pl.ds(t * CH2, CH2)], gsem)

    def wait_gathers(dbuf, gsem):
        pltpu.make_async_copy(p8.at[pl.ds(0, JROWS)], dbuf, gsem).wait()

    def pair_sum(dbuf):
        def addrow(j, carry):
            for g in range(NGH):
                for k in range(GC // 16):
                    x = dbuf[(NGH + g) * CH2 + j, pl.ds(k * 16, 16)]
                    plsc.addupdate(dbuf.at[g * CH2 + j, pl.ds(k * 16, 16)], x)
            return carry
        lax.fori_loop(0, CH2, addrow, 0)

    def issue_write(dbuf, j, wsem):
        r = wid + NWORK * j
        pltpu.async_copy(dbuf.at[pl.ds(0, OROWS)],
                         out.at[pl.ds(r * OROWS, OROWS)], wsem)

    def wait_write(dbuf, wsem):
        pltpu.make_async_copy(dbuf.at[pl.ds(0, OROWS)],
                              out.at[pl.ds(0, OROWS)], wsem).wait()

    load_idx(idxa, 0)
    issue_gathers(idxa, bufa, gsema)

    def body(k, carry):
        a = 2 * k
        b = 2 * k + 1

        @pl.when(k > 0)
        def _():
            wait_write(bufb, wsemb)

        load_idx(idxb, b)
        issue_gathers(idxb, bufb, gsemb)
        wait_gathers(bufa, gsema)
        pair_sum(bufa)
        issue_write(bufa, a, wsema)
        wait_gathers(bufb, gsemb)
        pair_sum(bufb)
        issue_write(bufb, b, wsemb)
        wait_write(bufa, wsema)
        load_idx(idxa, a + 2)
        issue_gathers(idxa, bufa, gsema)
        return carry

    lax.fori_loop(0, 62, body, 0)
    wait_gathers(bufa, gsema)
    pair_sum(bufa)
    issue_write(bufa, 124, wsema)
    wait_write(bufb, wsemb)
    wait_write(bufa, wsema)


def _sc_gather(p8_flat, idx_half):
    mesh = plsc.VectorSubcoreMesh(core_axis_name="c", subcore_axis_name="s")
    f = pl.kernel(
        _gather_body,
        out_type=jax.ShapeDtypeStruct((NGH * E, GC), jnp.float32),
        mesh=mesh,
        scratch_types=[
            pltpu.VMEM((JROWS,), jnp.int32),
            pltpu.VMEM((JROWS,), jnp.int32),
            pltpu.VMEM((JROWS, GC), jnp.float32),
            pltpu.VMEM((JROWS, GC), jnp.float32),
            pltpu.SemaphoreType.DMA,
            pltpu.SemaphoreType.DMA,
            pltpu.SemaphoreType.DMA,
            pltpu.SemaphoreType.DMA,
        ],
    )
    return f(p8_flat, idx_half)


_INV_SQRT2 = 0.7071067811865476


def _gelu_body(g8_ref, ef_ref, wc_ref, b1_ref, out_ref):
    be = ef_ref.shape[0]
    ef = ef_ref[...]
    for g in range(NGH):
        z = (g8_ref[:, g].reshape(be, GC)
             + jnp.dot(ef, wc_ref[:, g * GC:(g + 1) * GC],
                       preferred_element_type=jnp.float32)
             + b1_ref[0, g * GC:(g + 1) * GC][None, :])
        out_ref[g] = z * 0.5 * (1.0 + lax.erf(z * _INV_SQRT2))


def _tc_gelu(g8, ef, wc_h, b1_h):
    nbr = 25
    be = nbr * CH2
    return pl.pallas_call(
        _gelu_body,
        grid=(NJOB // nbr,),
        in_specs=[
            pl.BlockSpec((nbr, NGH, CH2, GC), lambda e: (e, 0, 0, 0)),
            pl.BlockSpec((be, DE), lambda e: (e, 0)),
            pl.BlockSpec((DE, NGH * GC), lambda e: (0, 0)),
            pl.BlockSpec((1, NGH * GC), lambda e: (0, 0)),
        ],
        out_specs=pl.BlockSpec((NGH, be, GC), lambda e: (0, e, 0)),
        out_shape=jax.ShapeDtypeStruct((NGH, E, GC), jnp.float32),
    )(g8, ef, wc_h, b1_h)


def _scatter_body(with_deg, hm, dst_h, *refs):
    if with_deg:
        (s_out, deg_out, acc, hma, hmb, idxa, idxb,
         lsema, lsemb, ssema, ssemb) = refs
    else:
        (s_out, acc, hma, hmb, idxa, idxb,
         lsema, lsemb, ssema, ssemb) = refs
    c = lax.axis_index("c")
    s = lax.axis_index("s")
    base = s * FLUSH_ROWS
    zero_chunks = [(0, CHUNK), (CHUNK, CHUNK), (2 * CHUNK, CHUNK),
                   (3 * CHUNK, CHUNK), (4 * CHUNK, FLUSH_ROWS - 4 * CHUNK)]

    def fill_hma(val):
        def fill(j, carry):
            hma[j // 8, pl.ds((j % 8) * 16, 16)] = jnp.full((16,), val,
                                                            jnp.float32)
            return carry
        lax.fori_loop(0, CHUNK * (GC // 16), fill, 0)

    def zero_acc():
        fill_hma(0.0)
        for off, ln in zero_chunks:
            pltpu.sync_copy(hma.at[pl.ds(0, ln)],
                            acc.at[pl.ds(base + off, ln)])

        @pl.when(s == 0)
        def _():
            pltpu.sync_copy(hma.at[pl.ds(0, FLUSH_TAIL)],
                            acc.at[pl.ds(16 * FLUSH_ROWS, FLUSH_TAIL)])

    def flush_acc(out_ref):
        pltpu.sync_copy(acc.at[pl.ds(base, FLUSH_ROWS)],
                        out_ref.at[pl.ds(c * N + base, FLUSH_ROWS)])

        @pl.when(s == 0)
        def _():
            pltpu.sync_copy(
                acc.at[pl.ds(16 * FLUSH_ROWS, FLUSH_TAIL)],
                out_ref.at[pl.ds(c * N + 16 * FLUSH_ROWS, FLUSH_TAIL)])

    def load_idx(ibuf, lsem, r):
        pltpu.async_copy(dst_h.at[pl.ds(r * CHUNK, CHUNK)], ibuf, lsem)

    def wait_idx(ibuf, lsem):
        pltpu.make_async_copy(dst_h.at[pl.ds(0, CHUNK)], ibuf, lsem).wait()

    def load_hm(dbuf, lsem, r):
        pltpu.async_copy(hm.at[pl.ds(c * E + r * CHUNK, CHUNK)], dbuf, lsem)

    def wait_hm(dbuf, lsem):
        pltpu.make_async_copy(hm.at[pl.ds(0, CHUNK)], dbuf, lsem).wait()

    def issue_scat(dbuf, ibuf, ssem):
        pltpu.async_copy(dbuf, acc.at[ibuf], ssem, add=True)

    def wait_scat(dbuf, ssem):
        pltpu.make_async_copy(dbuf, acc.at[pl.ds(0, CHUNK)], ssem).wait()

    zero_acc()
    plsc.subcore_barrier()

    load_idx(idxa, lsema, s)
    load_hm(hma, lsema, s)

    def body(k, carry):
        ra = s + 16 * (2 * k)
        rb = s + 16 * (2 * k + 1)

        @pl.when(k > 0)
        def _():
            wait_scat(hmb, ssemb)

        load_idx(idxb, lsemb, rb)
        load_hm(hmb, lsemb, rb)
        wait_idx(idxa, lsema)
        wait_hm(hma, lsema)
        issue_scat(hma, idxa, ssema)
        wait_idx(idxb, lsemb)
        wait_hm(hmb, lsemb)
        wait_scat(hma, ssema)

        @pl.when(k < 38)
        def _():
            load_idx(idxa, lsema, ra + 32)
            load_hm(hma, lsema, ra + 32)

        issue_scat(hmb, idxb, ssemb)
        return carry

    lax.fori_loop(0, 39, body, 0)
    wait_scat(hmb, ssemb)

    @pl.when(s < 2)
    def _():
        r = 16 * 78 + s
        pltpu.sync_copy(dst_h.at[pl.ds(r * CHUNK, CHUNK)], idxa)
        pltpu.sync_copy(hm.at[pl.ds(c * E + r * CHUNK, CHUNK)], hma)
        pltpu.sync_copy(hma, acc.at[idxa], add=True)

    plsc.subcore_barrier()
    flush_acc(s_out)

    if not with_deg:
        return

    plsc.subcore_barrier()
    zero_acc()
    plsc.subcore_barrier()
    fill_hma(1.0)
    half0 = NCH // 2
    dbase = c * half0 + s

    load_idx(idxa, lsema, dbase)

    def dbody(k, carry):
        ra = dbase + 16 * (2 * k)
        rb = dbase + 16 * (2 * k + 1)

        @pl.when(k > 0)
        def _():
            wait_scat(hma, ssemb)

        load_idx(idxb, lsemb, rb)
        wait_idx(idxa, lsema)
        issue_scat(hma, idxa, ssema)
        wait_idx(idxb, lsemb)
        wait_scat(hma, ssema)

        @pl.when(k < 18)
        def _():
            load_idx(idxa, lsema, ra + 32)

        issue_scat(hma, idxb, ssemb)
        return carry

    lax.fori_loop(0, 19, dbody, 0)
    wait_scat(hma, ssemb)

    r38 = dbase + 16 * 38
    pltpu.sync_copy(dst_h.at[pl.ds(r38 * CHUNK, CHUNK)], idxa)
    pltpu.sync_copy(hma, acc.at[idxa], add=True)

    @pl.when(s == 0)
    def _():
        r = c * half0 + half0 - 1
        pltpu.sync_copy(dst_h.at[pl.ds(r * CHUNK, CHUNK)], idxa)
        pltpu.sync_copy(hma, acc.at[idxa], add=True)

    plsc.subcore_barrier()
    flush_acc(deg_out)


def _sc_scatter(hm_flat, dst, with_deg):
    mesh = plsc.VectorSubcoreMesh(core_axis_name="c", subcore_axis_name="s")
    out_type = [jax.ShapeDtypeStruct((NGH * N, GC), jnp.float32)]
    if with_deg:
        out_type.append(jax.ShapeDtypeStruct((2 * N, GC), jnp.float32))
    f = pl.kernel(
        functools.partial(_scatter_body, with_deg),
        out_type=out_type,
        mesh=mesh,
        scratch_types=[
            pltpu.VMEM_SHARED((N, GC), jnp.float32),
            pltpu.VMEM((CHUNK, GC), jnp.float32),
            pltpu.VMEM((CHUNK, GC), jnp.float32),
            pltpu.VMEM((CHUNK,), jnp.int32),
            pltpu.VMEM((CHUNK,), jnp.int32),
            pltpu.SemaphoreType.DMA,
            pltpu.SemaphoreType.DMA,
            pltpu.SemaphoreType.DMA,
            pltpu.SemaphoreType.DMA,
        ],
    )
    return f(hm_flat, dst)


def _update_body(x_ref, s0_ref, s1_ref, deg_ref, w2_ref, b2_ref, wu1_ref,
                 bu1_ref, wu2_ref, bu2_ref, gamma_ref, beta_ref, out_ref):
    x = x_ref[...]
    sw = jnp.dot(s0_ref[0], w2_ref[0:GC, :], preferred_element_type=jnp.float32)
    sw = sw + jnp.dot(s0_ref[1], w2_ref[GC:2 * GC, :],
                      preferred_element_type=jnp.float32)
    sw = sw + jnp.dot(s1_ref[0], w2_ref[2 * GC:3 * GC, :],
                      preferred_element_type=jnp.float32)
    sw = sw + jnp.dot(s1_ref[1], w2_ref[3 * GC:4 * GC, :],
                      preferred_element_type=jnp.float32)
    deg = deg_ref[0, :, 0:1] + deg_ref[1, :, 0:1]
    md = jnp.maximum(deg, 1.0)
    agg = sw / md + (deg / md) * b2_ref[...]
    t = (jnp.dot(x, wu1_ref[0:D, :], preferred_element_type=jnp.float32)
         + jnp.dot(agg, wu1_ref[D:2 * D, :], preferred_element_type=jnp.float32)
         + bu1_ref[...])
    u = t * 0.5 * (1.0 + lax.erf(t * _INV_SQRT2))
    y = (jnp.dot(u, wu2_ref[...], preferred_element_type=jnp.float32)
         + bu2_ref[...] + x)
    mu = jnp.mean(y, axis=-1, keepdims=True)
    d = y - mu
    var = jnp.mean(d * d, axis=-1, keepdims=True)
    out_ref[...] = d * lax.rsqrt(var + 1e-5) * gamma_ref[...] + beta_ref[...]


def _tc_update(x, s0, s1, deg, w2, b2, wu1, bu1, wu2, bu2, gamma, beta):
    nb = 1000
    full = lambda shape: pl.BlockSpec(shape, lambda n: tuple(0 for _ in shape))
    return pl.pallas_call(
        _update_body,
        grid=(N // nb,),
        in_specs=[
            pl.BlockSpec((nb, D), lambda n: (n, 0)),
            pl.BlockSpec((NGH, nb, GC), lambda n: (0, n, 0)),
            pl.BlockSpec((NGH, nb, GC), lambda n: (0, n, 0)),
            pl.BlockSpec((2, nb, GC), lambda n: (0, n, 0)),
            full((H, D)),
            full((1, D)),
            full((2 * D, H)),
            full((1, H)),
            full((H, D)),
            full((1, D)),
            full((1, D)),
            full((1, D)),
        ],
        out_specs=pl.BlockSpec((nb, D), lambda n: (n, 0)),
        out_shape=jax.ShapeDtypeStruct((N, D), jnp.float32),
    )(x, s0, s1, deg, w2, b2, wu1, bu1, wu2, bu2, gamma, beta)


def kernel(node_features, edge_index, edge_features, W1, b1, W2, b2,
           Wu1, bu1, Wu2, bu2, gamma, beta):
    src = edge_index[0]
    dst = edge_index[1]
    offs = jnp.arange(2 * NG, dtype=jnp.int32) * N
    idx8 = (jnp.where(offs[:, None] < NG * N, src[None, :], dst[None, :])
            + offs[:, None])

    def half_idx(h):
        tabs = jnp.array([2 * h, 2 * h + 1, NG + 2 * h, NG + 2 * h + 1])
        ih = idx8[tabs]
        return jnp.transpose(ih.reshape(2 * NGH, NJOB, CH2),
                             (1, 0, 2)).reshape(-1)

    p8_flat = _tc_proj(node_features, W1).reshape(2 * NG * N, GC)
    wc = W1[2 * D:]
    b1_2d = b1.reshape(1, H)

    g0 = _sc_gather(p8_flat, half_idx(0))
    hm0 = _tc_gelu(g0.reshape(NJOB, NGH, CH2, GC), edge_features,
                   wc[:, :NGH * GC], b1_2d[:, :NGH * GC])
    g1 = _sc_gather(p8_flat, half_idx(1))
    s0 = _sc_scatter(hm0.reshape(NGH * E, GC), dst, False)[0]
    hm1 = _tc_gelu(g1.reshape(NJOB, NGH, CH2, GC), edge_features,
                   wc[:, NGH * GC:], b1_2d[:, NGH * GC:])
    s1, deg = _sc_scatter(hm1.reshape(NGH * E, GC), dst, True)

    out = _tc_update(node_features, s0.reshape(NGH, N, GC),
                     s1.reshape(NGH, N, GC), deg.reshape(2, N, GC),
                     W2, b2.reshape(1, D), Wu1, bu1.reshape(1, H),
                     Wu2, bu2.reshape(1, D), gamma.reshape(1, D),
                     beta.reshape(1, D))
    return out

# --- scband reference (transcript-rebuilt; emitter-appended) ---
"""Pipeline reference for scband-message-passing-layer-13529146982769 (READ-ONLY COPY).

The authoritative reference and input builder live on the scoring server;
editing this copy changes nothing except your own understanding.
"""

import jax, jax.numpy as jnp
import numpy as np

N = 10000
E = 160000
D = 256
DE = 16
H = 512


def setup_inputs(seed: int = 0) -> dict:
    key = jax.random.key(seed)
    ks = jax.random.split(key, 12)
    node_features = jax.random.normal(ks[0], (N, D), dtype=jnp.float32)
    edge_index = jax.random.randint(ks[1], (2, E), 0, N, dtype=jnp.int32)
    edge_features = jax.random.normal(ks[2], (E, DE), dtype=jnp.float32)
    # message_func: Linear(2*D+DE -> H), GELU, Linear(H -> D)
    W1 = jax.random.normal(ks[3], (2 * D + DE, H), dtype=jnp.float32) * 0.04
    b1 = jnp.zeros((H,), dtype=jnp.float32)
    W2 = jax.random.normal(ks[4], (H, D), dtype=jnp.float32) * 0.04
    b2 = jnp.zeros((D,), dtype=jnp.float32)
    # update_func: Linear(2*D -> H), GELU, Linear(H -> D)
    Wu1 = jax.random.normal(ks[5], (2 * D, H), dtype=jnp.float32) * 0.04
    bu1 = jnp.zeros((H,), dtype=jnp.float32)
    Wu2 = jax.random.normal(ks[6], (H, D), dtype=jnp.float32) * 0.04
    bu2 = jnp.zeros((D,), dtype=jnp.float32)
    gamma = jnp.ones((D,), dtype=jnp.float32)
    beta = jnp.zeros((D,), dtype=jnp.float32)
    return {
        "node_features": node_features,
        "edge_index": edge_index,
        "edge_features": edge_features,
        "W1": W1, "b1": b1, "W2": W2, "b2": b2,
        "Wu1": Wu1, "bu1": bu1, "Wu2": Wu2, "bu2": bu2,
        "gamma": gamma, "beta": beta,
    }


def reference(node_features, edge_index, edge_features, W1, b1, W2, b2, Wu1, bu1, Wu2, bu2, gamma, beta):
    src = edge_index[0]
    dst = edge_index[1]
    src_h = jnp.take(node_features, src, axis=0)
    dst_h = jnp.take(node_features, dst, axis=0)
    combined = jnp.concatenate([src_h, dst_h, edge_features], axis=-1)
    h = jax.nn.gelu(combined @ W1 + b1, approximate=False)
    msg = h @ W2 + b2
    # mean aggregation over incoming edges (DGL mean: zero for isolated nodes)
    s = jax.ops.segment_sum(msg, dst, num_segments=N)
    deg = jax.ops.segment_sum(jnp.ones((E,), dtype=jnp.float32), dst, num_segments=N)
    agg = s / jnp.maximum(deg, 1.0)[:, None]
    comb2 = jnp.concatenate([node_features, agg], axis=-1)
    u = jax.nn.gelu(comb2 @ Wu1 + bu1, approximate=False)
    updated = u @ Wu2 + bu2
    y = updated + node_features
    mu = jnp.mean(y, axis=-1, keepdims=True)
    var = jnp.var(y, axis=-1, keepdims=True)
    out = (y - mu) / jnp.sqrt(var + 1e-5) * gamma + beta
    return out

if __name__ == "__main__":
    import jax
    _d = setup_inputs()
    print(jax.jit(kernel)(*tuple(_d.values())))

</pallas_src>

<mosaic_0001>
#map = affine_map<(d0, d1) -> (0, 0)>
#map1 = affine_map<(d0, d1) -> (0)>
module attributes {stable_mosaic.version = 14 : i64} {
  func.func @_gather_body(%arg0: i32, %arg1: i32, %arg2: memref<80000x128xf32, #tpu.memory_space<hbm>>, %arg3: memref<640000xi32, #tpu.memory_space<hbm>>, %arg4: memref<320000x128xf32, #tpu.memory_space<hbm>>, %arg5: memref<160xi32, #tpu.memory_space<vmem>>, %arg6: memref<160xi32, #tpu.memory_space<vmem>>, %arg7: memref<160x128xf32, #tpu.memory_space<vmem>>, %arg8: memref<160x128xf32, #tpu.memory_space<vmem>>, %arg9: memref<!tpu.dma_semaphore, #tpu.memory_space<semaphore_mem>>, %arg10: memref<!tpu.dma_semaphore, #tpu.memory_space<semaphore_mem>>, %arg11: memref<!tpu.dma_semaphore, #tpu.memory_space<semaphore_mem>>, %arg12: memref<!tpu.dma_semaphore, #tpu.memory_space<semaphore_mem>>) attributes {dimension_semantics = [#tpu.dimension_semantics<core_parallel>, #tpu.dimension_semantics<subcore_parallel>], iteration_bounds = array<i64: 2, 16>, scalar_prefetch = 0 : i64, scratch_operands = 8 : i64, tpu.core_type = #tpu.core_type<sc_vector_subcore>, window_params = [{transform_indices = #map}, {transform_indices = #map1}, {transform_indices = #map}]} {
    %mul3A = arith.constant 2 : i32
    %mul3A_0 = arith.muli %arg1, %mul3A : i32
    %add3A = arith.addi %mul3A_0, %arg0 : i32
    %add3A_1 = arith.constant 0 : i32
    %add3A_2 = arith.addi %add3A, %add3A_1 : i32
    %mul3A_3 = arith.constant 160 : i32
    %mul3A_4 = arith.muli %add3A_2, %mul3A_3 : i32
    "tpu.region"() ({
      %run_scoped3A = tpu.sem_alloc : memref<!tpu.dma_semaphore, #tpu.memory_space<semaphore_mem>>
      %dma_start3A_90 = tpu.memref_slice %arg3[%mul3A_4] : memref<640000xi32, #tpu.memory_space<hbm>> -> memref<160xi32, #tpu.memory_space<hbm>>
      %dma_start3A_91 = tpu.memref_slice %arg3[%mul3A_4] : memref<640000xi32, #tpu.memory_space<hbm>> -> memref<160xi32, #tpu.memory_space<hbm>>
      tpu.enqueue_dma source(%dma_start3A_91 : memref<160xi32, #tpu.memory_space<hbm>>) target(%arg5 : memref<160xi32, #tpu.memory_space<vmem>>) target_semaphore(%run_scoped3A : memref<!tpu.dma_semaphore, #tpu.memory_space<semaphore_mem>>)
      %dma_wait3A_92 = tpu.memref_slice %arg3[%mul3A_4] : memref<640000xi32, #tpu.memory_space<hbm>> -> memref<160xi32, #tpu.memory_space<hbm>>
      %dma_wait3A_93 = tpu.memref_slice %arg3[%mul3A_4] : memref<640000xi32, #tpu.memory_space<hbm>> -> memref<160xi32, #tpu.memory_space<hbm>>
      tpu.wait_dma2 semaphore(%run_scoped3A : memref<!tpu.dma_semaphore, #tpu.memory_space<semaphore_mem>>) src(%dma_wait3A_93 : memref<160xi32, #tpu.memory_space<hbm>>) dst(%arg5 : memref<160xi32, #tpu.memory_space<vmem>>)
      tpu.yield
    }) : () -> ()
    %dma_start3A = arith.constant 0 : i32
    %dma_start3A_5 = arith.constant 0 : i32
    %dma_start3A_6 = tpu.memref_slice %arg7[%dma_start3A, %dma_start3A_5] : memref<160x128xf32, #tpu.memory_space<vmem>> -> memref<40x128xf32, #tpu.memory_space<vmem>>
    %dma_start3A_7 = arith.constant 0 : i32
    %dma_start3A_8 = tpu.memref_slice %arg5[%dma_start3A_7] : memref<160xi32, #tpu.memory_space<vmem>> -> memref<40xi32, #tpu.memory_space<vmem>>
    %dma_start3A_9 = arith.constant 0 : i32
    %dma_start3A_10 = arith.constant 0 : i32
    %dma_start3A_11 = tpu.memref_slice %arg2[%dma_start3A_9, %dma_start3A_10] : memref<80000x128xf32, #tpu.memory_space<hbm>> -> memref<80000x128xf32, #tpu.memory_space<hbm>>
    tpu.enqueue_indirect_dma source(%dma_start3A_11 : memref<80000x128xf32, #tpu.memory_space<hbm>>) target(%dma_start3A_6 : memref<40x128xf32, #tpu.memory_space<vmem>>) offsets(%dma_start3A_8 : memref<40xi32, #tpu.memory_space<vmem>>) semaphore(%arg9 : memref<!tpu.dma_semaphore, #tpu.memory_space<semaphore_mem>>)
    %dma_start3A_12 = arith.constant 40 : i32
    %dma_start3A_13 = arith.constant 0 : i32
    %dma_start3A_14 = tpu.memref_slice %arg7[%dma_start3A_12, %dma_start3A_13] : memref<160x128xf32, #tpu.memory_space<vmem>> -> memref<40x128xf32, #tpu.memory_space<vmem>>
    %dma_start3A_15 = arith.constant 40 : i32
    %dma_start3A_16 = tpu.memref_slice %arg5[%dma_start3A_15] : memref<160xi32, #tpu.memory_space<vmem>> -> memref<40xi32, #tpu.memory_space<vmem>>
    %dma_start3A_17 = arith.constant 0 : i32
    %dma_start3A_18 = arith.constant 0 : i32
    %dma_start3A_19 = tpu.memref_slice %arg2[%dma_start3A_17, %dma_start3A_18] : memref<80000x128xf32, #tpu.memory_space<hbm>> -> memref<80000x128xf32, #tpu.memory_space<hbm>>
    tpu.enqueue_indirect_dma source(%dma_start3A_19 : memref<80000x128xf32, #tpu.memory_space<hbm>>) target(%dma_start3A_14 : memref<40x128xf32, #tpu.memory_space<vmem>>) offsets(%dma_start3A_16 : memref<40xi32, #tpu.memory_space<vmem>>) semaphore(%arg9 : memref<!tpu.dma_semaphore, #tpu.memory_space<semaphore_mem>>)
    %dma_start3A_20 = arith.constant 80 : i32
    %dma_start3A_21 = arith.constant 0 : i32
    %dma_start3A_22 = tpu.memref_slice %arg7[%dma_start3A_20, %dma_start3A_21] : memref<160x128xf32, #tpu.memory_space<vmem>> -> memref<40x128xf32, #tpu.memory_space<vmem>>
    %dma_start3A_23 = arith.constant 80 : i32
    %dma_start3A_24 = tpu.memref_slice %arg5[%dma_start3A_23] : memref<160xi32, #tpu.memory_space<vmem>> -> memref<40xi32, #tpu.memory_space<vmem>>
    %dma_start3A_25 = arith.constant 0 : i32
    %dma_start3A_26 = arith.constant 0 : i32
    %dma_start3A_27 = tpu.memref_slice %arg2[%dma_start3A_25, %dma_start3A_26] : memref<80000x128xf32, #tpu.memory_space<hbm>> -> memref<80000x128xf32, #tpu.memory_space<hbm>>
    tpu.enqueue_indirect_dma source(%dma_start3A_27 : memref<80000x128xf32, #tpu.memory_space<hbm>>) target(%dma_start3A_22 : memref<40x128xf32, #tpu.memory_space<vmem>>) offsets(%dma_start3A_24 : memref<40xi32, #tpu.memory_space<vmem>>) semaphore(%arg9 : memref<!tpu.dma_semaphore, #tpu.memory_space<semaphore_mem>>)
    %dma_start3A_28 = arith.constant 120 : i32
    %dma_start3A_29 = arith.constant 0 : i32
    %dma_start3A_30 = tpu.memref_slice %arg7[%dma_start3A_28, %dma_start3A_29] : memref<160x128xf32, #tpu.memory_space<vmem>> -> memref<40x128xf32, #tpu.memory_space<vmem>>
    %dma_start3A_31 = arith.constant 120 : i32
    %dma_start3A_32 = tpu.memref_slice %arg5[%dma_start3A_31] : memref<160xi32, #tpu.memory_space<vmem>> -> memref<40xi32, #tpu.memory_space<vmem>>
    %dma_start3A_33 = arith.constant 0 : i32
    %dma_start3A_34 = arith.constant 0 : i32
    %dma_start3A_35 = tpu.memref_slice %arg2[%dma_start3A_33, %dma_start3A_34] : memref<80000x128xf32, #tpu.memory_space<hbm>> -> memref<80000x128xf32, #tpu.memory_space<hbm>>
    tpu.enqueue_indirect_dma source(%dma_start3A_35 : memref<80000x128xf32, #tpu.memory_space<hbm>>) target(%dma_start3A_30 : memref<40x128xf32, #tpu.memory_space<vmem>>) offsets(%dma_start3A_32 : memref<40xi32, #tpu.memory_space<vmem>>) semaphore(%arg9 : memref<!tpu.dma_semaphore, #tpu.memory_space<semaphore_mem>>)
    %scan3A = arith.constant 0 : i32
    %scan3A_36 = arith.constant 0 : i32
    %scan3A_37 = arith.constant 62 : i32
    %scan3A_38 = arith.addi %scan3A_36, %scan3A_37 : i32
    %scan3A_39 = arith.constant 1 : i32
    scf.for %scan3A_90 = %scan3A_36 to %scan3A_38 step %scan3A_39  : i32 {
      %mul3A_91 = arith.constant 2 : i32
      %mul3A_92 = arith.muli %mul3A_91, %scan3A_90 : i32
      %mul3A_93 = arith.constant 2 : i32
      %mul3A_94 = arith.muli %mul3A_93, %scan3A_90 : i32
      %add3A_95 = arith.constant 1 : i32
      %add3A_96 = arith.addi %mul3A_94, %add3A_95 : i32
      %gt3A = arith.constant 0 : i32
      %gt3A_97 = arith.cmpi sgt, %scan3A_90, %gt3A : i32
      %convert_element_type3A = arith.extui %gt3A_97 : i1 to i32
      %cond3A = arith.constant 0 : i32
      %cond3A_98 = arith.cmpi ne, %convert_element_type3A, %cond3A : i32
      scf.if %cond3A_98 {
        %dma_wait3A_241 = arith.constant 0 : i32
        %dma_wait3A_242 = arith.constant 0 : i32
        %dma_wait3A_243 = tpu.memref_slice %arg8[%dma_wait3A_241, %dma_wait3A_242] : memref<160x128xf32, #tpu.memory_space<vmem>> -> memref<80x128xf32, #tpu.memory_space<vmem>>
        %dma_wait3A_244 = arith.constant 0 : i32
        %dma_wait3A_245 = arith.constant 0 : i32
        %dma_wait3A_246 = tpu.memref_slice %arg4[%dma_wait3A_244, %dma_wait3A_245] : memref<320000x128xf32, #tpu.memory_space<hbm>> -> memref<80x128xf32, #tpu.memory_space<hbm>>
        %dma_wait3A_247 = arith.constant 0 : i32
        %dma_wait3A_248 = arith.constant 0 : i32
        %dma_wait3A_249 = tpu.memref_slice %arg4[%dma_wait3A_247, %dma_wait3A_248] : memref<320000x128xf32, #tpu.memory_space<hbm>> -> memref<80x128xf32, #tpu.memory_space<hbm>>
        %dma_wait3A_250 = arith.constant 0 : i32
        %dma_wait3A_251 = arith.constant 0 : i32
        %dma_wait3A_252 = tpu.memref_slice %arg8[%dma_wait3A_250, %dma_wait3A_251] : memref<160x128xf32, #tpu.memory_space<vmem>> -> memref<80x128xf32, #tpu.memory_space<vmem>>
        tpu.wait_dma2 semaphore(%arg12 : memref<!tpu.dma_semaphore, #tpu.memory_space<semaphore_mem>>) src(%dma_wait3A_252 : memref<80x128xf32, #tpu.memory_space<vmem>>) dst(%dma_wait3A_249 : memref<80x128xf32, #tpu.memory_space<hbm>>)
      } else {
      }
      %mul3A_99 = arith.constant 32 : i32
      %mul3A_100 = arith.muli %mul3A_99, %add3A_96 : i32
      %add3A_101 = arith.addi %add3A, %mul3A_100 : i32
      %mul3A_102 = arith.constant 160 : i32
      %mul3A_103 = arith.muli %add3A_101, %mul3A_102 : i32
      "tpu.region"() ({
        %run_scoped3A = tpu.sem_alloc : memref<!tpu.dma_semaphore, #tpu.memory_space<semaphore_mem>>
        %dma_start3A_241 = tpu.memref_slice %arg3[%mul3A_103] : memref<640000xi32, #tpu.memory_space<hbm>> -> memref<160xi32, #tpu.memory_space<hbm>>
        %dma_start3A_242 = tpu.memref_slice %arg3[%mul3A_103] : memref<640000xi32, #tpu.memory_space<hbm>> -> memref<160xi32, #tpu.memory_space<hbm>>
        tpu.enqueue_dma source(%dma_start3A_242 : memref<160xi32, #tpu.memory_space<hbm>>) target(%arg6 : memref<160xi32, #tpu.memory_space<vmem>>) target_semaphore(%run_scoped3A : memref<!tpu.dma_semaphore, #tpu.memory_space<semaphore_mem>>)
        %dma_wait3A_243 = tpu.memref_slice %arg3[%mul3A_103] : memref<640000xi32, #tpu.memory_space<hbm>> -> memref<160xi32, #tpu.memory_space<hbm>>
        %dma_wait3A_244 = tpu.memref_slice %arg3[%mul3A_103] : memref<640000xi32, #tpu.memory_space<hbm>> -> memref<160xi32, #tpu.memory_space<hbm>>
        tpu.wait_dma2 semaphore(%run_scoped3A : memref<!tpu.dma_semaphore, #tpu.memory_space<semaphore_mem>>) src(%dma_wait3A_244 : memref<160xi32, #tpu.memory_space<hbm>>) dst(%arg6 : memref<160xi32, #tpu.memory_space<vmem>>)
        tpu.yield
      }) : () -> ()
      %dma_start3A_104 = arith.constant 0 : i32
      %dma_start3A_105 = arith.constant 0 : i32
      %dma_start3A_106 = tpu.memref_slice %arg8[%dma_start3A_104, %dma_start3A_105] : memref<160x128xf32, #tpu.memory_space<vmem>> -> memref<40x128xf32, #tpu.memory_space<vmem>>
      %dma_start3A_107 = arith.constant 0 : i32
      %dma_start3A_108 = tpu.memref_slice %arg6[%dma_start3A_107] : memref<160xi32, #tpu.memory_space<vmem>> -> memref<40xi32, #tpu.memory_space<vmem>>
      %dma_start3A_109 = arith.constant 0 : i32
      %dma_start3A_110 = arith.constant 0 : i32
      %dma_start3A_111 = tpu.memref_slice %arg2[%dma_start3A_109, %dma_start3A_110] : memref<80000x128xf32, #tpu.memory_space<hbm>> -> memref<80000x128xf32, #tpu.memory_space<hbm>>
      tpu.enqueue_indirect_dma source(%dma_start3A_111 : memref<80000x128xf32, #tpu.memory_space<hbm>>) target(%dma_start3A_106 : memref<40x128xf32, #tpu.memory_space<vmem>>) offsets(%dma_start3A_108 : memref<40xi32, #tpu.memory_space<vmem>>) semaphore(%arg10 : memref<!tpu.dma_semaphore, #tpu.memory_space<semaphore_mem>>)
      %dma_start3A_112 = arith.constant 40 : i32
      %dma_start3A_113 = arith.constant 0 : i32
      %dma_start3A_114 = tpu.memref_slice %arg8[%dma_start3A_112, %dma_start3A_113] : memref<160x128xf32, #tpu.memory_space<vmem>> -> memref<40x128xf32, #tpu.memory_space<vmem>>
      %dma_start3A_115 = arith.constant 40 : i32
      %dma_start3A_116 = tpu.memref_slice %arg6[%dma_start3A_115] : memref<160xi32, #tpu.memory_space<vmem>> -> memref<40xi32, #tpu.memory_space<vmem>>
      %dma_start3A_117 = arith.constant 0 : i32
      %dma_start3A_118 = arith.constant 0 : i32
      %dma_start3A_119 = tpu.memref_slice %arg2[%dma_start3A_117, %dma_start3A_118] : memref<80000x128xf32, #tpu.memory_space<hbm>> -> memref<80000x128xf32, #tpu.memory_space<hbm>>
      tpu.enqueue_indirect_dma source(%dma_start3A_119 : memref<80000x128xf32, #tpu.memory_space<hbm>>) target(%dma_start3A_114 : memref<40x128xf32, #tpu.memory_space<vmem>>) offsets(%dma_start3A_116 : memref<40xi32, #tpu.memory_space<vmem>>) semaphore(%arg10 : memref<!tpu.dma_semaphore, #tpu.memory_space<semaphore_mem>>)
      %dma_start3A_120 = arith.constant 80 : i32
      %dma_start3A_121 = arith.constant 0 : i32
      %dma_start3A_122 = tpu.memref_slice %arg8[%dma_start3A_120, %dma_start3A_121] : memref<160x128xf32, #tpu.memory_space<vmem>> -> memref<40x128xf32, #tpu.memory_space<vmem>>
      %dma_start3A_123 = arith.constant 80 : i32
      %dma_start3A_124 = tpu.memref_slice %arg6[%dma_start3A_123] : memref<160xi32, #tpu.memory_space<vmem>> -> memref<40xi32, #tpu.memory_space<vmem>>
      %dma_start3A_125 = arith.constant 0 : i32
      %dma_start3A_126 = arith.constant 0 : i32
      %dma_start3A_127 = tpu.memref_slice %arg2[%dma_start3A_125, %dma_start3A_126] : memref<80000x128xf32, #tpu.memory_space<hbm>> -> memref<80000x128xf32, #tpu.memory_space<hbm>>
      tpu.enqueue_indirect_dma source(%dma_start3A_127 : memref<80000x128xf32, #tpu.memory_space<hbm>>) target(%dma_start3A_122 : memref<40x128xf32, #tpu.memory_space<vmem>>) offsets(%dma_start3A_124 : memref<40xi32, #tpu.memory_space<vmem>>) semaphore(%arg10 : memref<!tpu.dma_semaphore, #tpu.memory_space<semaphore_mem>>)
      %dma_start3A_128 = arith.constant 120 : i32
      %dma_start3A_129 = arith.constant 0 : i32
      %dma_start3A_130 = tpu.memref_slice %arg8[%dma_start3A_128, %dma_start3A_129] : memref<160x128xf32, #tpu.memory_space<vmem>> -> memref<40x128xf32, #tpu.memory_space<vmem>>
      %dma_start3A_131 = arith.constant 120 : i32
      %dma_start3A_132 = tpu.memref_slice %arg6[%dma_start3A_131] : memref<160xi32, #tpu.memory_space<vmem>> -> memref<40xi32, #tpu.memory_space<vmem>>
      %dma_start3A_133 = arith.constant 0 : i32
      %dma_start3A_134 = arith.constant 0 : i32
      %dma_start3A_135 = tpu.memref_slice %arg2[%dma_start3A_133, %dma_start3A_134] : memref<80000x128xf32, #tpu.memory_space<hbm>> -> memref<80000x128xf32, #tpu.memory_space<hbm>>
      tpu.enqueue_indirect_dma source(%dma_start3A_135 : memref<80000x128xf32, #tpu.memory_space<hbm>>) target(%dma_start3A_130 : memref<40x128xf32, #tpu.memory_space<vmem>>) offsets(%dma_start3A_132 : memref<40xi32, #tpu.memory_space<vmem>>) semaphore(%arg10 : memref<!tpu.dma_semaphore, #tpu.memory_space<semaphore_mem>>)
      %dma_wait3A_136 = arith.constant 0 : i32
      %dma_wait3A_137 = arith.constant 0 : i32
      %dma_wait3A_138 = tpu.memref_slice %arg2[%dma_wait3A_136, %dma_wait3A_137] : memref<80000x128xf32, #tpu.memory_space<hbm>> -> memref<160x128xf32, #tpu.memory_space<hbm>>
      %dma_wait3A_139 = arith.constant 0 : i32
      %dma_wait3A_140 = arith.constant 0 : i32
      %dma_wait3A_141 = tpu.memref_slice %arg2[%dma_wait3A_139, %dma_wait3A_140] : memref<80000x128xf32, #tpu.memory_space<hbm>> -> memref<160x128xf32, #tpu.memory_space<hbm>>
      tpu.wait_dma2 semaphore(%arg9 : memref<!tpu.dma_semaphore, #tpu.memory_space<semaphore_mem>>) src(%dma_wait3A_141 : memref<160x128xf32, #tpu.memory_space<hbm>>) dst(%arg7 : memref<160x128xf32, #tpu.memory_space<vmem>>)
      %scan3A_142 = arith.constant 0 : i32
      %scan3A_143 = arith.constant 0 : i32
      %scan3A_144 = arith.constant 40 : i32
      %scan3A_145 = arith.addi %scan3A_143, %scan3A_144 : i32
      %scan3A_146 = arith.constant 1 : i32
      scf.for %scan3A_241 = %scan3A_143 to %scan3A_145 step %scan3A_146  : i32 {
        %add3A_242 = arith.constant 80 : i32
        %add3A_243 = arith.addi %add3A_242, %scan3A_241 : i32
        %get3A = arith.index_cast %add3A_243 : i32 to index
        %get3A_244 = arith.constant 0 : index
        %get3A_245 = tpu.vector_load %arg7[%get3A, %get3A_244] {strides = array<i32>} : memref<160x128xf32, #tpu.memory_space<vmem>>, vector<1x16xf32>,
        %get3A_246 = vector.shape_cast %get3A_245 : vector<1x16xf32> to vector<16xf32>
        %add3A_247 = arith.constant 0 : i32
        %add3A_248 = arith.addi %add3A_247, %scan3A_241 : i32
        %swap3A = arith.index_cast %add3A_248 : i32 to index
        %swap3A_249 = arith.constant 0 : index
        %swap3A_250 = tpu.vector_load %arg7[%swap3A, %swap3A_249] {strides = array<i32>} : memref<160x128xf32, #tpu.memory_space<vmem>>, vector<1x16xf32>,
        %swap3A_251 = vector.shape_cast %swap3A_250 : vector<1x16xf32> to vector<16xf32>
        %swap3A_252 = vector.shape_cast %get3A_246 : vector<16xf32> to vector<1x16xf32>
        tpu.vector_store %arg7[%swap3A, %swap3A_249], %swap3A_252 {add = true, strides = array<i32>} : memref<160x128xf32, #tpu.memory_space<vmem>>, vector<1x16xf32>,
        %add3A_253 = arith.constant 80 : i32
        %add3A_254 = arith.addi %add3A_253, %scan3A_241 : i32
        %get3A_255 = arith.index_cast %add3A_254 : i32 to index
        %get3A_256 = arith.constant 16 : index
        %get3A_257 = tpu.vector_load %arg7[%get3A_255, %get3A_256] {strides = array<i32>} : memref<160x128xf32, #tpu.memory_space<vmem>>, vector<1x16xf32>,
        %get3A_258 = vector.shape_cast %get3A_257 : vector<1x16xf32> to vector<16xf32>
        %add3A_259 = arith.constant 0 : i32
        %add3A_260 = arith.addi %add3A_259, %scan3A_241 : i32
        %swap3A_261 = arith.index_cast %add3A_260 : i32 to index
        %swap3A_262 = arith.constant 16 : index
        %swap3A_263 = tpu.vector_load %arg7[%swap3A_261, %swap3A_262] {strides = array<i32>} : memref<160x128xf32, #tpu.memory_space<vmem>>, vector<1x16xf32>,
        %swap3A_264 = vector.shape_cast %swap3A_263 : vector<1x16xf32> to vector<16xf32>
        %swap3A_265 = vector.shape_cast %get3A_258 : vector<16xf32> to vector<1x16xf32>
        tpu.vector_store %arg7[%swap3A_261, %swap3A_262], %swap3A_265 {add = true, strides = array<i32>} : memref<160x128xf32, #tpu.memory_space<vmem>>, vector<1x16xf32>,
        %add3A_266 = arith.constant 80 : i32
        %add3A_267 = arith.addi %add3A_266, %scan3A_241 : i32
        %get3A_268 = arith.index_cast %add3A_267 : i32 to index
        %get3A_269 = arith.constant 32 : index
        %get3A_270 = tpu.vector_load %arg7[%get3A_268, %get3A_269] {strides = array<i32>} : memref<160x128xf32, #tpu.memory_space<vmem>>, vector<1x16xf32>,
        %get3A_271 = vector.shape_cast %get3A_270 : vector<1x16xf32> to vector<16xf32>
        %add3A_272 = arith.constant 0 : i32
        %add3A_273 = arith.addi %add3A_272, %scan3A_241 : i32
        %swap3A_274 = arith.index_cast %add3A_273 : i32 to index
        %swap3A_275 = arith.constant 32 : index
        %swap3A_276 = tpu.vector_load %arg7[%swap3A_274, %swap3A_275] {strides = array<i32>} : memref<160x128xf32, #tpu.memory_space<vmem>>, vector<1x16xf32>,
        %swap3A_277 = vector.shape_cast %swap3A_276 : vector<1x16xf32> to vector<16xf32>
        %swap3A_278 = vector.shape_cast %get3A_271 : vector<16xf32> to vector<1x16xf32>
        tpu.vector_store %arg7[%swap3A_274, %swap3A_275], %swap3A_278 {add = true, strides = array<i32>} : memref<160x128xf32, #tpu.memory_space<vmem>>, vector<1x16xf32>,
        %add3A_279 = arith.constant 80 : i32
        %add3A_280 = arith.addi %add3A_279, %scan3A_241 : i32
        %get3A_281 = arith.index_cast %add3A_280 : i32 to index
        %get3A_282 = arith.constant 48 : index
        %get3A_283 = tpu.vector_load %arg7[%get3A_281, %get3A_282] {strides = array<i32>} : memref<160x128xf32, #tpu.memory_space<vmem>>, vector<1x16xf32>,
        %get3A_284 = vector.shape_cast %get3A_283 : vector<1x16xf32> to vector<16xf32>
        %add3A_285 = arith.constant 0 : i32
        %add3A_286 = arith.addi %add3A_285, %scan3A_241 : i32
        %swap3A_287 = arith.index_cast %add3A_286 : i32 to index
        %swap3A_288 = arith.constant 48 : index
        %swap3A_289 = tpu.vector_load %arg7[%swap3A_287, %swap3A_288] {strides = array<i32>} : memref<160x128xf32, #tpu.memory_space<vmem>>, vector<1x16xf32>,
        %swap3A_290 = vector.shape_cast %swap3A_289 : vector<1x16xf32> to vector<16xf32>
        %swap3A_291 = vector.shape_cast %get3A_284 : vector<16xf32> to vector<1x16xf32>
        tpu.vector_store %arg7[%swap3A_287, %swap3A_288], %swap3A_291 {add = true, strides = array<i32>} : memref<160x128xf32, #tpu.memory_space<vmem>>, vector<1x16xf32>,
        %add3A_292 = arith.constant 80 : i32
        %add3A_293 = arith.addi %add3A_292, %scan3A_241 : i32
        %get3A_294 = arith.index_cast %add3A_293 : i32 to index
        %get3A_295 = arith.constant 64 : index
        %get3A_296 = tpu.vector_load %arg7[%get3A_294, %get3A_295] {strides = array<i32>} : memref<160x128xf32, #tpu.memory_space<vmem>>, vector<1x16xf32>,
        %get3A_297 = vector.shape_cast %get3A_296 : vector<1x16xf32> to vector<16xf32>
        %add3A_298 = arith.constant 0 : i32
        %add3A_299 = arith.addi %add3A_298, %scan3A_241 : i32
        %swap3A_300 = arith.index_cast %add3A_299 : i32 to index
        %swap3A_301 = arith.constant 64 : index
        %swap3A_302 = tpu.vector_load %arg7[%swap3A_300, %swap3A_301] {strides = array<i32>} : memref<160x128xf32, #tpu.memory_space<vmem>>, vector<1x16xf32>,
        %swap3A_303 = vector.shape_cast %swap3A_302 : vector<1x16xf32> to vector<16xf32>
        %swap3A_304 = vector.shape_cast %get3A_297 : vector<16xf32> to vector<1x16xf32>
        tpu.vector_store %arg7[%swap3A_300, %swap3A_301], %swap3A_304 {add = true, strides = array<i32>} : memref<160x128xf32, #tpu.memory_space<vmem>>, vector<1x16xf32>,
        %add3A_305 = arith.constant 80 : i32
        %add3A_306 = arith.addi %add3A_305, %scan3A_241 : i32
        %get3A_307 = arith.index_cast %add3A_306 : i32 to index
        %get3A_308 = arith.constant 80 : index
        %get3A_309 = tpu.vector_load %arg7[%get3A_307, %get3A_308] {strides = array<i32>} : memref<160x128xf32, #tpu.memory_space<vmem>>, vector<1x16xf32>,
        %get3A_310 = vector.shape_cast %get3A_309 : vector<1x16xf32> to vector<16xf32>
        %add3A_311 = arith.constant 0 : i32
        %add3A_312 = arith.addi %add3A_311, %scan3A_241 : i32
        %swap3A_313 = arith.index_cast %add3A_312 : i32 to index
        %swap3A_314 = arith.constant 80 : index
        %swap3A_315 = tpu.vector_load %arg7[%swap3A_313, %swap3A_314] {strides = array<i32>} : memref<160x128xf32, #tpu.memory_space<vmem>>, vector<1x16xf32>,
        %swap3A_316 = vector.shape_cast %swap3A_315 : vector<1x16xf32> to vector<16xf32>
        %swap3A_317 = vector.shape_cast %get3A_310 : vector<16xf32> to vector<1x16xf32>
        tpu.vector_store %arg7[%swap3A_313, %swap3A_314], %swap3A_317 {add = true, strides = array<i32>} : memref<160x128xf32, #tpu.memory_space<vmem>>, vector<1x16xf32>,
        %add3A_318 = arith.constant 80 : i32
        %add3A_319 = arith.addi %add3A_318, %scan3A_241 : i32
        %get3A_320 = arith.index_cast %add3A_319 : i32 to index
        %get3A_321 = arith.constant 96 : index
        %get3A_322 = tpu.vector_load %arg7[%get3A_320, %get3A_321] {strides = array<i32>} : memref<160x128xf32, #tpu.memory_space<vmem>>, vector<1x16xf32>,
        %get3A_323 = vector.shape_cast %get3A_322 : vector<1x16xf32> to vector<16xf32>
        %add3A_324 = arith.constant 0 : i32
        %add3A_325 = arith.addi %add3A_324, %scan3A_241 : i32
        %swap3A_326 = arith.index_cast %add3A_325 : i32 to index
        %swap3A_327 = arith.constant 96 : index
        %swap3A_328 = tpu.vector_load %arg7[%swap3A_326, %swap3A_327] {strides = array<i32>} : memref<160x128xf32, #tpu.memory_space<vmem>>, vector<1x16xf32>,
        %swap3A_329 = vector.shape_cast %swap3A_328 : vector<1x16xf32> to vector<16xf32>
        %swap3A_330 = vector.shape_cast %get3A_323 : vector<16xf32> to vector<1x16xf32>
        tpu.vector_store %arg7[%swap3A_326, %swap3A_327], %swap3A_330 {add = true, strides = array<i32>} : memref<160x128xf32, #tpu.memory_space<vmem>>, vector<1x16xf32>,
        %add3A_331 = arith.constant 80 : i32
        %add3A_332 = arith.addi %add3A_331, %scan3A_241 : i32
        %get3A_333 = arith.index_cast %add3A_332 : i32 to index
        %get3A_334 = arith.constant 112 : index
        %get3A_335 = tpu.vector_load %arg7[%get3A_333, %get3A_334] {strides = array<i32>} : memref<160x128xf32, #tpu.memory_space<vmem>>, vector<1x16xf32>,
        %get3A_336 = vector.shape_cast %get3A_335 : vector<1x16xf32> to vector<16xf32>
        %add3A_337 = arith.constant 0 : i32
        %add3A_338 = arith.addi %add3A_337, %scan3A_241 : i32
        %swap3A_339 = arith.index_cast %add3A_338 : i32 to index
        %swap3A_340 = arith.constant 112 : index
        %swap3A_341 = tpu.vector_load %arg7[%swap3A_339, %swap3A_340] {strides = array<i32>} : memref<160x128xf32, #tpu.memory_space<vmem>>, vector<1x16xf32>,
        %swap3A_342 = vector.shape_cast %swap3A_341 : vector<1x16xf32> to vector<16xf32>
        %swap3A_343 = vector.shape_cast %get3A_336 : vector<16xf32> to vector<1x16xf32>
        tpu.vector_store %arg7[%swap3A_339, %swap3A_340], %swap3A_343 {add = true, strides = array<i32>} : memref<160x128xf32, #tpu.memory_space<vmem>>, vector<1x16xf32>,
        %add3A_344 = arith.constant 120 : i32
        %add3A_345 = arith.addi %add3A_344, %scan3A_241 : i32
        %get3A_346 = arith.index_cast %add3A_345 : i32 to index
        %get3A_347 = arith.constant 0 : index
        %get3A_348 = tpu.vector_load %arg7[%get3A_346, %get3A_347] {strides = array<i32>} : memref<160x128xf32, #tpu.memory_space<vmem>>, vector<1x16xf32>,
        %get3A_349 = vector.shape_cast %get3A_348 : vector<1x16xf32> to vector<16xf32>
        %add3A_350 = arith.constant 40 : i32
        %add3A_351 = arith.addi %add3A_350, %scan3A_241 : i32
        %swap3A_352 = arith.index_cast %add3A_351 : i32 to index
        %swap3A_353 = arith.constant 0 : index
        %swap3A_354 = tpu.vector_load %arg7[%swap3A_352, %swap3A_353] {strides = array<i32>} : memref<160x128xf32, #tpu.memory_space<vmem>>, vector<1x16xf32>,
        %swap3A_355 = vector.shape_cast %swap3A_354 : vector<1x16xf32> to vector<16xf32>
        %swap3A_356 = vector.shape_cast %get3A_349 : vector<16xf32> to vector<1x16xf32>
        tpu.vector_store %arg7[%swap3A_352, %swap3A_353], %swap3A_356 {add = true, strides = array<i32>} : memref<160x128xf32, #tpu.memory_space<vmem>>, vector<1x16xf32>,
        %add3A_357 = arith.constant 120 : i32
        %add3A_358 = arith.addi %add3A_357, %scan3A_241 : i32
        %get3A_359 = arith.index_cast %add3A_358 : i32 to index
        %get3A_360 = arith.constant 16 : index
        %get3A_361 = tpu.vector_load %arg7[%get3A_359, %get3A_360] {strides = array<i32>} : memref<160x128xf32, #tpu.memory_space<vmem>>, vector<1x16xf32>,
        %get3A_362 = vector.shape_cast %get3A_361 : vector<1x16xf32> to vector<16xf32>
        %add3A_363 = arith.constant 40 : i32
        %add3A_364 = arith.addi %add3A_363, %scan3A_241 : i32
        %swap3A_365 = arith.index_cast %add3A_364 : i32 to index
        %swap3A_366 = arith.constant 16 : index
        %swap3A_367 = tpu.vector_load %arg7[%swap3A_365, %swap3A_366] {strides = array<i32>} : memref<160x128xf32, #tpu.memory_space<vmem>>, vector<1x16xf32>,
        %swap3A_368 = vector.shape_cast %swap3A_367 : vector<1x16xf32> to vector<16xf32>
        %swap3A_369 = vector.shape_cast %get3A_362 : vector<16xf32> to vector<1x16xf32>
        tpu.vector_store %arg7[%swap3A_365, %swap3A_366], %swap3A_369 {add = true, strides = array<i32>} : memref<160x128xf32, #tpu.memory_space<vmem>>, vector<1x16xf32>,
        %add3A_370 = arith.constant 120 : i32
        %add3A_371 = arith.addi %add3A_370, %scan3A_241 : i32
        %get3A_372 = arith.index_cast %add3A_371 : i32 to index
        %get3A_373 = arith.constant 32 : index
        %get3A_374 = tpu.vector_load %arg7[%get3A_372, %get3A_373] {strides = array<i32>} : memref<160x128xf32, #tpu.memory_space<vmem>>, vector<1x16xf32>,
        %get3A_375 = vector.shape_cast %get3A_374 : vector<1x16xf32> to vector<16xf32>
        %add3A_376 = arith.constant 40 : i32
        %add3A_377 = arith.addi %add3A_376, %scan3A_241 : i32
        %swap3A_378 = arith.index_cast %add3A_377 : i32 to index
        %swap3A_379 = arith.constant 32 : index
        %swap3A_380 = tpu.vector_load %arg7[%swap3A_378, %swap3A_379] {strides = array<i32>} : memref<160x128xf32, #tpu.memory_space<vmem>>, vector<1x16xf32>,
        %swap3A_381 = vector.shape_cast %swap3A_380 : vector<1x16xf32> to vector<16xf32>
        %swap3A_382 = vector.shape_cast %get3A_375 : vector<16xf32> to vector<1x16xf32>
        tpu.vector_store %arg7[%swap3A_378, %swap3A_379], %swap3A_382 {add = true, strides = array<i32>} : memref<160x128xf32, #tpu.memory_space<vmem>>, vector<1x16xf32>,
        %add3A_383 = arith.constant 120 : i32
        %add3A_384 = arith.addi %add3A_383, %scan3A_241 : i32
        %get3A_385 = arith.index_cast %add3A_384 : i32 to index
        %get3A_386 = arith.constant 48 : index
        %get3A_387 = tpu.vector_load %arg7[%get3A_385, %get3A_386] {strides = array<i32>} : memref<160x128xf32, #tpu.memory_space<vmem>>, vector<1x16xf32>,
        %get3A_388 = vector.shape_cast %get3A_387 : vector<1x16xf32> to vector<16xf32>
        %add3A_389 = arith.constant 40 : i32
        %add3A_390 = arith.addi %add3A_389, %scan3A_241 : i32
        %swap3A_391 = arith.index_cast %add3A_390 : i32 to index
        %swap3A_392 = arith.constant 48 : index
        %swap3A_393 = tpu.vector_load %arg7[%swap3A_391, %swap3A_392] {strides = array<i32>} : memref<160x128xf32, #tpu.memory_space<vmem>>, vector<1x16xf32>,
        %swap3A_394 = vector.shape_cast %swap3A_393 : vector<1x16xf32> to vector<16xf32>
        %swap3A_395 = vector.shape_cast %get3A_388 : vector<16xf32> to vector<1x16xf32>
        tpu.vector_store %arg7[%swap3A_391, %swap3A_392], %swap3A_395 {add = true, strides = array<i32>} : memref<160x128xf32, #tpu.memory_space<vmem>>, vector<1x16xf32>,
        %add3A_396 = arith.constant 120 : i32
        %add3A_397 = arith.addi %add3A_396, %scan3A_241 : i32
        %get3A_398 = arith.index_cast %add3A_397 : i32 to index
        %get3A_399 = arith.constant 64 : index
        %get3A_400 = tpu.vector_load %arg7[%get3A_398, %get3A_399] {strides = array<i32>} : memref<160x128xf32, #tpu.memory_space<vmem>>, vector<1x16xf32>,
        %get3A_401 = vector.shape_cast %get3A_400 : vector<1x16xf32> to vector<16xf32>
        %add3A_402 = arith.constant 40 : i32
        %add3A_403 = arith.addi %add3A_402, %scan3A_241 : i32
        %swap3A_404 = arith.index_cast %add3A_403 : i32 to index
        %swap3A_405 = arith.constant 64 : index
        %swap3A_406 = tpu.vector_load %arg7[%swap3A_404, %swap3A_405] {strides = array<i32>} : memref<160x128xf32, #tpu.memory_space<vmem>>, vector<1x16xf32>,
        %swap3A_407 = vector.shape_cast %swap3A_406 : vector<1x16xf32> to vector<16xf32>
        %swap3A_408 = vector.shape_cast %get3A_401 : vector<16xf32> to vector<1x16xf32>
        tpu.vector_store %arg7[%swap3A_404, %swap3A_405], %swap3A_408 {add = true, strides = array<i32>} : memref<160x128xf32, #tpu.memory_space<vmem>>, vector<1x16xf32>,
        %add3A_409 = arith.constant 120 : i32
        %add3A_410 = arith.addi %add3A_409, %scan3A_241 : i32
        %get3A_411 = arith.index_cast %add3A_410 : i32 to index
        %get3A_412 = arith.constant 80 : index
        %get3A_413 = tpu.vector_load %arg7[%get3A_411, %get3A_412] {strides = array<i32>} : memref<160x128xf32, #tpu.memory_space<vmem>>, vector<1x16xf32>,
        %get3A_414 = vector.shape_cast %get3A_413 : vector<1x16xf32> to vector<16xf32>
        %add3A_415 = arith.constant 40 : i32
        %add3A_416 = arith.addi %add3A_415, %scan3A_241 : i32
        %swap3A_417 = arith.index_cast %add3A_416 : i32 to index
        %swap3A_418 = arith.constant 80 : index
        %swap3A_419 = tpu.vector_load %arg7[%swap3A_417, %swap3A_418] {strides = array<i32>} : memref<160x128xf32, #tpu.memory_space<vmem>>, vector<1x16xf32>,
        %swap3A_420 = vector.shape_cast %swap3A_419 : vector<1x16xf32> to vector<16xf32>
        %swap3A_421 = vector.shape_cast %get3A_414 : vector<16xf32> to vector<1x16xf32>
        tpu.vector_store %arg7[%swap3A_417, %swap3A_418], %swap3A_421 {add = true, strides = array<i32>} : memref<160x128xf32, #tpu.memory_space<vmem>>, vector<1x16xf32>,
        %add3A_422 = arith.constant 120 : i32
        %add3A_423 = arith.addi %add3A_422, %scan3A_241 : i32
        %get3A_424 = arith.index_cast %add3A_423 : i32 to index
        %get3A_425 = arith.constant 96 : index
        %get3A_426 = tpu.vector_load %arg7[%get3A_424, %get3A_425] {strides = array<i32>} : memref<160x128xf32, #tpu.memory_space<vmem>>, vector<1x16xf32>,
        %get3A_427 = vector.shape_cast %get3A_426 : vector<1x16xf32> to vector<16xf32>
        %add3A_428 = arith.constant 40 : i32
        %add3A_429 = arith.addi %add3A_428, %scan3A_241 : i32
        %swap3A_430 = arith.index_cast %add3A_429 : i32 to index
        %swap3A_431 = arith.constant 96 : index
        %swap3A_432 = tpu.vector_load %arg7[%swap3A_430, %swap3A_431] {strides = array<i32>} : memref<160x128xf32, #tpu.memory_space<vmem>>, vector<1x16xf32>,
        %swap3A_433 = vector.shape_cast %swap3A_432 : vector<1x16xf32> to vector<16xf32>
        %swap3A_434 = vector.shape_cast %get3A_427 : vector<16xf32> to vector<1x16xf32>
        tpu.vector_store %arg7[%swap3A_430, %swap3A_431], %swap3A_434 {add = true, strides = array<i32>} : memref<160x128xf32, #tpu.memory_space<vmem>>, vector<1x16xf32>,
        %add3A_435 = arith.constant 120 : i32
        %add3A_436 = arith.addi %add3A_435, %scan3A_241 : i32
        %get3A_437 = arith.index_cast %add3A_436 : i32 to index
        %get3A_438 = arith.constant 112 : index
        %get3A_439 = tpu.vector_load %arg7[%get3A_437, %get3A_438] {strides = array<i32>} : memref<160x128xf32, #tpu.memory_space<vmem>>, vector<1x16xf32>,
        %get3A_440 = vector.shape_cast %get3A_439 : vector<1x16xf32> to vector<16xf32>
        %add3A_441 = arith.constant 40 : i32
        %add3A_442 = arith.addi %add3A_441, %scan3A_241 : i32
        %swap3A_443 = arith.index_cast %add3A_442 : i32 to index
        %swap3A_444 = arith.constant 112 : index
        %swap3A_445 = tpu.vector_load %arg7[%swap3A_443, %swap3A_444] {strides = array<i32>} : memref<160x128xf32, #tpu.memory_space<vmem>>, vector<1x16xf32>,
        %swap3A_446 = vector.shape_cast %swap3A_445 : vector<1x16xf32> to vector<16xf32>
        %swap3A_447 = vector.shape_cast %get3A_440 : vector<16xf32> to vector<1x16xf32>
        tpu.vector_store %arg7[%swap3A_443, %swap3A_444], %swap3A_447 {add = true, strides = array<i32>} : memref<160x128xf32, #tpu.memory_space<vmem>>, vector<1x16xf32>,
      }
      %scan3A_147 = arith.constant 40 : i32
      %mul3A_148 = arith.constant 32 : i32
      %mul3A_149 = arith.muli %mul3A_148, %mul3A_92 : i32
      %add3A_150 = arith.addi %add3A, %mul3A_149 : i32
      %mul3A_151 = arith.constant 80 : i32
      %mul3A_152 = arith.muli %add3A_150, %mul3A_151 : i32
      %dma_start3A_153 = arith.constant 0 : i32
      %dma_start3A_154 = arith.constant 0 : i32
      %dma_start3A_155 = tpu.memref_slice %arg7[%dma_start3A_153, %dma_start3A_154] : memref<160x128xf32, #tpu.memory_space<vmem>> -> memref<80x128xf32, #tpu.memory_space<vmem>>
      %dma_start3A_156 = arith.constant 0 : i32
      %dma_start3A_157 = tpu.memref_slice %arg4[%mul3A_152, %dma_start3A_156] : memref<320000x128xf32, #tpu.memory_space<hbm>> -> memref<80x128xf32, #tpu.memory_space<hbm>>
      %dma_start3A_158 = arith.constant 0 : i32
      %dma_start3A_159 = tpu.memref_slice %arg4[%mul3A_152, %dma_start3A_158] : memref<320000x128xf32, #tpu.memory_space<hbm>> -> memref<80x128xf32, #tpu.memory_space<hbm>>
      %dma_start3A_160 = arith.constant 0 : i32
      %dma_start3A_161 = arith.constant 0 : i32
      %dma_start3A_162 = tpu.memref_slice %arg7[%dma_start3A_160, %dma_start3A_161] : memref<160x128xf32, #tpu.memory_space<vmem>> -> memref<80x128xf32, #tpu.memory_space<vmem>>
      tpu.enqueue_dma source(%dma_start3A_162 : memref<80x128xf32, #tpu.memory_space<vmem>>) target(%dma_start3A_159 : memref<80x128xf32, #tpu.memory_space<hbm>>) target_semaphore(%arg11 : memref<!tpu.dma_semaphore, #tpu.memory_space<semaphore_mem>>)
      %dma_wait3A_163 = arith.constant 0 : i32
      %dma_wait3A_164 = arith.constant 0 : i32
      %dma_wait3A_165 = tpu.memref_slice %arg2[%dma_wait3A_163, %dma_wait3A_164] : memref<80000x128xf32, #tpu.memory_space<hbm>> -> memref<160x128xf32, #tpu.memory_space<hbm>>
      %dma_wait3A_166 = arith.constant 0 : i32
      %dma_wait3A_167 = arith.constant 0 : i32
      %dma_wait3A_168 = tpu.memref_slice %arg2[%dma_wait3A_166, %dma_wait3A_167] : memref<80000x128xf32, #tpu.memory_space<hbm>> -> memref<160x128xf32, #tpu.memory_space<hbm>>
      tpu.wait_dma2 semaphore(%arg10 : memref<!tpu.dma_semaphore, #tpu.memory_space<semaphore_mem>>) src(%dma_wait3A_168 : memref<160x128xf32, #tpu.memory_space<hbm>>) dst(%arg8 : memref<160x128xf32, #tpu.memory_space<vmem>>)
      %scan3A_169 = arith.constant 0 : i32
      %scan3A_170 = arith.constant 0 : i32
      %scan3A_171 = arith.constant 40 : i32
      %scan3A_172 = arith.addi %scan3A_170, %scan3A_171 : i32
      %scan3A_173 = arith.constant 1 : i32
      scf.for %scan3A_241 = %scan3A_170 to %scan3A_172 step %scan3A_173  : i32 {
        %add3A_242 = arith.constant 80 : i32
        %add3A_243 = arith.addi %add3A_242, %scan3A_241 : i32
        %get3A = arith.index_cast %add3A_243 : i32 to index
        %get3A_244 = arith.constant 0 : index
        %get3A_245 = tpu.vector_load %arg8[%get3A, %get3A_244] {strides = array<i32>} : memref<160x128xf32, #tpu.memory_space<vmem>>, vector<1x16xf32>,
        %get3A_246 = vector.shape_cast %get3A_245 : vector<1x16xf32> to vector<16xf32>
        %add3A_247 = arith.constant 0 : i32
        %add3A_248 = arith.addi %add3A_247, %scan3A_241 : i32
        %swap3A = arith.index_cast %add3A_248 : i32 to index
        %swap3A_249 = arith.constant 0 : index
        %swap3A_250 = tpu.vector_load %arg8[%swap3A, %swap3A_249] {strides = array<i32>} : memref<160x128xf32, #tpu.memory_space<vmem>>, vector<1x16xf32>,
        %swap3A_251 = vector.shape_cast %swap3A_250 : vector<1x16xf32> to vector<16xf32>
        %swap3A_252 = vector.shape_cast %get3A_246 : vector<16xf32> to vector<1x16xf32>
        tpu.vector_store %arg8[%swap3A, %swap3A_249], %swap3A_252 {add = true, strides = array<i32>} : memref<160x128xf32, #tpu.memory_space<vmem>>, vector<1x16xf32>,
        %add3A_253 = arith.constant 80 : i32
        %add3A_254 = arith.addi %add3A_253, %scan3A_241 : i32
        %get3A_255 = arith.index_cast %add3A_254 : i32 to index
        %get3A_256 = arith.constant 16 : index
        %get3A_257 = tpu.vector_load %arg8[%get3A_255, %get3A_256] {strides = array<i32>} : memref<160x128xf32, #tpu.memory_space<vmem>>, vector<1x16xf32>,
        %get3A_258 = vector.shape_cast %get3A_257 : vector<1x16xf32> to vector<16xf32>
        %add3A_259 = arith.constant 0 : i32
        %add3A_260 = arith.addi %add3A_259, %scan3A_241 : i32
        %swap3A_261 = arith.index_cast %add3A_260 : i32 to index
        %swap3A_262 = arith.constant 16 : index
        %swap3A_263 = tpu.vector_load %arg8[%swap3A_261, %swap3A_262] {strides = array<i32>} : memref<160x128xf32, #tpu.memory_space<vmem>>, vector<1x16xf32>,
        %swap3A_264 = vector.shape_cast %swap3A_263 : vector<1x16xf32> to vector<16xf32>
        %swap3A_265 = vector.shape_cast %get3A_258 : vector<16xf32> to vector<1x16xf32>
        tpu.vector_store %arg8[%swap3A_261, %swap3A_262], %swap3A_265 {add = true, strides = array<i32>} : memref<160x128xf32, #tpu.memory_space<vmem>>, vector<1x16xf32>,
        %add3A_266 = arith.constant 80 : i32
        %add3A_267 = arith.addi %add3A_266, %scan3A_241 : i32
        %get3A_268 = arith.index_cast %add3A_267 : i32 to index
        %get3A_269 = arith.constant 32 : index
        %get3A_270 = tpu.vector_load %arg8[%get3A_268, %get3A_269] {strides = array<i32>} : memref<160x128xf32, #tpu.memory_space<vmem>>, vector<1x16xf32>,
        %get3A_271 = vector.shape_cast %get3A_270 : vector<1x16xf32> to vector<16xf32>
        %add3A_272 = arith.constant 0 : i32
        %add3A_273 = arith.addi %add3A_272, %scan3A_241 : i32
        %swap3A_274 = arith.index_cast %add3A_273 : i32 to index
        %swap3A_275 = arith.constant 32 : index
        %swap3A_276 = tpu.vector_load %arg8[%swap3A_274, %swap3A_275] {strides = array<i32>} : memref<160x128xf32, #tpu.memory_space<vmem>>, vector<1x16xf32>,
        %swap3A_277 = vector.shape_cast %swap3A_276 : vector<1x16xf32> to vector<16xf32>
        %swap3A_278 = vector.shape_cast %get3A_271 : vector<16xf32> to vector<1x16xf32>
        tpu.vector_store %arg8[%swap3A_274, %swap3A_275], %swap3A_278 {add = true, strides = array<i32>} : memref<160x128xf32, #tpu.memory_space<vmem>>, vector<1x16xf32>,
        %add3A_279 = arith.constant 80 : i32
        %add3A_280 = arith.addi %add3A_279, %scan3A_241 : i32
        %get3A_281 = arith.index_cast %add3A_280 : i32 to index
        %get3A_282 = arith.constant 48 : index
        %get3A_283 = tpu.vector_load %arg8[%get3A_281, %get3A_282] {strides = array<i32>} : memref<160x128xf32, #tpu.memory_space<vmem>>, vector<1x16xf32>,
        %get3A_284 = vector.shape_cast %get3A_283 : vector<1x16xf32> to vector<16xf32>
        %add3A_285 = arith.constant 0 : i32
        %add3A_286 = arith.addi %add3A_285, %scan3A_241 : i32
        %swap3A_287 = arith.index_cast %add3A_286 : i32 to index
        %swap3A_288 = arith.constant 48 : index
        %swap3A_289 = tpu.vector_load %arg8[%swap3A_287, %swap3A_288] {strides = array<i32>} : memref<160x128xf32, #tpu.memory_space<vmem>>, vector<1x16xf32>,
        %swap3A_290 = vector.shape_cast %swap3A_289 : vector<1x16xf32> to vector<16xf32>
        %swap3A_291 = vector.shape_cast %get3A_284 : vector<16xf32> to vector<1x16xf32>
        tpu.vector_store %arg8[%swap3A_287, %swap3A_288], %swap3A_291 {add = true, strides = array<i32>} : memref<160x128xf32, #tpu.memory_space<vmem>>, vector<1x16xf32>,
        %add3A_292 = arith.constant 80 : i32
        %add3A_293 = arith.addi %add3A_292, %scan3A_241 : i32
        %get3A_294 = arith.index_cast %add3A_293 : i32 to index
        %get3A_295 = arith.constant 64 : index
        %get3A_296 = tpu.vector_load %arg8[%get3A_294, %get3A_295] {strides = array<i32>} : memref<160x128xf32, #tpu.memory_space<vmem>>, vector<1x16xf32>,
        %get3A_297 = vector.shape_cast %get3A_296 : vector<1x16xf32> to vector<16xf32>
        %add3A_298 = arith.constant 0 : i32
        %add3A_299 = arith.addi %add3A_298, %scan3A_241 : i32
        %swap3A_300 = arith.index_cast %add3A_299 : i32 to index
        %swap3A_301 = arith.constant 64 : index
        %swap3A_302 = tpu.vector_load %arg8[%swap3A_300, %swap3A_301] {strides = array<i32>} : memref<160x128xf32, #tpu.memory_space<vmem>>, vector<1x16xf32>,
        %swap3A_303 = vector.shape_cast %swap3A_302 : vector<1x16xf32> to vector<16xf32>
        %swap3A_304 = vector.shape_cast %get3A_297 : vector<16xf32> to vector<1x16xf32>
        tpu.vector_store %arg8[%swap3A_300, %swap3A_301], %swap3A_304 {add = true, strides = array<i32>} : memref<160x128xf32, #tpu.memory_space<vmem>>, vector<1x16xf32>,
        %add3A_305 = arith.constant 80 : i32
        %add3A_306 = arith.addi %add3A_305, %scan3A_241 : i32
        %get3A_307 = arith.index_cast %add3A_306 : i32 to index
        %get3A_308 = arith.constant 80 : index
        %get3A_309 = tpu.vector_load %arg8[%get3A_307, %get3A_308] {strides = array<i32>} : memref<160x128xf32, #tpu.memory_space<vmem>>, vector<1x16xf32>,
        %get3A_310 = vector.shape_cast %get3A_309 : vector<1x16xf32> to vector<16xf32>
        %add3A_311 = arith.constant 0 : i32
        %add3A_312 = arith.addi %add3A_311, %scan3A_241 : i32
        %swap3A_313 = arith.index_cast %add3A_312 : i32 to index
        %swap3A_314 = arith.constant 80 : index
        %swap3A_315 = tpu.vector_load %arg8[%swap3A_313, %swap3A_314] {strides = array<i32>} : memref<160x128xf32, #tpu.memory_space<vmem>>, vector<1x16xf32>,
        %swap3A_316 = vector.shape_cast %swap3A_315 : vector<1x16xf32> to vector<16xf32>
        %swap3A_317 = vector.shape_cast %get3A_310 : vector<16xf32> to vector<1x16xf32>
        tpu.vector_store %arg8[%swap3A_313, %swap3A_314], %swap3A_317 {add = true, strides = array<i32>} : memref<160x128xf32, #tpu.memory_space<vmem>>, vector<1x16xf32>,
        %add3A_318 = arith.constant 80 : i32
        %add3A_319 = arith.addi %add3A_318, %scan3A_241 : i32
        %get3A_320 = arith.index_cast %add3A_319 : i32 to index
        %get3A_321 = arith.constant 96 : index
        %get3A_322 = tpu.vector_load %arg8[%get3A_320, %get3A_321] {strides = array<i32>} : memref<160x128xf32, #tpu.memory_space<vmem>>, vector<1x16xf32>,
        %get3A_323 = vector.shape_cast %get3A_322 : vector<1x16xf32> to vector<16xf32>
        %add3A_324 = arith.constant 0 : i32
        %add3A_325 = arith.addi %add3A_324, %scan3A_241 : i32
        %swap3A_326 = arith.index_cast %add3A_325 : i32 to index
        %swap3A_327 = arith.constant 96 : index
        %swap3A_328 = tpu.vector_load %arg8[%swap3A_326, %swap3A_327] {strides = array<i32>} : memref<160x128xf32, #tpu.memory_space<vmem>>, vector<1x16xf32>,
        %swap3A_329 = vector.shape_cast %swap3A_328 : vector<1x16xf32> to vector<16xf32>
        %swap3A_330 = vector.shape_cast %get3A_323 : vector<16xf32> to vector<1x16xf32>
        tpu.vector_store %arg8[%swap3A_326, %swap3A_327], %swap3A_330 {add = true, strides = array<i32>} : memref<160x128xf32, #tpu.memory_space<vmem>>, vector<1x16xf32>,
        %add3A_331 = arith.constant 80 : i32
        %add3A_332 = arith.addi %add3A_331, %scan3A_241 : i32
        %get3A_333 = arith.index_cast %add3A_332 : i32 to index
        %get3A_334 = arith.constant 112 : index
        %get3A_335 = tpu.vector_load %arg8[%get3A_333, %get3A_334] {strides = array<i32>} : memref<160x128xf32, #tpu.memory_space<vmem>>, vector<1x16xf32>,
        %get3A_336 = vector.shape_cast %get3A_335 : vector<1x16xf32> to vector<16xf32>
        %add3A_337 = arith.constant 0 : i32
        %add3A_338 = arith.addi %add3A_337, %scan3A_241 : i32
        %swap3A_339 = arith.index_cast %add3A_338 : i32 to index
        %swap3A_340 = arith.constant 112 : index
        %swap3A_341 = tpu.vector_load %arg8[%swap3A_339, %swap3A_340] {strides = array<i32>} : memref<160x128xf32, #tpu.memory_space<vmem>>, vector<1x16xf32>,
        %swap3A_342 = vector.shape_cast %swap3A_341 : vector<1x16xf32> to vector<16xf32>
        %swap3A_343 = vector.shape_cast %get3A_336 : vector<16xf32> to vector<1x16xf32>
        tpu.vector_store %arg8[%swap3A_339, %swap3A_340], %swap3A_343 {add = true, strides = array<i32>} : memref<160x128xf32, #tpu.memory_space<vmem>>, vector<1x16xf32>,
        %add3A_344 = arith.constant 120 : i32
        %add3A_345 = arith.addi %add3A_344, %scan3A_241 : i32
        %get3A_346 = arith.index_cast %add3A_345 : i32 to index
        %get3A_347 = arith.constant 0 : index
        %get3A_348 = tpu.vector_load %arg8[%get3A_346, %get3A_347] {strides = array<i32>} : memref<160x128xf32, #tpu.memory_space<vmem>>, vector<1x16xf32>,
        %get3A_349 = vector.shape_cast %get3A_348 : vector<1x16xf32> to vector<16xf32>
        %add3A_350 = arith.constant 40 : i32
        %add3A_351 = arith.addi %add3A_350, %scan3A_241 : i32
        %swap3A_352 = arith.index_cast %add3A_351 : i32 to index
        %swap3A_353 = arith.constant 0 : index
        %swap3A_354 = tpu.vector_load %arg8[%swap3A_352, %swap3A_353] {strides = array<i32>} : memref<160x128xf32, #tpu.memory_space<vmem>>, vector<1x16xf32>,
        %swap3A_355 = vector.shape_cast %swap3A_354 : vector<1x16xf32> to vector<16xf32>
        %swap3A_356 = vector.shape_cast %get3A_349 : vector<16xf32> to vector<1x16xf32>
        tpu.vector_store %arg8[%swap3A_352, %swap3A_353], %swap3A_356 {add = true, strides = array<i32>} : memref<160x128xf32, #tpu.memory_space<vmem>>, vector<1x16xf32>,
        %add3A_357 = arith.constant 120 : i32
        %add3A_358 = arith.addi %add3A_357, %scan3A_241 : i32
        %get3A_359 = arith.index_cast %add3A_358 : i32 to index
        %get3A_360 = arith.constant 16 : index
        %get3A_361 = tpu.vector_load %arg8[%get3A_359, %get3A_360] {strides = array<i32>} : memref<160x128xf32, #tpu.memory_space<vmem>>, vector<1x16xf32>,
        %get3A_362 = vector.shape_cast %get3A_361 : vector<1x16xf32> to vector<16xf32>
        %add3A_363 = arith.constant 40 : i32
        %add3A_364 = arith.addi %add3A_363, %scan3A_241 : i32
        %swap3A_365 = arith.index_cast %add3A_364 : i32 to index
        %swap3A_366 = arith.constant 16 : index
        %swap3A_367 = tpu.vector_load %arg8[%swap3A_365, %swap3A_366] {strides = array<i32>} : memref<160x128xf32, #tpu.memory_space<vmem>>, vector<1x16xf32>,
        %swap3A_368 = vector.shape_cast %swap3A_367 : vector<1x16xf32> to vector<16xf32>
        %swap3A_369 = vector.shape_cast %get3A_362 : vector<16xf32> to vector<1x16xf32>
        tpu.vector_store %arg8[%swap3A_365, %swap3A_366], %swap3A_369 {add = true, strides = array<i32>} : memref<160x128xf32, #tpu.memory_space<vmem>>, vector<1x16xf32>,
        %add3A_370 = arith.constant 120 : i32
        %add3A_371 = arith.addi %add3A_370, %scan3A_241 : i32
        %get3A_372 = arith.index_cast %add3A_371 : i32 to index
        %get3A_373 = arith.constant 32 : index
        %get3A_374 = tpu.vector_load %arg8[%get3A_372, %get3A_373] {strides = array<i32>} : memref<160x128xf32, #tpu.memory_space<vmem>>, vector<1x16xf32>,
        %get3A_375 = vector.shape_cast %get3A_374 : vector<1x16xf32> to vector<16xf32>
        %add3A_376 = arith.constant 40 : i32
        %add3A_377 = arith.addi %add3A_376, %scan3A_241 : i32
        %swap3A_378 = arith.index_cast %add3A_377 : i32 to index
        %swap3A_379 = arith.constant 32 : index
        %swap3A_380 = tpu.vector_load %arg8[%swap3A_378, %swap3A_379] {strides = array<i32>} : memref<160x128xf32, #tpu.memory_space<vmem>>, vector<1x16xf32>,
        %swap3A_381 = vector.shape_cast %swap3A_380 : vector<1x16xf32> to vector<16xf32>
        %swap3A_382 = vector.shape_cast %get3A_375 : vector<16xf32> to vector<1x16xf32>
        tpu.vector_store %arg8[%swap3A_378, %swap3A_379], %swap3A_382 {add = true, strides = array<i32>} : memref<160x128xf32, #tpu.memory_space<vmem>>, vector<1x16xf32>,
        %add3A_383 = arith.constant 120 : i32
        %add3A_384 = arith.addi %add3A_383, %scan3A_241 : i32
        %get3A_385 = arith.index_cast %add3A_384 : i32 to index
        %get3A_386 = arith.constant 48 : index
        %get3A_387 = tpu.vector_load %arg8[%get3A_385, %get3A_386] {strides = array<i32>} : memref<160x128xf32, #tpu.memory_space<vmem>>, vector<1x16xf32>,
        %get3A_388 = vector.shape_cast %get3A_387 : vector<1x16xf32> to vector<16xf32>
        %add3A_389 = arith.constant 40 : i32
        %add3A_390 = arith.addi %add3A_389, %scan3A_241 : i32
        %swap3A_391 = arith.index_cast %add3A_390 : i32 to index
        %swap3A_392 = arith.constant 48 : index
        %swap3A_393 = tpu.vector_load %arg8[%swap3A_391, %swap3A_392] {strides = array<i32>} : memref<160x128xf32, #tpu.memory_space<vmem>>, vector<1x16xf32>,
        %swap3A_394 = vector.shape_cast %swap3A_393 : vector<1x16xf32> to vector<16xf32>
        %swap3A_395 = vector.shape_cast %get3A_388 : vector<16xf32> to vector<1x16xf32>
        tpu.vector_store %arg8[%swap3A_391, %swap3A_392], %swap3A_395 {add = true, strides = array<i32>} : memref<160x128xf32, #tpu.memory_space<vmem>>, vector<1x16xf32>,
        %add3A_396 = arith.constant 120 : i32
        %add3A_397 = arith.addi %add3A_396, %scan3A_241 : i32
        %get3A_398 = arith.index_cast %add3A_397 : i32 to index
        %get3A_399 = arith.constant 64 : index
        %get3A_400 = tpu.vector_load %arg8[%get3A_398, %get3A_399] {strides = array<i32>} : memref<160x128xf32, #tpu.memory_space<vmem>>, vector<1x16xf32>,
        %get3A_401 = vector.shape_cast %get3A_400 : vector<1x16xf32> to vector<16xf32>
        %add3A_402 = arith.constant 40 : i32
        %add3A_403 = arith.addi %add3A_402, %scan3A_241 : i32
        %swap3A_404 = arith.index_cast %add3A_403 : i32 to index
        %swap3A_405 = arith.constant 64 : index
        %swap3A_406 = tpu.vector_load %arg8[%swap3A_404, %swap3A_405] {strides = array<i32>} : memref<160x128xf32, #tpu.memory_space<vmem>>, vector<1x16xf32>,
        %swap3A_407 = vector.shape_cast %swap3A_406 : vector<1x16xf32> to vector<16xf32>
        %swap3A_408 = vector.shape_cast %get3A_401 : vector<16xf32> to vector<1x16xf32>
        tpu.vector_store %arg8[%swap3A_404, %swap3A_405], %swap3A_408 {add = true, strides = array<i32>} : memref<160x128xf32, #tpu.memory_space<vmem>>, vector<1x16xf32>,
        %add3A_409 = arith.constant 120 : i32
        %add3A_410 = arith.addi %add3A_409, %scan3A_241 : i32
        %get3A_411 = arith.index_cast %add3A_410 : i32 to index
        %get3A_412 = arith.constant 80 : index
        %get3A_413 = tpu.vector_load %arg8[%get3A_411, %get3A_412] {strides = array<i32>} : memref<160x128xf32, #tpu.memory_space<vmem>>, vector<1x16xf32>,
        %get3A_414 = vector.shape_cast %get3A_413 : vector<1x16xf32> to vector<16xf32>
        %add3A_415 = arith.constant 40 : i32
        %add3A_416 = arith.addi %add3A_415, %scan3A_241 : i32
        %swap3A_417 = arith.index_cast %add3A_416 : i32 to index
        %swap3A_418 = arith.constant 80 : index
        %swap3A_419 = tpu.vector_load %arg8[%swap3A_417, %swap3A_418] {strides = array<i32>} : memref<160x128xf32, #tpu.memory_space<vmem>>, vector<1x16xf32>,
        %swap3A_420 = vector.shape_cast %swap3A_419 : vector<1x16xf32> to vector<16xf32>
        %swap3A_421 = vector.shape_cast %get3A_414 : vector<16xf32> to vector<1x16xf32>
        tpu.vector_store %arg8[%swap3A_417, %swap3A_418], %swap3A_421 {add = true, strides = array<i32>} : memref<160x128xf32, #tpu.memory_space<vmem>>, vector<1x16xf32>,
        %add3A_422 = arith.constant 120 : i32
        %add3A_423 = arith.addi %add3A_422, %scan3A_241 : i32
        %get3A_424 = arith.index_cast %add3A_423 : i32 to index
        %get3A_425 = arith.constant 96 : index
        %get3A_426 = tpu.vector_load %arg8[%get3A_424, %get3A_425] {strides = array<i32>} : memref<160x128xf32, #tpu.memory_space<vmem>>, vector<1x16xf32>,
        %get3A_427 = vector.shape_cast %get3A_426 : vector<1x16xf32> to vector<16xf32>
        %add3A_428 = arith.constant 40 : i32
        %add3A_429 = arith.addi %add3A_428, %scan3A_241 : i32
        %swap3A_430 = arith.index_cast %add3A_429 : i32 to index
        %swap3A_431 = arith.constant 96 : index
        %swap3A_432 = tpu.vector_load %arg8[%swap3A_430, %swap3A_431] {strides = array<i32>} : memref<160x128xf32, #tpu.memory_space<vmem>>, vector<1x16xf32>,
        %swap3A_433 = vector.shape_cast %swap3A_432 : vector<1x16xf32> to vector<16xf32>
        %swap3A_434 = vector.shape_cast %get3A_427 : vector<16xf32> to vector<1x16xf32>
        tpu.vector_store %arg8[%swap3A_430, %swap3A_431], %swap3A_434 {add = true, strides = array<i32>} : memref<160x128xf32, #tpu.memory_space<vmem>>, vector<1x16xf32>,
        %add3A_435 = arith.constant 120 : i32
        %add3A_436 = arith.addi %add3A_435, %scan3A_241 : i32
        %get3A_437 = arith.index_cast %add3A_436 : i32 to index
        %get3A_438 = arith.constant 112 : index
        %get3A_439 = tpu.vector_load %arg8[%get3A_437, %get3A_438] {strides = array<i32>} : memref<160x128xf32, #tpu.memory_space<vmem>>, vector<1x16xf32>,
        %get3A_440 = vector.shape_cast %get3A_439 : vector<1x16xf32> to vector<16xf32>
        %add3A_441 = arith.constant 40 : i32
        %add3A_442 = arith.addi %add3A_441, %scan3A_241 : i32
        %swap3A_443 = arith.index_cast %add3A_442 : i32 to index
        %swap3A_444 = arith.constant 112 : index
        %swap3A_445 = tpu.vector_load %arg8[%swap3A_443, %swap3A_444] {strides = array<i32>} : memref<160x128xf32, #tpu.memory_space<vmem>>, vector<1x16xf32>,
        %swap3A_446 = vector.shape_cast %swap3A_445 : vector<1x16xf32> to vector<16xf32>
        %swap3A_447 = vector.shape_cast %get3A_440 : vector<16xf32> to vector<1x16xf32>
        tpu.vector_store %arg8[%swap3A_443, %swap3A_444], %swap3A_447 {add = true, strides = array<i32>} : memref<160x128xf32, #tpu.memory_space<vmem>>, vector<1x16xf32>,
      }
      %scan3A_174 = arith.constant 40 : i32
      %mul3A_175 = arith.constant 32 : i32
      %mul3A_176 = arith.muli %mul3A_175, %add3A_96 : i32
      %add3A_177 = arith.addi %add3A, %mul3A_176 : i32
      %mul3A_178 = arith.constant 80 : i32
      %mul3A_179 = arith.muli %add3A_177, %mul3A_178 : i32
      %dma_start3A_180 = arith.constant 0 : i32
      %dma_start3A_181 = arith.constant 0 : i32
      %dma_start3A_182 = tpu.memref_slice %arg8[%dma_start3A_180, %dma_start3A_181] : memref<160x128xf32, #tpu.memory_space<vmem>> -> memref<80x128xf32, #tpu.memory_space<vmem>>
      %dma_start3A_183 = arith.constant 0 : i32
      %dma_start3A_184 = tpu.memref_slice %arg4[%mul3A_179, %dma_start3A_183] : memref<320000x128xf32, #tpu.memory_space<hbm>> -> memref<80x128xf32, #tpu.memory_space<hbm>>
      %dma_start3A_185 = arith.constant 0 : i32
      %dma_start3A_186 = tpu.memref_slice %arg4[%mul3A_179, %dma_start3A_185] : memref<320000x128xf32, #tpu.memory_space<hbm>> -> memref<80x128xf32, #tpu.memory_space<hbm>>
      %dma_start3A_187 = arith.constant 0 : i32
      %dma_start3A_188 = arith.constant 0 : i32
      %dma_start3A_189 = tpu.memref_slice %arg8[%dma_start3A_187, %dma_start3A_188] : memref<160x128xf32, #tpu.memory_space<vmem>> -> memref<80x128xf32, #tpu.memory_space<vmem>>
      tpu.enqueue_dma source(%dma_start3A_189 : memref<80x128xf32, #tpu.memory_space<vmem>>) target(%dma_start3A_186 : memref<80x128xf32, #tpu.memory_space<hbm>>) target_semaphore(%arg12 : memref<!tpu.dma_semaphore, #tpu.memory_space<semaphore_mem>>)
      %dma_wait3A_190 = arith.constant 0 : i32
      %dma_wait3A_191 = arith.constant 0 : i32
      %dma_wait3A_192 = tpu.memref_slice %arg7[%dma_wait3A_190, %dma_wait3A_191] : memref<160x128xf32, #tpu.memory_space<vmem>> -> memref<80x128xf32, #tpu.memory_space<vmem>>
      %dma_wait3A_193 = arith.constant 0 : i32
      %dma_wait3A_194 = arith.constant 0 : i32
      %dma_wait3A_195 = tpu.memref_slice %arg4[%dma_wait3A_193, %dma_wait3A_194] : memref<320000x128xf32, #tpu.memory_space<hbm>> -> memref<80x128xf32, #tpu.memory_space<hbm>>
      %dma_wait3A_196 = arith.constant 0 : i32
      %dma_wait3A_197 = arith.constant 0 : i32
      %dma_wait3A_198 = tpu.memref_slice %arg4[%dma_wait3A_196, %dma_wait3A_197] : memref<320000x128xf32, #tpu.memory_space<hbm>> -> memref<80x128xf32, #tpu.memory_space<hbm>>
      %dma_wait3A_199 = arith.constant 0 : i32
      %dma_wait3A_200 = arith.constant 0 : i32
      %dma_wait3A_201 = tpu.memref_slice %arg7[%dma_wait3A_199, %dma_wait3A_200] : memref<160x128xf32, #tpu.memory_space<vmem>> -> memref<80x128xf32, #tpu.memory_space<vmem>>
      tpu.wait_dma2 semaphore(%arg11 : memref<!tpu.dma_semaphore, #tpu.memory_space<semaphore_mem>>) src(%dma_wait3A_201 : memref<80x128xf32, #tpu.memory_space<vmem>>) dst(%dma_wait3A_198 : memref<80x128xf32, #tpu.memory_space<hbm>>)
      %add3A_202 = arith.constant 2 : i32
      %add3A_203 = arith.addi %mul3A_92, %add3A_202 : i32
      %mul3A_204 = arith.constant 32 : i32
      %mul3A_205 = arith.muli %mul3A_204, %add3A_203 : i32
      %add3A_206 = arith.addi %add3A, %mul3A_205 : i32
      %mul3A_207 = arith.constant 160 : i32
      %mul3A_208 = arith.muli %add3A_206, %mul3A_207 : i32
      "tpu.region"() ({
        %run_scoped3A = tpu.sem_alloc : memref<!tpu.dma_semaphore, #tpu.memory_space<semaphore_mem>>
        %dma_start3A_241 = tpu.memref_slice %arg3[%mul3A_208] : memref<640000xi32, #tpu.memory_space<hbm>> -> memref<160xi32, #tpu.memory_space<hbm>>
        %dma_start3A_242 = tpu.memref_slice %arg3[%mul3A_208] : memref<640000xi32, #tpu.memory_space<hbm>> -> memref<160xi32, #tpu.memory_space<hbm>>
        tpu.enqueue_dma source(%dma_start3A_242 : memref<160xi32, #tpu.memory_space<hbm>>) target(%arg5 : memref<160xi32, #tpu.memory_space<vmem>>) target_semaphore(%run_scoped3A : memref<!tpu.dma_semaphore, #tpu.memory_space<semaphore_mem>>)
        %dma_wait3A_243 = tpu.memref_slice %arg3[%mul3A_208] : memref<640000xi32, #tpu.memory_space<hbm>> -> memref<160xi32, #tpu.memory_space<hbm>>
        %dma_wait3A_244 = tpu.memref_slice %arg3[%mul3A_208] : memref<640000xi32, #tpu.memory_space<hbm>> -> memref<160xi32, #tpu.memory_space<hbm>>
        tpu.wait_dma2 semaphore(%run_scoped3A : memref<!tpu.dma_semaphore, #tpu.memory_space<semaphore_mem>>) src(%dma_wait3A_244 : memref<160xi32, #tpu.memory_space<hbm>>) dst(%arg5 : memref<160xi32, #tpu.memory_space<vmem>>)
        tpu.yield
      }) : () -> ()
      %dma_start3A_209 = arith.constant 0 : i32
      %dma_start3A_210 = arith.constant 0 : i32
      %dma_start3A_211 = tpu.memref_slice %arg7[%dma_start3A_209, %dma_start3A_210] : memref<160x128xf32, #tpu.memory_space<vmem>> -> memref<40x128xf32, #tpu.memory_space<vmem>>
      %dma_start3A_212 = arith.constant 0 : i32
      %dma_start3A_213 = tpu.memref_slice %arg5[%dma_start3A_212] : memref<160xi32, #tpu.memory_space<vmem>> -> memref<40xi32, #tpu.memory_space<vmem>>
      %dma_start3A_214 = arith.constant 0 : i32
      %dma_start3A_215 = arith.constant 0 : i32
      %dma_start3A_216 = tpu.memref_slice %arg2[%dma_start3A_214, %dma_start3A_215] : memref<80000x128xf32, #tpu.memory_space<hbm>> -> memref<80000x128xf32, #tpu.memory_space<hbm>>
      tpu.enqueue_indirect_dma source(%dma_start3A_216 : memref<80000x128xf32, #tpu.memory_space<hbm>>) target(%dma_start3A_211 : memref<40x128xf32, #tpu.memory_space<vmem>>) offsets(%dma_start3A_213 : memref<40xi32, #tpu.memory_space<vmem>>) semaphore(%arg9 : memref<!tpu.dma_semaphore, #tpu.memory_space<semaphore_mem>>)
      %dma_start3A_217 = arith.constant 40 : i32
      %dma_start3A_218 = arith.constant 0 : i32
      %dma_start3A_219 = tpu.memref_slice %arg7[%dma_start3A_217, %dma_start3A_218] : memref<160x128xf32, #tpu.memory_space<vmem>> -> memref<40x128xf32, #tpu.memory_space<vmem>>
      %dma_start3A_220 = arith.constant 40 : i32
      %dma_start3A_221 = tpu.memref_slice %arg5[%dma_start3A_220] : memref<160xi32, #tpu.memory_space<vmem>> -> memref<40xi32, #tpu.memory_space<vmem>>
      %dma_start3A_222 = arith.constant 0 : i32
      %dma_start3A_223 = arith.constant 0 : i32
      %dma_start3A_224 = tpu.memref_slice %arg2[%dma_start3A_222, %dma_start3A_223] : memref<80000x128xf32, #tpu.memory_space<hbm>> -> memref<80000x128xf32, #tpu.memory_space<hbm>>
      tpu.enqueue_indirect_dma source(%dma_start3A_224 : memref<80000x128xf32, #tpu.memory_space<hbm>>) target(%dma_start3A_219 : memref<40x128xf32, #tpu.memory_space<vmem>>) offsets(%dma_start3A_221 : memref<40xi32, #tpu.memory_space<vmem>>) semaphore(%arg9 : memref<!tpu.dma_semaphore, #tpu.memory_space<semaphore_mem>>)
      %dma_start3A_225 = arith.constant 80 : i32
      %dma_start3A_226 = arith.constant 0 : i32
      %dma_start3A_227 = tpu.memref_slice %arg7[%dma_start3A_225, %dma_start3A_226] : memref<160x128xf32, #tpu.memory_space<vmem>> -> memref<40x128xf32, #tpu.memory_space<vmem>>
      %dma_start3A_228 = arith.constant 80 : i32
      %dma_start3A_229 = tpu.memref_slice %arg5[%dma_start3A_228] : memref<160xi32, #tpu.memory_space<vmem>> -> memref<40xi32, #tpu.memory_space<vmem>>
      %dma_start3A_230 = arith.constant 0 : i32
      %dma_start3A_231 = arith.constant 0 : i32
      %dma_start3A_232 = tpu.memref_slice %arg2[%dma_start3A_230, %dma_start3A_231] : memref<80000x128xf32, #tpu.memory_space<hbm>> -> memref<80000x128xf32, #tpu.memory_space<hbm>>
      tpu.enqueue_indirect_dma source(%dma_start3A_232 : memref<80000x128xf32, #tpu.memory_space<hbm>>) target(%dma_start3A_227 : memref<40x128xf32, #tpu.memory_space<vmem>>) offsets(%dma_start3A_229 : memref<40xi32, #tpu.memory_space<vmem>>) semaphore(%arg9 : memref<!tpu.dma_semaphore, #tpu.memory_space<semaphore_mem>>)
      %dma_start3A_233 = arith.constant 120 : i32
      %dma_start3A_234 = arith.constant 0 : i32
      %dma_start3A_235 = tpu.memref_slice %arg7[%dma_start3A_233, %dma_start3A_234] : memref<160x128xf32, #tpu.memory_space<vmem>> -> memref<40x128xf32, #tpu.memory_space<vmem>>
      %dma_start3A_236 = arith.constant 120 : i32
      %dma_start3A_237 = tpu.memref_slice %arg5[%dma_start3A_236] : memref<160xi32, #tpu.memory_space<vmem>> -> memref<40xi32, #tpu.memory_space<vmem>>
      %dma_start3A_238 = arith.constant 0 : i32
      %dma_start3A_239 = arith.constant 0 : i32
      %dma_start3A_240 = tpu.memref_slice %arg2[%dma_start3A_238, %dma_start3A_239] : memref<80000x128xf32, #tpu.memory_space<hbm>> -> memref<80000x128xf32, #tpu.memory_space<hbm>>
      tpu.enqueue_indirect_dma source(%dma_start3A_240 : memref<80000x128xf32, #tpu.memory_space<hbm>>) target(%dma_start3A_235 : memref<40x128xf32, #tpu.memory_space<vmem>>) offsets(%dma_start3A_237 : memref<40xi32, #tpu.memory_space<vmem>>) semaphore(%arg9 : memref<!tpu.dma_semaphore, #tpu.memory_space<semaphore_mem>>)
    }
    %scan3A_40 = arith.constant 62 : i32
    %dma_wait3A = arith.constant 0 : i32
    %dma_wait3A_41 = arith.constant 0 : i32
    %dma_wait3A_42 = tpu.memref_slice %arg2[%dma_wait3A, %dma_wait3A_41] : memref<80000x128xf32, #tpu.memory_space<hbm>> -> memref<160x128xf32, #tpu.memory_space<hbm>>
    %dma_wait3A_43 = arith.constant 0 : i32
    %dma_wait3A_44 = arith.constant 0 : i32
    %dma_wait3A_45 = tpu.memref_slice %arg2[%dma_wait3A_43, %dma_wait3A_44] : memref<80000x128xf32, #tpu.memory_space<hbm>> -> memref<160x128xf32, #tpu.memory_space<hbm>>
    tpu.wait_dma2 semaphore(%arg9 : memref<!tpu.dma_semaphore, #tpu.memory_space<semaphore_mem>>) src(%dma_wait3A_45 : memref<160x128xf32, #tpu.memory_space<hbm>>) dst(%arg7 : memref<160x128xf32, #tpu.memory_space<vmem>>)
    %scan3A_46 = arith.constant 0 : i32
    %scan3A_47 = arith.constant 0 : i32
    %scan3A_48 = arith.constant 40 : i32
    %scan3A_49 = arith.addi %scan3A_47, %scan3A_48 : i32
    %scan3A_50 = arith.constant 1 : i32
    scf.for %scan3A_90 = %scan3A_47 to %scan3A_49 step %scan3A_50  : i32 {
      %add3A_91 = arith.constant 80 : i32
      %add3A_92 = arith.addi %add3A_91, %scan3A_90 : i32
      %get3A = arith.index_cast %add3A_92 : i32 to index
      %get3A_93 = arith.constant 0 : index
      %get3A_94 = tpu.vector_load %arg7[%get3A, %get3A_93] {strides = array<i32>} : memref<160x128xf32, #tpu.memory_space<vmem>>, vector<1x16xf32>,
      %get3A_95 = vector.shape_cast %get3A_94 : vector<1x16xf32> to vector<16xf32>
      %add3A_96 = arith.constant 0 : i32
      %add3A_97 = arith.addi %add3A_96, %scan3A_90 : i32
      %swap3A = arith.index_cast %add3A_97 : i32 to index
      %swap3A_98 = arith.constant 0 : index
      %swap3A_99 = tpu.vector_load %arg7[%swap3A, %swap3A_98] {strides = array<i32>} : memref<160x128xf32, #tpu.memory_space<vmem>>, vector<1x16xf32>,
      %swap3A_100 = vector.shape_cast %swap3A_99 : vector<1x16xf32> to vector<16xf32>
      %swap3A_101 = vector.shape_cast %get3A_95 : vector<16xf32> to vector<1x16xf32>
      tpu.vector_store %arg7[%swap3A, %swap3A_98], %swap3A_101 {add = true, strides = array<i32>} : memref<160x128xf32, #tpu.memory_space<vmem>>, vector<1x16xf32>,
      %add3A_102 = arith.constant 80 : i32
      %add3A_103 = arith.addi %add3A_102, %scan3A_90 : i32
      %get3A_104 = arith.index_cast %add3A_103 : i32 to index
      %get3A_105 = arith.constant 16 : index
      %get3A_106 = tpu.vector_load %arg7[%get3A_104, %get3A_105] {strides = array<i32>} : memref<160x128xf32, #tpu.memory_space<vmem>>, vector<1x16xf32>,
      %get3A_107 = vector.shape_cast %get3A_106 : vector<1x16xf32> to vector<16xf32>
      %add3A_108 = arith.constant 0 : i32
      %add3A_109 = arith.addi %add3A_108, %scan3A_90 : i32
      %swap3A_110 = arith.index_cast %add3A_109 : i32 to index
      %swap3A_111 = arith.constant 16 : index
      %swap3A_112 = tpu.vector_load %arg7[%swap3A_110, %swap3A_111] {strides = array<i32>} : memref<160x128xf32, #tpu.memory_space<vmem>>, vector<1x16xf32>,
      %swap3A_113 = vector.shape_cast %swap3A_112 : vector<1x16xf32> to vector<16xf32>
      %swap3A_114 = vector.shape_cast %get3A_107 : vector<16xf32> to vector<1x16xf32>
      tpu.vector_store %arg7[%swap3A_110, %swap3A_111], %swap3A_114 {add = true, strides = array<i32>} : memref<160x128xf32, #tpu.memory_space<vmem>>, vector<1x16xf32>,
      %add3A_115 = arith.constant 80 : i32
      %add3A_116 = arith.addi %add3A_115, %scan3A_90 : i32
      %get3A_117 = arith.index_cast %add3A_116 : i32 to index
      %get3A_118 = arith.constant 32 : index
      %get3A_119 = tpu.vector_load %arg7[%get3A_117, %get3A_118] {strides = array<i32>} : memref<160x128xf32, #tpu.memory_space<vmem>>, vector<1x16xf32>,
      %get3A_120 = vector.shape_cast %get3A_119 : vector<1x16xf32> to vector<16xf32>
      %add3A_121 = arith.constant 0 : i32
      %add3A_122 = arith.addi %add3A_121, %scan3A_90 : i32
      %swap3A_123 = arith.index_cast %add3A_122 : i32 to index
      %swap3A_124 = arith.constant 32 : index
      %swap3A_125 = tpu.vector_load %arg7[%swap3A_123, %swap3A_124] {strides = array<i32>} : memref<160x128xf32, #tpu.memory_space<vmem>>, vector<1x16xf32>,
      %swap3A_126 = vector.shape_cast %swap3A_125 : vector<1x16xf32> to vector<16xf32>
      %swap3A_127 = vector.shape_cast %get3A_120 : vector<16xf32> to vector<1x16xf32>
      tpu.vector_store %arg7[%swap3A_123, %swap3A_124], %swap3A_127 {add = true, strides = array<i32>} : memref<160x128xf32, #tpu.memory_space<vmem>>, vector<1x16xf32>,
      %add3A_128 = arith.constant 80 : i32
      %add3A_129 = arith.addi %add3A_128, %scan3A_90 : i32
      %get3A_130 = arith.index_cast %add3A_129 : i32 to index
      %get3A_131 = arith.constant 48 : index
      %get3A_132 = tpu.vector_load %arg7[%get3A_130, %get3A_131] {strides = array<i32>} : memref<160x128xf32, #tpu.memory_space<vmem>>, vector<1x16xf32>,
      %get3A_133 = vector.shape_cast %get3A_132 : vector<1x16xf32> to vector<16xf32>
      %add3A_134 = arith.constant 0 : i32
      %add3A_135 = arith.addi %add3A_134, %scan3A_90 : i32
      %swap3A_136 = arith.index_cast %add3A_135 : i32 to index
      %swap3A_137 = arith.constant 48 : index
      %swap3A_138 = tpu.vector_load %arg7[%swap3A_136, %swap3A_137] {strides = array<i32>} : memref<160x128xf32, #tpu.memory_space<vmem>>, vector<1x16xf32>,
      %swap3A_139 = vector.shape_cast %swap3A_138 : vector<1x16xf32> to vector<16xf32>
      %swap3A_140 = vector.shape_cast %get3A_133 : vector<16xf32> to vector<1x16xf32>
      tpu.vector_store %arg7[%swap3A_136, %swap3A_137], %swap3A_140 {add = true, strides = array<i32>} : memref<160x128xf32, #tpu.memory_space<vmem>>, vector<1x16xf32>,
      %add3A_141 = arith.constant 80 : i32
      %add3A_142 = arith.addi %add3A_141, %scan3A_90 : i32
      %get3A_143 = arith.index_cast %add3A_142 : i32 to index
      %get3A_144 = arith.constant 64 : index
      %get3A_145 = tpu.vector_load %arg7[%get3A_143, %get3A_144] {strides = array<i32>} : memref<160x128xf32, #tpu.memory_space<vmem>>, vector<1x16xf32>,
      %get3A_146 = vector.shape_cast %get3A_145 : vector<1x16xf32> to vector<16xf32>
      %add3A_147 = arith.constant 0 : i32
      %add3A_148 = arith.addi %add3A_147, %scan3A_90 : i32
      %swap3A_149 = arith.index_cast %add3A_148 : i32 to index
      %swap3A_150 = arith.constant 64 : index
      %swap3A_151 = tpu.vector_load %arg7[%swap3A_149, %swap3A_150] {strides = array<i32>} : memref<160x128xf32, #tpu.memory_space<vmem>>, vector<1x16xf32>,
      %swap3A_152 = vector.shape_cast %swap3A_151 : vector<1x16xf32> to vector<16xf32>
      %swap3A_153 = vector.shape_cast %get3A_146 : vector<16xf32> to vector<1x16xf32>
      tpu.vector_store %arg7[%swap3A_149, %swap3A_150], %swap3A_153 {add = true, strides = array<i32>} : memref<160x128xf32, #tpu.memory_space<vmem>>, vector<1x16xf32>,
      %add3A_154 = arith.constant 80 : i32
      %add3A_155 = arith.addi %add3A_154, %scan3A_90 : i32
      %get3A_156 = arith.index_cast %add3A_155 : i32 to index
      %get3A_157 = arith.constant 80 : index
      %get3A_158 = tpu.vector_load %arg7[%get3A_156, %get3A_157] {strides = array<i32>} : memref<160x128xf32, #tpu.memory_space<vmem>>, vector<1x16xf32>,
      %get3A_159 = vector.shape_cast %get3A_158 : vector<1x16xf32> to vector<16xf32>
      %add3A_160 = arith.constant 0 : i32
      %add3A_161 = arith.addi %add3A_160, %scan3A_90 : i32
      %swap3A_162 = arith.index_cast %add3A_161 : i32 to index
      %swap3A_163 = arith.constant 80 : index
      %swap3A_164 = tpu.vector_load %arg7[%swap3A_162, %swap3A_163] {strides = array<i32>} : memref<160x128xf32, #tpu.memory_space<vmem>>, vector<1x16xf32>,
      %swap3A_165 = vector.shape_cast %swap3A_164 : vector<1x16xf32> to vector<16xf32>
      %swap3A_166 = vector.shape_cast %get3A_159 : vector<16xf32> to vector<1x16xf32>
      tpu.vector_store %arg7[%swap3A_162, %swap3A_163], %swap3A_166 {add = true, strides = array<i32>} : memref<160x128xf32, #tpu.memory_space<vmem>>, vector<1x16xf32>,
      %add3A_167 = arith.constant 80 : i32
      %add3A_168 = arith.addi %add3A_167, %scan3A_90 : i32
      %get3A_169 = arith.index_cast %add3A_168 : i32 to index
      %get3A_170 = arith.constant 96 : index
      %get3A_171 = tpu.vector_load %arg7[%get3A_169, %get3A_170] {strides = array<i32>} : memref<160x128xf32, #tpu.memory_space<vmem>>, vector<1x16xf32>,
      %get3A_172 = vector.shape_cast %get3A_171 : vector<1x16xf32> to vector<16xf32>
      %add3A_173 = arith.constant 0 : i32
      %add3A_174 = arith.addi %add3A_173, %scan3A_90 : i32
      %swap3A_175 = arith.index_cast %add3A_174 : i32 to index
      %swap3A_176 = arith.constant 96 : index
      %swap3A_177 = tpu.vector_load %arg7[%swap3A_175, %swap3A_176] {strides = array<i32>} : memref<160x128xf32, #tpu.memory_space<vmem>>, vector<1x16xf32>,
      %swap3A_178 = vector.shape_cast %swap3A_177 : vector<1x16xf32> to vector<16xf32>
      %swap3A_179 = vector.shape_cast %get3A_172 : vector<16xf32> to vector<1x16xf32>
      tpu.vector_store %arg7[%swap3A_175, %swap3A_176], %swap3A_179 {add = true, strides = array<i32>} : memref<160x128xf32, #tpu.memory_space<vmem>>, vector<1x16xf32>,
      %add3A_180 = arith.constant 80 : i32
      %add3A_181 = arith.addi %add3A_180, %scan3A_90 : i32
      %get3A_182 = arith.index_cast %add3A_181 : i32 to index
      %get3A_183 = arith.constant 112 : index
      %get3A_184 = tpu.vector_load %arg7[%get3A_182, %get3A_183] {strides = array<i32>} : memref<160x128xf32, #tpu.memory_space<vmem>>, vector<1x16xf32>,
      %get3A_185 = vector.shape_cast %get3A_184 : vector<1x16xf32> to vector<16xf32>
      %add3A_186 = arith.constant 0 : i32
      %add3A_187 = arith.addi %add3A_186, %scan3A_90 : i32
      %swap3A_188 = arith.index_cast %add3A_187 : i32 to index
      %swap3A_189 = arith.constant 112 : index
      %swap3A_190 = tpu.vector_load %arg7[%swap3A_188, %swap3A_189] {strides = array<i32>} : memref<160x128xf32, #tpu.memory_space<vmem>>, vector<1x16xf32>,
      %swap3A_191 = vector.shape_cast %swap3A_190 : vector<1x16xf32> to vector<16xf32>
      %swap3A_192 = vector.shape_cast %get3A_185 : vector<16xf32> to vector<1x16xf32>
      tpu.vector_store %arg7[%swap3A_188, %swap3A_189], %swap3A_192 {add = true, strides = array<i32>} : memref<160x128xf32, #tpu.memory_space<vmem>>, vector<1x16xf32>,
      %add3A_193 = arith.constant 120 : i32
      %add3A_194 = arith.addi %add3A_193, %scan3A_90 : i32
      %get3A_195 = arith.index_cast %add3A_194 : i32 to index
      %get3A_196 = arith.constant 0 : index
      %get3A_197 = tpu.vector_load %arg7[%get3A_195, %get3A_196] {strides = array<i32>} : memref<160x128xf32, #tpu.memory_space<vmem>>, vector<1x16xf32>,
      %get3A_198 = vector.shape_cast %get3A_197 : vector<1x16xf32> to vector<16xf32>
      %add3A_199 = arith.constant 40 : i32
      %add3A_200 = arith.addi %add3A_199, %scan3A_90 : i32
      %swap3A_201 = arith.index_cast %add3A_200 : i32 to index
      %swap3A_202 = arith.constant 0 : index
      %swap3A_203 = tpu.vector_load %arg7[%swap3A_201, %swap3A_202] {strides = array<i32>} : memref<160x128xf32, #tpu.memory_space<vmem>>, vector<1x16xf32>,
      %swap3A_204 = vector.shape_cast %swap3A_203 : vector<1x16xf32> to vector<16xf32>
      %swap3A_205 = vector.shape_cast %get3A_198 : vector<16xf32> to vector<1x16xf32>
      tpu.vector_store %arg7[%swap3A_201, %swap3A_202], %swap3A_205 {add = true, strides = array<i32>} : memref<160x128xf32, #tpu.memory_space<vmem>>, vector<1x16xf32>,
      %add3A_206 = arith.constant 120 : i32
      %add3A_207 = arith.addi %add3A_206, %scan3A_90 : i32
      %get3A_208 = arith.index_cast %add3A_207 : i32 to index
      %get3A_209 = arith.constant 16 : index
      %get3A_210 = tpu.vector_load %arg7[%get3A_208, %get3A_209] {strides = array<i32>} : memref<160x128xf32, #tpu.memory_space<vmem>>, vector<1x16xf32>,
      %get3A_211 = vector.shape_cast %get3A_210 : vector<1x16xf32> to vector<16xf32>
      %add3A_212 = arith.constant 40 : i32
      %add3A_213 = arith.addi %add3A_212, %scan3A_90 : i32
      %swap3A_214 = arith.index_cast %add3A_213 : i32 to index
      %swap3A_215 = arith.constant 16 : index
      %swap3A_216 = tpu.vector_load %arg7[%swap3A_214, %swap3A_215] {strides = array<i32>} : memref<160x128xf32, #tpu.memory_space<vmem>>, vector<1x16xf32>,
      %swap3A_217 = vector.shape_cast %swap3A_216 : vector<1x16xf32> to vector<16xf32>
      %swap3A_218 = vector.shape_cast %get3A_211 : vector<16xf32> to vector<1x16xf32>
      tpu.vector_store %arg7[%swap3A_214, %swap3A_215], %swap3A_218 {add = true, strides = array<i32>} : memref<160x128xf32, #tpu.memory_space<vmem>>, vector<1x16xf32>,
      %add3A_219 = arith.constant 120 : i32
      %add3A_220 = arith.addi %add3A_219, %scan3A_90 : i32
      %get3A_221 = arith.index_cast %add3A_220 : i32 to index
      %get3A_222 = arith.constant 32 : index
      %get3A_223 = tpu.vector_load %arg7[%get3A_221, %get3A_222] {strides = array<i32>} : memref<160x128xf32, #tpu.memory_space<vmem>>, vector<1x16xf32>,
      %get3A_224 = vector.shape_cast %get3A_223 : vector<1x16xf32> to vector<16xf32>
      %add3A_225 = arith.constant 40 : i32
      %add3A_226 = arith.addi %add3A_225, %scan3A_90 : i32
      %swap3A_227 = arith.index_cast %add3A_226 : i32 to index
      %swap3A_228 = arith.constant 32 : index
      %swap3A_229 = tpu.vector_load %arg7[%swap3A_227, %swap3A_228] {strides = array<i32>} : memref<160x128xf32, #tpu.memory_space<vmem>>, vector<1x16xf32>,
      %swap3A_230 = vector.shape_cast %swap3A_229 : vector<1x16xf32> to vector<16xf32>
      %swap3A_231 = vector.shape_cast %get3A_224 : vector<16xf32> to vector<1x16xf32>
      tpu.vector_store %arg7[%swap3A_227, %swap3A_228], %swap3A_231 {add = true, strides = array<i32>} : memref<160x128xf32, #tpu.memory_space<vmem>>, vector<1x16xf32>,
      %add3A_232 = arith.constant 120 : i32
      %add3A_233 = arith.addi %add3A_232, %scan3A_90 : i32
      %get3A_234 = arith.index_cast %add3A_233 : i32 to index
      %get3A_235 = arith.constant 48 : index
      %get3A_236 = tpu.vector_load %arg7[%get3A_234, %get3A_235] {strides = array<i32>} : memref<160x128xf32, #tpu.memory_space<vmem>>, vector<1x16xf32>,
      %get3A_237 = vector.shape_cast %get3A_236 : vector<1x16xf32> to vector<16xf32>
      %add3A_238 = arith.constant 40 : i32
      %add3A_239 = arith.addi %add3A_238, %scan3A_90 : i32
      %swap3A_240 = arith.index_cast %add3A_239 : i32 to index
      %swap3A_241 = arith.constant 48 : index
      %swap3A_242 = tpu.vector_load %arg7[%swap3A_240, %swap3A_241] {strides = array<i32>} : memref<160x128xf32, #tpu.memory_space<vmem>>, vector<1x16xf32>,
      %swap3A_243 = vector.shape_cast %swap3A_242 : vector<1x16xf32> to vector<16xf32>
      %swap3A_244 = vector.shape_cast %get3A_237 : vector<16xf32> to vector<1x16xf32>
      tpu.vector_store %arg7[%swap3A_240, %swap3A_241], %swap3A_244 {add = true, strides = array<i32>} : memref<160x128xf32, #tpu.memory_space<vmem>>, vector<1x16xf32>,
      %add3A_245 = arith.constant 120 : i32
      %add3A_246 = arith.addi %add3A_245, %scan3A_90 : i32
      %get3A_247 = arith.index_cast %add3A_246 : i32 to index
      %get3A_248 = arith.constant 64 : index
      %get3A_249 = tpu.vector_load %arg7[%get3A_247, %get3A_248] {strides = array<i32>} : memref<160x128xf32, #tpu.memory_space<vmem>>, vector<1x16xf32>,
      %get3A_250 = vector.shape_cast %get3A_249 : vector<1x16xf32> to vector<16xf32>
      %add3A_251 = arith.constant 40 : i32
      %add3A_252 = arith.addi %add3A_251, %scan3A_90 : i32
      %swap3A_253 = arith.index_cast %add3A_252 : i32 to index
      %swap3A_254 = arith.constant 64 : index
      %swap3A_255 = tpu.vector_load %arg7[%swap3A_253, %swap3A_254] {strides = array<i32>} : memref<160x128xf32, #tpu.memory_space<vmem>>, vector<1x16xf32>,
      %swap3A_256 = vector.shape_cast %swap3A_255 : vector<1x16xf32> to vector<16xf32>
      %swap3A_257 = vector.shape_cast %get3A_250 : vector<16xf32> to vector<1x16xf32>
      tpu.vector_store %arg7[%swap3A_253, %swap3A_254], %swap3A_257 {add = true, strides = array<i32>} : memref<160x128xf32, #tpu.memory_space<vmem>>, vector<1x16xf32>,
      %add3A_258 = arith.constant 120 : i32
      %add3A_259 = arith.addi %add3A_258, %scan3A_90 : i32
      %get3A_260 = arith.index_cast %add3A_259 : i32 to index
      %get3A_261 = arith.constant 80 : index
      %get3A_262 = tpu.vector_load %arg7[%get3A_260, %get3A_261] {strides = array<i32>} : memref<160x128xf32, #tpu.memory_space<vmem>>, vector<1x16xf32>,
      %get3A_263 = vector.shape_cast %get3A_262 : vector<1x16xf32> to vector<16xf32>
      %add3A_264 = arith.constant 40 : i32
      %add3A_265 = arith.addi %add3A_264, %scan3A_90 : i32
      %swap3A_266 = arith.index_cast %add3A_265 : i32 to index
      %swap3A_267 = arith.constant 80 : index
      %swap3A_268 = tpu.vector_load %arg7[%swap3A_266, %swap3A_267] {strides = array<i32>} : memref<160x128xf32, #tpu.memory_space<vmem>>, vector<1x16xf32>,
      %swap3A_269 = vector.shape_cast %swap3A_268 : vector<1x16xf32> to vector<16xf32>
      %swap3A_270 = vector.shape_cast %get3A_263 : vector<16xf32> to vector<1x16xf32>
      tpu.vector_store %arg7[%swap3A_266, %swap3A_267], %swap3A_270 {add = true, strides = array<i32>} : memref<160x128xf32, #tpu.memory_space<vmem>>, vector<1x16xf32>,
      %add3A_271 = arith.constant 120 : i32
      %add3A_272 = arith.addi %add3A_271, %scan3A_90 : i32
      %get3A_273 = arith.index_cast %add3A_272 : i32 to index
      %get3A_274 = arith.constant 96 : index
      %get3A_275 = tpu.vector_load %arg7[%get3A_273, %get3A_274] {strides = array<i32>} : memref<160x128xf32, #tpu.memory_space<vmem>>, vector<1x16xf32>,
      %get3A_276 = vector.shape_cast %get3A_275 : vector<1x16xf32> to vector<16xf32>
      %add3A_277 = arith.constant 40 : i32
      %add3A_278 = arith.addi %add3A_277, %scan3A_90 : i32
      %swap3A_279 = arith.index_cast %add3A_278 : i32 to index
      %swap3A_280 = arith.constant 96 : index
      %swap3A_281 = tpu.vector_load %arg7[%swap3A_279, %swap3A_280] {strides = array<i32>} : memref<160x128xf32, #tpu.memory_space<vmem>>, vector<1x16xf32>,
      %swap3A_282 = vector.shape_cast %swap3A_281 : vector<1x16xf32> to vector<16xf32>
      %swap3A_283 = vector.shape_cast %get3A_276 : vector<16xf32> to vector<1x16xf32>
      tpu.vector_store %arg7[%swap3A_279, %swap3A_280], %swap3A_283 {add = true, strides = array<i32>} : memref<160x128xf32, #tpu.memory_space<vmem>>, vector<1x16xf32>,
      %add3A_284 = arith.constant 120 : i32
      %add3A_285 = arith.addi %add3A_284, %scan3A_90 : i32
      %get3A_286 = arith.index_cast %add3A_285 : i32 to index
      %get3A_287 = arith.constant 112 : index
      %get3A_288 = tpu.vector_load %arg7[%get3A_286, %get3A_287] {strides = array<i32>} : memref<160x128xf32, #tpu.memory_space<vmem>>, vector<1x16xf32>,
      %get3A_289 = vector.shape_cast %get3A_288 : vector<1x16xf32> to vector<16xf32>
      %add3A_290 = arith.constant 40 : i32
      %add3A_291 = arith.addi %add3A_290, %scan3A_90 : i32
      %swap3A_292 = arith.index_cast %add3A_291 : i32 to index
      %swap3A_293 = arith.constant 112 : index
      %swap3A_294 = tpu.vector_load %arg7[%swap3A_292, %swap3A_293] {strides = array<i32>} : memref<160x128xf32, #tpu.memory_space<vmem>>, vector<1x16xf32>,
      %swap3A_295 = vector.shape_cast %swap3A_294 : vector<1x16xf32> to vector<16xf32>
      %swap3A_296 = vector.shape_cast %get3A_289 : vector<16xf32> to vector<1x16xf32>
      tpu.vector_store %arg7[%swap3A_292, %swap3A_293], %swap3A_296 {add = true, strides = array<i32>} : memref<160x128xf32, #tpu.memory_space<vmem>>, vector<1x16xf32>,
    }
    %scan3A_51 = arith.constant 40 : i32
    %add3A_52 = arith.constant 3968 : i32
    %add3A_53 = arith.addi %add3A, %add3A_52 : i32
    %mul3A_54 = arith.constant 80 : i32
    %mul3A_55 = arith.muli %add3A_53, %mul3A_54 : i32
    %dma_start3A_56 = arith.constant 0 : i32
    %dma_start3A_57 = arith.constant 0 : i32
    %dma_start3A_58 = tpu.memref_slice %arg7[%dma_start3A_56, %dma_start3A_57] : memref<160x128xf32, #tpu.memory_space<vmem>> -> memref<80x128xf32, #tpu.memory_space<vmem>>
    %dma_start3A_59 = arith.constant 0 : i32
    %dma_start3A_60 = tpu.memref_slice %arg4[%mul3A_55, %dma_start3A_59] : memref<320000x128xf32, #tpu.memory_space<hbm>> -> memref<80x128xf32, #tpu.memory_space<hbm>>
    %dma_start3A_61 = arith.constant 0 : i32
    %dma_start3A_62 = tpu.memref_slice %arg4[%mul3A_55, %dma_start3A_61] : memref<320000x128xf32, #tpu.memory_space<hbm>> -> memref<80x128xf32, #tpu.memory_space<hbm>>
    %dma_start3A_63 = arith.constant 0 : i32
    %dma_start3A_64 = arith.constant 0 : i32
    %dma_start3A_65 = tpu.memref_slice %arg7[%dma_start3A_63, %dma_start3A_64] : memref<160x128xf32, #tpu.memory_space<vmem>> -> memref<80x128xf32, #tpu.memory_space<vmem>>
    tpu.enqueue_dma source(%dma_start3A_65 : memref<80x128xf32, #tpu.memory_space<vmem>>) target(%dma_start3A_62 : memref<80x128xf32, #tpu.memory_space<hbm>>) target_semaphore(%arg11 : memref<!tpu.dma_semaphore, #tpu.memory_space<semaphore_mem>>)
    %dma_wait3A_66 = arith.constant 0 : i32
    %dma_wait3A_67 = arith.constant 0 : i32
    %dma_wait3A_68 = tpu.memref_slice %arg8[%dma_wait3A_66, %dma_wait3A_67] : memref<160x128xf32, #tpu.memory_space<vmem>> -> memref<80x128xf32, #tpu.memory_space<vmem>>
    %dma_wait3A_69 = arith.constant 0 : i32
    %dma_wait3A_70 = arith.constant 0 : i32
    %dma_wait3A_71 = tpu.memref_slice %arg4[%dma_wait3A_69, %dma_wait3A_70] : memref<320000x128xf32, #tpu.memory_space<hbm>> -> memref<80x128xf32, #tpu.memory_space<hbm>>
    %dma_wait3A_72 = arith.constant 0 : i32
    %dma_wait3A_73 = arith.constant 0 : i32
    %dma_wait3A_74 = tpu.memref_slice %arg4[%dma_wait3A_72, %dma_wait3A_73] : memref<320000x128xf32, #tpu.memory_space<hbm>> -> memref<80x128xf32, #tpu.memory_space<hbm>>
    %dma_wait3A_75 = arith.constant 0 : i32
    %dma_wait3A_76 = arith.constant 0 : i32
    %dma_wait3A_77 = tpu.memref_slice %arg8[%dma_wait3A_75, %dma_wait3A_76] : memref<160x128xf32, #tpu.memory_space<vmem>> -> memref<80x128xf32, #tpu.memory_space<vmem>>
    tpu.wait_dma2 semaphore(%arg12 : memref<!tpu.dma_semaphore, #tpu.memory_space<semaphore_mem>>) src(%dma_wait3A_77 : memref<80x128xf32, #tpu.memory_space<vmem>>) dst(%dma_wait3A_74 : memref<80x128xf32, #tpu.memory_space<hbm>>)
    %dma_wait3A_78 = arith.constant 0 : i32
    %dma_wait3A_79 = arith.constant 0 : i32
    %dma_wait3A_80 = tpu.memref_slice %arg7[%dma_wait3A_78, %dma_wait3A_79] : memref<160x128xf32, #tpu.memory_space<vmem>> -> memref<80x128xf32, #tpu.memory_space<vmem>>
    %dma_wait3A_81 = arith.constant 0 : i32
    %dma_wait3A_82 = arith.constant 0 : i32
    %dma_wait3A_83 = tpu.memref_slice %arg4[%dma_wait3A_81, %dma_wait3A_82] : memref<320000x128xf32, #tpu.memory_space<hbm>> -> memref<80x128xf32, #tpu.memory_space<hbm>>
    %dma_wait3A_84 = arith.constant 0 : i32
    %dma_wait3A_85 = arith.constant 0 : i32
    %dma_wait3A_86 = tpu.memref_slice %arg4[%dma_wait3A_84, %dma_wait3A_85] : memref<320000x128xf32, #tpu.memory_space<hbm>> -> memref<80x128xf32, #tpu.memory_space<hbm>>
    %dma_wait3A_87 = arith.constant 0 : i32
    %dma_wait3A_88 = arith.constant 0 : i32
    %dma_wait3A_89 = tpu.memref_slice %arg7[%dma_wait3A_87, %dma_wait3A_88] : memref<160x128xf32, #tpu.memory_space<vmem>> -> memref<80x128xf32, #tpu.memory_space<vmem>>
    tpu.wait_dma2 semaphore(%arg11 : memref<!tpu.dma_semaphore, #tpu.memory_space<semaphore_mem>>) src(%dma_wait3A_89 : memref<80x128xf32, #tpu.memory_space<vmem>>) dst(%dma_wait3A_86 : memref<80x128xf32, #tpu.memory_space<hbm>>)
    return
  }
}

#map = affine_map<(d0, d1) -> (0, 0)>
#map1 = affine_map<(d0, d1) -> (0)>
module attributes {stable_mosaic.version = 14 : i64} {
  func.func @_scatter_body(%arg0: i32, %arg1: i32, %arg2: memref<320000x128xf32, #tpu.memory_space<hbm>>, %arg3: memref<160000xi32, #tpu.memory_space<hbm>>, %arg4: memref<20000x128xf32, #tpu.memory_space<hbm>>, %arg5: memref<10000x128xf32, #tpu.memory_space<vmem_shared>>, %arg6: memref<128x128xf32, #tpu.memory_space<vmem>>, %arg7: memref<128x128xf32, #tpu.memory_space<vmem>>, %arg8: memref<128xi32, #tpu.memory_space<vmem>>, %arg9: memref<128xi32, #tpu.memory_space<vmem>>, %arg10: memref<!tpu.dma_semaphore, #tpu.memory_space<semaphore_mem>>, %arg11: memref<!tpu.dma_semaphore, #tpu.memory_space<semaphore_mem>>, %arg12: memref<!tpu.dma_semaphore, #tpu.memory_space<semaphore_mem>>, %arg13: memref<!tpu.dma_semaphore, #tpu.memory_space<semaphore_mem>>) attributes {dimension_semantics = [#tpu.dimension_semantics<core_parallel>, #tpu.dimension_semantics<subcore_parallel>], iteration_bounds = array<i64: 2, 16>, scalar_prefetch = 0 : i64, scratch_operands = 9 : i64, tpu.core_type = #tpu.core_type<sc_vector_subcore>, window_params = [{transform_indices = #map}, {transform_indices = #map1}, {transform_indices = #map}]} {
    %mul3A = arith.constant 624 : i32
    %mul3A_0 = arith.muli %arg1, %mul3A : i32
    %scan3A = arith.constant 0 : i32
    %scan3A_1 = arith.constant 0 : i32
    %scan3A_2 = arith.constant 1024 : i32
    %scan3A_3 = arith.addi %scan3A_1, %scan3A_2 : i32
    %scan3A_4 = arith.constant 1 : i32
    scf.for %scan3A_53 = %scan3A_1 to %scan3A_3 step %scan3A_4  : i32 {
      %broadcast_in_dim3A = arith.constant 0.000000e+00 : f32
      %broadcast_in_dim3A_54 = vector.broadcast %broadcast_in_dim3A : f32 to vector<16xf32>
      %jit3A = arith.constant 8 : i32
      %div3A = arith.divsi %scan3A_53, %jit3A : i32
      %sign3A = arith.constant 0 : i32
      %sign3A_55 = arith.cmpi sgt, %scan3A_53, %sign3A : i32
      %sign3A_56 = arith.extui %sign3A_55 : i1 to i32
      %sign3A_57 = arith.constant 0 : i32
      %sign3A_58 = arith.cmpi slt, %scan3A_53, %sign3A_57 : i32
      %sign3A_59 = arith.extui %sign3A_58 : i1 to i32
      %sign3A_60 = arith.subi %sign3A_56, %sign3A_59 : i32
      %sign3A_61 = arith.constant 0 : i32
      %sign3A_62 = arith.cmpi sgt, %jit3A, %sign3A_61 : i32
      %sign3A_63 = arith.extui %sign3A_62 : i1 to i32
      %sign3A_64 = arith.constant 0 : i32
      %sign3A_65 = arith.cmpi slt, %jit3A, %sign3A_64 : i32
      %sign3A_66 = arith.extui %sign3A_65 : i1 to i32
      %sign3A_67 = arith.subi %sign3A_63, %sign3A_66 : i32
      %ne3A = arith.cmpi ne, %sign3A_60, %sign3A_67 : i32
      %rem3A = arith.remsi %scan3A_53, %jit3A : i32
      %ne3A_68 = arith.constant 0 : i32
      %ne3A_69 = arith.cmpi ne, %rem3A, %ne3A_68 : i32
      %and3A = arith.andi %ne3A, %ne3A_69 : i1
      %sub3A = arith.constant 1 : i32
      %sub3A_70 = arith.subi %div3A, %sub3A : i32
      %select_n3A = arith.select %and3A, %sub3A_70, %div3A : i32
      %jit3A_71 = arith.constant 8 : i32
      %eq3A_72 = arith.constant 0 : i32
      %eq3A_73 = arith.cmpi eq, %jit3A_71, %eq3A_72 : i32
      %jit3A_74 = arith.constant 1 : i32
      %select_n3A_75 = arith.select %eq3A_73, %jit3A_74, %jit3A_71 : i32
      %rem3A_76 = arith.remsi %scan3A_53, %select_n3A_75 : i32
      %ne3A_77 = arith.constant 0 : i32
      %ne3A_78 = arith.cmpi ne, %rem3A_76, %ne3A_77 : i32
      %lt3A_79 = arith.constant 0 : i32
      %lt3A_80 = arith.cmpi slt, %rem3A_76, %lt3A_79 : i32
      %lt3A_81 = arith.constant 0 : i32
      %lt3A_82 = arith.cmpi slt, %select_n3A_75, %lt3A_81 : i32
      %ne3A_83 = arith.xori %lt3A_80, %lt3A_82 : i1
      %and3A_84 = arith.andi %ne3A_83, %ne3A_78 : i1
      %add3A_85 = arith.addi %rem3A_76, %select_n3A_75 : i32
      %select_n3A_86 = arith.select %and3A_84, %add3A_85, %rem3A_76 : i32
      %mul3A_87 = arith.constant 16 : i32
      %mul3A_88 = arith.muli %select_n3A_86, %mul3A_87 : i32
      %swap3A = arith.index_cast %select_n3A : i32 to index
      %swap3A_89 = arith.index_cast %mul3A_88 : i32 to index
      %swap3A_90 = tpu.vector_load %arg6[%swap3A, %swap3A_89] {strides = array<i32>} : memref<128x128xf32, #tpu.memory_space<vmem>>, vector<1x16xf32>,
      %swap3A_91 = vector.shape_cast %swap3A_90 : vector<1x16xf32> to vector<16xf32>
      %swap3A_92 = vector.shape_cast %broadcast_in_dim3A_54 : vector<16xf32> to vector<1x16xf32>
      tpu.vector_store %arg6[%swap3A, %swap3A_89], %swap3A_92 {strides = array<i32>} : memref<128x128xf32, #tpu.memory_space<vmem>>, vector<1x16xf32>,
    }
    %scan3A_5 = arith.constant 1024 : i32
    %add3A = arith.constant 0 : i32
    %add3A_6 = arith.addi %mul3A_0, %add3A : i32
    "tpu.region"() ({
      %run_scoped3A = tpu.sem_alloc : memref<!tpu.dma_semaphore, #tpu.memory_space<semaphore_mem>>
      %dma_start3A_53 = arith.constant 0 : i32
      %dma_start3A_54 = arith.constant 0 : i32
      %dma_start3A_55 = tpu.memref_slice %arg6[%dma_start3A_53, %dma_start3A_54] : memref<128x128xf32, #tpu.memory_space<vmem>> -> memref<128x128xf32, #tpu.memory_space<vmem>>
      %dma_start3A_56 = arith.constant 0 : i32
      %dma_start3A_57 = tpu.memref_slice %arg5[%add3A_6, %dma_start3A_56] : memref<10000x128xf32, #tpu.memory_space<vmem_shared>> -> memref<128x128xf32, #tpu.memory_space<vmem_shared>>
      %dma_start3A_58 = arith.constant 0 : i32
      %dma_start3A_59 = tpu.memref_slice %arg5[%add3A_6, %dma_start3A_58] : memref<10000x128xf32, #tpu.memory_space<vmem_shared>> -> memref<128x128xf32, #tpu.memory_space<vmem_shared>>
      %dma_start3A_60 = arith.constant 0 : i32
      %dma_start3A_61 = arith.constant 0 : i32
      %dma_start3A_62 = tpu.memref_slice %arg6[%dma_start3A_60, %dma_start3A_61] : memref<128x128xf32, #tpu.memory_space<vmem>> -> memref<128x128xf32, #tpu.memory_space<vmem>>
      tpu.enqueue_dma source(%dma_start3A_62 : memref<128x128xf32, #tpu.memory_space<vmem>>) target(%dma_start3A_59 : memref<128x128xf32, #tpu.memory_space<vmem_shared>>) target_semaphore(%run_scoped3A : memref<!tpu.dma_semaphore, #tpu.memory_space<semaphore_mem>>)
      %dma_wait3A_63 = arith.constant 0 : i32
      %dma_wait3A_64 = arith.constant 0 : i32
      %dma_wait3A_65 = tpu.memref_slice %arg6[%dma_wait3A_63, %dma_wait3A_64] : memref<128x128xf32, #tpu.memory_space<vmem>> -> memref<128x128xf32, #tpu.memory_space<vmem>>
      %dma_wait3A_66 = arith.constant 0 : i32
      %dma_wait3A_67 = tpu.memref_slice %arg5[%add3A_6, %dma_wait3A_66] : memref<10000x128xf32, #tpu.memory_space<vmem_shared>> -> memref<128x128xf32, #tpu.memory_space<vmem_shared>>
      %dma_wait3A_68 = arith.constant 0 : i32
      %dma_wait3A_69 = tpu.memref_slice %arg5[%add3A_6, %dma_wait3A_68] : memref<10000x128xf32, #tpu.memory_space<vmem_shared>> -> memref<128x128xf32, #tpu.memory_space<vmem_shared>>
      %dma_wait3A_70 = arith.constant 0 : i32
      %dma_wait3A_71 = arith.constant 0 : i32
      %dma_wait3A_72 = tpu.memref_slice %arg6[%dma_wait3A_70, %dma_wait3A_71] : memref<128x128xf32, #tpu.memory_space<vmem>> -> memref<128x128xf32, #tpu.memory_space<vmem>>
      tpu.wait_dma2 semaphore(%run_scoped3A : memref<!tpu.dma_semaphore, #tpu.memory_space<semaphore_mem>>) src(%dma_wait3A_72 : memref<128x128xf32, #tpu.memory_space<vmem>>) dst(%dma_wait3A_69 : memref<128x128xf32, #tpu.memory_space<vmem_shared>>)
      tpu.yield
    }) : () -> ()
    %add3A_7 = arith.constant 128 : i32
    %add3A_8 = arith.addi %mul3A_0, %add3A_7 : i32
    "tpu.region"() ({
      %run_scoped3A = tpu.sem_alloc : memref<!tpu.dma_semaphore, #tpu.memory_space<semaphore_mem>>
      %dma_start3A_53 = arith.constant 0 : i32
      %dma_start3A_54 = arith.constant 0 : i32
      %dma_start3A_55 = tpu.memref_slice %arg6[%dma_start3A_53, %dma_start3A_54] : memref<128x128xf32, #tpu.memory_space<vmem>> -> memref<128x128xf32, #tpu.memory_space<vmem>>
      %dma_start3A_56 = arith.constant 0 : i32
      %dma_start3A_57 = tpu.memref_slice %arg5[%add3A_8, %dma_start3A_56] : memref<10000x128xf32, #tpu.memory_space<vmem_shared>> -> memref<128x128xf32, #tpu.memory_space<vmem_shared>>
      %dma_start3A_58 = arith.constant 0 : i32
      %dma_start3A_59 = tpu.memref_slice %arg5[%add3A_8, %dma_start3A_58] : memref<10000x128xf32, #tpu.memory_space<vmem_shared>> -> memref<128x128xf32, #tpu.memory_space<vmem_shared>>
      %dma_start3A_60 = arith.constant 0 : i32
      %dma_start3A_61 = arith.constant 0 : i32
      %dma_start3A_62 = tpu.memref_slice %arg6[%dma_start3A_60, %dma_start3A_61] : memref<128x128xf32, #tpu.memory_space<vmem>> -> memref<128x128xf32, #tpu.memory_space<vmem>>
      tpu.enqueue_dma source(%dma_start3A_62 : memref<128x128xf32, #tpu.memory_space<vmem>>) target(%dma_start3A_59 : memref<128x128xf32, #tpu.memory_space<vmem_shared>>) target_semaphore(%run_scoped3A : memref<!tpu.dma_semaphore, #tpu.memory_space<semaphore_mem>>)
      %dma_wait3A_63 = arith.constant 0 : i32
      %dma_wait3A_64 = arith.constant 0 : i32
      %dma_wait3A_65 = tpu.memref_slice %arg6[%dma_wait3A_63, %dma_wait3A_64] : memref<128x128xf32, #tpu.memory_space<vmem>> -> memref<128x128xf32, #tpu.memory_space<vmem>>
      %dma_wait3A_66 = arith.constant 0 : i32
      %dma_wait3A_67 = tpu.memref_slice %arg5[%add3A_8, %dma_wait3A_66] : memref<10000x128xf32, #tpu.memory_space<vmem_shared>> -> memref<128x128xf32, #tpu.memory_space<vmem_shared>>
      %dma_wait3A_68 = arith.constant 0 : i32
      %dma_wait3A_69 = tpu.memref_slice %arg5[%add3A_8, %dma_wait3A_68] : memref<10000x128xf32, #tpu.memory_space<vmem_shared>> -> memref<128x128xf32, #tpu.memory_space<vmem_shared>>
      %dma_wait3A_70 = arith.constant 0 : i32
      %dma_wait3A_71 = arith.constant 0 : i32
      %dma_wait3A_72 = tpu.memref_slice %arg6[%dma_wait3A_70, %dma_wait3A_71] : memref<128x128xf32, #tpu.memory_space<vmem>> -> memref<128x128xf32, #tpu.memory_space<vmem>>
      tpu.wait_dma2 semaphore(%run_scoped3A : memref<!tpu.dma_semaphore, #tpu.memory_space<semaphore_mem>>) src(%dma_wait3A_72 : memref<128x128xf32, #tpu.memory_space<vmem>>) dst(%dma_wait3A_69 : memref<128x128xf32, #tpu.memory_space<vmem_shared>>)
      tpu.yield
    }) : () -> ()
    %add3A_9 = arith.constant 256 : i32
    %add3A_10 = arith.addi %mul3A_0, %add3A_9 : i32
    "tpu.region"() ({
      %run_scoped3A = tpu.sem_alloc : memref<!tpu.dma_semaphore, #tpu.memory_space<semaphore_mem>>
      %dma_start3A_53 = arith.constant 0 : i32
      %dma_start3A_54 = arith.constant 0 : i32
      %dma_start3A_55 = tpu.memref_slice %arg6[%dma_start3A_53, %dma_start3A_54] : memref<128x128xf32, #tpu.memory_space<vmem>> -> memref<128x128xf32, #tpu.memory_space<vmem>>
      %dma_start3A_56 = arith.constant 0 : i32
      %dma_start3A_57 = tpu.memref_slice %arg5[%add3A_10, %dma_start3A_56] : memref<10000x128xf32, #tpu.memory_space<vmem_shared>> -> memref<128x128xf32, #tpu.memory_space<vmem_shared>>
      %dma_start3A_58 = arith.constant 0 : i32
      %dma_start3A_59 = tpu.memref_slice %arg5[%add3A_10, %dma_start3A_58] : memref<10000x128xf32, #tpu.memory_space<vmem_shared>> -> memref<128x128xf32, #tpu.memory_space<vmem_shared>>
      %dma_start3A_60 = arith.constant 0 : i32
      %dma_start3A_61 = arith.constant 0 : i32
      %dma_start3A_62 = tpu.memref_slice %arg6[%dma_start3A_60, %dma_start3A_61] : memref<128x128xf32, #tpu.memory_space<vmem>> -> memref<128x128xf32, #tpu.memory_space<vmem>>
      tpu.enqueue_dma source(%dma_start3A_62 : memref<128x128xf32, #tpu.memory_space<vmem>>) target(%dma_start3A_59 : memref<128x128xf32, #tpu.memory_space<vmem_shared>>) target_semaphore(%run_scoped3A : memref<!tpu.dma_semaphore, #tpu.memory_space<semaphore_mem>>)
      %dma_wait3A_63 = arith.constant 0 : i32
      %dma_wait3A_64 = arith.constant 0 : i32
      %dma_wait3A_65 = tpu.memref_slice %arg6[%dma_wait3A_63, %dma_wait3A_64] : memref<128x128xf32, #tpu.memory_space<vmem>> -> memref<128x128xf32, #tpu.memory_space<vmem>>
      %dma_wait3A_66 = arith.constant 0 : i32
      %dma_wait3A_67 = tpu.memref_slice %arg5[%add3A_10, %dma_wait3A_66] : memref<10000x128xf32, #tpu.memory_space<vmem_shared>> -> memref<128x128xf32, #tpu.memory_space<vmem_shared>>
      %dma_wait3A_68 = arith.constant 0 : i32
      %dma_wait3A_69 = tpu.memref_slice %arg5[%add3A_10, %dma_wait3A_68] : memref<10000x128xf32, #tpu.memory_space<vmem_shared>> -> memref<128x128xf32, #tpu.memory_space<vmem_shared>>
      %dma_wait3A_70 = arith.constant 0 : i32
      %dma_wait3A_71 = arith.constant 0 : i32
      %dma_wait3A_72 = tpu.memref_slice %arg6[%dma_wait3A_70, %dma_wait3A_71] : memref<128x128xf32, #tpu.memory_space<vmem>> -> memref<128x128xf32, #tpu.memory_space<vmem>>
      tpu.wait_dma2 semaphore(%run_scoped3A : memref<!tpu.dma_semaphore, #tpu.memory_space<semaphore_mem>>) src(%dma_wait3A_72 : memref<128x128xf32, #tpu.memory_space<vmem>>) dst(%dma_wait3A_69 : memref<128x128xf32, #tpu.memory_space<vmem_shared>>)
      tpu.yield
    }) : () -> ()
    %add3A_11 = arith.constant 384 : i32
    %add3A_12 = arith.addi %mul3A_0, %add3A_11 : i32
    "tpu.region"() ({
      %run_scoped3A = tpu.sem_alloc : memref<!tpu.dma_semaphore, #tpu.memory_space<semaphore_mem>>
      %dma_start3A_53 = arith.constant 0 : i32
      %dma_start3A_54 = arith.constant 0 : i32
      %dma_start3A_55 = tpu.memref_slice %arg6[%dma_start3A_53, %dma_start3A_54] : memref<128x128xf32, #tpu.memory_space<vmem>> -> memref<128x128xf32, #tpu.memory_space<vmem>>
      %dma_start3A_56 = arith.constant 0 : i32
      %dma_start3A_57 = tpu.memref_slice %arg5[%add3A_12, %dma_start3A_56] : memref<10000x128xf32, #tpu.memory_space<vmem_shared>> -> memref<128x128xf32, #tpu.memory_space<vmem_shared>>
      %dma_start3A_58 = arith.constant 0 : i32
      %dma_start3A_59 = tpu.memref_slice %arg5[%add3A_12, %dma_start3A_58] : memref<10000x128xf32, #tpu.memory_space<vmem_shared>> -> memref<128x128xf32, #tpu.memory_space<vmem_shared>>
      %dma_start3A_60 = arith.constant 0 : i32
      %dma_start3A_61 = arith.constant 0 : i32
      %dma_start3A_62 = tpu.memref_slice %arg6[%dma_start3A_60, %dma_start3A_61] : memref<128x128xf32, #tpu.memory_space<vmem>> -> memref<128x128xf32, #tpu.memory_space<vmem>>
      tpu.enqueue_dma source(%dma_start3A_62 : memref<128x128xf32, #tpu.memory_space<vmem>>) target(%dma_start3A_59 : memref<128x128xf32, #tpu.memory_space<vmem_shared>>) target_semaphore(%run_scoped3A : memref<!tpu.dma_semaphore, #tpu.memory_space<semaphore_mem>>)
      %dma_wait3A_63 = arith.constant 0 : i32
      %dma_wait3A_64 = arith.constant 0 : i32
      %dma_wait3A_65 = tpu.memref_slice %arg6[%dma_wait3A_63, %dma_wait3A_64] : memref<128x128xf32, #tpu.memory_space<vmem>> -> memref<128x128xf32, #tpu.memory_space<vmem>>
      %dma_wait3A_66 = arith.constant 0 : i32
      %dma_wait3A_67 = tpu.memref_slice %arg5[%add3A_12, %dma_wait3A_66] : memref<10000x128xf32, #tpu.memory_space<vmem_shared>> -> memref<128x128xf32, #tpu.memory_space<vmem_shared>>
      %dma_wait3A_68 = arith.constant 0 : i32
      %dma_wait3A_69 = tpu.memref_slice %arg5[%add3A_12, %dma_wait3A_68] : memref<10000x128xf32, #tpu.memory_space<vmem_shared>> -> memref<128x128xf32, #tpu.memory_space<vmem_shared>>
      %dma_wait3A_70 = arith.constant 0 : i32
      %dma_wait3A_71 = arith.constant 0 : i32
      %dma_wait3A_72 = tpu.memref_slice %arg6[%dma_wait3A_70, %dma_wait3A_71] : memref<128x128xf32, #tpu.memory_space<vmem>> -> memref<128x128xf32, #tpu.memory_space<vmem>>
      tpu.wait_dma2 semaphore(%run_scoped3A : memref<!tpu.dma_semaphore, #tpu.memory_space<semaphore_mem>>) src(%dma_wait3A_72 : memref<128x128xf32, #tpu.memory_space<vmem>>) dst(%dma_wait3A_69 : memref<128x128xf32, #tpu.memory_space<vmem_shared>>)
      tpu.yield
    }) : () -> ()
    %add3A_13 = arith.constant 512 : i32
    %add3A_14 = arith.addi %mul3A_0, %add3A_13 : i32
    "tpu.region"() ({
      %run_scoped3A = tpu.sem_alloc : memref<!tpu.dma_semaphore, #tpu.memory_space<semaphore_mem>>
      %dma_start3A_53 = arith.constant 0 : i32
      %dma_start3A_54 = arith.constant 0 : i32
      %dma_start3A_55 = tpu.memref_slice %arg6[%dma_start3A_53, %dma_start3A_54] : memref<128x128xf32, #tpu.memory_space<vmem>> -> memref<112x128xf32, #tpu.memory_space<vmem>>
      %dma_start3A_56 = arith.constant 0 : i32
      %dma_start3A_57 = tpu.memref_slice %arg5[%add3A_14, %dma_start3A_56] : memref<10000x128xf32, #tpu.memory_space<vmem_shared>> -> memref<112x128xf32, #tpu.memory_space<vmem_shared>>
      %dma_start3A_58 = arith.constant 0 : i32
      %dma_start3A_59 = tpu.memref_slice %arg5[%add3A_14, %dma_start3A_58] : memref<10000x128xf32, #tpu.memory_space<vmem_shared>> -> memref<112x128xf32, #tpu.memory_space<vmem_shared>>
      %dma_start3A_60 = arith.constant 0 : i32
      %dma_start3A_61 = arith.constant 0 : i32
      %dma_start3A_62 = tpu.memref_slice %arg6[%dma_start3A_60, %dma_start3A_61] : memref<128x128xf32, #tpu.memory_space<vmem>> -> memref<112x128xf32, #tpu.memory_space<vmem>>
      tpu.enqueue_dma source(%dma_start3A_62 : memref<112x128xf32, #tpu.memory_space<vmem>>) target(%dma_start3A_59 : memref<112x128xf32, #tpu.memory_space<vmem_shared>>) target_semaphore(%run_scoped3A : memref<!tpu.dma_semaphore, #tpu.memory_space<semaphore_mem>>)
      %dma_wait3A_63 = arith.constant 0 : i32
      %dma_wait3A_64 = arith.constant 0 : i32
      %dma_wait3A_65 = tpu.memref_slice %arg6[%dma_wait3A_63, %dma_wait3A_64] : memref<128x128xf32, #tpu.memory_space<vmem>> -> memref<112x128xf32, #tpu.memory_space<vmem>>
      %dma_wait3A_66 = arith.constant 0 : i32
      %dma_wait3A_67 = tpu.memref_slice %arg5[%add3A_14, %dma_wait3A_66] : memref<10000x128xf32, #tpu.memory_space<vmem_shared>> -> memref<112x128xf32, #tpu.memory_space<vmem_shared>>
      %dma_wait3A_68 = arith.constant 0 : i32
      %dma_wait3A_69 = tpu.memref_slice %arg5[%add3A_14, %dma_wait3A_68] : memref<10000x128xf32, #tpu.memory_space<vmem_shared>> -> memref<112x128xf32, #tpu.memory_space<vmem_shared>>
      %dma_wait3A_70 = arith.constant 0 : i32
      %dma_wait3A_71 = arith.constant 0 : i32
      %dma_wait3A_72 = tpu.memref_slice %arg6[%dma_wait3A_70, %dma_wait3A_71] : memref<128x128xf32, #tpu.memory_space<vmem>> -> memref<112x128xf32, #tpu.memory_space<vmem>>
      tpu.wait_dma2 semaphore(%run_scoped3A : memref<!tpu.dma_semaphore, #tpu.memory_space<semaphore_mem>>) src(%dma_wait3A_72 : memref<112x128xf32, #tpu.memory_space<vmem>>) dst(%dma_wait3A_69 : memref<112x128xf32, #tpu.memory_space<vmem_shared>>)
      tpu.yield
    }) : () -> ()
    %eq3A = arith.constant 0 : i32
    %eq3A_15 = arith.cmpi eq, %arg1, %eq3A : i32
    %convert_element_type3A = arith.extui %eq3A_15 : i1 to i32
    %cond3A = arith.constant 0 : i32
    %cond3A_16 = arith.cmpi ne, %convert_element_type3A, %cond3A : i32
    scf.if %cond3A_16 {
      "tpu.region"() ({
        %run_scoped3A = tpu.sem_alloc : memref<!tpu.dma_semaphore, #tpu.memory_space<semaphore_mem>>
        %dma_start3A_53 = arith.constant 0 : i32
        %dma_start3A_54 = arith.constant 0 : i32
        %dma_start3A_55 = tpu.memref_slice %arg6[%dma_start3A_53, %dma_start3A_54] : memref<128x128xf32, #tpu.memory_space<vmem>> -> memref<16x128xf32, #tpu.memory_space<vmem>>
        %dma_start3A_56 = arith.constant 9984 : i32
        %dma_start3A_57 = arith.constant 0 : i32
        %dma_start3A_58 = tpu.memref_slice %arg5[%dma_start3A_56, %dma_start3A_57] : memref<10000x128xf32, #tpu.memory_space<vmem_shared>> -> memref<16x128xf32, #tpu.memory_space<vmem_shared>>
        %dma_start3A_59 = arith.constant 9984 : i32
        %dma_start3A_60 = arith.constant 0 : i32
        %dma_start3A_61 = tpu.memref_slice %arg5[%dma_start3A_59, %dma_start3A_60] : memref<10000x128xf32, #tpu.memory_space<vmem_shared>> -> memref<16x128xf32, #tpu.memory_space<vmem_shared>>
        %dma_start3A_62 = arith.constant 0 : i32
        %dma_start3A_63 = arith.constant 0 : i32
        %dma_start3A_64 = tpu.memref_slice %arg6[%dma_start3A_62, %dma_start3A_63] : memref<128x128xf32, #tpu.memory_space<vmem>> -> memref<16x128xf32, #tpu.memory_space<vmem>>
        tpu.enqueue_dma source(%dma_start3A_64 : memref<16x128xf32, #tpu.memory_space<vmem>>) target(%dma_start3A_61 : memref<16x128xf32, #tpu.memory_space<vmem_shared>>) target_semaphore(%run_scoped3A : memref<!tpu.dma_semaphore, #tpu.memory_space<semaphore_mem>>)
        %dma_wait3A_65 = arith.constant 0 : i32
        %dma_wait3A_66 = arith.constant 0 : i32
        %dma_wait3A_67 = tpu.memref_slice %arg6[%dma_wait3A_65, %dma_wait3A_66] : memref<128x128xf32, #tpu.memory_space<vmem>> -> memref<16x128xf32, #tpu.memory_space<vmem>>
        %dma_wait3A_68 = arith.constant 9984 : i32
        %dma_wait3A_69 = arith.constant 0 : i32
        %dma_wait3A_70 = tpu.memref_slice %arg5[%dma_wait3A_68, %dma_wait3A_69] : memref<10000x128xf32, #tpu.memory_space<vmem_shared>> -> memref<16x128xf32, #tpu.memory_space<vmem_shared>>
        %dma_wait3A_71 = arith.constant 9984 : i32
        %dma_wait3A_72 = arith.constant 0 : i32
        %dma_wait3A_73 = tpu.memref_slice %arg5[%dma_wait3A_71, %dma_wait3A_72] : memref<10000x128xf32, #tpu.memory_space<vmem_shared>> -> memref<16x128xf32, #tpu.memory_space<vmem_shared>>
        %dma_wait3A_74 = arith.constant 0 : i32
        %dma_wait3A_75 = arith.constant 0 : i32
        %dma_wait3A_76 = tpu.memref_slice %arg6[%dma_wait3A_74, %dma_wait3A_75] : memref<128x128xf32, #tpu.memory_space<vmem>> -> memref<16x128xf32, #tpu.memory_space<vmem>>
        tpu.wait_dma2 semaphore(%run_scoped3A : memref<!tpu.dma_semaphore, #tpu.memory_space<semaphore_mem>>) src(%dma_wait3A_76 : memref<16x128xf32, #tpu.memory_space<vmem>>) dst(%dma_wait3A_73 : memref<16x128xf32, #tpu.memory_space<vmem_shared>>)
        tpu.yield
      }) : () -> ()
    } else {
    }
    %barrier3A = arith.constant 0 : index
    tpu.barrier barrier_id(%barrier3A)
    %mul3A_17 = arith.constant 128 : i32
    %mul3A_18 = arith.muli %arg1, %mul3A_17 : i32
    %dma_start3A = tpu.memref_slice %arg3[%mul3A_18] : memref<160000xi32, #tpu.memory_space<hbm>> -> memref<128xi32, #tpu.memory_space<hbm>>
    %dma_start3A_19 = tpu.memref_slice %arg3[%mul3A_18] : memref<160000xi32, #tpu.memory_space<hbm>> -> memref<128xi32, #tpu.memory_space<hbm>>
    tpu.enqueue_dma source(%dma_start3A_19 : memref<128xi32, #tpu.memory_space<hbm>>) target(%arg8 : memref<128xi32, #tpu.memory_space<vmem>>) target_semaphore(%arg10 : memref<!tpu.dma_semaphore, #tpu.memory_space<semaphore_mem>>)
    %mul3A_20 = arith.constant 160000 : i32
    %mul3A_21 = arith.muli %arg0, %mul3A_20 : i32
    %mul3A_22 = arith.constant 128 : i32
    %mul3A_23 = arith.muli %arg1, %mul3A_22 : i32
    %add3A_24 = arith.addi %mul3A_21, %mul3A_23 : i32
    %dma_start3A_25 = arith.constant 0 : i32
    %dma_start3A_26 = tpu.memref_slice %arg2[%add3A_24, %dma_start3A_25] : memref<320000x128xf32, #tpu.memory_space<hbm>> -> memref<128x128xf32, #tpu.memory_space<hbm>>
    %dma_start3A_27 = arith.constant 0 : i32
    %dma_start3A_28 = tpu.memref_slice %arg2[%add3A_24, %dma_start3A_27] : memref<320000x128xf32, #tpu.memory_space<hbm>> -> memref<128x128xf32, #tpu.memory_space<hbm>>
    tpu.enqueue_dma source(%dma_start3A_28 : memref<128x128xf32, #tpu.memory_space<hbm>>) target(%arg6 : memref<128x128xf32, #tpu.memory_space<vmem>>) target_semaphore(%arg10 : memref<!tpu.dma_semaphore, #tpu.memory_space<semaphore_mem>>)
    %scan3A_29 = arith.constant 0 : i32
    %scan3A_30 = arith.constant 0 : i32
    %scan3A_31 = arith.constant 39 : i32
    %scan3A_32 = arith.addi %scan3A_30, %scan3A_31 : i32
    %scan3A_33 = arith.constant 1 : i32
    scf.for %scan3A_53 = %scan3A_30 to %scan3A_32 step %scan3A_33  : i32 {
      %mul3A_54 = arith.constant 2 : i32
      %mul3A_55 = arith.muli %mul3A_54, %scan3A_53 : i32
      %mul3A_56 = arith.constant 16 : i32
      %mul3A_57 = arith.muli %mul3A_56, %mul3A_55 : i32
      %add3A_58 = arith.addi %arg1, %mul3A_57 : i32
      %mul3A_59 = arith.constant 2 : i32
      %mul3A_60 = arith.muli %mul3A_59, %scan3A_53 : i32
      %add3A_61 = arith.constant 1 : i32
      %add3A_62 = arith.addi %mul3A_60, %add3A_61 : i32
      %mul3A_63 = arith.constant 16 : i32
      %mul3A_64 = arith.muli %mul3A_63, %add3A_62 : i32
      %add3A_65 = arith.addi %arg1, %mul3A_64 : i32
      %gt3A = arith.constant 0 : i32
      %gt3A_66 = arith.cmpi sgt, %scan3A_53, %gt3A : i32
      %convert_element_type3A_67 = arith.extui %gt3A_66 : i1 to i32
      %cond3A_68 = arith.constant 0 : i32
      %cond3A_69 = arith.cmpi ne, %convert_element_type3A_67, %cond3A_68 : i32
      scf.if %cond3A_69 {
        %dma_wait3A_120 = arith.constant 0 : i32
        %dma_wait3A_121 = arith.constant 0 : i32
        %dma_wait3A_122 = tpu.memref_slice %arg5[%dma_wait3A_120, %dma_wait3A_121] : memref<10000x128xf32, #tpu.memory_space<vmem_shared>> -> memref<128x128xf32, #tpu.memory_space<vmem_shared>>
        %dma_wait3A_123 = arith.constant 0 : i32
        %dma_wait3A_124 = arith.constant 0 : i32
        %dma_wait3A_125 = tpu.memref_slice %arg5[%dma_wait3A_123, %dma_wait3A_124] : memref<10000x128xf32, #tpu.memory_space<vmem_shared>> -> memref<128x128xf32, #tpu.memory_space<vmem_shared>>
        tpu.wait_dma2 semaphore(%arg13 : memref<!tpu.dma_semaphore, #tpu.memory_space<semaphore_mem>>) src(%arg7 : memref<128x128xf32, #tpu.memory_space<vmem>>) dst(%dma_wait3A_125 : memref<128x128xf32, #tpu.memory_space<vmem_shared>>)
      } else {
      }
      %mul3A_70 = arith.constant 128 : i32
      %mul3A_71 = arith.muli %add3A_65, %mul3A_70 : i32
      %dma_start3A_72 = tpu.memref_slice %arg3[%mul3A_71] : memref<160000xi32, #tpu.memory_space<hbm>> -> memref<128xi32, #tpu.memory_space<hbm>>
      %dma_start3A_73 = tpu.memref_slice %arg3[%mul3A_71] : memref<160000xi32, #tpu.memory_space<hbm>> -> memref<128xi32, #tpu.memory_space<hbm>>
      tpu.enqueue_dma source(%dma_start3A_73 : memref<128xi32, #tpu.memory_space<hbm>>) target(%arg9 : memref<128xi32, #tpu.memory_space<vmem>>) target_semaphore(%arg11 : memref<!tpu.dma_semaphore, #tpu.memory_space<semaphore_mem>>)
      %mul3A_74 = arith.constant 160000 : i32
      %mul3A_75 = arith.muli %arg0, %mul3A_74 : i32
      %mul3A_76 = arith.constant 128 : i32
      %mul3A_77 = arith.muli %add3A_65, %mul3A_76 : i32
      %add3A_78 = arith.addi %mul3A_75, %mul3A_77 : i32
      %dma_start3A_79 = arith.constant 0 : i32
      %dma_start3A_80 = tpu.memref_slice %arg2[%add3A_78, %dma_start3A_79] : memref<320000x128xf32, #tpu.memory_space<hbm>> -> memref<128x128xf32, #tpu.memory_space<hbm>>
      %dma_start3A_81 = arith.constant 0 : i32
      %dma_start3A_82 = tpu.memref_slice %arg2[%add3A_78, %dma_start3A_81] : memref<320000x128xf32, #tpu.memory_space<hbm>> -> memref<128x128xf32, #tpu.memory_space<hbm>>
      tpu.enqueue_dma source(%dma_start3A_82 : memref<128x128xf32, #tpu.memory_space<hbm>>) target(%arg7 : memref<128x128xf32, #tpu.memory_space<vmem>>) target_semaphore(%arg11 : memref<!tpu.dma_semaphore, #tpu.memory_space<semaphore_mem>>)
      %dma_wait3A_83 = arith.constant 0 : i32
      %dma_wait3A_84 = tpu.memref_slice %arg3[%dma_wait3A_83] : memref<160000xi32, #tpu.memory_space<hbm>> -> memref<128xi32, #tpu.memory_space<hbm>>
      %dma_wait3A_85 = arith.constant 0 : i32
      %dma_wait3A_86 = tpu.memref_slice %arg3[%dma_wait3A_85] : memref<160000xi32, #tpu.memory_space<hbm>> -> memref<128xi32, #tpu.memory_space<hbm>>
      tpu.wait_dma2 semaphore(%arg10 : memref<!tpu.dma_semaphore, #tpu.memory_space<semaphore_mem>>) src(%dma_wait3A_86 : memref<128xi32, #tpu.memory_space<hbm>>) dst(%arg8 : memref<128xi32, #tpu.memory_space<vmem>>)
      %dma_wait3A_87 = arith.constant 0 : i32
      %dma_wait3A_88 = arith.constant 0 : i32
      %dma_wait3A_89 = tpu.memref_slice %arg2[%dma_wait3A_87, %dma_wait3A_88] : memref<320000x128xf32, #tpu.memory_space<hbm>> -> memref<128x128xf32, #tpu.memory_space<hbm>>
      %dma_wait3A_90 = arith.constant 0 : i32
      %dma_wait3A_91 = arith.constant 0 : i32
      %dma_wait3A_92 = tpu.memref_slice %arg2[%dma_wait3A_90, %dma_wait3A_91] : memref<320000x128xf32, #tpu.memory_space<hbm>> -> memref<128x128xf32, #tpu.memory_space<hbm>>
      tpu.wait_dma2 semaphore(%arg10 : memref<!tpu.dma_semaphore, #tpu.memory_space<semaphore_mem>>) src(%dma_wait3A_92 : memref<128x128xf32, #tpu.memory_space<hbm>>) dst(%arg6 : memref<128x128xf32, #tpu.memory_space<vmem>>)
      %dma_start3A_93 = arith.constant 0 : i32
      %dma_start3A_94 = arith.constant 0 : i32
      %dma_start3A_95 = tpu.memref_slice %arg5[%dma_start3A_93, %dma_start3A_94] : memref<10000x128xf32, #tpu.memory_space<vmem_shared>> -> memref<10000x128xf32, #tpu.memory_space<vmem_shared>>
      tpu.enqueue_indirect_dma source(%arg6 : memref<128x128xf32, #tpu.memory_space<vmem>>) target(%dma_start3A_95 : memref<10000x128xf32, #tpu.memory_space<vmem_shared>>) offsets(%arg8 : memref<128xi32, #tpu.memory_space<vmem>>) semaphore(%arg12 : memref<!tpu.dma_semaphore, #tpu.memory_space<semaphore_mem>>) {add = true}
      %dma_wait3A_96 = arith.constant 0 : i32
      %dma_wait3A_97 = tpu.memref_slice %arg3[%dma_wait3A_96] : memref<160000xi32, #tpu.memory_space<hbm>> -> memref<128xi32, #tpu.memory_space<hbm>>
      %dma_wait3A_98 = arith.constant 0 : i32
      %dma_wait3A_99 = tpu.memref_slice %arg3[%dma_wait3A_98] : memref<160000xi32, #tpu.memory_space<hbm>> -> memref<128xi32, #tpu.memory_space<hbm>>
      tpu.wait_dma2 semaphore(%arg11 : memref<!tpu.dma_semaphore, #tpu.memory_space<semaphore_mem>>) src(%dma_wait3A_99 : memref<128xi32, #tpu.memory_space<hbm>>) dst(%arg9 : memref<128xi32, #tpu.memory_space<vmem>>)
      %dma_wait3A_100 = arith.constant 0 : i32
      %dma_wait3A_101 = arith.constant 0 : i32
      %dma_wait3A_102 = tpu.memref_slice %arg2[%dma_wait3A_100, %dma_wait3A_101] : memref<320000x128xf32, #tpu.memory_space<hbm>> -> memref<128x128xf32, #tpu.memory_space<hbm>>
      %dma_wait3A_103 = arith.constant 0 : i32
      %dma_wait3A_104 = arith.constant 0 : i32
      %dma_wait3A_105 = tpu.memref_slice %arg2[%dma_wait3A_103, %dma_wait3A_104] : memref<320000x128xf32, #tpu.memory_space<hbm>> -> memref<128x128xf32, #tpu.memory_space<hbm>>
      tpu.wait_dma2 semaphore(%arg11 : memref<!tpu.dma_semaphore, #tpu.memory_space<semaphore_mem>>) src(%dma_wait3A_105 : memref<128x128xf32, #tpu.memory_space<hbm>>) dst(%arg7 : memref<128x128xf32, #tpu.memory_space<vmem>>)
      %dma_wait3A_106 = arith.constant 0 : i32
      %dma_wait3A_107 = arith.constant 0 : i32
      %dma_wait3A_108 = tpu.memref_slice %arg5[%dma_wait3A_106, %dma_wait3A_107] : memref<10000x128xf32, #tpu.memory_space<vmem_shared>> -> memref<128x128xf32, #tpu.memory_space<vmem_shared>>
      %dma_wait3A_109 = arith.constant 0 : i32
      %dma_wait3A_110 = arith.constant 0 : i32
      %dma_wait3A_111 = tpu.memref_slice %arg5[%dma_wait3A_109, %dma_wait3A_110] : memref<10000x128xf32, #tpu.memory_space<vmem_shared>> -> memref<128x128xf32, #tpu.memory_space<vmem_shared>>
      tpu.wait_dma2 semaphore(%arg12 : memref<!tpu.dma_semaphore, #tpu.memory_space<semaphore_mem>>) src(%arg6 : memref<128x128xf32, #tpu.memory_space<vmem>>) dst(%dma_wait3A_111 : memref<128x128xf32, #tpu.memory_space<vmem_shared>>)
      %lt3A_112 = arith.constant 38 : i32
      %lt3A_113 = arith.cmpi slt, %scan3A_53, %lt3A_112 : i32
      %convert_element_type3A_114 = arith.extui %lt3A_113 : i1 to i32
      %cond3A_115 = arith.constant 0 : i32
      %cond3A_116 = arith.cmpi ne, %convert_element_type3A_114, %cond3A_115 : i32
      scf.if %cond3A_116 {
        %add3A_120 = arith.constant 32 : i32
        %add3A_121 = arith.addi %add3A_58, %add3A_120 : i32
        %mul3A_122 = arith.constant 128 : i32
        %mul3A_123 = arith.muli %add3A_121, %mul3A_122 : i32
        %dma_start3A_124 = tpu.memref_slice %arg3[%mul3A_123] : memref<160000xi32, #tpu.memory_space<hbm>> -> memref<128xi32, #tpu.memory_space<hbm>>
        %dma_start3A_125 = tpu.memref_slice %arg3[%mul3A_123] : memref<160000xi32, #tpu.memory_space<hbm>> -> memref<128xi32, #tpu.memory_space<hbm>>
        tpu.enqueue_dma source(%dma_start3A_125 : memref<128xi32, #tpu.memory_space<hbm>>) target(%arg8 : memref<128xi32, #tpu.memory_space<vmem>>) target_semaphore(%arg10 : memref<!tpu.dma_semaphore, #tpu.memory_space<semaphore_mem>>)
        %add3A_126 = arith.constant 32 : i32
        %add3A_127 = arith.addi %add3A_58, %add3A_126 : i32
        %mul3A_128 = arith.constant 160000 : i32
        %mul3A_129 = arith.muli %arg0, %mul3A_128 : i32
        %mul3A_130 = arith.constant 128 : i32
        %mul3A_131 = arith.muli %add3A_127, %mul3A_130 : i32
        %add3A_132 = arith.addi %mul3A_129, %mul3A_131 : i32
        %dma_start3A_133 = arith.constant 0 : i32
        %dma_start3A_134 = tpu.memref_slice %arg2[%add3A_132, %dma_start3A_133] : memref<320000x128xf32, #tpu.memory_space<hbm>> -> memref<128x128xf32, #tpu.memory_space<hbm>>
        %dma_start3A_135 = arith.constant 0 : i32
        %dma_start3A_136 = tpu.memref_slice %arg2[%add3A_132, %dma_start3A_135] : memref<320000x128xf32, #tpu.memory_space<hbm>> -> memref<128x128xf32, #tpu.memory_space<hbm>>
        tpu.enqueue_dma source(%dma_start3A_136 : memref<128x128xf32, #tpu.memory_space<hbm>>) target(%arg6 : memref<128x128xf32, #tpu.memory_space<vmem>>) target_semaphore(%arg10 : memref<!tpu.dma_semaphore, #tpu.memory_space<semaphore_mem>>)
      } else {
      }
      %dma_start3A_117 = arith.constant 0 : i32
      %dma_start3A_118 = arith.constant 0 : i32
      %dma_start3A_119 = tpu.memref_slice %arg5[%dma_start3A_117, %dma_start3A_118] : memref<10000x128xf32, #tpu.memory_space<vmem_shared>> -> memref<10000x128xf32, #tpu.memory_space<vmem_shared>>
      tpu.enqueue_indirect_dma source(%arg7 : memref<128x128xf32, #tpu.memory_space<vmem>>) target(%dma_start3A_119 : memref<10000x128xf32, #tpu.memory_space<vmem_shared>>) offsets(%arg9 : memref<128xi32, #tpu.memory_space<vmem>>) semaphore(%arg13 : memref<!tpu.dma_semaphore, #tpu.memory_space<semaphore_mem>>) {add = true}
    }
    %scan3A_34 = arith.constant 39 : i32
    %dma_wait3A = arith.constant 0 : i32
    %dma_wait3A_35 = arith.constant 0 : i32
    %dma_wait3A_36 = tpu.memref_slice %arg5[%dma_wait3A, %dma_wait3A_35] : memref<10000x128xf32, #tpu.memory_space<vmem_shared>> -> memref<128x128xf32, #tpu.memory_space<vmem_shared>>
    %dma_wait3A_37 = arith.constant 0 : i32
    %dma_wait3A_38 = arith.constant 0 : i32
    %dma_wait3A_39 = tpu.memref_slice %arg5[%dma_wait3A_37, %dma_wait3A_38] : memref<10000x128xf32, #tpu.memory_space<vmem_shared>> -> memref<128x128xf32, #tpu.memory_space<vmem_shared>>
    tpu.wait_dma2 semaphore(%arg13 : memref<!tpu.dma_semaphore, #tpu.memory_space<semaphore_mem>>) src(%arg7 : memref<128x128xf32, #tpu.memory_space<vmem>>) dst(%dma_wait3A_39 : memref<128x128xf32, #tpu.memory_space<vmem_shared>>)
    %lt3A = arith.constant 2 : i32
    %lt3A_40 = arith.cmpi slt, %arg1, %lt3A : i32
    %convert_element_type3A_41 = arith.extui %lt3A_40 : i1 to i32
    %cond3A_42 = arith.constant 0 : i32
    %cond3A_43 = arith.cmpi ne, %convert_element_type3A_41, %cond3A_42 : i32
    scf.if %cond3A_43 {
      %add3A_53 = arith.constant 1248 : i32
      %add3A_54 = arith.addi %add3A_53, %arg1 : i32
      %mul3A_55 = arith.constant 128 : i32
      %mul3A_56 = arith.muli %add3A_54, %mul3A_55 : i32
      "tpu.region"() ({
        %run_scoped3A = tpu.sem_alloc : memref<!tpu.dma_semaphore, #tpu.memory_space<semaphore_mem>>
        %dma_start3A_62 = tpu.memref_slice %arg3[%mul3A_56] : memref<160000xi32, #tpu.memory_space<hbm>> -> memref<128xi32, #tpu.memory_space<hbm>>
        %dma_start3A_63 = tpu.memref_slice %arg3[%mul3A_56] : memref<160000xi32, #tpu.memory_space<hbm>> -> memref<128xi32, #tpu.memory_space<hbm>>
        tpu.enqueue_dma source(%dma_start3A_63 : memref<128xi32, #tpu.memory_space<hbm>>) target(%arg8 : memref<128xi32, #tpu.memory_space<vmem>>) target_semaphore(%run_scoped3A : memref<!tpu.dma_semaphore, #tpu.memory_space<semaphore_mem>>)
        %dma_wait3A_64 = tpu.memref_slice %arg3[%mul3A_56] : memref<160000xi32, #tpu.memory_space<hbm>> -> memref<128xi32, #tpu.memory_space<hbm>>
        %dma_wait3A_65 = tpu.memref_slice %arg3[%mul3A_56] : memref<160000xi32, #tpu.memory_space<hbm>> -> memref<128xi32, #tpu.memory_space<hbm>>
        tpu.wait_dma2 semaphore(%run_scoped3A : memref<!tpu.dma_semaphore, #tpu.memory_space<semaphore_mem>>) src(%dma_wait3A_65 : memref<128xi32, #tpu.memory_space<hbm>>) dst(%arg8 : memref<128xi32, #tpu.memory_space<vmem>>)
        tpu.yield
      }) : () -> ()
      %mul3A_57 = arith.constant 160000 : i32
      %mul3A_58 = arith.muli %arg0, %mul3A_57 : i32
      %mul3A_59 = arith.constant 128 : i32
      %mul3A_60 = arith.muli %add3A_54, %mul3A_59 : i32
      %add3A_61 = arith.addi %mul3A_58, %mul3A_60 : i32
      "tpu.region"() ({
        %run_scoped3A = tpu.sem_alloc : memref<!tpu.dma_semaphore, #tpu.memory_space<semaphore_mem>>
        %dma_start3A_62 = arith.constant 0 : i32
        %dma_start3A_63 = tpu.memref_slice %arg2[%add3A_61, %dma_start3A_62] : memref<320000x128xf32, #tpu.memory_space<hbm>> -> memref<128x128xf32, #tpu.memory_space<hbm>>
        %dma_start3A_64 = arith.constant 0 : i32
        %dma_start3A_65 = tpu.memref_slice %arg2[%add3A_61, %dma_start3A_64] : memref<320000x128xf32, #tpu.memory_space<hbm>> -> memref<128x128xf32, #tpu.memory_space<hbm>>
        tpu.enqueue_dma source(%dma_start3A_65 : memref<128x128xf32, #tpu.memory_space<hbm>>) target(%arg6 : memref<128x128xf32, #tpu.memory_space<vmem>>) target_semaphore(%run_scoped3A : memref<!tpu.dma_semaphore, #tpu.memory_space<semaphore_mem>>)
        %dma_wait3A_66 = arith.constant 0 : i32
        %dma_wait3A_67 = tpu.memref_slice %arg2[%add3A_61, %dma_wait3A_66] : memref<320000x128xf32, #tpu.memory_space<hbm>> -> memref<128x128xf32, #tpu.memory_space<hbm>>
        %dma_wait3A_68 = arith.constant 0 : i32
        %dma_wait3A_69 = tpu.memref_slice %arg2[%add3A_61, %dma_wait3A_68] : memref<320000x128xf32, #tpu.memory_space<hbm>> -> memref<128x128xf32, #tpu.memory_space<hbm>>
        tpu.wait_dma2 semaphore(%run_scoped3A : memref<!tpu.dma_semaphore, #tpu.memory_space<semaphore_mem>>) src(%dma_wait3A_69 : memref<128x128xf32, #tpu.memory_space<hbm>>) dst(%arg6 : memref<128x128xf32, #tpu.memory_space<vmem>>)
        tpu.yield
      }) : () -> ()
      "tpu.region"() ({
        %run_scoped3A = tpu.sem_alloc : memref<!tpu.dma_semaphore, #tpu.memory_space<semaphore_mem>>
        %dma_start3A_62 = arith.constant 0 : i32
        %dma_start3A_63 = arith.constant 0 : i32
        %dma_start3A_64 = tpu.memref_slice %arg5[%dma_start3A_62, %dma_start3A_63] : memref<10000x128xf32, #tpu.memory_space<vmem_shared>> -> memref<10000x128xf32, #tpu.memory_space<vmem_shared>>
        tpu.enqueue_indirect_dma source(%arg6 : memref<128x128xf32, #tpu.memory_space<vmem>>) target(%dma_start3A_64 : memref<10000x128xf32, #tpu.memory_space<vmem_shared>>) offsets(%arg8 : memref<128xi32, #tpu.memory_space<vmem>>) semaphore(%run_scoped3A : memref<!tpu.dma_semaphore, #tpu.memory_space<semaphore_mem>>) {add = true}
        %dma_wait3A_65 = arith.constant 0 : i32
        %dma_wait3A_66 = arith.constant 0 : i32
        %dma_wait3A_67 = tpu.memref_slice %arg5[%dma_wait3A_65, %dma_wait3A_66] : memref<10000x128xf32, #tpu.memory_space<vmem_shared>> -> memref<10000x128xf32, #tpu.memory_space<vmem_shared>>
        tpu.wait_indirect_dma semaphore(%run_scoped3A : memref<!tpu.dma_semaphore, #tpu.memory_space<semaphore_mem>>) src(%arg6 : memref<128x128xf32, #tpu.memory_space<vmem>>) dst(%dma_wait3A_67 : memref<10000x128xf32, #tpu.memory_space<vmem_shared>>)
        tpu.yield
      }) : () -> ()
    } else {
    }
    %barrier3A_44 = arith.constant 0 : index
    tpu.barrier barrier_id(%barrier3A_44)
    %mul3A_45 = arith.constant 10000 : i32
    %mul3A_46 = arith.muli %arg0, %mul3A_45 : i32
    %add3A_47 = arith.addi %mul3A_46, %mul3A_0 : i32
    "tpu.region"() ({
      %run_scoped3A = tpu.sem_alloc : memref<!tpu.dma_semaphore, #tpu.memory_space<semaphore_mem>>
      %dma_start3A_53 = arith.constant 0 : i32
      %dma_start3A_54 = tpu.memref_slice %arg4[%add3A_47, %dma_start3A_53] : memref<20000x128xf32, #tpu.memory_space<hbm>> -> memref<624x128xf32, #tpu.memory_space<hbm>>
      %dma_start3A_55 = arith.constant 0 : i32
      %dma_start3A_56 = tpu.memref_slice %arg5[%mul3A_0, %dma_start3A_55] : memref<10000x128xf32, #tpu.memory_space<vmem_shared>> -> memref<624x128xf32, #tpu.memory_space<vmem_shared>>
      tpu.enqueue_dma source(%dma_start3A_56 : memref<624x128xf32, #tpu.memory_space<vmem_shared>>) target(%dma_start3A_54 : memref<624x128xf32, #tpu.memory_space<hbm>>) target_semaphore(%run_scoped3A : memref<!tpu.dma_semaphore, #tpu.memory_space<semaphore_mem>>)
      %dma_wait3A_57 = arith.constant 0 : i32
      %dma_wait3A_58 = tpu.memref_slice %arg4[%add3A_47, %dma_wait3A_57] : memref<20000x128xf32, #tpu.memory_space<hbm>> -> memref<624x128xf32, #tpu.memory_space<hbm>>
      %dma_wait3A_59 = arith.constant 0 : i32
      %dma_wait3A_60 = tpu.memref_slice %arg5[%mul3A_0, %dma_wait3A_59] : memref<10000x128xf32, #tpu.memory_space<vmem_shared>> -> memref<624x128xf32, #tpu.memory_space<vmem_shared>>
      tpu.wait_dma2 semaphore(%run_scoped3A : memref<!tpu.dma_semaphore, #tpu.memory_space<semaphore_mem>>) src(%dma_wait3A_60 : memref<624x128xf32, #tpu.memory_space<vmem_shared>>) dst(%dma_wait3A_58 : memref<624x128xf32, #tpu.memory_space<hbm>>)
      tpu.yield
    }) : () -> ()
    %eq3A_48 = arith.constant 0 : i32
    %eq3A_49 = arith.cmpi eq, %arg1, %eq3A_48 : i32
    %convert_element_type3A_50 = arith.extui %eq3A_49 : i1 to i32
    %cond3A_51 = arith.constant 0 : i32
    %cond3A_52 = arith.cmpi ne, %convert_element_type3A_50, %cond3A_51 : i32
    scf.if %cond3A_52 {
      %mul3A_53 = arith.constant 10000 : i32
      %mul3A_54 = arith.muli %arg0, %mul3A_53 : i32
      %add3A_55 = arith.constant 9984 : i32
      %add3A_56 = arith.addi %mul3A_54, %add3A_55 : i32
      "tpu.region"() ({
        %run_scoped3A = tpu.sem_alloc : memref<!tpu.dma_semaphore, #tpu.memory_space<semaphore_mem>>
        %dma_start3A_57 = arith.constant 0 : i32
        %dma_start3A_58 = tpu.memref_slice %arg4[%add3A_56, %dma_start3A_57] : memref<20000x128xf32, #tpu.memory_space<hbm>> -> memref<16x128xf32, #tpu.memory_space<hbm>>
        %dma_start3A_59 = arith.constant 9984 : i32
        %dma_start3A_60 = arith.constant 0 : i32
        %dma_start3A_61 = tpu.memref_slice %arg5[%dma_start3A_59, %dma_start3A_60] : memref<10000x128xf32, #tpu.memory_space<vmem_shared>> -> memref<16x128xf32, #tpu.memory_space<vmem_shared>>
        tpu.enqueue_dma source(%dma_start3A_61 : memref<16x128xf32, #tpu.memory_space<vmem_shared>>) target(%dma_start3A_58 : memref<16x128xf32, #tpu.memory_space<hbm>>) target_semaphore(%run_scoped3A : memref<!tpu.dma_semaphore, #tpu.memory_space<semaphore_mem>>)
        %dma_wait3A_62 = arith.constant 0 : i32
        %dma_wait3A_63 = tpu.memref_slice %arg4[%add3A_56, %dma_wait3A_62] : memref<20000x128xf32, #tpu.memory_space<hbm>> -> memref<16x128xf32, #tpu.memory_space<hbm>>
        %dma_wait3A_64 = arith.constant 9984 : i32
        %dma_wait3A_65 = arith.constant 0 : i32
        %dma_wait3A_66 = tpu.memref_slice %arg5[%dma_wait3A_64, %dma_wait3A_65] : memref<10000x128xf32, #tpu.memory_space<vmem_shared>> -> memref<16x128xf32, #tpu.memory_space<vmem_shared>>
        tpu.wait_dma2 semaphore(%run_scoped3A : memref<!tpu.dma_semaphore, #tpu.memory_space<semaphore_mem>>) src(%dma_wait3A_66 : memref<16x128xf32, #tpu.memory_space<vmem_shared>>) dst(%dma_wait3A_63 : memref<16x128xf32, #tpu.memory_space<hbm>>)
        tpu.yield
      }) : () -> ()
    } else {
    }
    return
  }
}

#map = affine_map<(d0, d1) -> (0, 0)>
#map1 = affine_map<(d0, d1) -> (0)>
module attributes {stable_mosaic.version = 14 : i64} {
  func.func @_gather_body(%arg0: i32, %arg1: i32, %arg2: memref<80000x128xf32, #tpu.memory_space<hbm>>, %arg3: memref<640000xi32, #tpu.memory_space<hbm>>, %arg4: memref<320000x128xf32, #tpu.memory_space<hbm>>, %arg5: memref<160xi32, #tpu.memory_space<vmem>>, %arg6: memref<160xi32, #tpu.memory_space<vmem>>, %arg7: memref<160x128xf32, #tpu.memory_space<vmem>>, %arg8: memref<160x128xf32, #tpu.memory_space<vmem>>, %arg9: memref<!tpu.dma_semaphore, #tpu.memory_space<semaphore_mem>>, %arg10: memref<!tpu.dma_semaphore, #tpu.memory_space<semaphore_mem>>, %arg11: memref<!tpu.dma_semaphore, #tpu.memory_space<semaphore_mem>>, %arg12: memref<!tpu.dma_semaphore, #tpu.memory_space<semaphore_mem>>) attributes {dimension_semantics = [#tpu.dimension_semantics<core_parallel>, #tpu.dimension_semantics<subcore_parallel>], iteration_bounds = array<i64: 2, 16>, scalar_prefetch = 0 : i64, scratch_operands = 8 : i64, tpu.core_type = #tpu.core_type<sc_vector_subcore>, window_params = [{transform_indices = #map}, {transform_indices = #map1}, {transform_indices = #map}]} {
    %mul3A = arith.constant 2 : i32
    %mul3A_0 = arith.muli %arg1, %mul3A : i32
    %add3A = arith.addi %mul3A_0, %arg0 : i32
    %add3A_1 = arith.constant 0 : i32
    %add3A_2 = arith.addi %add3A, %add3A_1 : i32
    %mul3A_3 = arith.constant 160 : i32
    %mul3A_4 = arith.muli %add3A_2, %mul3A_3 : i32
    "tpu.region"() ({
      %run_scoped3A = tpu.sem_alloc : memref<!tpu.dma_semaphore, #tpu.memory_space<semaphore_mem>>
      %dma_start3A_90 = tpu.memref_slice %arg3[%mul3A_4] : memref<640000xi32, #tpu.memory_space<hbm>> -> memref<160xi32, #tpu.memory_space<hbm>>
      %dma_start3A_91 = tpu.memref_slice %arg3[%mul3A_4] : memref<640000xi32, #tpu.memory_space<hbm>> -> memref<160xi32, #tpu.memory_space<hbm>>
      tpu.enqueue_dma source(%dma_start3A_91 : memref<160xi32, #tpu.memory_space<hbm>>) target(%arg5 : memref<160xi32, #tpu.memory_space<vmem>>) target_semaphore(%run_scoped3A : memref<!tpu.dma_semaphore, #tpu.memory_space<semaphore_mem>>)
      %dma_wait3A_92 = tpu.memref_slice %arg3[%mul3A_4] : memref<640000xi32, #tpu.memory_space<hbm>> -> memref<160xi32, #tpu.memory_space<hbm>>
      %dma_wait3A_93 = tpu.memref_slice %arg3[%mul3A_4] : memref<640000xi32, #tpu.memory_space<hbm>> -> memref<160xi32, #tpu.memory_space<hbm>>
      tpu.wait_dma2 semaphore(%run_scoped3A : memref<!tpu.dma_semaphore, #tpu.memory_space<semaphore_mem>>) src(%dma_wait3A_93 : memref<160xi32, #tpu.memory_space<hbm>>) dst(%arg5 : memref<160xi32, #tpu.memory_space<vmem>>)
      tpu.yield
    }) : () -> ()
    %dma_start3A = arith.constant 0 : i32
    %dma_start3A_5 = arith.constant 0 : i32
    %dma_start3A_6 = tpu.memref_slice %arg7[%dma_start3A, %dma_start3A_5] : memref<160x128xf32, #tpu.memory_space<vmem>> -> memref<40x128xf32, #tpu.memory_space<vmem>>
    %dma_start3A_7 = arith.constant 0 : i32
    %dma_start3A_8 = tpu.memref_slice %arg5[%dma_start3A_7] : memref<160xi32, #tpu.memory_space<vmem>> -> memref<40xi32, #tpu.memory_space<vmem>>
    %dma_start3A_9 = arith.constant 0 : i32
    %dma_start3A_10 = arith.constant 0 : i32
    %dma_start3A_11 = tpu.memref_slice %arg2[%dma_start3A_9, %dma_start3A_10] : memref<80000x128xf32, #tpu.memory_space<hbm>> -> memref<80000x128xf32, #tpu.memory_space<hbm>>
    tpu.enqueue_indirect_dma source(%dma_start3A_11 : memref<80000x128xf32, #tpu.memory_space<hbm>>) target(%dma_start3A_6 : memref<40x128xf32, #tpu.memory_space<vmem>>) offsets(%dma_start3A_8 : memref<40xi32, #tpu.memory_space<vmem>>) semaphore(%arg9 : memref<!tpu.dma_semaphore, #tpu.memory_space<semaphore_mem>>)
    %dma_start3A_12 = arith.constant 40 : i32
    %dma_start3A_13 = arith.constant 0 : i32
    %dma_start3A_14 = tpu.memref_slice %arg7[%dma_start3A_12, %dma_start3A_13] : memref<160x128xf32, #tpu.memory_space<vmem>> -> memref<40x128xf32, #tpu.memory_space<vmem>>
    %dma_start3A_15 = arith.constant 40 : i32
    %dma_start3A_16 = tpu.memref_slice %arg5[%dma_start3A_15] : memref<160xi32, #tpu.memory_space<vmem>> -> memref<40xi32, #tpu.memory_space<vmem>>
    %dma_start3A_17 = arith.constant 0 : i32
    %dma_start3A_18 = arith.constant 0 : i32
    %dma_start3A_19 = tpu.memref_slice %arg2[%dma_start3A_17, %dma_start3A_18] : memref<80000x128xf32, #tpu.memory_space<hbm>> -> memref<80000x128xf32, #tpu.memory_space<hbm>>
    tpu.enqueue_indirect_dma source(%dma_start3A_19 : memref<80000x128xf32, #tpu.memory_space<hbm>>) target(%dma_start3A_14 : memref<40x128xf32, #tpu.memory_space<vmem>>) offsets(%dma_start3A_16 : memref<40xi32, #tpu.memory_space<vmem>>) semaphore(%arg9 : memref<!tpu.dma_semaphore, #tpu.memory_space<semaphore_mem>>)
    %dma_start3A_20 = arith.constant 80 : i32
    %dma_start3A_21 = arith.constant 0 : i32
    %dma_start3A_22 = tpu.memref_slice %arg7[%dma_start3A_20, %dma_start3A_21] : memref<160x128xf32, #tpu.memory_space<vmem>> -> memref<40x128xf32, #tpu.memory_space<vmem>>
    %dma_start3A_23 = arith.constant 80 : i32
    %dma_start3A_24 = tpu.memref_slice %arg5[%dma_start3A_23] : memref<160xi32, #tpu.memory_space<vmem>> -> memref<40xi32, #tpu.memory_space<vmem>>
    %dma_start3A_25 = arith.constant 0 : i32
    %dma_start3A_26 = arith.constant 0 : i32
    %dma_start3A_27 = tpu.memref_slice %arg2[%dma_start3A_25, %dma_start3A_26] : memref<80000x128xf32, #tpu.memory_space<hbm>> -> memref<80000x128xf32, #tpu.memory_space<hbm>>
    tpu.enqueue_indirect_dma source(%dma_start3A_27 : memref<80000x128xf32, #tpu.memory_space<hbm>>) target(%dma_start3A_22 : memref<40x128xf32, #tpu.memory_space<vmem>>) offsets(%dma_start3A_24 : memref<40xi32, #tpu.memory_space<vmem>>) semaphore(%arg9 : memref<!tpu.dma_semaphore, #tpu.memory_space<semaphore_mem>>)
    %dma_start3A_28 = arith.constant 120 : i32
    %dma_start3A_29 = arith.constant 0 : i32
    %dma_start3A_30 = tpu.memref_slice %arg7[%dma_start3A_28, %dma_start3A_29] : memref<160x128xf32, #tpu.memory_space<vmem>> -> memref<40x128xf32, #tpu.memory_space<vmem>>
    %dma_start3A_31 = arith.constant 120 : i32
    %dma_start3A_32 = tpu.memref_slice %arg5[%dma_start3A_31] : memref<160xi32, #tpu.memory_space<vmem>> -> memref<40xi32, #tpu.memory_space<vmem>>
    %dma_start3A_33 = arith.constant 0 : i32
    %dma_start3A_34 = arith.constant 0 : i32
    %dma_start3A_35 = tpu.memref_slice %arg2[%dma_start3A_33, %dma_start3A_34] : memref<80000x128xf32, #tpu.memory_space<hbm>> -> memref<80000x128xf32, #tpu.memory_space<hbm>>
    tpu.enqueue_indirect_dma source(%dma_start3A_35 : memref<80000x128xf32, #tpu.memory_space<hbm>>) target(%dma_start3A_30 : memref<40x128xf32, #tpu.memory_space<vmem>>) offsets(%dma_start3A_32 : memref<40xi32, #tpu.memory_space<vmem>>) semaphore(%arg9 : memref<!tpu.dma_semaphore, #tpu.memory_space<semaphore_mem>>)
    %scan3A = arith.constant 0 : i32
    %scan3A_36 = arith.constant 0 : i32
    %scan3A_37 = arith.constant 62 : i32
    %scan3A_38 = arith.addi %scan3A_36, %scan3A_37 : i32
    %scan3A_39 = arith.constant 1 : i32
    scf.for %scan3A_90 = %scan3A_36 to %scan3A_38 step %scan3A_39  : i32 {
      %mul3A_91 = arith.constant 2 : i32
      %mul3A_92 = arith.muli %mul3A_91, %scan3A_90 : i32
      %mul3A_93 = arith.constant 2 : i32
      %mul3A_94 = arith.muli %mul3A_93, %scan3A_90 : i32
      %add3A_95 = arith.constant 1 : i32
      %add3A_96 = arith.addi %mul3A_94, %add3A_95 : i32
      %gt3A = arith.constant 0 : i32
      %gt3A_97 = arith.cmpi sgt, %scan3A_90, %gt3A : i32
      %convert_element_type3A = arith.extui %gt3A_97 : i1 to i32
      %cond3A = arith.constant 0 : i32
      %cond3A_98 = arith.cmpi ne, %convert_element_type3A, %cond3A : i32
      scf.if %cond3A_98 {
        %dma_wait3A_241 = arith.constant 0 : i32
        %dma_wait3A_242 = arith.constant 0 : i32
        %dma_wait3A_243 = tpu.memref_slice %arg8[%dma_wait3A_241, %dma_wait3A_242] : memref<160x128xf32, #tpu.memory_space<vmem>> -> memref<80x128xf32, #tpu.memory_space<vmem>>
        %dma_wait3A_244 = arith.constant 0 : i32
        %dma_wait3A_245 = arith.constant 0 : i32
        %dma_wait3A_246 = tpu.memref_slice %arg4[%dma_wait3A_244, %dma_wait3A_245] : memref<320000x128xf32, #tpu.memory_space<hbm>> -> memref<80x128xf32, #tpu.memory_space<hbm>>
        %dma_wait3A_247 = arith.constant 0 : i32
        %dma_wait3A_248 = arith.constant 0 : i32
        %dma_wait3A_249 = tpu.memref_slice %arg4[%dma_wait3A_247, %dma_wait3A_248] : memref<320000x128xf32, #tpu.memory_space<hbm>> -> memref<80x128xf32, #tpu.memory_space<hbm>>
        %dma_wait3A_250 = arith.constant 0 : i32
        %dma_wait3A_251 = arith.constant 0 : i32
        %dma_wait3A_252 = tpu.memref_slice %arg8[%dma_wait3A_250, %dma_wait3A_251] : memref<160x128xf32, #tpu.memory_space<vmem>> -> memref<80x128xf32, #tpu.memory_space<vmem>>
        tpu.wait_dma2 semaphore(%arg12 : memref<!tpu.dma_semaphore, #tpu.memory_space<semaphore_mem>>) src(%dma_wait3A_252 : memref<80x128xf32, #tpu.memory_space<vmem>>) dst(%dma_wait3A_249 : memref<80x128xf32, #tpu.memory_space<hbm>>)
      } else {
      }
      %mul3A_99 = arith.constant 32 : i32
      %mul3A_100 = arith.muli %mul3A_99, %add3A_96 : i32
      %add3A_101 = arith.addi %add3A, %mul3A_100 : i32
      %mul3A_102 = arith.constant 160 : i32
      %mul3A_103 = arith.muli %add3A_101, %mul3A_102 : i32
      "tpu.region"() ({
        %run_scoped3A = tpu.sem_alloc : memref<!tpu.dma_semaphore, #tpu.memory_space<semaphore_mem>>
        %dma_start3A_241 = tpu.memref_slice %arg3[%mul3A_103] : memref<640000xi32, #tpu.memory_space<hbm>> -> memref<160xi32, #tpu.memory_space<hbm>>
        %dma_start3A_242 = tpu.memref_slice %arg3[%mul3A_103] : memref<640000xi32, #tpu.memory_space<hbm>> -> memref<160xi32, #tpu.memory_space<hbm>>
        tpu.enqueue_dma source(%dma_start3A_242 : memref<160xi32, #tpu.memory_space<hbm>>) target(%arg6 : memref<160xi32, #tpu.memory_space<vmem>>) target_semaphore(%run_scoped3A : memref<!tpu.dma_semaphore, #tpu.memory_space<semaphore_mem>>)
        %dma_wait3A_243 = tpu.memref_slice %arg3[%mul3A_103] : memref<640000xi32, #tpu.memory_space<hbm>> -> memref<160xi32, #tpu.memory_space<hbm>>
        %dma_wait3A_244 = tpu.memref_slice %arg3[%mul3A_103] : memref<640000xi32, #tpu.memory_space<hbm>> -> memref<160xi32, #tpu.memory_space<hbm>>
        tpu.wait_dma2 semaphore(%run_scoped3A : memref<!tpu.dma_semaphore, #tpu.memory_space<semaphore_mem>>) src(%dma_wait3A_244 : memref<160xi32, #tpu.memory_space<hbm>>) dst(%arg6 : memref<160xi32, #tpu.memory_space<vmem>>)
        tpu.yield
      }) : () -> ()
      %dma_start3A_104 = arith.constant 0 : i32
      %dma_start3A_105 = arith.constant 0 : i32
      %dma_start3A_106 = tpu.memref_slice %arg8[%dma_start3A_104, %dma_start3A_105] : memref<160x128xf32, #tpu.memory_space<vmem>> -> memref<40x128xf32, #tpu.memory_space<vmem>>
      %dma_start3A_107 = arith.constant 0 : i32
      %dma_start3A_108 = tpu.memref_slice %arg6[%dma_start3A_107] : memref<160xi32, #tpu.memory_space<vmem>> -> memref<40xi32, #tpu.memory_space<vmem>>
      %dma_start3A_109 = arith.constant 0 : i32
      %dma_start3A_110 = arith.constant 0 : i32
      %dma_start3A_111 = tpu.memref_slice %arg2[%dma_start3A_109, %dma_start3A_110] : memref<80000x128xf32, #tpu.memory_space<hbm>> -> memref<80000x128xf32, #tpu.memory_space<hbm>>
      tpu.enqueue_indirect_dma source(%dma_start3A_111 : memref<80000x128xf32, #tpu.memory_space<hbm>>) target(%dma_start3A_106 : memref<40x128xf32, #tpu.memory_space<vmem>>) offsets(%dma_start3A_108 : memref<40xi32, #tpu.memory_space<vmem>>) semaphore(%arg10 : memref<!tpu.dma_semaphore, #tpu.memory_space<semaphore_mem>>)
      %dma_start3A_112 = arith.constant 40 : i32
      %dma_start3A_113 = arith.constant 0 : i32
      %dma_start3A_114 = tpu.memref_slice %arg8[%dma_start3A_112, %dma_start3A_113] : memref<160x128xf32, #tpu.memory_space<vmem>> -> memref<40x128xf32, #tpu.memory_space<vmem>>
      %dma_start3A_115 = arith.constant 40 : i32
      %dma_start3A_116 = tpu.memref_slice %arg6[%dma_start3A_115] : memref<160xi32, #tpu.memory_space<vmem>> -> memref<40xi32, #tpu.memory_space<vmem>>
      %dma_start3A_117 = arith.constant 0 : i32
      %dma_start3A_118 = arith.constant 0 : i32
      %dma_start3A_119 = tpu.memref_slice %arg2[%dma_start3A_117, %dma_start3A_118] : memref<80000x128xf32, #tpu.memory_space<hbm>> -> memref<80000x128xf32, #tpu.memory_space<hbm>>
      tpu.enqueue_indirect_dma source(%dma_start3A_119 : memref<80000x128xf32, #tpu.memory_space<hbm>>) target(%dma_start3A_114 : memref<40x128xf32, #tpu.memory_space<vmem>>) offsets(%dma_start3A_116 : memref<40xi32, #tpu.memory_space<vmem>>) semaphore(%arg10 : memref<!tpu.dma_semaphore, #tpu.memory_space<semaphore_mem>>)
      %dma_start3A_120 = arith.constant 80 : i32
      %dma_start3A_121 = arith.constant 0 : i32
      %dma_start3A_122 = tpu.memref_slice %arg8[%dma_start3A_120, %dma_start3A_121] : memref<160x128xf32, #tpu.memory_space<vmem>> -> memref<40x128xf32, #tpu.memory_space<vmem>>
      %dma_start3A_123 = arith.constant 80 : i32
      %dma_start3A_124 = tpu.memref_slice %arg6[%dma_start3A_123] : memref<160xi32, #tpu.memory_space<vmem>> -> memref<40xi32, #tpu.memory_space<vmem>>
      %dma_start3A_125 = arith.constant 0 : i32
      %dma_start3A_126 = arith.constant 0 : i32
      %dma_start3A_127 = tpu.memref_slice %arg2[%dma_start3A_125, %dma_start3A_126] : memref<80000x128xf32, #tpu.memory_space<hbm>> -> memref<80000x128xf32, #tpu.memory_space<hbm>>
      tpu.enqueue_indirect_dma source(%dma_start3A_127 : memref<80000x128xf32, #tpu.memory_space<hbm>>) target(%dma_start3A_122 : memref<40x128xf32, #tpu.memory_space<vmem>>) offsets(%dma_start3A_124 : memref<40xi32, #tpu.memory_space<vmem>>) semaphore(%arg10 : memref<!tpu.dma_semaphore, #tpu.memory_space<semaphore_mem>>)
      %dma_start3A_128 = arith.constant 120 : i32
      %dma_start3A_129 = arith.constant 0 : i32
      %dma_start3A_130 = tpu.memref_slice %arg8[%dma_start3A_128, %dma_start3A_129] : memref<160x128xf32, #tpu.memory_space<vmem>> -> memref<40x128xf32, #tpu.memory_space<vmem>>
      %dma_start3A_131 = arith.constant 120 : i32
      %dma_start3A_132 = tpu.memref_slice %arg6[%dma_start3A_131] : memref<160xi32, #tpu.memory_space<vmem>> -> memref<40xi32, #tpu.memory_space<vmem>>
      %dma_start3A_133 = arith.constant 0 : i32
      %dma_start3A_134 = arith.constant 0 : i32
      %dma_start3A_135 = tpu.memref_slice %arg2[%dma_start3A_133, %dma_start3A_134] : memref<80000x128xf32, #tpu.memory_space<hbm>> -> memref<80000x128xf32, #tpu.memory_space<hbm>>
      tpu.enqueue_indirect_dma source(%dma_start3A_135 : memref<80000x128xf32, #tpu.memory_space<hbm>>) target(%dma_start3A_130 : memref<40x128xf32, #tpu.memory_space<vmem>>) offsets(%dma_start3A_132 : memref<40xi32, #tpu.memory_space<vmem>>) semaphore(%arg10 : memref<!tpu.dma_semaphore, #tpu.memory_space<semaphore_mem>>)
      %dma_wait3A_136 = arith.constant 0 : i32
      %dma_wait3A_137 = arith.constant 0 : i32
      %dma_wait3A_138 = tpu.memref_slice %arg2[%dma_wait3A_136, %dma_wait3A_137] : memref<80000x128xf32, #tpu.memory_space<hbm>> -> memref<160x128xf32, #tpu.memory_space<hbm>>
      %dma_wait3A_139 = arith.constant 0 : i32
      %dma_wait3A_140 = arith.constant 0 : i32
      %dma_wait3A_141 = tpu.memref_slice %arg2[%dma_wait3A_139, %dma_wait3A_140] : memref<80000x128xf32, #tpu.memory_space<hbm>> -> memref<160x128xf32, #tpu.memory_space<hbm>>
      tpu.wait_dma2 semaphore(%arg9 : memref<!tpu.dma_semaphore, #tpu.memory_space<semaphore_mem>>) src(%dma_wait3A_141 : memref<160x128xf32, #tpu.memory_space<hbm>>) dst(%arg7 : memref<160x128xf32, #tpu.memory_space<vmem>>)
      %scan3A_142 = arith.constant 0 : i32
      %scan3A_143 = arith.constant 0 : i32
      %scan3A_144 = arith.constant 40 : i32
      %scan3A_145 = arith.addi %scan3A_143, %scan3A_144 : i32
      %scan3A_146 = arith.constant 1 : i32
      scf.for %scan3A_241 = %scan3A_143 to %scan3A_145 step %scan3A_146  : i32 {
        %add3A_242 = arith.constant 80 : i32
        %add3A_243 = arith.addi %add3A_242, %scan3A_241 : i32
        %get3A = arith.index_cast %add3A_243 : i32 to index
        %get3A_244 = arith.constant 0 : index
        %get3A_245 = tpu.vector_load %arg7[%get3A, %get3A_244] {strides = array<i32>} : memref<160x128xf32, #tpu.memory_space<vmem>>, vector<1x16xf32>,
        %get3A_246 = vector.shape_cast %get3A_245 : vector<1x16xf32> to vector<16xf32>
        %add3A_247 = arith.constant 0 : i32
        %add3A_248 = arith.addi %add3A_247, %scan3A_241 : i32
        %swap3A = arith.index_cast %add3A_248 : i32 to index
        %swap3A_249 = arith.constant 0 : index
        %swap3A_250 = tpu.vector_load %arg7[%swap3A, %swap3A_249] {strides = array<i32>} : memref<160x128xf32, #tpu.memory_space<vmem>>, vector<1x16xf32>,
        %swap3A_251 = vector.shape_cast %swap3A_250 : vector<1x16xf32> to vector<16xf32>
        %swap3A_252 = vector.shape_cast %get3A_246 : vector<16xf32> to vector<1x16xf32>
        tpu.vector_store %arg7[%swap3A, %swap3A_249], %swap3A_252 {add = true, strides = array<i32>} : memref<160x128xf32, #tpu.memory_space<vmem>>, vector<1x16xf32>,
        %add3A_253 = arith.constant 80 : i32
        %add3A_254 = arith.addi %add3A_253, %scan3A_241 : i32
        %get3A_255 = arith.index_cast %add3A_254 : i32 to index
        %get3A_256 = arith.constant 16 : index
        %get3A_257 = tpu.vector_load %arg7[%get3A_255, %get3A_256] {strides = array<i32>} : memref<160x128xf32, #tpu.memory_space<vmem>>, vector<1x16xf32>,
        %get3A_258 = vector.shape_cast %get3A_257 : vector<1x16xf32> to vector<16xf32>
        %add3A_259 = arith.constant 0 : i32
        %add3A_260 = arith.addi %add3A_259, %scan3A_241 : i32
        %swap3A_261 = arith.index_cast %add3A_260 : i32 to index
        %swap3A_262 = arith.constant 16 : index
        %swap3A_263 = tpu.vector_load %arg7[%swap3A_261, %swap3A_262] {strides = array<i32>} : memref<160x128xf32, #tpu.memory_space<vmem>>, vector<1x16xf32>,
        %swap3A_264 = vector.shape_cast %swap3A_263 : vector<1x16xf32> to vector<16xf32>
        %swap3A_265 = vector.shape_cast %get3A_258 : vector<16xf32> to vector<1x16xf32>
        tpu.vector_store %arg7[%swap3A_261, %swap3A_262], %swap3A_265 {add = true, strides = array<i32>} : memref<160x128xf32, #tpu.memory_space<vmem>>, vector<1x16xf32>,
        %add3A_266 = arith.constant 80 : i32
        %add3A_267 = arith.addi %add3A_266, %scan3A_241 : i32
        %get3A_268 = arith.index_cast %add3A_267 : i32 to index
        %get3A_269 = arith.constant 32 : index
        %get3A_270 = tpu.vector_load %arg7[%get3A_268, %get3A_269] {strides = array<i32>} : memref<160x128xf32, #tpu.memory_space<vmem>>, vector<1x16xf32>,
        %get3A_271 = vector.shape_cast %get3A_270 : vector<1x16xf32> to vector<16xf32>
        %add3A_272 = arith.constant 0 : i32
        %add3A_273 = arith.addi %add3A_272, %scan3A_241 : i32
        %swap3A_274 = arith.index_cast %add3A_273 : i32 to index
        %swap3A_275 = arith.constant 32 : index
        %swap3A_276 = tpu.vector_load %arg7[%swap3A_274, %swap3A_275] {strides = array<i32>} : memref<160x128xf32, #tpu.memory_space<vmem>>, vector<1x16xf32>,
        %swap3A_277 = vector.shape_cast %swap3A_276 : vector<1x16xf32> to vector<16xf32>
        %swap3A_278 = vector.shape_cast %get3A_271 : vector<16xf32> to vector<1x16xf32>
        tpu.vector_store %arg7[%swap3A_274, %swap3A_275], %swap3A_278 {add = true, strides = array<i32>} : memref<160x128xf32, #tpu.memory_space<vmem>>, vector<1x16xf32>,
        %add3A_279 = arith.constant 80 : i32
        %add3A_280 = arith.addi %add3A_279, %scan3A_241 : i32
        %get3A_281 = arith.index_cast %add3A_280 : i32 to index
        %get3A_282 = arith.constant 48 : index
        %get3A_283 = tpu.vector_load %arg7[%get3A_281, %get3A_282] {strides = array<i32>} : memref<160x128xf32, #tpu.memory_space<vmem>>, vector<1x16xf32>,
        %get3A_284 = vector.shape_cast %get3A_283 : vector<1x16xf32> to vector<16xf32>
        %add3A_285 = arith.constant 0 : i32
        %add3A_286 = arith.addi %add3A_285, %scan3A_241 : i32
        %swap3A_287 = arith.index_cast %add3A_286 : i32 to index
        %swap3A_288 = arith.constant 48 : index
        %swap3A_289 = tpu.vector_load %arg7[%swap3A_287, %swap3A_288] {strides = array<i32>} : memref<160x128xf32, #tpu.memory_space<vmem>>, vector<1x16xf32>,
        %swap3A_290 = vector.shape_cast %swap3A_289 : vector<1x16xf32> to vector<16xf32>
        %swap3A_291 = vector.shape_cast %get3A_284 : vector<16xf32> to vector<1x16xf32>
        tpu.vector_store %arg7[%swap3A_287, %swap3A_288], %swap3A_291 {add = true, strides = array<i32>} : memref<160x128xf32, #tpu.memory_space<vmem>>, vector<1x16xf32>,
        %add3A_292 = arith.constant 80 : i32
        %add3A_293 = arith.addi %add3A_292, %scan3A_241 : i32
        %get3A_294 = arith.index_cast %add3A_293 : i32 to index
        %get3A_295 = arith.constant 64 : index
        %get3A_296 = tpu.vector_load %arg7[%get3A_294, %get3A_295] {strides = array<i32>} : memref<160x128xf32, #tpu.memory_space<vmem>>, vector<1x16xf32>,
        %get3A_297 = vector.shape_cast %get3A_296 : vector<1x16xf32> to vector<16xf32>
        %add3A_298 = arith.constant 0 : i32
        %add3A_299 = arith.addi %add3A_298, %scan3A_241 : i32
        %swap3A_300 = arith.index_cast %add3A_299 : i32 to index
        %swap3A_301 = arith.constant 64 : index
        %swap3A_302 = tpu.vector_load %arg7[%swap3A_300, %swap3A_301] {strides = array<i32>} : memref<160x128xf32, #tpu.memory_space<vmem>>, vector<1x16xf32>,
        %swap3A_303 = vector.shape_cast %swap3A_302 : vector<1x16xf32> to vector<16xf32>
        %swap3A_304 = vector.shape_cast %get3A_297 : vector<16xf32> to vector<1x16xf32>
        tpu.vector_store %arg7[%swap3A_300, %swap3A_301], %swap3A_304 {add = true, strides = array<i32>} : memref<160x128xf32, #tpu.memory_space<vmem>>, vector<1x16xf32>,
        %add3A_305 = arith.constant 80 : i32
        %add3A_306 = arith.addi %add3A_305, %scan3A_241 : i32
        %get3A_307 = arith.index_cast %add3A_306 : i32 to index
        %get3A_308 = arith.constant 80 : index
        %get3A_309 = tpu.vector_load %arg7[%get3A_307, %get3A_308] {strides = array<i32>} : memref<160x128xf32, #tpu.memory_space<vmem>>, vector<1x16xf32>,
        %get3A_310 = vector.shape_cast %get3A_309 : vector<1x16xf32> to vector<16xf32>
        %add3A_311 = arith.constant 0 : i32
        %add3A_312 = arith.addi %add3A_311, %scan3A_241 : i32
        %swap3A_313 = arith.index_cast %add3A_312 : i32 to index
        %swap3A_314 = arith.constant 80 : index
        %swap3A_315 = tpu.vector_load %arg7[%swap3A_313, %swap3A_314] {strides = array<i32>} : memref<160x128xf32, #tpu.memory_space<vmem>>, vector<1x16xf32>,
        %swap3A_316 = vector.shape_cast %swap3A_315 : vector<1x16xf32> to vector<16xf32>
        %swap3A_317 = vector.shape_cast %get3A_310 : vector<16xf32> to vector<1x16xf32>
        tpu.vector_store %arg7[%swap3A_313, %swap3A_314], %swap3A_317 {add = true, strides = array<i32>} : memref<160x128xf32, #tpu.memory_space<vmem>>, vector<1x16xf32>,
        %add3A_318 = arith.constant 80 : i32
        %add3A_319 = arith.addi %add3A_318, %scan3A_241 : i32
        %get3A_320 = arith.index_cast %add3A_319 : i32 to index
        %get3A_321 = arith.constant 96 : index
        %get3A_322 = tpu.vector_load %arg7[%get3A_320, %get3A_321] {strides = array<i32>} : memref<160x128xf32, #tpu.memory_space<vmem>>, vector<1x16xf32>,
        %get3A_323 = vector.shape_cast %get3A_322 : vector<1x16xf32> to vector<16xf32>
        %add3A_324 = arith.constant 0 : i32
        %add3A_325 = arith.addi %add3A_324, %scan3A_241 : i32
        %swap3A_326 = arith.index_cast %add3A_325 : i32 to index
        %swap3A_327 = arith.constant 96 : index
        %swap3A_328 = tpu.vector_load %arg7[%swap3A_326, %swap3A_327] {strides = array<i32>} : memref<160x128xf32, #tpu.memory_space<vmem>>, vector<1x16xf32>,
        %swap3A_329 = vector.shape_cast %swap3A_328 : vector<1x16xf32> to vector<16xf32>
        %swap3A_330 = vector.shape_cast %get3A_323 : vector<16xf32> to vector<1x16xf32>
        tpu.vector_store %arg7[%swap3A_326, %swap3A_327], %swap3A_330 {add = true, strides = array<i32>} : memref<160x128xf32, #tpu.memory_space<vmem>>, vector<1x16xf32>,
        %add3A_331 = arith.constant 80 : i32
        %add3A_332 = arith.addi %add3A_331, %scan3A_241 : i32
        %get3A_333 = arith.index_cast %add3A_332 : i32 to index
        %get3A_334 = arith.constant 112 : index
        %get3A_335 = tpu.vector_load %arg7[%get3A_333, %get3A_334] {strides = array<i32>} : memref<160x128xf32, #tpu.memory_space<vmem>>, vector<1x16xf32>,
        %get3A_336 = vector.shape_cast %get3A_335 : vector<1x16xf32> to vector<16xf32>
        %add3A_337 = arith.constant 0 : i32
        %add3A_338 = arith.addi %add3A_337, %scan3A_241 : i32
        %swap3A_339 = arith.index_cast %add3A_338 : i32 to index
        %swap3A_340 = arith.constant 112 : index
        %swap3A_341 = tpu.vector_load %arg7[%swap3A_339, %swap3A_340] {strides = array<i32>} : memref<160x128xf32, #tpu.memory_space<vmem>>, vector<1x16xf32>,
        %swap3A_342 = vector.shape_cast %swap3A_341 : vector<1x16xf32> to vector<16xf32>
        %swap3A_343 = vector.shape_cast %get3A_336 : vector<16xf32> to vector<1x16xf32>
        tpu.vector_store %arg7[%swap3A_339, %swap3A_340], %swap3A_343 {add = true, strides = array<i32>} : memref<160x128xf32, #tpu.memory_space<vmem>>, vector<1x16xf32>,
        %add3A_344 = arith.constant 120 : i32
        %add3A_345 = arith.addi %add3A_344, %scan3A_241 : i32
        %get3A_346 = arith.index_cast %add3A_345 : i32 to index
        %get3A_347 = arith.constant 0 : index
        %get3A_348 = tpu.vector_load %arg7[%get3A_346, %get3A_347] {strides = array<i32>} : memref<160x128xf32, #tpu.memory_space<vmem>>, vector<1x16xf32>,
        %get3A_349 = vector.shape_cast %get3A_348 : vector<1x16xf32> to vector<16xf32>
        %add3A_350 = arith.constant 40 : i32
        %add3A_351 = arith.addi %add3A_350, %scan3A_241 : i32
        %swap3A_352 = arith.index_cast %add3A_351 : i32 to index
        %swap3A_353 = arith.constant 0 : index
        %swap3A_354 = tpu.vector_load %arg7[%swap3A_352, %swap3A_353] {strides = array<i32>} : memref<160x128xf32, #tpu.memory_space<vmem>>, vector<1x16xf32>,
        %swap3A_355 = vector.shape_cast %swap3A_354 : vector<1x16xf32> to vector<16xf32>
        %swap3A_356 = vector.shape_cast %get3A_349 : vector<16xf32> to vector<1x16xf32>
        tpu.vector_store %arg7[%swap3A_352, %swap3A_353], %swap3A_356 {add = true, strides = array<i32>} : memref<160x128xf32, #tpu.memory_space<vmem>>, vector<1x16xf32>,
        %add3A_357 = arith.constant 120 : i32
        %add3A_358 = arith.addi %add3A_357, %scan3A_241 : i32
        %get3A_359 = arith.index_cast %add3A_358 : i32 to index
        %get3A_360 = arith.constant 16 : index
        %get3A_361 = tpu.vector_load %arg7[%get3A_359, %get3A_360] {strides = array<i32>} : memref<160x128xf32, #tpu.memory_space<vmem>>, vector<1x16xf32>,
        %get3A_362 = vector.shape_cast %get3A_361 : vector<1x16xf32> to vector<16xf32>
        %add3A_363 = arith.constant 40 : i32
        %add3A_364 = arith.addi %add3A_363, %scan3A_241 : i32
        %swap3A_365 = arith.index_cast %add3A_364 : i32 to index
        %swap3A_366 = arith.constant 16 : index
        %swap3A_367 = tpu.vector_load %arg7[%swap3A_365, %swap3A_366] {strides = array<i32>} : memref<160x128xf32, #tpu.memory_space<vmem>>, vector<1x16xf32>,
        %swap3A_368 = vector.shape_cast %swap3A_367 : vector<1x16xf32> to vector<16xf32>
        %swap3A_369 = vector.shape_cast %get3A_362 : vector<16xf32> to vector<1x16xf32>
        tpu.vector_store %arg7[%swap3A_365, %swap3A_366], %swap3A_369 {add = true, strides = array<i32>} : memref<160x128xf32, #tpu.memory_space<vmem>>, vector<1x16xf32>,
        %add3A_370 = arith.constant 120 : i32
        %add3A_371 = arith.addi %add3A_370, %scan3A_241 : i32
        %get3A_372 = arith.index_cast %add3A_371 : i32 to index
        %get3A_373 = arith.constant 32 : index
        %get3A_374 = tpu.vector_load %arg7[%get3A_372, %get3A_373] {strides = array<i32>} : memref<160x128xf32, #tpu.memory_space<vmem>>, vector<1x16xf32>,
        %get3A_375 = vector.shape_cast %get3A_374 : vector<1x16xf32> to vector<16xf32>
        %add3A_376 = arith.constant 40 : i32
        %add3A_377 = arith.addi %add3A_376, %scan3A_241 : i32
        %swap3A_378 = arith.index_cast %add3A_377 : i32 to index
        %swap3A_379 = arith.constant 32 : index
        %swap3A_380 = tpu.vector_load %arg7[%swap3A_378, %swap3A_379] {strides = array<i32>} : memref<160x128xf32, #tpu.memory_space<vmem>>, vector<1x16xf32>,
        %swap3A_381 = vector.shape_cast %swap3A_380 : vector<1x16xf32> to vector<16xf32>
        %swap3A_382 = vector.shape_cast %get3A_375 : vector<16xf32> to vector<1x16xf32>
        tpu.vector_store %arg7[%swap3A_378, %swap3A_379], %swap3A_382 {add = true, strides = array<i32>} : memref<160x128xf32, #tpu.memory_space<vmem>>, vector<1x16xf32>,
        %add3A_383 = arith.constant 120 : i32
        %add3A_384 = arith.addi %add3A_383, %scan3A_241 : i32
        %get3A_385 = arith.index_cast %add3A_384 : i32 to index
        %get3A_386 = arith.constant 48 : index
        %get3A_387 = tpu.vector_load %arg7[%get3A_385, %get3A_386] {strides = array<i32>} : memref<160x128xf32, #tpu.memory_space<vmem>>, vector<1x16xf32>,
        %get3A_388 = vector.shape_cast %get3A_387 : vector<1x16xf32> to vector<16xf32>
        %add3A_389 = arith.constant 40 : i32
        %add3A_390 = arith.addi %add3A_389, %scan3A_241 : i32
        %swap3A_391 = arith.index_cast %add3A_390 : i32 to index
        %swap3A_392 = arith.constant 48 : index
        %swap3A_393 = tpu.vector_load %arg7[%swap3A_391, %swap3A_392] {strides = array<i32>} : memref<160x128xf32, #tpu.memory_space<vmem>>, vector<1x16xf32>,
        %swap3A_394 = vector.shape_cast %swap3A_393 : vector<1x16xf32> to vector<16xf32>
        %swap3A_395 = vector.shape_cast %get3A_388 : vector<16xf32> to vector<1x16xf32>
        tpu.vector_store %arg7[%swap3A_391, %swap3A_392], %swap3A_395 {add = true, strides = array<i32>} : memref<160x128xf32, #tpu.memory_space<vmem>>, vector<1x16xf32>,
        %add3A_396 = arith.constant 120 : i32
        %add3A_397 = arith.addi %add3A_396, %scan3A_241 : i32
        %get3A_398 = arith.index_cast %add3A_397 : i32 to index
        %get3A_399 = arith.constant 64 : index
        %get3A_400 = tpu.vector_load %arg7[%get3A_398, %get3A_399] {strides = array<i32>} : memref<160x128xf32, #tpu.memory_space<vmem>>, vector<1x16xf32>,
        %get3A_401 = vector.shape_cast %get3A_400 : vector<1x16xf32> to vector<16xf32>
        %add3A_402 = arith.constant 40 : i32
        %add3A_403 = arith.addi %add3A_402, %scan3A_241 : i32
        %swap3A_404 = arith.index_cast %add3A_403 : i32 to index
        %swap3A_405 = arith.constant 64 : index
        %swap3A_406 = tpu.vector_load %arg7[%swap3A_404, %swap3A_405] {strides = array<i32>} : memref<160x128xf32, #tpu.memory_space<vmem>>, vector<1x16xf32>,
        %swap3A_407 = vector.shape_cast %swap3A_406 : vector<1x16xf32> to vector<16xf32>
        %swap3A_408 = vector.shape_cast %get3A_401 : vector<16xf32> to vector<1x16xf32>
        tpu.vector_store %arg7[%swap3A_404, %swap3A_405], %swap3A_408 {add = true, strides = array<i32>} : memref<160x128xf32, #tpu.memory_space<vmem>>, vector<1x16xf32>,
        %add3A_409 = arith.constant 120 : i32
        %add3A_410 = arith.addi %add3A_409, %scan3A_241 : i32
        %get3A_411 = arith.index_cast %add3A_410 : i32 to index
        %get3A_412 = arith.constant 80 : index
        %get3A_413 = tpu.vector_load %arg7[%get3A_411, %get3A_412] {strides = array<i32>} : memref<160x128xf32, #tpu.memory_space<vmem>>, vector<1x16xf32>,
        %get3A_414 = vector.shape_cast %get3A_413 : vector<1x16xf32> to vector<16xf32>
        %add3A_415 = arith.constant 40 : i32
        %add3A_416 = arith.addi %add3A_415, %scan3A_241 : i32
        %swap3A_417 = arith.index_cast %add3A_416 : i32 to index
        %swap3A_418 = arith.constant 80 : index
        %swap3A_419 = tpu.vector_load %arg7[%swap3A_417, %swap3A_418] {strides = array<i32>} : memref<160x128xf32, #tpu.memory_space<vmem>>, vector<1x16xf32>,
        %swap3A_420 = vector.shape_cast %swap3A_419 : vector<1x16xf32> to vector<16xf32>
        %swap3A_421 = vector.shape_cast %get3A_414 : vector<16xf32> to vector<1x16xf32>
        tpu.vector_store %arg7[%swap3A_417, %swap3A_418], %swap3A_421 {add = true, strides = array<i32>} : memref<160x128xf32, #tpu.memory_space<vmem>>, vector<1x16xf32>,
        %add3A_422 = arith.constant 120 : i32
        %add3A_423 = arith.addi %add3A_422, %scan3A_241 : i32
        %get3A_424 = arith.index_cast %add3A_423 : i32 to index
        %get3A_425 = arith.constant 96 : index
        %get3A_426 = tpu.vector_load %arg7[%get3A_424, %get3A_425] {strides = array<i32>} : memref<160x128xf32, #tpu.memory_space<vmem>>, vector<1x16xf32>,
        %get3A_427 = vector.shape_cast %get3A_426 : vector<1x16xf32> to vector<16xf32>
        %add3A_428 = arith.constant 40 : i32
        %add3A_429 = arith.addi %add3A_428, %scan3A_241 : i32
        %swap3A_430 = arith.index_cast %add3A_429 : i32 to index
        %swap3A_431 = arith.constant 96 : index
        %swap3A_432 = tpu.vector_load %arg7[%swap3A_430, %swap3A_431] {strides = array<i32>} : memref<160x128xf32, #tpu.memory_space<vmem>>, vector<1x16xf32>,
        %swap3A_433 = vector.shape_cast %swap3A_432 : vector<1x16xf32> to vector<16xf32>
        %swap3A_434 = vector.shape_cast %get3A_427 : vector<16xf32> to vector<1x16xf32>
        tpu.vector_store %arg7[%swap3A_430, %swap3A_431], %swap3A_434 {add = true, strides = array<i32>} : memref<160x128xf32, #tpu.memory_space<vmem>>, vector<1x16xf32>,
        %add3A_435 = arith.constant 120 : i32
        %add3A_436 = arith.addi %add3A_435, %scan3A_241 : i32
        %get3A_437 = arith.index_cast %add3A_436 : i32 to index
        %get3A_438 = arith.constant 112 : index
        %get3A_439 = tpu.vector_load %arg7[%get3A_437, %get3A_438] {strides = array<i32>} : memref<160x128xf32, #tpu.memory_space<vmem>>, vector<1x16xf32>,
        %get3A_440 = vector.shape_cast %get3A_439 : vector<1x16xf32> to vector<16xf32>
        %add3A_441 = arith.constant 40 : i32
        %add3A_442 = arith.addi %add3A_441, %scan3A_241 : i32
        %swap3A_443 = arith.index_cast %add3A_442 : i32 to index
        %swap3A_444 = arith.constant 112 : index
        %swap3A_445 = tpu.vector_load %arg7[%swap3A_443, %swap3A_444] {strides = array<i32>} : memref<160x128xf32, #tpu.memory_space<vmem>>, vector<1x16xf32>,
        %swap3A_446 = vector.shape_cast %swap3A_445 : vector<1x16xf32> to vector<16xf32>
        %swap3A_447 = vector.shape_cast %get3A_440 : vector<16xf32> to vector<1x16xf32>
        tpu.vector_store %arg7[%swap3A_443, %swap3A_444], %swap3A_447 {add = true, strides = array<i32>} : memref<160x128xf32, #tpu.memory_space<vmem>>, vector<1x16xf32>,
      }
      %scan3A_147 = arith.constant 40 : i32
      %mul3A_148 = arith.constant 32 : i32
      %mul3A_149 = arith.muli %mul3A_148, %mul3A_92 : i32
      %add3A_150 = arith.addi %add3A, %mul3A_149 : i32
      %mul3A_151 = arith.constant 80 : i32
      %mul3A_152 = arith.muli %add3A_150, %mul3A_151 : i32
      %dma_start3A_153 = arith.constant 0 : i32
      %dma_start3A_154 = arith.constant 0 : i32
      %dma_start3A_155 = tpu.memref_slice %arg7[%dma_start3A_153, %dma_start3A_154] : memref<160x128xf32, #tpu.memory_space<vmem>> -> memref<80x128xf32, #tpu.memory_space<vmem>>
      %dma_start3A_156 = arith.constant 0 : i32
      %dma_start3A_157 = tpu.memref_slice %arg4[%mul3A_152, %dma_start3A_156] : memref<320000x128xf32, #tpu.memory_space<hbm>> -> memref<80x128xf32, #tpu.memory_space<hbm>>
      %dma_start3A_158 = arith.constant 0 : i32
      %dma_start3A_159 = tpu.memref_slice %arg4[%mul3A_152, %dma_start3A_158] : memref<320000x128xf32, #tpu.memory_space<hbm>> -> memref<80x128xf32, #tpu.memory_space<hbm>>
      %dma_start3A_160 = arith.constant 0 : i32
      %dma_start3A_161 = arith.constant 0 : i32
      %dma_start3A_162 = tpu.memref_slice %arg7[%dma_start3A_160, %dma_start3A_161] : memref<160x128xf32, #tpu.memory_space<vmem>> -> memref<80x128xf32, #tpu.memory_space<vmem>>
      tpu.enqueue_dma source(%dma_start3A_162 : memref<80x128xf32, #tpu.memory_space<vmem>>) target(%dma_start3A_159 : memref<80x128xf32, #tpu.memory_space<hbm>>) target_semaphore(%arg11 : memref<!tpu.dma_semaphore, #tpu.memory_space<semaphore_mem>>)
      %dma_wait3A_163 = arith.constant 0 : i32
      %dma_wait3A_164 = arith.constant 0 : i32
      %dma_wait3A_165 = tpu.memref_slice %arg2[%dma_wait3A_163, %dma_wait3A_164] : memref<80000x128xf32, #tpu.memory_space<hbm>> -> memref<160x128xf32, #tpu.memory_space<hbm>>
      %dma_wait3A_166 = arith.constant 0 : i32
      %dma_wait3A_167 = arith.constant 0 : i32
      %dma_wait3A_168 = tpu.memref_slice %arg2[%dma_wait3A_166, %dma_wait3A_167] : memref<80000x128xf32, #tpu.memory_space<hbm>> -> memref<160x128xf32, #tpu.memory_space<hbm>>
      tpu.wait_dma2 semaphore(%arg10 : memref<!tpu.dma_semaphore, #tpu.memory_space<semaphore_mem>>) src(%dma_wait3A_168 : memref<160x128xf32, #tpu.memory_space<hbm>>) dst(%arg8 : memref<160x128xf32, #tpu.memory_space<vmem>>)
      %scan3A_169 = arith.constant 0 : i32
      %scan3A_170 = arith.constant 0 : i32
      %scan3A_171 = arith.constant 40 : i32
      %scan3A_172 = arith.addi %scan3A_170, %scan3A_171 : i32
      %scan3A_173 = arith.constant 1 : i32
      scf.for %scan3A_241 = %scan3A_170 to %scan3A_172 step %scan3A_173  : i32 {
        %add3A_242 = arith.constant 80 : i32
        %add3A_243 = arith.addi %add3A_242, %scan3A_241 : i32
        %get3A = arith.index_cast %add3A_243 : i32 to index
        %get3A_244 = arith.constant 0 : index
        %get3A_245 = tpu.vector_load %arg8[%get3A, %get3A_244] {strides = array<i32>} : memref<160x128xf32, #tpu.memory_space<vmem>>, vector<1x16xf32>,
        %get3A_246 = vector.shape_cast %get3A_245 : vector<1x16xf32> to vector<16xf32>
        %add3A_247 = arith.constant 0 : i32
        %add3A_248 = arith.addi %add3A_247, %scan3A_241 : i32
        %swap3A = arith.index_cast %add3A_248 : i32 to index
        %swap3A_249 = arith.constant 0 : index
        %swap3A_250 = tpu.vector_load %arg8[%swap3A, %swap3A_249] {strides = array<i32>} : memref<160x128xf32, #tpu.memory_space<vmem>>, vector<1x16xf32>,
        %swap3A_251 = vector.shape_cast %swap3A_250 : vector<1x16xf32> to vector<16xf32>
        %swap3A_252 = vector.shape_cast %get3A_246 : vector<16xf32> to vector<1x16xf32>
        tpu.vector_store %arg8[%swap3A, %swap3A_249], %swap3A_252 {add = true, strides = array<i32>} : memref<160x128xf32, #tpu.memory_space<vmem>>, vector<1x16xf32>,
        %add3A_253 = arith.constant 80 : i32
        %add3A_254 = arith.addi %add3A_253, %scan3A_241 : i32
        %get3A_255 = arith.index_cast %add3A_254 : i32 to index
        %get3A_256 = arith.constant 16 : index
        %get3A_257 = tpu.vector_load %arg8[%get3A_255, %get3A_256] {strides = array<i32>} : memref<160x128xf32, #tpu.memory_space<vmem>>, vector<1x16xf32>,
        %get3A_258 = vector.shape_cast %get3A_257 : vector<1x16xf32> to vector<16xf32>
        %add3A_259 = arith.constant 0 : i32
        %add3A_260 = arith.addi %add3A_259, %scan3A_241 : i32
        %swap3A_261 = arith.index_cast %add3A_260 : i32 to index
        %swap3A_262 = arith.constant 16 : index
        %swap3A_263 = tpu.vector_load %arg8[%swap3A_261, %swap3A_262] {strides = array<i32>} : memref<160x128xf32, #tpu.memory_space<vmem>>, vector<1x16xf32>,
        %swap3A_264 = vector.shape_cast %swap3A_263 : vector<1x16xf32> to vector<16xf32>
        %swap3A_265 = vector.shape_cast %get3A_258 : vector<16xf32> to vector<1x16xf32>
        tpu.vector_store %arg8[%swap3A_261, %swap3A_262], %swap3A_265 {add = true, strides = array<i32>} : memref<160x128xf32, #tpu.memory_space<vmem>>, vector<1x16xf32>,
        %add3A_266 = arith.constant 80 : i32
        %add3A_267 = arith.addi %add3A_266, %scan3A_241 : i32
        %get3A_268 = arith.index_cast %add3A_267 : i32 to index
        %get3A_269 = arith.constant 32 : index
        %get3A_270 = tpu.vector_load %arg8[%get3A_268, %get3A_269] {strides = array<i32>} : memref<160x128xf32, #tpu.memory_space<vmem>>, vector<1x16xf32>,
        %get3A_271 = vector.shape_cast %get3A_270 : vector<1x16xf32> to vector<16xf32>
        %add3A_272 = arith.constant 0 : i32
        %add3A_273 = arith.addi %add3A_272, %scan3A_241 : i32
        %swap3A_274 = arith.index_cast %add3A_273 : i32 to index
        %swap3A_275 = arith.constant 32 : index
        %swap3A_276 = tpu.vector_load %arg8[%swap3A_274, %swap3A_275] {strides = array<i32>} : memref<160x128xf32, #tpu.memory_space<vmem>>, vector<1x16xf32>,
        %swap3A_277 = vector.shape_cast %swap3A_276 : vector<1x16xf32> to vector<16xf32>
        %swap3A_278 = vector.shape_cast %get3A_271 : vector<16xf32> to vector<1x16xf32>
        tpu.vector_store %arg8[%swap3A_274, %swap3A_275], %swap3A_278 {add = true, strides = array<i32>} : memref<160x128xf32, #tpu.memory_space<vmem>>, vector<1x16xf32>,
        %add3A_279 = arith.constant 80 : i32
        %add3A_280 = arith.addi %add3A_279, %scan3A_241 : i32
        %get3A_281 = arith.index_cast %add3A_280 : i32 to index
        %get3A_282 = arith.constant 48 : index
        %get3A_283 = tpu.vector_load %arg8[%get3A_281, %get3A_282] {strides = array<i32>} : memref<160x128xf32, #tpu.memory_space<vmem>>, vector<1x16xf32>,
        %get3A_284 = vector.shape_cast %get3A_283 : vector<1x16xf32> to vector<16xf32>
        %add3A_285 = arith.constant 0 : i32
        %add3A_286 = arith.addi %add3A_285, %scan3A_241 : i32
        %swap3A_287 = arith.index_cast %add3A_286 : i32 to index
        %swap3A_288 = arith.constant 48 : index
        %swap3A_289 = tpu.vector_load %arg8[%swap3A_287, %swap3A_288] {strides = array<i32>} : memref<160x128xf32, #tpu.memory_space<vmem>>, vector<1x16xf32>,
        %swap3A_290 = vector.shape_cast %swap3A_289 : vector<1x16xf32> to vector<16xf32>
        %swap3A_291 = vector.shape_cast %get3A_284 : vector<16xf32> to vector<1x16xf32>
        tpu.vector_store %arg8[%swap3A_287, %swap3A_288], %swap3A_291 {add = true, strides = array<i32>} : memref<160x128xf32, #tpu.memory_space<vmem>>, vector<1x16xf32>,
        %add3A_292 = arith.constant 80 : i32
        %add3A_293 = arith.addi %add3A_292, %scan3A_241 : i32
        %get3A_294 = arith.index_cast %add3A_293 : i32 to index
        %get3A_295 = arith.constant 64 : index
        %get3A_296 = tpu.vector_load %arg8[%get3A_294, %get3A_295] {strides = array<i32>} : memref<160x128xf32, #tpu.memory_space<vmem>>, vector<1x16xf32>,
        %get3A_297 = vector.shape_cast %get3A_296 : vector<1x16xf32> to vector<16xf32>
        %add3A_298 = arith.constant 0 : i32
        %add3A_299 = arith.addi %add3A_298, %scan3A_241 : i32
        %swap3A_300 = arith.index_cast %add3A_299 : i32 to index
        %swap3A_301 = arith.constant 64 : index
        %swap3A_302 = tpu.vector_load %arg8[%swap3A_300, %swap3A_301] {strides = array<i32>} : memref<160x128xf32, #tpu.memory_space<vmem>>, vector<1x16xf32>,
        %swap3A_303 = vector.shape_cast %swap3A_302 : vector<1x16xf32> to vector<16xf32>
        %swap3A_304 = vector.shape_cast %get3A_297 : vector<16xf32> to vector<1x16xf32>
        tpu.vector_store %arg8[%swap3A_300, %swap3A_301], %swap3A_304 {add = true, strides = array<i32>} : memref<160x128xf32, #tpu.memory_space<vmem>>, vector<1x16xf32>,
        %add3A_305 = arith.constant 80 : i32
        %add3A_306 = arith.addi %add3A_305, %scan3A_241 : i32
        %get3A_307 = arith.index_cast %add3A_306 : i32 to index
        %get3A_308 = arith.constant 80 : index
        %get3A_309 = tpu.vector_load %arg8[%get3A_307, %get3A_308] {strides = array<i32>} : memref<160x128xf32, #tpu.memory_space<vmem>>, vector<1x16xf32>,
        %get3A_310 = vector.shape_cast %get3A_309 : vector<1x16xf32> to vector<16xf32>
        %add3A_311 = arith.constant 0 : i32
        %add3A_312 = arith.addi %add3A_311, %scan3A_241 : i32
        %swap3A_313 = arith.index_cast %add3A_312 : i32 to index
        %swap3A_314 = arith.constant 80 : index
        %swap3A_315 = tpu.vector_load %arg8[%swap3A_313, %swap3A_314] {strides = array<i32>} : memref<160x128xf32, #tpu.memory_space<vmem>>, vector<1x16xf32>,
        %swap3A_316 = vector.shape_cast %swap3A_315 : vector<1x16xf32> to vector<16xf32>
        %swap3A_317 = vector.shape_cast %get3A_310 : vector<16xf32> to vector<1x16xf32>
        tpu.vector_store %arg8[%swap3A_313, %swap3A_314], %swap3A_317 {add = true, strides = array<i32>} : memref<160x128xf32, #tpu.memory_space<vmem>>, vector<1x16xf32>,
        %add3A_318 = arith.constant 80 : i32
        %add3A_319 = arith.addi %add3A_318, %scan3A_241 : i32
        %get3A_320 = arith.index_cast %add3A_319 : i32 to index
        %get3A_321 = arith.constant 96 : index
        %get3A_322 = tpu.vector_load %arg8[%get3A_320, %get3A_321] {strides = array<i32>} : memref<160x128xf32, #tpu.memory_space<vmem>>, vector<1x16xf32>,
        %get3A_323 = vector.shape_cast %get3A_322 : vector<1x16xf32> to vector<16xf32>
        %add3A_324 = arith.constant 0 : i32
        %add3A_325 = arith.addi %add3A_324, %scan3A_241 : i32
        %swap3A_326 = arith.index_cast %add3A_325 : i32 to index
        %swap3A_327 = arith.constant 96 : index
        %swap3A_328 = tpu.vector_load %arg8[%swap3A_326, %swap3A_327] {strides = array<i32>} : memref<160x128xf32, #tpu.memory_space<vmem>>, vector<1x16xf32>,
        %swap3A_329 = vector.shape_cast %swap3A_328 : vector<1x16xf32> to vector<16xf32>
        %swap3A_330 = vector.shape_cast %get3A_323 : vector<16xf32> to vector<1x16xf32>
        tpu.vector_store %arg8[%swap3A_326, %swap3A_327], %swap3A_330 {add = true, strides = array<i32>} : memref<160x128xf32, #tpu.memory_space<vmem>>, vector<1x16xf32>,
        %add3A_331 = arith.constant 80 : i32
        %add3A_332 = arith.addi %add3A_331, %scan3A_241 : i32
        %get3A_333 = arith.index_cast %add3A_332 : i32 to index
        %get3A_334 = arith.constant 112 : index
        %get3A_335 = tpu.vector_load %arg8[%get3A_333, %get3A_334] {strides = array<i32>} : memref<160x128xf32, #tpu.memory_space<vmem>>, vector<1x16xf32>,
        %get3A_336 = vector.shape_cast %get3A_335 : vector<1x16xf32> to vector<16xf32>
        %add3A_337 = arith.constant 0 : i32
        %add3A_338 = arith.addi %add3A_337, %scan3A_241 : i32
        %swap3A_339 = arith.index_cast %add3A_338 : i32 to index
        %swap3A_340 = arith.constant 112 : index
        %swap3A_341 = tpu.vector_load %arg8[%swap3A_339, %swap3A_340] {strides = array<i32>} : memref<160x128xf32, #tpu.memory_space<vmem>>, vector<1x16xf32>,
        %swap3A_342 = vector.shape_cast %swap3A_341 : vector<1x16xf32> to vector<16xf32>
        %swap3A_343 = vector.shape_cast %get3A_336 : vector<16xf32> to vector<1x16xf32>
        tpu.vector_store %arg8[%swap3A_339, %swap3A_340], %swap3A_343 {add = true, strides = array<i32>} : memref<160x128xf32, #tpu.memory_space<vmem>>, vector<1x16xf32>,
        %add3A_344 = arith.constant 120 : i32
        %add3A_345 = arith.addi %add3A_344, %scan3A_241 : i32
        %get3A_346 = arith.index_cast %add3A_345 : i32 to index
        %get3A_347 = arith.constant 0 : index
        %get3A_348 = tpu.vector_load %arg8[%get3A_346, %get3A_347] {strides = array<i32>} : memref<160x128xf32, #tpu.memory_space<vmem>>, vector<1x16xf32>,
        %get3A_349 = vector.shape_cast %get3A_348 : vector<1x16xf32> to vector<16xf32>
        %add3A_350 = arith.constant 40 : i32
        %add3A_351 = arith.addi %add3A_350, %scan3A_241 : i32
        %swap3A_352 = arith.index_cast %add3A_351 : i32 to index
        %swap3A_353 = arith.constant 0 : index
        %swap3A_354 = tpu.vector_load %arg8[%swap3A_352, %swap3A_353] {strides = array<i32>} : memref<160x128xf32, #tpu.memory_space<vmem>>, vector<1x16xf32>,
        %swap3A_355 = vector.shape_cast %swap3A_354 : vector<1x16xf32> to vector<16xf32>
        %swap3A_356 = vector.shape_cast %get3A_349 : vector<16xf32> to vector<1x16xf32>
        tpu.vector_store %arg8[%swap3A_352, %swap3A_353], %swap3A_356 {add = true, strides = array<i32>} : memref<160x128xf32, #tpu.memory_space<vmem>>, vector<1x16xf32>,
        %add3A_357 = arith.constant 120 : i32
        %add3A_358 = arith.addi %add3A_357, %scan3A_241 : i32
        %get3A_359 = arith.index_cast %add3A_358 : i32 to index
        %get3A_360 = arith.constant 16 : index
        %get3A_361 = tpu.vector_load %arg8[%get3A_359, %get3A_360] {strides = array<i32>} : memref<160x128xf32, #tpu.memory_space<vmem>>, vector<1x16xf32>,
        %get3A_362 = vector.shape_cast %get3A_361 : vector<1x16xf32> to vector<16xf32>
        %add3A_363 = arith.constant 40 : i32
        %add3A_364 = arith.addi %add3A_363, %scan3A_241 : i32
        %swap3A_365 = arith.index_cast %add3A_364 : i32 to index
        %swap3A_366 = arith.constant 16 : index
        %swap3A_367 = tpu.vector_load %arg8[%swap3A_365, %swap3A_366] {strides = array<i32>} : memref<160x128xf32, #tpu.memory_space<vmem>>, vector<1x16xf32>,
        %swap3A_368 = vector.shape_cast %swap3A_367 : vector<1x16xf32> to vector<16xf32>
        %swap3A_369 = vector.shape_cast %get3A_362 : vector<16xf32> to vector<1x16xf32>
        tpu.vector_store %arg8[%swap3A_365, %swap3A_366], %swap3A_369 {add = true, strides = array<i32>} : memref<160x128xf32, #tpu.memory_space<vmem>>, vector<1x16xf32>,
        %add3A_370 = arith.constant 120 : i32
        %add3A_371 = arith.addi %add3A_370, %scan3A_241 : i32
        %get3A_372 = arith.index_cast %add3A_371 : i32 to index
        %get3A_373 = arith.constant 32 : index
        %get3A_374 = tpu.vector_load %arg8[%get3A_372, %get3A_373] {strides = array<i32>} : memref<160x128xf32, #tpu.memory_space<vmem>>, vector<1x16xf32>,
        %get3A_375 = vector.shape_cast %get3A_374 : vector<1x16xf32> to vector<16xf32>
        %add3A_376 = arith.constant 40 : i32
        %add3A_377 = arith.addi %add3A_376, %scan3A_241 : i32
        %swap3A_378 = arith.index_cast %add3A_377 : i32 to index
        %swap3A_379 = arith.constant 32 : index
        %swap3A_380 = tpu.vector_load %arg8[%swap3A_378, %swap3A_379] {strides = array<i32>} : memref<160x128xf32, #tpu.memory_space<vmem>>, vector<1x16xf32>,
        %swap3A_381 = vector.shape_cast %swap3A_380 : vector<1x16xf32> to vector<16xf32>
        %swap3A_382 = vector.shape_cast %get3A_375 : vector<16xf32> to vector<1x16xf32>
        tpu.vector_store %arg8[%swap3A_378, %swap3A_379], %swap3A_382 {add = true, strides = array<i32>} : memref<160x128xf32, #tpu.memory_space<vmem>>, vector<1x16xf32>,
        %add3A_383 = arith.constant 120 : i32
        %add3A_384 = arith.addi %add3A_383, %scan3A_241 : i32
        %get3A_385 = arith.index_cast %add3A_384 : i32 to index
        %get3A_386 = arith.constant 48 : index
        %get3A_387 = tpu.vector_load %arg8[%get3A_385, %get3A_386] {strides = array<i32>} : memref<160x128xf32, #tpu.memory_space<vmem>>, vector<1x16xf32>,
        %get3A_388 = vector.shape_cast %get3A_387 : vector<1x16xf32> to vector<16xf32>
        %add3A_389 = arith.constant 40 : i32
        %add3A_390 = arith.addi %add3A_389, %scan3A_241 : i32
        %swap3A_391 = arith.index_cast %add3A_390 : i32 to index
        %swap3A_392 = arith.constant 48 : index
        %swap3A_393 = tpu.vector_load %arg8[%swap3A_391, %swap3A_392] {strides = array<i32>} : memref<160x128xf32, #tpu.memory_space<vmem>>, vector<1x16xf32>,
        %swap3A_394 = vector.shape_cast %swap3A_393 : vector<1x16xf32> to vector<16xf32>
        %swap3A_395 = vector.shape_cast %get3A_388 : vector<16xf32> to vector<1x16xf32>
        tpu.vector_store %arg8[%swap3A_391, %swap3A_392], %swap3A_395 {add = true, strides = array<i32>} : memref<160x128xf32, #tpu.memory_space<vmem>>, vector<1x16xf32>,
        %add3A_396 = arith.constant 120 : i32
        %add3A_397 = arith.addi %add3A_396, %scan3A_241 : i32
        %get3A_398 = arith.index_cast %add3A_397 : i32 to index
        %get3A_399 = arith.constant 64 : index
        %get3A_400 = tpu.vector_load %arg8[%get3A_398, %get3A_399] {strides = array<i32>} : memref<160x128xf32, #tpu.memory_space<vmem>>, vector<1x16xf32>,
        %get3A_401 = vector.shape_cast %get3A_400 : vector<1x16xf32> to vector<16xf32>
        %add3A_402 = arith.constant 40 : i32
        %add3A_403 = arith.addi %add3A_402, %scan3A_241 : i32
        %swap3A_404 = arith.index_cast %add3A_403 : i32 to index
        %swap3A_405 = arith.constant 64 : index
        %swap3A_406 = tpu.vector_load %arg8[%swap3A_404, %swap3A_405] {strides = array<i32>} : memref<160x128xf32, #tpu.memory_space<vmem>>, vector<1x16xf32>,
        %swap3A_407 = vector.shape_cast %swap3A_406 : vector<1x16xf32> to vector<16xf32>
        %swap3A_408 = vector.shape_cast %get3A_401 : vector<16xf32> to vector<1x16xf32>
        tpu.vector_store %arg8[%swap3A_404, %swap3A_405], %swap3A_408 {add = true, strides = array<i32>} : memref<160x128xf32, #tpu.memory_space<vmem>>, vector<1x16xf32>,
        %add3A_409 = arith.constant 120 : i32
        %add3A_410 = arith.addi %add3A_409, %scan3A_241 : i32
        %get3A_411 = arith.index_cast %add3A_410 : i32 to index
        %get3A_412 = arith.constant 80 : index
        %get3A_413 = tpu.vector_load %arg8[%get3A_411, %get3A_412] {strides = array<i32>} : memref<160x128xf32, #tpu.memory_space<vmem>>, vector<1x16xf32>,
        %get3A_414 = vector.shape_cast %get3A_413 : vector<1x16xf32> to vector<16xf32>
        %add3A_415 = arith.constant 40 : i32
        %add3A_416 = arith.addi %add3A_415, %scan3A_241 : i32
        %swap3A_417 = arith.index_cast %add3A_416 : i32 to index
        %swap3A_418 = arith.constant 80 : index
        %swap3A_419 = tpu.vector_load %arg8[%swap3A_417, %swap3A_418] {strides = array<i32>} : memref<160x128xf32, #tpu.memory_space<vmem>>, vector<1x16xf32>,
        %swap3A_420 = vector.shape_cast %swap3A_419 : vector<1x16xf32> to vector<16xf32>
        %swap3A_421 = vector.shape_cast %get3A_414 : vector<16xf32> to vector<1x16xf32>
        tpu.vector_store %arg8[%swap3A_417, %swap3A_418], %swap3A_421 {add = true, strides = array<i32>} : memref<160x128xf32, #tpu.memory_space<vmem>>, vector<1x16xf32>,
        %add3A_422 = arith.constant 120 : i32
        %add3A_423 = arith.addi %add3A_422, %scan3A_241 : i32
        %get3A_424 = arith.index_cast %add3A_423 : i32 to index
        %get3A_425 = arith.constant 96 : index
        %get3A_426 = tpu.vector_load %arg8[%get3A_424, %get3A_425] {strides = array<i32>} : memref<160x128xf32, #tpu.memory_space<vmem>>, vector<1x16xf32>,
        %get3A_427 = vector.shape_cast %get3A_426 : vector<1x16xf32> to vector<16xf32>
        %add3A_428 = arith.constant 40 : i32
        %add3A_429 = arith.addi %add3A_428, %scan3A_241 : i32
        %swap3A_430 = arith.index_cast %add3A_429 : i32 to index
        %swap3A_431 = arith.constant 96 : index
        %swap3A_432 = tpu.vector_load %arg8[%swap3A_430, %swap3A_431] {strides = array<i32>} : memref<160x128xf32, #tpu.memory_space<vmem>>, vector<1x16xf32>,
        %swap3A_433 = vector.shape_cast %swap3A_432 : vector<1x16xf32> to vector<16xf32>
        %swap3A_434 = vector.shape_cast %get3A_427 : vector<16xf32> to vector<1x16xf32>
        tpu.vector_store %arg8[%swap3A_430, %swap3A_431], %swap3A_434 {add = true, strides = array<i32>} : memref<160x128xf32, #tpu.memory_space<vmem>>, vector<1x16xf32>,
        %add3A_435 = arith.constant 120 : i32
        %add3A_436 = arith.addi %add3A_435, %scan3A_241 : i32
        %get3A_437 = arith.index_cast %add3A_436 : i32 to index
        %get3A_438 = arith.constant 112 : index
        %get3A_439 = tpu.vector_load %arg8[%get3A_437, %get3A_438] {strides = array<i32>} : memref<160x128xf32, #tpu.memory_space<vmem>>, vector<1x16xf32>,
        %get3A_440 = vector.shape_cast %get3A_439 : vector<1x16xf32> to vector<16xf32>
        %add3A_441 = arith.constant 40 : i32
        %add3A_442 = arith.addi %add3A_441, %scan3A_241 : i32
        %swap3A_443 = arith.index_cast %add3A_442 : i32 to index
        %swap3A_444 = arith.constant 112 : index
        %swap3A_445 = tpu.vector_load %arg8[%swap3A_443, %swap3A_444] {strides = array<i32>} : memref<160x128xf32, #tpu.memory_space<vmem>>, vector<1x16xf32>,
        %swap3A_446 = vector.shape_cast %swap3A_445 : vector<1x16xf32> to vector<16xf32>
        %swap3A_447 = vector.shape_cast %get3A_440 : vector<16xf32> to vector<1x16xf32>
        tpu.vector_store %arg8[%swap3A_443, %swap3A_444], %swap3A_447 {add = true, strides = array<i32>} : memref<160x128xf32, #tpu.memory_space<vmem>>, vector<1x16xf32>,
      }
      %scan3A_174 = arith.constant 40 : i32
      %mul3A_175 = arith.constant 32 : i32
      %mul3A_176 = arith.muli %mul3A_175, %add3A_96 : i32
      %add3A_177 = arith.addi %add3A, %mul3A_176 : i32
      %mul3A_178 = arith.constant 80 : i32
      %mul3A_179 = arith.muli %add3A_177, %mul3A_178 : i32
      %dma_start3A_180 = arith.constant 0 : i32
      %dma_start3A_181 = arith.constant 0 : i32
      %dma_start3A_182 = tpu.memref_slice %arg8[%dma_start3A_180, %dma_start3A_181] : memref<160x128xf32, #tpu.memory_space<vmem>> -> memref<80x128xf32, #tpu.memory_space<vmem>>
      %dma_start3A_183 = arith.constant 0 : i32
      %dma_start3A_184 = tpu.memref_slice %arg4[%mul3A_179, %dma_start3A_183] : memref<320000x128xf32, #tpu.memory_space<hbm>> -> memref<80x128xf32, #tpu.memory_space<hbm>>
      %dma_start3A_185 = arith.constant 0 : i32
      %dma_start3A_186 = tpu.memref_slice %arg4[%mul3A_179, %dma_start3A_185] : memref<320000x128xf32, #tpu.memory_space<hbm>> -> memref<80x128xf32, #tpu.memory_space<hbm>>
      %dma_start3A_187 = arith.constant 0 : i32
      %dma_start3A_188 = arith.constant 0 : i32
      %dma_start3A_189 = tpu.memref_slice %arg8[%dma_start3A_187, %dma_start3A_188] : memref<160x128xf32, #tpu.memory_space<vmem>> -> memref<80x128xf32, #tpu.memory_space<vmem>>
      tpu.enqueue_dma source(%dma_start3A_189 : memref<80x128xf32, #tpu.memory_space<vmem>>) target(%dma_start3A_186 : memref<80x128xf32, #tpu.memory_space<hbm>>) target_semaphore(%arg12 : memref<!tpu.dma_semaphore, #tpu.memory_space<semaphore_mem>>)
      %dma_wait3A_190 = arith.constant 0 : i32
      %dma_wait3A_191 = arith.constant 0 : i32
      %dma_wait3A_192 = tpu.memref_slice %arg7[%dma_wait3A_190, %dma_wait3A_191] : memref<160x128xf32, #tpu.memory_space<vmem>> -> memref<80x128xf32, #tpu.memory_space<vmem>>
      %dma_wait3A_193 = arith.constant 0 : i32
      %dma_wait3A_194 = arith.constant 0 : i32
      %dma_wait3A_195 = tpu.memref_slice %arg4[%dma_wait3A_193, %dma_wait3A_194] : memref<320000x128xf32, #tpu.memory_space<hbm>> -> memref<80x128xf32, #tpu.memory_space<hbm>>
      %dma_wait3A_196 = arith.constant 0 : i32
      %dma_wait3A_197 = arith.constant 0 : i32
      %dma_wait3A_198 = tpu.memref_slice %arg4[%dma_wait3A_196, %dma_wait3A_197] : memref<320000x128xf32, #tpu.memory_space<hbm>> -> memref<80x128xf32, #tpu.memory_space<hbm>>
      %dma_wait3A_199 = arith.constant 0 : i32
      %dma_wait3A_200 = arith.constant 0 : i32
      %dma_wait3A_201 = tpu.memref_slice %arg7[%dma_wait3A_199, %dma_wait3A_200] : memref<160x128xf32, #tpu.memory_space<vmem>> -> memref<80x128xf32, #tpu.memory_space<vmem>>
      tpu.wait_dma2 semaphore(%arg11 : memref<!tpu.dma_semaphore, #tpu.memory_space<semaphore_mem>>) src(%dma_wait3A_201 : memref<80x128xf32, #tpu.memory_space<vmem>>) dst(%dma_wait3A_198 : memref<80x128xf32, #tpu.memory_space<hbm>>)
      %add3A_202 = arith.constant 2 : i32
      %add3A_203 = arith.addi %mul3A_92, %add3A_202 : i32
      %mul3A_204 = arith.constant 32 : i32
      %mul3A_205 = arith.muli %mul3A_204, %add3A_203 : i32
      %add3A_206 = arith.addi %add3A, %mul3A_205 : i32
      %mul3A_207 = arith.constant 160 : i32
      %mul3A_208 = arith.muli %add3A_206, %mul3A_207 : i32
      "tpu.region"() ({
        %run_scoped3A = tpu.sem_alloc : memref<!tpu.dma_semaphore, #tpu.memory_space<semaphore_mem>>
        %dma_start3A_241 = tpu.memref_slice %arg3[%mul3A_208] : memref<640000xi32, #tpu.memory_space<hbm>> -> memref<160xi32, #tpu.memory_space<hbm>>
        %dma_start3A_242 = tpu.memref_slice %arg3[%mul3A_208] : memref<640000xi32, #tpu.memory_space<hbm>> -> memref<160xi32, #tpu.memory_space<hbm>>
        tpu.enqueue_dma source(%dma_start3A_242 : memref<160xi32, #tpu.memory_space<hbm>>) target(%arg5 : memref<160xi32, #tpu.memory_space<vmem>>) target_semaphore(%run_scoped3A : memref<!tpu.dma_semaphore, #tpu.memory_space<semaphore_mem>>)
        %dma_wait3A_243 = tpu.memref_slice %arg3[%mul3A_208] : memref<640000xi32, #tpu.memory_space<hbm>> -> memref<160xi32, #tpu.memory_space<hbm>>
        %dma_wait3A_244 = tpu.memref_slice %arg3[%mul3A_208] : memref<640000xi32, #tpu.memory_space<hbm>> -> memref<160xi32, #tpu.memory_space<hbm>>
        tpu.wait_dma2 semaphore(%run_scoped3A : memref<!tpu.dma_semaphore, #tpu.memory_space<semaphore_mem>>) src(%dma_wait3A_244 : memref<160xi32, #tpu.memory_space<hbm>>) dst(%arg5 : memref<160xi32, #tpu.memory_space<vmem>>)
        tpu.yield
      }) : () -> ()
      %dma_start3A_209 = arith.constant 0 : i32
      %dma_start3A_210 = arith.constant 0 : i32
      %dma_start3A_211 = tpu.memref_slice %arg7[%dma_start3A_209, %dma_start3A_210] : memref<160x128xf32, #tpu.memory_space<vmem>> -> memref<40x128xf32, #tpu.memory_space<vmem>>
      %dma_start3A_212 = arith.constant 0 : i32
      %dma_start3A_213 = tpu.memref_slice %arg5[%dma_start3A_212] : memref<160xi32, #tpu.memory_space<vmem>> -> memref<40xi32, #tpu.memory_space<vmem>>
      %dma_start3A_214 = arith.constant 0 : i32
      %dma_start3A_215 = arith.constant 0 : i32
      %dma_start3A_216 = tpu.memref_slice %arg2[%dma_start3A_214, %dma_start3A_215] : memref<80000x128xf32, #tpu.memory_space<hbm>> -> memref<80000x128xf32, #tpu.memory_space<hbm>>
      tpu.enqueue_indirect_dma source(%dma_start3A_216 : memref<80000x128xf32, #tpu.memory_space<hbm>>) target(%dma_start3A_211 : memref<40x128xf32, #tpu.memory_space<vmem>>) offsets(%dma_start3A_213 : memref<40xi32, #tpu.memory_space<vmem>>) semaphore(%arg9 : memref<!tpu.dma_semaphore, #tpu.memory_space<semaphore_mem>>)
      %dma_start3A_217 = arith.constant 40 : i32
      %dma_start3A_218 = arith.constant 0 : i32
      %dma_start3A_219 = tpu.memref_slice %arg7[%dma_start3A_217, %dma_start3A_218] : memref<160x128xf32, #tpu.memory_space<vmem>> -> memref<40x128xf32, #tpu.memory_space<vmem>>
      %dma_start3A_220 = arith.constant 40 : i32
      %dma_start3A_221 = tpu.memref_slice %arg5[%dma_start3A_220] : memref<160xi32, #tpu.memory_space<vmem>> -> memref<40xi32, #tpu.memory_space<vmem>>
      %dma_start3A_222 = arith.constant 0 : i32
      %dma_start3A_223 = arith.constant 0 : i32
      %dma_start3A_224 = tpu.memref_slice %arg2[%dma_start3A_222, %dma_start3A_223] : memref<80000x128xf32, #tpu.memory_space<hbm>> -> memref<80000x128xf32, #tpu.memory_space<hbm>>
      tpu.enqueue_indirect_dma source(%dma_start3A_224 : memref<80000x128xf32, #tpu.memory_space<hbm>>) target(%dma_start3A_219 : memref<40x128xf32, #tpu.memory_space<vmem>>) offsets(%dma_start3A_221 : memref<40xi32, #tpu.memory_space<vmem>>) semaphore(%arg9 : memref<!tpu.dma_semaphore, #tpu.memory_space<semaphore_mem>>)
      %dma_start3A_225 = arith.constant 80 : i32
      %dma_start3A_226 = arith.constant 0 : i32
      %dma_start3A_227 = tpu.memref_slice %arg7[%dma_start3A_225, %dma_start3A_226] : memref<160x128xf32, #tpu.memory_space<vmem>> -> memref<40x128xf32, #tpu.memory_space<vmem>>
      %dma_start3A_228 = arith.constant 80 : i32
      %dma_start3A_229 = tpu.memref_slice %arg5[%dma_start3A_228] : memref<160xi32, #tpu.memory_space<vmem>> -> memref<40xi32, #tpu.memory_space<vmem>>
      %dma_start3A_230 = arith.constant 0 : i32
      %dma_start3A_231 = arith.constant 0 : i32
      %dma_start3A_232 = tpu.memref_slice %arg2[%dma_start3A_230, %dma_start3A_231] : memref<80000x128xf32, #tpu.memory_space<hbm>> -> memref<80000x128xf32, #tpu.memory_space<hbm>>
      tpu.enqueue_indirect_dma source(%dma_start3A_232 : memref<80000x128xf32, #tpu.memory_space<hbm>>) target(%dma_start3A_227 : memref<40x128xf32, #tpu.memory_space<vmem>>) offsets(%dma_start3A_229 : memref<40xi32, #tpu.memory_space<vmem>>) semaphore(%arg9 : memref<!tpu.dma_semaphore, #tpu.memory_space<semaphore_mem>>)
      %dma_start3A_233 = arith.constant 120 : i32
      %dma_start3A_234 = arith.constant 0 : i32
      %dma_start3A_235 = tpu.memref_slice %arg7[%dma_start3A_233, %dma_start3A_234] : memref<160x128xf32, #tpu.memory_space<vmem>> -> memref<40x128xf32, #tpu.memory_space<vmem>>
      %dma_start3A_236 = arith.constant 120 : i32
      %dma_start3A_237 = tpu.memref_slice %arg5[%dma_start3A_236] : memref<160xi32, #tpu.memory_space<vmem>> -> memref<40xi32, #tpu.memory_space<vmem>>
      %dma_start3A_238 = arith.constant 0 : i32
      %dma_start3A_239 = arith.constant 0 : i32
      %dma_start3A_240 = tpu.memref_slice %arg2[%dma_start3A_238, %dma_start3A_239] : memref<80000x128xf32, #tpu.memory_space<hbm>> -> memref<80000x128xf32, #tpu.memory_space<hbm>>
      tpu.enqueue_indirect_dma source(%dma_start3A_240 : memref<80000x128xf32, #tpu.memory_space<hbm>>) target(%dma_start3A_235 : memref<40x128xf32, #tpu.memory_space<vmem>>) offsets(%dma_start3A_237 : memref<40xi32, #tpu.memory_space<vmem>>) semaphore(%arg9 : memref<!tpu.dma_semaphore, #tpu.memory_space<semaphore_mem>>)
    }
    %scan3A_40 = arith.constant 62 : i32
    %dma_wait3A = arith.constant 0 : i32
    %dma_wait3A_41 = arith.constant 0 : i32
    %dma_wait3A_42 = tpu.memref_slice %arg2[%dma_wait3A, %dma_wait3A_41] : memref<80000x128xf32, #tpu.memory_space<hbm>> -> memref<160x128xf32, #tpu.memory_space<hbm>>
    %dma_wait3A_43 = arith.constant 0 : i32
    %dma_wait3A_44 = arith.constant 0 : i32
    %dma_wait3A_45 = tpu.memref_slice %arg2[%dma_wait3A_43, %dma_wait3A_44] : memref<80000x128xf32, #tpu.memory_space<hbm>> -> memref<160x128xf32, #tpu.memory_space<hbm>>
    tpu.wait_dma2 semaphore(%arg9 : memref<!tpu.dma_semaphore, #tpu.memory_space<semaphore_mem>>) src(%dma_wait3A_45 : memref<160x128xf32, #tpu.memory_space<hbm>>) dst(%arg7 : memref<160x128xf32, #tpu.memory_space<vmem>>)
    %scan3A_46 = arith.constant 0 : i32
    %scan3A_47 = arith.constant 0 : i32
    %scan3A_48 = arith.constant 40 : i32
    %scan3A_49 = arith.addi %scan3A_47, %scan3A_48 : i32
    %scan3A_50 = arith.constant 1 : i32
    scf.for %scan3A_90 = %scan3A_47 to %scan3A_49 step %scan3A_50  : i32 {
      %add3A_91 = arith.constant 80 : i32
      %add3A_92 = arith.addi %add3A_91, %scan3A_90 : i32
      %get3A = arith.index_cast %add3A_92 : i32 to index
      %get3A_93 = arith.constant 0 : index
      %get3A_94 = tpu.vector_load %arg7[%get3A, %get3A_93] {strides = array<i32>} : memref<160x128xf32, #tpu.memory_space<vmem>>, vector<1x16xf32>,
      %get3A_95 = vector.shape_cast %get3A_94 : vector<1x16xf32> to vector<16xf32>
      %add3A_96 = arith.constant 0 : i32
      %add3A_97 = arith.addi %add3A_96, %scan3A_90 : i32
      %swap3A = arith.index_cast %add3A_97 : i32 to index
      %swap3A_98 = arith.constant 0 : index
      %swap3A_99 = tpu.vector_load %arg7[%swap3A, %swap3A_98] {strides = array<i32>} : memref<160x128xf32, #tpu.memory_space<vmem>>, vector<1x16xf32>,
      %swap3A_100 = vector.shape_cast %swap3A_99 : vector<1x16xf32> to vector<16xf32>
      %swap3A_101 = vector.shape_cast %get3A_95 : vector<16xf32> to vector<1x16xf32>
      tpu.vector_store %arg7[%swap3A, %swap3A_98], %swap3A_101 {add = true, strides = array<i32>} : memref<160x128xf32, #tpu.memory_space<vmem>>, vector<1x16xf32>,
      %add3A_102 = arith.constant 80 : i32
      %add3A_103 = arith.addi %add3A_102, %scan3A_90 : i32
      %get3A_104 = arith.index_cast %add3A_103 : i32 to index
      %get3A_105 = arith.constant 16 : index
      %get3A_106 = tpu.vector_load %arg7[%get3A_104, %get3A_105] {strides = array<i32>} : memref<160x128xf32, #tpu.memory_space<vmem>>, vector<1x16xf32>,
      %get3A_107 = vector.shape_cast %get3A_106 : vector<1x16xf32> to vector<16xf32>
      %add3A_108 = arith.constant 0 : i32
      %add3A_109 = arith.addi %add3A_108, %scan3A_90 : i32
      %swap3A_110 = arith.index_cast %add3A_109 : i32 to index
      %swap3A_111 = arith.constant 16 : index
      %swap3A_112 = tpu.vector_load %arg7[%swap3A_110, %swap3A_111] {strides = array<i32>} : memref<160x128xf32, #tpu.memory_space<vmem>>, vector<1x16xf32>,
      %swap3A_113 = vector.shape_cast %swap3A_112 : vector<1x16xf32> to vector<16xf32>
      %swap3A_114 = vector.shape_cast %get3A_107 : vector<16xf32> to vector<1x16xf32>
      tpu.vector_store %arg7[%swap3A_110, %swap3A_111], %swap3A_114 {add = true, strides = array<i32>} : memref<160x128xf32, #tpu.memory_space<vmem>>, vector<1x16xf32>,
      %add3A_115 = arith.constant 80 : i32
      %add3A_116 = arith.addi %add3A_115, %scan3A_90 : i32
      %get3A_117 = arith.index_cast %add3A_116 : i32 to index
      %get3A_118 = arith.constant 32 : index
      %get3A_119 = tpu.vector_load %arg7[%get3A_117, %get3A_118] {strides = array<i32>} : memref<160x128xf32, #tpu.memory_space<vmem>>, vector<1x16xf32>,
      %get3A_120 = vector.shape_cast %get3A_119 : vector<1x16xf32> to vector<16xf32>
      %add3A_121 = arith.constant 0 : i32
      %add3A_122 = arith.addi %add3A_121, %scan3A_90 : i32
      %swap3A_123 = arith.index_cast %add3A_122 : i32 to index
      %swap3A_124 = arith.constant 32 : index
      %swap3A_125 = tpu.vector_load %arg7[%swap3A_123, %swap3A_124] {strides = array<i32>} : memref<160x128xf32, #tpu.memory_space<vmem>>, vector<1x16xf32>,
      %swap3A_126 = vector.shape_cast %swap3A_125 : vector<1x16xf32> to vector<16xf32>
      %swap3A_127 = vector.shape_cast %get3A_120 : vector<16xf32> to vector<1x16xf32>
      tpu.vector_store %arg7[%swap3A_123, %swap3A_124], %swap3A_127 {add = true, strides = array<i32>} : memref<160x128xf32, #tpu.memory_space<vmem>>, vector<1x16xf32>,
      %add3A_128 = arith.constant 80 : i32
      %add3A_129 = arith.addi %add3A_128, %scan3A_90 : i32
      %get3A_130 = arith.index_cast %add3A_129 : i32 to index
      %get3A_131 = arith.constant 48 : index
      %get3A_132 = tpu.vector_load %arg7[%get3A_130, %get3A_131] {strides = array<i32>} : memref<160x128xf32, #tpu.memory_space<vmem>>, vector<1x16xf32>,
      %get3A_133 = vector.shape_cast %get3A_132 : vector<1x16xf32> to vector<16xf32>
      %add3A_134 = arith.constant 0 : i32
      %add3A_135 = arith.addi %add3A_134, %scan3A_90 : i32
      %swap3A_136 = arith.index_cast %add3A_135 : i32 to index
      %swap3A_137 = arith.constant 48 : index
      %swap3A_138 = tpu.vector_load %arg7[%swap3A_136, %swap3A_137] {strides = array<i32>} : memref<160x128xf32, #tpu.memory_space<vmem>>, vector<1x16xf32>,
      %swap3A_139 = vector.shape_cast %swap3A_138 : vector<1x16xf32> to vector<16xf32>
      %swap3A_140 = vector.shape_cast %get3A_133 : vector<16xf32> to vector<1x16xf32>
      tpu.vector_store %arg7[%swap3A_136, %swap3A_137], %swap3A_140 {add = true, strides = array<i32>} : memref<160x128xf32, #tpu.memory_space<vmem>>, vector<1x16xf32>,
      %add3A_141 = arith.constant 80 : i32
      %add3A_142 = arith.addi %add3A_141, %scan3A_90 : i32
      %get3A_143 = arith.index_cast %add3A_142 : i32 to index
      %get3A_144 = arith.constant 64 : index
      %get3A_145 = tpu.vector_load %arg7[%get3A_143, %get3A_144] {strides = array<i32>} : memref<160x128xf32, #tpu.memory_space<vmem>>, vector<1x16xf32>,
      %get3A_146 = vector.shape_cast %get3A_145 : vector<1x16xf32> to vector<16xf32>
      %add3A_147 = arith.constant 0 : i32
      %add3A_148 = arith.addi %add3A_147, %scan3A_90 : i32
      %swap3A_149 = arith.index_cast %add3A_148 : i32 to index
      %swap3A_150 = arith.constant 64 : index
      %swap3A_151 = tpu.vector_load %arg7[%swap3A_149, %swap3A_150] {strides = array<i32>} : memref<160x128xf32, #tpu.memory_space<vmem>>, vector<1x16xf32>,
      %swap3A_152 = vector.shape_cast %swap3A_151 : vector<1x16xf32> to vector<16xf32>
      %swap3A_153 = vector.shape_cast %get3A_146 : vector<16xf32> to vector<1x16xf32>
      tpu.vector_store %arg7[%swap3A_149, %swap3A_150], %swap3A_153 {add = true, strides = array<i32>} : memref<160x128xf32, #tpu.memory_space<vmem>>, vector<1x16xf32>,
      %add3A_154 = arith.constant 80 : i32
      %add3A_155 = arith.addi %add3A_154, %scan3A_90 : i32
      %get3A_156 = arith.index_cast %add3A_155 : i32 to index
      %get3A_157 = arith.constant 80 : index
      %get3A_158 = tpu.vector_load %arg7[%get3A_156, %get3A_157] {strides = array<i32>} : memref<160x128xf32, #tpu.memory_space<vmem>>, vector<1x16xf32>,
      %get3A_159 = vector.shape_cast %get3A_158 : vector<1x16xf32> to vector<16xf32>
      %add3A_160 = arith.constant 0 : i32
      %add3A_161 = arith.addi %add3A_160, %scan3A_90 : i32
      %swap3A_162 = arith.index_cast %add3A_161 : i32 to index
      %swap3A_163 = arith.constant 80 : index
      %swap3A_164 = tpu.vector_load %arg7[%swap3A_162, %swap3A_163] {strides = array<i32>} : memref<160x128xf32, #tpu.memory_space<vmem>>, vector<1x16xf32>,
      %swap3A_165 = vector.shape_cast %swap3A_164 : vector<1x16xf32> to vector<16xf32>
      %swap3A_166 = vector.shape_cast %get3A_159 : vector<16xf32> to vector<1x16xf32>
      tpu.vector_store %arg7[%swap3A_162, %swap3A_163], %swap3A_166 {add = true, strides = array<i32>} : memref<160x128xf32, #tpu.memory_space<vmem>>, vector<1x16xf32>,
      %add3A_167 = arith.constant 80 : i32
      %add3A_168 = arith.addi %add3A_167, %scan3A_90 : i32
      %get3A_169 = arith.index_cast %add3A_168 : i32 to index
      %get3A_170 = arith.constant 96 : index
      %get3A_171 = tpu.vector_load %arg7[%get3A_169, %get3A_170] {strides = array<i32>} : memref<160x128xf32, #tpu.memory_space<vmem>>, vector<1x16xf32>,
      %get3A_172 = vector.shape_cast %get3A_171 : vector<1x16xf32> to vector<16xf32>
      %add3A_173 = arith.constant 0 : i32
      %add3A_174 = arith.addi %add3A_173, %scan3A_90 : i32
      %swap3A_175 = arith.index_cast %add3A_174 : i32 to index
      %swap3A_176 = arith.constant 96 : index
      %swap3A_177 = tpu.vector_load %arg7[%swap3A_175, %swap3A_176] {strides = array<i32>} : memref<160x128xf32, #tpu.memory_space<vmem>>, vector<1x16xf32>,
      %swap3A_178 = vector.shape_cast %swap3A_177 : vector<1x16xf32> to vector<16xf32>
      %swap3A_179 = vector.shape_cast %get3A_172 : vector<16xf32> to vector<1x16xf32>
      tpu.vector_store %arg7[%swap3A_175, %swap3A_176], %swap3A_179 {add = true, strides = array<i32>} : memref<160x128xf32, #tpu.memory_space<vmem>>, vector<1x16xf32>,
      %add3A_180 = arith.constant 80 : i32
      %add3A_181 = arith.addi %add3A_180, %scan3A_90 : i32
      %get3A_182 = arith.index_cast %add3A_181 : i32 to index
      %get3A_183 = arith.constant 112 : index
      %get3A_184 = tpu.vector_load %arg7[%get3A_182, %get3A_183] {strides = array<i32>} : memref<160x128xf32, #tpu.memory_space<vmem>>, vector<1x16xf32>,
      %get3A_185 = vector.shape_cast %get3A_184 : vector<1x16xf32> to vector<16xf32>
      %add3A_186 = arith.constant 0 : i32
      %add3A_187 = arith.addi %add3A_186, %scan3A_90 : i32
      %swap3A_188 = arith.index_cast %add3A_187 : i32 to index
      %swap3A_189 = arith.constant 112 : index
      %swap3A_190 = tpu.vector_load %arg7[%swap3A_188, %swap3A_189] {strides = array<i32>} : memref<160x128xf32, #tpu.memory_space<vmem>>, vector<1x16xf32>,
      %swap3A_191 = vector.shape_cast %swap3A_190 : vector<1x16xf32> to vector<16xf32>
      %swap3A_192 = vector.shape_cast %get3A_185 : vector<16xf32> to vector<1x16xf32>
      tpu.vector_store %arg7[%swap3A_188, %swap3A_189], %swap3A_192 {add = true, strides = array<i32>} : memref<160x128xf32, #tpu.memory_space<vmem>>, vector<1x16xf32>,
      %add3A_193 = arith.constant 120 : i32
      %add3A_194 = arith.addi %add3A_193, %scan3A_90 : i32
      %get3A_195 = arith.index_cast %add3A_194 : i32 to index
      %get3A_196 = arith.constant 0 : index
      %get3A_197 = tpu.vector_load %arg7[%get3A_195, %get3A_196] {strides = array<i32>} : memref<160x128xf32, #tpu.memory_space<vmem>>, vector<1x16xf32>,
      %get3A_198 = vector.shape_cast %get3A_197 : vector<1x16xf32> to vector<16xf32>
      %add3A_199 = arith.constant 40 : i32
      %add3A_200 = arith.addi %add3A_199, %scan3A_90 : i32
      %swap3A_201 = arith.index_cast %add3A_200 : i32 to index
      %swap3A_202 = arith.constant 0 : index
      %swap3A_203 = tpu.vector_load %arg7[%swap3A_201, %swap3A_202] {strides = array<i32>} : memref<160x128xf32, #tpu.memory_space<vmem>>, vector<1x16xf32>,
      %swap3A_204 = vector.shape_cast %swap3A_203 : vector<1x16xf32> to vector<16xf32>
      %swap3A_205 = vector.shape_cast %get3A_198 : vector<16xf32> to vector<1x16xf32>
      tpu.vector_store %arg7[%swap3A_201, %swap3A_202], %swap3A_205 {add = true, strides = array<i32>} : memref<160x128xf32, #tpu.memory_space<vmem>>, vector<1x16xf32>,
      %add3A_206 = arith.constant 120 : i32
      %add3A_207 = arith.addi %add3A_206, %scan3A_90 : i32
      %get3A_208 = arith.index_cast %add3A_207 : i32 to index
      %get3A_209 = arith.constant 16 : index
      %get3A_210 = tpu.vector_load %arg7[%get3A_208, %get3A_209] {strides = array<i32>} : memref<160x128xf32, #tpu.memory_space<vmem>>, vector<1x16xf32>,
      %get3A_211 = vector.shape_cast %get3A_210 : vector<1x16xf32> to vector<16xf32>
      %add3A_212 = arith.constant 40 : i32
      %add3A_213 = arith.addi %add3A_212, %scan3A_90 : i32
      %swap3A_214 = arith.index_cast %add3A_213 : i32 to index
      %swap3A_215 = arith.constant 16 : index
      %swap3A_216 = tpu.vector_load %arg7[%swap3A_214, %swap3A_215] {strides = array<i32>} : memref<160x128xf32, #tpu.memory_space<vmem>>, vector<1x16xf32>,
      %swap3A_217 = vector.shape_cast %swap3A_216 : vector<1x16xf32> to vector<16xf32>
      %swap3A_218 = vector.shape_cast %get3A_211 : vector<16xf32> to vector<1x16xf32>
      tpu.vector_store %arg7[%swap3A_214, %swap3A_215], %swap3A_218 {add = true, strides = array<i32>} : memref<160x128xf32, #tpu.memory_space<vmem>>, vector<1x16xf32>,
      %add3A_219 = arith.constant 120 : i32
      %add3A_220 = arith.addi %add3A_219, %scan3A_90 : i32
      %get3A_221 = arith.index_cast %add3A_220 : i32 to index
      %get3A_222 = arith.constant 32 : index
      %get3A_223 = tpu.vector_load %arg7[%get3A_221, %get3A_222] {strides = array<i32>} : memref<160x128xf32, #tpu.memory_space<vmem>>, vector<1x16xf32>,
      %get3A_224 = vector.shape_cast %get3A_223 : vector<1x16xf32> to vector<16xf32>
      %add3A_225 = arith.constant 40 : i32
      %add3A_226 = arith.addi %add3A_225, %scan3A_90 : i32
      %swap3A_227 = arith.index_cast %add3A_226 : i32 to index
      %swap3A_228 = arith.constant 32 : index
      %swap3A_229 = tpu.vector_load %arg7[%swap3A_227, %swap3A_228] {strides = array<i32>} : memref<160x128xf32, #tpu.memory_space<vmem>>, vector<1x16xf32>,
      %swap3A_230 = vector.shape_cast %swap3A_229 : vector<1x16xf32> to vector<16xf32>
      %swap3A_231 = vector.shape_cast %get3A_224 : vector<16xf32> to vector<1x16xf32>
      tpu.vector_store %arg7[%swap3A_227, %swap3A_228], %swap3A_231 {add = true, strides = array<i32>} : memref<160x128xf32, #tpu.memory_space<vmem>>, vector<1x16xf32>,
      %add3A_232 = arith.constant 120 : i32
      %add3A_233 = arith.addi %add3A_232, %scan3A_90 : i32
      %get3A_234 = arith.index_cast %add3A_233 : i32 to index
      %get3A_235 = arith.constant 48 : index
      %get3A_236 = tpu.vector_load %arg7[%get3A_234, %get3A_235] {strides = array<i32>} : memref<160x128xf32, #tpu.memory_space<vmem>>, vector<1x16xf32>,
      %get3A_237 = vector.shape_cast %get3A_236 : vector<1x16xf32> to vector<16xf32>
      %add3A_238 = arith.constant 40 : i32
      %add3A_239 = arith.addi %add3A_238, %scan3A_90 : i32
      %swap3A_240 = arith.index_cast %add3A_239 : i32 to index
      %swap3A_241 = arith.constant 48 : index
      %swap3A_242 = tpu.vector_load %arg7[%swap3A_240, %swap3A_241] {strides = array<i32>} : memref<160x128xf32, #tpu.memory_space<vmem>>, vector<1x16xf32>,
      %swap3A_243 = vector.shape_cast %swap3A_242 : vector<1x16xf32> to vector<16xf32>
      %swap3A_244 = vector.shape_cast %get3A_237 : vector<16xf32> to vector<1x16xf32>
      tpu.vector_store %arg7[%swap3A_240, %swap3A_241], %swap3A_244 {add = true, strides = array<i32>} : memref<160x128xf32, #tpu.memory_space<vmem>>, vector<1x16xf32>,
      %add3A_245 = arith.constant 120 : i32
      %add3A_246 = arith.addi %add3A_245, %scan3A_90 : i32
      %get3A_247 = arith.index_cast %add3A_246 : i32 to index
      %get3A_248 = arith.constant 64 : index
      %get3A_249 = tpu.vector_load %arg7[%get3A_247, %get3A_248] {strides = array<i32>} : memref<160x128xf32, #tpu.memory_space<vmem>>, vector<1x16xf32>,
      %get3A_250 = vector.shape_cast %get3A_249 : vector<1x16xf32> to vector<16xf32>
      %add3A_251 = arith.constant 40 : i32
      %add3A_252 = arith.addi %add3A_251, %scan3A_90 : i32
      %swap3A_253 = arith.index_cast %add3A_252 : i32 to index
      %swap3A_254 = arith.constant 64 : index
      %swap3A_255 = tpu.vector_load %arg7[%swap3A_253, %swap3A_254] {strides = array<i32>} : memref<160x128xf32, #tpu.memory_space<vmem>>, vector<1x16xf32>,
      %swap3A_256 = vector.shape_cast %swap3A_255 : vector<1x16xf32> to vector<16xf32>
      %swap3A_257 = vector.shape_cast %get3A_250 : vector<16xf32> to vector<1x16xf32>
      tpu.vector_store %arg7[%swap3A_253, %swap3A_254], %swap3A_257 {add = true, strides = array<i32>} : memref<160x128xf32, #tpu.memory_space<vmem>>, vector<1x16xf32>,
      %add3A_258 = arith.constant 120 : i32
      %add3A_259 = arith.addi %add3A_258, %scan3A_90 : i32
      %get3A_260 = arith.index_cast %add3A_259 : i32 to index
      %get3A_261 = arith.constant 80 : index
      %get3A_262 = tpu.vector_load %arg7[%get3A_260, %get3A_261] {strides = array<i32>} : memref<160x128xf32, #tpu.memory_space<vmem>>, vector<1x16xf32>,
      %get3A_263 = vector.shape_cast %get3A_262 : vector<1x16xf32> to vector<16xf32>
      %add3A_264 = arith.constant 40 : i32
      %add3A_265 = arith.addi %add3A_264, %scan3A_90 : i32
      %swap3A_266 = arith.index_cast %add3A_265 : i32 to index
      %swap3A_267 = arith.constant 80 : index
      %swap3A_268 = tpu.vector_load %arg7[%swap3A_266, %swap3A_267] {strides = array<i32>} : memref<160x128xf32, #tpu.memory_space<vmem>>, vector<1x16xf32>,
      %swap3A_269 = vector.shape_cast %swap3A_268 : vector<1x16xf32> to vector<16xf32>
      %swap3A_270 = vector.shape_cast %get3A_263 : vector<16xf32> to vector<1x16xf32>
      tpu.vector_store %arg7[%swap3A_266, %swap3A_267], %swap3A_270 {add = true, strides = array<i32>} : memref<160x128xf32, #tpu.memory_space<vmem>>, vector<1x16xf32>,
      %add3A_271 = arith.constant 120 : i32
      %add3A_272 = arith.addi %add3A_271, %scan3A_90 : i32
      %get3A_273 = arith.index_cast %add3A_272 : i32 to index
      %get3A_274 = arith.constant 96 : index
      %get3A_275 = tpu.vector_load %arg7[%get3A_273, %get3A_274] {strides = array<i32>} : memref<160x128xf32, #tpu.memory_space<vmem>>, vector<1x16xf32>,
      %get3A_276 = vector.shape_cast %get3A_275 : vector<1x16xf32> to vector<16xf32>
      %add3A_277 = arith.constant 40 : i32
      %add3A_278 = arith.addi %add3A_277, %scan3A_90 : i32
      %swap3A_279 = arith.index_cast %add3A_278 : i32 to index
      %swap3A_280 = arith.constant 96 : index
      %swap3A_281 = tpu.vector_load %arg7[%swap3A_279, %swap3A_280] {strides = array<i32>} : memref<160x128xf32, #tpu.memory_space<vmem>>, vector<1x16xf32>,
      %swap3A_282 = vector.shape_cast %swap3A_281 : vector<1x16xf32> to vector<16xf32>
      %swap3A_283 = vector.shape_cast %get3A_276 : vector<16xf32> to vector<1x16xf32>
      tpu.vector_store %arg7[%swap3A_279, %swap3A_280], %swap3A_283 {add = true, strides = array<i32>} : memref<160x128xf32, #tpu.memory_space<vmem>>, vector<1x16xf32>,
      %add3A_284 = arith.constant 120 : i32
      %add3A_285 = arith.addi %add3A_284, %scan3A_90 : i32
      %get3A_286 = arith.index_cast %add3A_285 : i32 to index
      %get3A_287 = arith.constant 112 : index
      %get3A_288 = tpu.vector_load %arg7[%get3A_286, %get3A_287] {strides = array<i32>} : memref<160x128xf32, #tpu.memory_space<vmem>>, vector<1x16xf32>,
      %get3A_289 = vector.shape_cast %get3A_288 : vector<1x16xf32> to vector<16xf32>
      %add3A_290 = arith.constant 40 : i32
      %add3A_291 = arith.addi %add3A_290, %scan3A_90 : i32
      %swap3A_292 = arith.index_cast %add3A_291 : i32 to index
      %swap3A_293 = arith.constant 112 : index
      %swap3A_294 = tpu.vector_load %arg7[%swap3A_292, %swap3A_293] {strides = array<i32>} : memref<160x128xf32, #tpu.memory_space<vmem>>, vector<1x16xf32>,
      %swap3A_295 = vector.shape_cast %swap3A_294 : vector<1x16xf32> to vector<16xf32>
      %swap3A_296 = vector.shape_cast %get3A_289 : vector<16xf32> to vector<1x16xf32>
      tpu.vector_store %arg7[%swap3A_292, %swap3A_293], %swap3A_296 {add = true, strides = array<i32>} : memref<160x128xf32, #tpu.memory_space<vmem>>, vector<1x16xf32>,
    }
    %scan3A_51 = arith.constant 40 : i32
    %add3A_52 = arith.constant 3968 : i32
    %add3A_53 = arith.addi %add3A, %add3A_52 : i32
    %mul3A_54 = arith.constant 80 : i32
    %mul3A_55 = arith.muli %add3A_53, %mul3A_54 : i32
    %dma_start3A_56 = arith.constant 0 : i32
    %dma_start3A_57 = arith.constant 0 : i32
    %dma_start3A_58 = tpu.memref_slice %arg7[%dma_start3A_56, %dma_start3A_57] : memref<160x128xf32, #tpu.memory_space<vmem>> -> memref<80x128xf32, #tpu.memory_space<vmem>>
    %dma_start3A_59 = arith.constant 0 : i32
    %dma_start3A_60 = tpu.memref_slice %arg4[%mul3A_55, %dma_start3A_59] : memref<320000x128xf32, #tpu.memory_space<hbm>> -> memref<80x128xf32, #tpu.memory_space<hbm>>
    %dma_start3A_61 = arith.constant 0 : i32
    %dma_start3A_62 = tpu.memref_slice %arg4[%mul3A_55, %dma_start3A_61] : memref<320000x128xf32, #tpu.memory_space<hbm>> -> memref<80x128xf32, #tpu.memory_space<hbm>>
    %dma_start3A_63 = arith.constant 0 : i32
    %dma_start3A_64 = arith.constant 0 : i32
    %dma_start3A_65 = tpu.memref_slice %arg7[%dma_start3A_63, %dma_start3A_64] : memref<160x128xf32, #tpu.memory_space<vmem>> -> memref<80x128xf32, #tpu.memory_space<vmem>>
    tpu.enqueue_dma source(%dma_start3A_65 : memref<80x128xf32, #tpu.memory_space<vmem>>) target(%dma_start3A_62 : memref<80x128xf32, #tpu.memory_space<hbm>>) target_semaphore(%arg11 : memref<!tpu.dma_semaphore, #tpu.memory_space<semaphore_mem>>)
    %dma_wait3A_66 = arith.constant 0 : i32
    %dma_wait3A_67 = arith.constant 0 : i32
    %dma_wait3A_68 = tpu.memref_slice %arg8[%dma_wait3A_66, %dma_wait3A_67] : memref<160x128xf32, #tpu.memory_space<vmem>> -> memref<80x128xf32, #tpu.memory_space<vmem>>
    %dma_wait3A_69 = arith.constant 0 : i32
    %dma_wait3A_70 = arith.constant 0 : i32
    %dma_wait3A_71 = tpu.memref_slice %arg4[%dma_wait3A_69, %dma_wait3A_70] : memref<320000x128xf32, #tpu.memory_space<hbm>> -> memref<80x128xf32, #tpu.memory_space<hbm>>
    %dma_wait3A_72 = arith.constant 0 : i32
    %dma_wait3A_73 = arith.constant 0 : i32
    %dma_wait3A_74 = tpu.memref_slice %arg4[%dma_wait3A_72, %dma_wait3A_73] : memref<320000x128xf32, #tpu.memory_space<hbm>> -> memref<80x128xf32, #tpu.memory_space<hbm>>
    %dma_wait3A_75 = arith.constant 0 : i32
    %dma_wait3A_76 = arith.constant 0 : i32
    %dma_wait3A_77 = tpu.memref_slice %arg8[%dma_wait3A_75, %dma_wait3A_76] : memref<160x128xf32, #tpu.memory_space<vmem>> -> memref<80x128xf32, #tpu.memory_space<vmem>>
    tpu.wait_dma2 semaphore(%arg12 : memref<!tpu.dma_semaphore, #tpu.memory_space<semaphore_mem>>) src(%dma_wait3A_77 : memref<80x128xf32, #tpu.memory_space<vmem>>) dst(%dma_wait3A_74 : memref<80x128xf32, #tpu.memory_space<hbm>>)
    %dma_wait3A_78 = arith.constant 0 : i32
    %dma_wait3A_79 = arith.constant 0 : i32
    %dma_wait3A_80 = tpu.memref_slice %arg7[%dma_wait3A_78, %dma_wait3A_79] : memref<160x128xf32, #tpu.memory_space<vmem>> -> memref<80x128xf32, #tpu.memory_space<vmem>>
    %dma_wait3A_81 = arith.constant 0 : i32
    %dma_wait3A_82 = arith.constant 0 : i32
    %dma_wait3A_83 = tpu.memref_slice %arg4[%dma_wait3A_81, %dma_wait3A_82] : memref<320000x128xf32, #tpu.memory_space<hbm>> -> memref<80x128xf32, #tpu.memory_space<hbm>>
    %dma_wait3A_84 = arith.constant 0 : i32
    %dma_wait3A_85 = arith.constant 0 : i32
    %dma_wait3A_86 = tpu.memref_slice %arg4[%dma_wait3A_84, %dma_wait3A_85] : memref<320000x128xf32, #tpu.memory_space<hbm>> -> memref<80x128xf32, #tpu.memory_space<hbm>>
    %dma_wait3A_87 = arith.constant 0 : i32
    %dma_wait3A_88 = arith.constant 0 : i32
    %dma_wait3A_89 = tpu.memref_slice %arg7[%dma_wait3A_87, %dma_wait3A_88] : memref<160x128xf32, #tpu.memory_space<vmem>> -> memref<80x128xf32, #tpu.memory_space<vmem>>
    tpu.wait_dma2 semaphore(%arg11 : memref<!tpu.dma_semaphore, #tpu.memory_space<semaphore_mem>>) src(%dma_wait3A_89 : memref<80x128xf32, #tpu.memory_space<vmem>>) dst(%dma_wait3A_86 : memref<80x128xf32, #tpu.memory_space<hbm>>)
    return
  }
}

#map = affine_map<(d0, d1) -> (0, 0)>
#map1 = affine_map<(d0, d1) -> (0)>
module attributes {stable_mosaic.version = 14 : i64} {
  func.func @_scatter_body(%arg0: i32, %arg1: i32, %arg2: memref<320000x128xf32, #tpu.memory_space<hbm>>, %arg3: memref<160000xi32, #tpu.memory_space<hbm>>, %arg4: memref<20000x128xf32, #tpu.memory_space<hbm>>, %arg5: memref<20000x128xf32, #tpu.memory_space<hbm>>, %arg6: memref<10000x128xf32, #tpu.memory_space<vmem_shared>>, %arg7: memref<128x128xf32, #tpu.memory_space<vmem>>, %arg8: memref<128x128xf32, #tpu.memory_space<vmem>>, %arg9: memref<128xi32, #tpu.memory_space<vmem>>, %arg10: memref<128xi32, #tpu.memory_space<vmem>>, %arg11: memref<!tpu.dma_semaphore, #tpu.memory_space<semaphore_mem>>, %arg12: memref<!tpu.dma_semaphore, #tpu.memory_space<semaphore_mem>>, %arg13: memref<!tpu.dma_semaphore, #tpu.memory_space<semaphore_mem>>, %arg14: memref<!tpu.dma_semaphore, #tpu.memory_space<semaphore_mem>>) attributes {dimension_semantics = [#tpu.dimension_semantics<core_parallel>, #tpu.dimension_semantics<subcore_parallel>], iteration_bounds = array<i64: 2, 16>, scalar_prefetch = 0 : i64, scratch_operands = 9 : i64, tpu.core_type = #tpu.core_type<sc_vector_subcore>, window_params = [{transform_indices = #map}, {transform_indices = #map1}, {transform_indices = #map}, {transform_indices = #map}]} {
    %mul3A = arith.constant 624 : i32
    %mul3A_0 = arith.muli %arg1, %mul3A : i32
    %scan3A = arith.constant 0 : i32
    %scan3A_1 = arith.constant 0 : i32
    %scan3A_2 = arith.constant 1024 : i32
    %scan3A_3 = arith.addi %scan3A_1, %scan3A_2 : i32
    %scan3A_4 = arith.constant 1 : i32
    scf.for %scan3A_119 = %scan3A_1 to %scan3A_3 step %scan3A_4  : i32 {
      %broadcast_in_dim3A = arith.constant 0.000000e+00 : f32
      %broadcast_in_dim3A_120 = vector.broadcast %broadcast_in_dim3A : f32 to vector<16xf32>
      %jit3A = arith.constant 8 : i32
      %div3A = arith.divsi %scan3A_119, %jit3A : i32
      %sign3A = arith.constant 0 : i32
      %sign3A_121 = arith.cmpi sgt, %scan3A_119, %sign3A : i32
      %sign3A_122 = arith.extui %sign3A_121 : i1 to i32
      %sign3A_123 = arith.constant 0 : i32
      %sign3A_124 = arith.cmpi slt, %scan3A_119, %sign3A_123 : i32
      %sign3A_125 = arith.extui %sign3A_124 : i1 to i32
      %sign3A_126 = arith.subi %sign3A_122, %sign3A_125 : i32
      %sign3A_127 = arith.constant 0 : i32
      %sign3A_128 = arith.cmpi sgt, %jit3A, %sign3A_127 : i32
      %sign3A_129 = arith.extui %sign3A_128 : i1 to i32
      %sign3A_130 = arith.constant 0 : i32
      %sign3A_131 = arith.cmpi slt, %jit3A, %sign3A_130 : i32
      %sign3A_132 = arith.extui %sign3A_131 : i1 to i32
      %sign3A_133 = arith.subi %sign3A_129, %sign3A_132 : i32
      %ne3A = arith.cmpi ne, %sign3A_126, %sign3A_133 : i32
      %rem3A = arith.remsi %scan3A_119, %jit3A : i32
      %ne3A_134 = arith.constant 0 : i32
      %ne3A_135 = arith.cmpi ne, %rem3A, %ne3A_134 : i32
      %and3A = arith.andi %ne3A, %ne3A_135 : i1
      %sub3A = arith.constant 1 : i32
      %sub3A_136 = arith.subi %div3A, %sub3A : i32
      %select_n3A = arith.select %and3A, %sub3A_136, %div3A : i32
      %jit3A_137 = arith.constant 8 : i32
      %eq3A_138 = arith.constant 0 : i32
      %eq3A_139 = arith.cmpi eq, %jit3A_137, %eq3A_138 : i32
      %jit3A_140 = arith.constant 1 : i32
      %select_n3A_141 = arith.select %eq3A_139, %jit3A_140, %jit3A_137 : i32
      %rem3A_142 = arith.remsi %scan3A_119, %select_n3A_141 : i32
      %ne3A_143 = arith.constant 0 : i32
      %ne3A_144 = arith.cmpi ne, %rem3A_142, %ne3A_143 : i32
      %lt3A_145 = arith.constant 0 : i32
      %lt3A_146 = arith.cmpi slt, %rem3A_142, %lt3A_145 : i32
      %lt3A_147 = arith.constant 0 : i32
      %lt3A_148 = arith.cmpi slt, %select_n3A_141, %lt3A_147 : i32
      %ne3A_149 = arith.xori %lt3A_146, %lt3A_148 : i1
      %and3A_150 = arith.andi %ne3A_149, %ne3A_144 : i1
      %add3A_151 = arith.addi %rem3A_142, %select_n3A_141 : i32
      %select_n3A_152 = arith.select %and3A_150, %add3A_151, %rem3A_142 : i32
      %mul3A_153 = arith.constant 16 : i32
      %mul3A_154 = arith.muli %select_n3A_152, %mul3A_153 : i32
      %swap3A = arith.index_cast %select_n3A : i32 to index
      %swap3A_155 = arith.index_cast %mul3A_154 : i32 to index
      %swap3A_156 = tpu.vector_load %arg7[%swap3A, %swap3A_155] {strides = array<i32>} : memref<128x128xf32, #tpu.memory_space<vmem>>, vector<1x16xf32>,
      %swap3A_157 = vector.shape_cast %swap3A_156 : vector<1x16xf32> to vector<16xf32>
      %swap3A_158 = vector.shape_cast %broadcast_in_dim3A_120 : vector<16xf32> to vector<1x16xf32>
      tpu.vector_store %arg7[%swap3A, %swap3A_155], %swap3A_158 {strides = array<i32>} : memref<128x128xf32, #tpu.memory_space<vmem>>, vector<1x16xf32>,
    }
    %scan3A_5 = arith.constant 1024 : i32
    %add3A = arith.constant 0 : i32
    %add3A_6 = arith.addi %mul3A_0, %add3A : i32
    "tpu.region"() ({
      %run_scoped3A = tpu.sem_alloc : memref<!tpu.dma_semaphore, #tpu.memory_space<semaphore_mem>>
      %dma_start3A_119 = arith.constant 0 : i32
      %dma_start3A_120 = arith.constant 0 : i32
      %dma_start3A_121 = tpu.memref_slice %arg7[%dma_start3A_119, %dma_start3A_120] : memref<128x128xf32, #tpu.memory_space<vmem>> -> memref<128x128xf32, #tpu.memory_space<vmem>>
      %dma_start3A_122 = arith.constant 0 : i32
      %dma_start3A_123 = tpu.memref_slice %arg6[%add3A_6, %dma_start3A_122] : memref<10000x128xf32, #tpu.memory_space<vmem_shared>> -> memref<128x128xf32, #tpu.memory_space<vmem_shared>>
      %dma_start3A_124 = arith.constant 0 : i32
      %dma_start3A_125 = tpu.memref_slice %arg6[%add3A_6, %dma_start3A_124] : memref<10000x128xf32, #tpu.memory_space<vmem_shared>> -> memref<128x128xf32, #tpu.memory_space<vmem_shared>>
      %dma_start3A_126 = arith.constant 0 : i32
      %dma_start3A_127 = arith.constant 0 : i32
      %dma_start3A_128 = tpu.memref_slice %arg7[%dma_start3A_126, %dma_start3A_127] : memref<128x128xf32, #tpu.memory_space<vmem>> -> memref<128x128xf32, #tpu.memory_space<vmem>>
      tpu.enqueue_dma source(%dma_start3A_128 : memref<128x128xf32, #tpu.memory_space<vmem>>) target(%dma_start3A_125 : memref<128x128xf32, #tpu.memory_space<vmem_shared>>) target_semaphore(%run_scoped3A : memref<!tpu.dma_semaphore, #tpu.memory_space<semaphore_mem>>)
      %dma_wait3A_129 = arith.constant 0 : i32
      %dma_wait3A_130 = arith.constant 0 : i32
      %dma_wait3A_131 = tpu.memref_slice %arg7[%dma_wait3A_129, %dma_wait3A_130] : memref<128x128xf32, #tpu.memory_space<vmem>> -> memref<128x128xf32, #tpu.memory_space<vmem>>
      %dma_wait3A_132 = arith.constant 0 : i32
      %dma_wait3A_133 = tpu.memref_slice %arg6[%add3A_6, %dma_wait3A_132] : memref<10000x128xf32, #tpu.memory_space<vmem_shared>> -> memref<128x128xf32, #tpu.memory_space<vmem_shared>>
      %dma_wait3A_134 = arith.constant 0 : i32
      %dma_wait3A_135 = tpu.memref_slice %arg6[%add3A_6, %dma_wait3A_134] : memref<10000x128xf32, #tpu.memory_space<vmem_shared>> -> memref<128x128xf32, #tpu.memory_space<vmem_shared>>
      %dma_wait3A_136 = arith.constant 0 : i32
      %dma_wait3A_137 = arith.constant 0 : i32
      %dma_wait3A_138 = tpu.memref_slice %arg7[%dma_wait3A_136, %dma_wait3A_137] : memref<128x128xf32, #tpu.memory_space<vmem>> -> memref<128x128xf32, #tpu.memory_space<vmem>>
      tpu.wait_dma2 semaphore(%run_scoped3A : memref<!tpu.dma_semaphore, #tpu.memory_space<semaphore_mem>>) src(%dma_wait3A_138 : memref<128x128xf32, #tpu.memory_space<vmem>>) dst(%dma_wait3A_135 : memref<128x128xf32, #tpu.memory_space<vmem_shared>>)
      tpu.yield
    }) : () -> ()
    %add3A_7 = arith.constant 128 : i32
    %add3A_8 = arith.addi %mul3A_0, %add3A_7 : i32
    "tpu.region"() ({
      %run_scoped3A = tpu.sem_alloc : memref<!tpu.dma_semaphore, #tpu.memory_space<semaphore_mem>>
      %dma_start3A_119 = arith.constant 0 : i32
      %dma_start3A_120 = arith.constant 0 : i32
      %dma_start3A_121 = tpu.memref_slice %arg7[%dma_start3A_119, %dma_start3A_120] : memref<128x128xf32, #tpu.memory_space<vmem>> -> memref<128x128xf32, #tpu.memory_space<vmem>>
      %dma_start3A_122 = arith.constant 0 : i32
      %dma_start3A_123 = tpu.memref_slice %arg6[%add3A_8, %dma_start3A_122] : memref<10000x128xf32, #tpu.memory_space<vmem_shared>> -> memref<128x128xf32, #tpu.memory_space<vmem_shared>>
      %dma_start3A_124 = arith.constant 0 : i32
      %dma_start3A_125 = tpu.memref_slice %arg6[%add3A_8, %dma_start3A_124] : memref<10000x128xf32, #tpu.memory_space<vmem_shared>> -> memref<128x128xf32, #tpu.memory_space<vmem_shared>>
      %dma_start3A_126 = arith.constant 0 : i32
      %dma_start3A_127 = arith.constant 0 : i32
      %dma_start3A_128 = tpu.memref_slice %arg7[%dma_start3A_126, %dma_start3A_127] : memref<128x128xf32, #tpu.memory_space<vmem>> -> memref<128x128xf32, #tpu.memory_space<vmem>>
      tpu.enqueue_dma source(%dma_start3A_128 : memref<128x128xf32, #tpu.memory_space<vmem>>) target(%dma_start3A_125 : memref<128x128xf32, #tpu.memory_space<vmem_shared>>) target_semaphore(%run_scoped3A : memref<!tpu.dma_semaphore, #tpu.memory_space<semaphore_mem>>)
      %dma_wait3A_129 = arith.constant 0 : i32
      %dma_wait3A_130 = arith.constant 0 : i32
      %dma_wait3A_131 = tpu.memref_slice %arg7[%dma_wait3A_129, %dma_wait3A_130] : memref<128x128xf32, #tpu.memory_space<vmem>> -> memref<128x128xf32, #tpu.memory_space<vmem>>
      %dma_wait3A_132 = arith.constant 0 : i32
      %dma_wait3A_133 = tpu.memref_slice %arg6[%add3A_8, %dma_wait3A_132] : memref<10000x128xf32, #tpu.memory_space<vmem_shared>> -> memref<128x128xf32, #tpu.memory_space<vmem_shared>>
      %dma_wait3A_134 = arith.constant 0 : i32
      %dma_wait3A_135 = tpu.memref_slice %arg6[%add3A_8, %dma_wait3A_134] : memref<10000x128xf32, #tpu.memory_space<vmem_shared>> -> memref<128x128xf32, #tpu.memory_space<vmem_shared>>
      %dma_wait3A_136 = arith.constant 0 : i32
      %dma_wait3A_137 = arith.constant 0 : i32
      %dma_wait3A_138 = tpu.memref_slice %arg7[%dma_wait3A_136, %dma_wait3A_137] : memref<128x128xf32, #tpu.memory_space<vmem>> -> memref<128x128xf32, #tpu.memory_space<vmem>>
      tpu.wait_dma2 semaphore(%run_scoped3A : memref<!tpu.dma_semaphore, #tpu.memory_space<semaphore_mem>>) src(%dma_wait3A_138 : memref<128x128xf32, #tpu.memory_space<vmem>>) dst(%dma_wait3A_135 : memref<128x128xf32, #tpu.memory_space<vmem_shared>>)
      tpu.yield
    }) : () -> ()
    %add3A_9 = arith.constant 256 : i32
    %add3A_10 = arith.addi %mul3A_0, %add3A_9 : i32
    "tpu.region"() ({
      %run_scoped3A = tpu.sem_alloc : memref<!tpu.dma_semaphore, #tpu.memory_space<semaphore_mem>>
      %dma_start3A_119 = arith.constant 0 : i32
      %dma_start3A_120 = arith.constant 0 : i32
      %dma_start3A_121 = tpu.memref_slice %arg7[%dma_start3A_119, %dma_start3A_120] : memref<128x128xf32, #tpu.memory_space<vmem>> -> memref<128x128xf32, #tpu.memory_space<vmem>>
      %dma_start3A_122 = arith.constant 0 : i32
      %dma_start3A_123 = tpu.memref_slice %arg6[%add3A_10, %dma_start3A_122] : memref<10000x128xf32, #tpu.memory_space<vmem_shared>> -> memref<128x128xf32, #tpu.memory_space<vmem_shared>>
      %dma_start3A_124 = arith.constant 0 : i32
      %dma_start3A_125 = tpu.memref_slice %arg6[%add3A_10, %dma_start3A_124] : memref<10000x128xf32, #tpu.memory_space<vmem_shared>> -> memref<128x128xf32, #tpu.memory_space<vmem_shared>>
      %dma_start3A_126 = arith.constant 0 : i32
      %dma_start3A_127 = arith.constant 0 : i32
      %dma_start3A_128 = tpu.memref_slice %arg7[%dma_start3A_126, %dma_start3A_127] : memref<128x128xf32, #tpu.memory_space<vmem>> -> memref<128x128xf32, #tpu.memory_space<vmem>>
      tpu.enqueue_dma source(%dma_start3A_128 : memref<128x128xf32, #tpu.memory_space<vmem>>) target(%dma_start3A_125 : memref<128x128xf32, #tpu.memory_space<vmem_shared>>) target_semaphore(%run_scoped3A : memref<!tpu.dma_semaphore, #tpu.memory_space<semaphore_mem>>)
      %dma_wait3A_129 = arith.constant 0 : i32
      %dma_wait3A_130 = arith.constant 0 : i32
      %dma_wait3A_131 = tpu.memref_slice %arg7[%dma_wait3A_129, %dma_wait3A_130] : memref<128x128xf32, #tpu.memory_space<vmem>> -> memref<128x128xf32, #tpu.memory_space<vmem>>
      %dma_wait3A_132 = arith.constant 0 : i32
      %dma_wait3A_133 = tpu.memref_slice %arg6[%add3A_10, %dma_wait3A_132] : memref<10000x128xf32, #tpu.memory_space<vmem_shared>> -> memref<128x128xf32, #tpu.memory_space<vmem_shared>>
      %dma_wait3A_134 = arith.constant 0 : i32
      %dma_wait3A_135 = tpu.memref_slice %arg6[%add3A_10, %dma_wait3A_134] : memref<10000x128xf32, #tpu.memory_space<vmem_shared>> -> memref<128x128xf32, #tpu.memory_space<vmem_shared>>
      %dma_wait3A_136 = arith.constant 0 : i32
      %dma_wait3A_137 = arith.constant 0 : i32
      %dma_wait3A_138 = tpu.memref_slice %arg7[%dma_wait3A_136, %dma_wait3A_137] : memref<128x128xf32, #tpu.memory_space<vmem>> -> memref<128x128xf32, #tpu.memory_space<vmem>>
      tpu.wait_dma2 semaphore(%run_scoped3A : memref<!tpu.dma_semaphore, #tpu.memory_space<semaphore_mem>>) src(%dma_wait3A_138 : memref<128x128xf32, #tpu.memory_space<vmem>>) dst(%dma_wait3A_135 : memref<128x128xf32, #tpu.memory_space<vmem_shared>>)
      tpu.yield
    }) : () -> ()
    %add3A_11 = arith.constant 384 : i32
    %add3A_12 = arith.addi %mul3A_0, %add3A_11 : i32
    "tpu.region"() ({
      %run_scoped3A = tpu.sem_alloc : memref<!tpu.dma_semaphore, #tpu.memory_space<semaphore_mem>>
      %dma_start3A_119 = arith.constant 0 : i32
      %dma_start3A_120 = arith.constant 0 : i32
      %dma_start3A_121 = tpu.memref_slice %arg7[%dma_start3A_119, %dma_start3A_120] : memref<128x128xf32, #tpu.memory_space<vmem>> -> memref<128x128xf32, #tpu.memory_space<vmem>>
      %dma_start3A_122 = arith.constant 0 : i32
      %dma_start3A_123 = tpu.memref_slice %arg6[%add3A_12, %dma_start3A_122] : memref<10000x128xf32, #tpu.memory_space<vmem_shared>> -> memref<128x128xf32, #tpu.memory_space<vmem_shared>>
      %dma_start3A_124 = arith.constant 0 : i32
      %dma_start3A_125 = tpu.memref_slice %arg6[%add3A_12, %dma_start3A_124] : memref<10000x128xf32, #tpu.memory_space<vmem_shared>> -> memref<128x128xf32, #tpu.memory_space<vmem_shared>>
      %dma_start3A_126 = arith.constant 0 : i32
      %dma_start3A_127 = arith.constant 0 : i32
      %dma_start3A_128 = tpu.memref_slice %arg7[%dma_start3A_126, %dma_start3A_127] : memref<128x128xf32, #tpu.memory_space<vmem>> -> memref<128x128xf32, #tpu.memory_space<vmem>>
      tpu.enqueue_dma source(%dma_start3A_128 : memref<128x128xf32, #tpu.memory_space<vmem>>) target(%dma_start3A_125 : memref<128x128xf32, #tpu.memory_space<vmem_shared>>) target_semaphore(%run_scoped3A : memref<!tpu.dma_semaphore, #tpu.memory_space<semaphore_mem>>)
      %dma_wait3A_129 = arith.constant 0 : i32
      %dma_wait3A_130 = arith.constant 0 : i32
      %dma_wait3A_131 = tpu.memref_slice %arg7[%dma_wait3A_129, %dma_wait3A_130] : memref<128x128xf32, #tpu.memory_space<vmem>> -> memref<128x128xf32, #tpu.memory_space<vmem>>
      %dma_wait3A_132 = arith.constant 0 : i32
      %dma_wait3A_133 = tpu.memref_slice %arg6[%add3A_12, %dma_wait3A_132] : memref<10000x128xf32, #tpu.memory_space<vmem_shared>> -> memref<128x128xf32, #tpu.memory_space<vmem_shared>>
      %dma_wait3A_134 = arith.constant 0 : i32
      %dma_wait3A_135 = tpu.memref_slice %arg6[%add3A_12, %dma_wait3A_134] : memref<10000x128xf32, #tpu.memory_space<vmem_shared>> -> memref<128x128xf32, #tpu.memory_space<vmem_shared>>
      %dma_wait3A_136 = arith.constant 0 : i32
      %dma_wait3A_137 = arith.constant 0 : i32
      %dma_wait3A_138 = tpu.memref_slice %arg7[%dma_wait3A_136, %dma_wait3A_137] : memref<128x128xf32, #tpu.memory_space<vmem>> -> memref<128x128xf32, #tpu.memory_space<vmem>>
      tpu.wait_dma2 semaphore(%run_scoped3A : memref<!tpu.dma_semaphore, #tpu.memory_space<semaphore_mem>>) src(%dma_wait3A_138 : memref<128x128xf32, #tpu.memory_space<vmem>>) dst(%dma_wait3A_135 : memref<128x128xf32, #tpu.memory_space<vmem_shared>>)
      tpu.yield
    }) : () -> ()
    %add3A_13 = arith.constant 512 : i32
    %add3A_14 = arith.addi %mul3A_0, %add3A_13 : i32
    "tpu.region"() ({
      %run_scoped3A = tpu.sem_alloc : memref<!tpu.dma_semaphore, #tpu.memory_space<semaphore_mem>>
      %dma_start3A_119 = arith.constant 0 : i32
      %dma_start3A_120 = arith.constant 0 : i32
      %dma_start3A_121 = tpu.memref_slice %arg7[%dma_start3A_119, %dma_start3A_120] : memref<128x128xf32, #tpu.memory_space<vmem>> -> memref<112x128xf32, #tpu.memory_space<vmem>>
      %dma_start3A_122 = arith.constant 0 : i32
      %dma_start3A_123 = tpu.memref_slice %arg6[%add3A_14, %dma_start3A_122] : memref<10000x128xf32, #tpu.memory_space<vmem_shared>> -> memref<112x128xf32, #tpu.memory_space<vmem_shared>>
      %dma_start3A_124 = arith.constant 0 : i32
      %dma_start3A_125 = tpu.memref_slice %arg6[%add3A_14, %dma_start3A_124] : memref<10000x128xf32, #tpu.memory_space<vmem_shared>> -> memref<112x128xf32, #tpu.memory_space<vmem_shared>>
      %dma_start3A_126 = arith.constant 0 : i32
      %dma_start3A_127 = arith.constant 0 : i32
      %dma_start3A_128 = tpu.memref_slice %arg7[%dma_start3A_126, %dma_start3A_127] : memref<128x128xf32, #tpu.memory_space<vmem>> -> memref<112x128xf32, #tpu.memory_space<vmem>>
      tpu.enqueue_dma source(%dma_start3A_128 : memref<112x128xf32, #tpu.memory_space<vmem>>) target(%dma_start3A_125 : memref<112x128xf32, #tpu.memory_space<vmem_shared>>) target_semaphore(%run_scoped3A : memref<!tpu.dma_semaphore, #tpu.memory_space<semaphore_mem>>)
      %dma_wait3A_129 = arith.constant 0 : i32
      %dma_wait3A_130 = arith.constant 0 : i32
      %dma_wait3A_131 = tpu.memref_slice %arg7[%dma_wait3A_129, %dma_wait3A_130] : memref<128x128xf32, #tpu.memory_space<vmem>> -> memref<112x128xf32, #tpu.memory_space<vmem>>
      %dma_wait3A_132 = arith.constant 0 : i32
      %dma_wait3A_133 = tpu.memref_slice %arg6[%add3A_14, %dma_wait3A_132] : memref<10000x128xf32, #tpu.memory_space<vmem_shared>> -> memref<112x128xf32, #tpu.memory_space<vmem_shared>>
      %dma_wait3A_134 = arith.constant 0 : i32
      %dma_wait3A_135 = tpu.memref_slice %arg6[%add3A_14, %dma_wait3A_134] : memref<10000x128xf32, #tpu.memory_space<vmem_shared>> -> memref<112x128xf32, #tpu.memory_space<vmem_shared>>
      %dma_wait3A_136 = arith.constant 0 : i32
      %dma_wait3A_137 = arith.constant 0 : i32
      %dma_wait3A_138 = tpu.memref_slice %arg7[%dma_wait3A_136, %dma_wait3A_137] : memref<128x128xf32, #tpu.memory_space<vmem>> -> memref<112x128xf32, #tpu.memory_space<vmem>>
      tpu.wait_dma2 semaphore(%run_scoped3A : memref<!tpu.dma_semaphore, #tpu.memory_space<semaphore_mem>>) src(%dma_wait3A_138 : memref<112x128xf32, #tpu.memory_space<vmem>>) dst(%dma_wait3A_135 : memref<112x128xf32, #tpu.memory_space<vmem_shared>>)
      tpu.yield
    }) : () -> ()
    %eq3A = arith.constant 0 : i32
    %eq3A_15 = arith.cmpi eq, %arg1, %eq3A : i32
    %convert_element_type3A = arith.extui %eq3A_15 : i1 to i32
    %cond3A = arith.constant 0 : i32
    %cond3A_16 = arith.cmpi ne, %convert_element_type3A, %cond3A : i32
    scf.if %cond3A_16 {
      "tpu.region"() ({
        %run_scoped3A = tpu.sem_alloc : memref<!tpu.dma_semaphore, #tpu.memory_space<semaphore_mem>>
        %dma_start3A_119 = arith.constant 0 : i32
        %dma_start3A_120 = arith.constant 0 : i32
        %dma_start3A_121 = tpu.memref_slice %arg7[%dma_start3A_119, %dma_start3A_120] : memref<128x128xf32, #tpu.memory_space<vmem>> -> memref<16x128xf32, #tpu.memory_space<vmem>>
        %dma_start3A_122 = arith.constant 9984 : i32
        %dma_start3A_123 = arith.constant 0 : i32
        %dma_start3A_124 = tpu.memref_slice %arg6[%dma_start3A_122, %dma_start3A_123] : memref<10000x128xf32, #tpu.memory_space<vmem_shared>> -> memref<16x128xf32, #tpu.memory_space<vmem_shared>>
        %dma_start3A_125 = arith.constant 9984 : i32
        %dma_start3A_126 = arith.constant 0 : i32
        %dma_start3A_127 = tpu.memref_slice %arg6[%dma_start3A_125, %dma_start3A_126] : memref<10000x128xf32, #tpu.memory_space<vmem_shared>> -> memref<16x128xf32, #tpu.memory_space<vmem_shared>>
        %dma_start3A_128 = arith.constant 0 : i32
        %dma_start3A_129 = arith.constant 0 : i32
        %dma_start3A_130 = tpu.memref_slice %arg7[%dma_start3A_128, %dma_start3A_129] : memref<128x128xf32, #tpu.memory_space<vmem>> -> memref<16x128xf32, #tpu.memory_space<vmem>>
        tpu.enqueue_dma source(%dma_start3A_130 : memref<16x128xf32, #tpu.memory_space<vmem>>) target(%dma_start3A_127 : memref<16x128xf32, #tpu.memory_space<vmem_shared>>) target_semaphore(%run_scoped3A : memref<!tpu.dma_semaphore, #tpu.memory_space<semaphore_mem>>)
        %dma_wait3A_131 = arith.constant 0 : i32
        %dma_wait3A_132 = arith.constant 0 : i32
        %dma_wait3A_133 = tpu.memref_slice %arg7[%dma_wait3A_131, %dma_wait3A_132] : memref<128x128xf32, #tpu.memory_space<vmem>> -> memref<16x128xf32, #tpu.memory_space<vmem>>
        %dma_wait3A_134 = arith.constant 9984 : i32
        %dma_wait3A_135 = arith.constant 0 : i32
        %dma_wait3A_136 = tpu.memref_slice %arg6[%dma_wait3A_134, %dma_wait3A_135] : memref<10000x128xf32, #tpu.memory_space<vmem_shared>> -> memref<16x128xf32, #tpu.memory_space<vmem_shared>>
        %dma_wait3A_137 = arith.constant 9984 : i32
        %dma_wait3A_138 = arith.constant 0 : i32
        %dma_wait3A_139 = tpu.memref_slice %arg6[%dma_wait3A_137, %dma_wait3A_138] : memref<10000x128xf32, #tpu.memory_space<vmem_shared>> -> memref<16x128xf32, #tpu.memory_space<vmem_shared>>
        %dma_wait3A_140 = arith.constant 0 : i32
        %dma_wait3A_141 = arith.constant 0 : i32
        %dma_wait3A_142 = tpu.memref_slice %arg7[%dma_wait3A_140, %dma_wait3A_141] : memref<128x128xf32, #tpu.memory_space<vmem>> -> memref<16x128xf32, #tpu.memory_space<vmem>>
        tpu.wait_dma2 semaphore(%run_scoped3A : memref<!tpu.dma_semaphore, #tpu.memory_space<semaphore_mem>>) src(%dma_wait3A_142 : memref<16x128xf32, #tpu.memory_space<vmem>>) dst(%dma_wait3A_139 : memref<16x128xf32, #tpu.memory_space<vmem_shared>>)
        tpu.yield
      }) : () -> ()
    } else {
    }
    %barrier3A = arith.constant 0 : index
    tpu.barrier barrier_id(%barrier3A)
    %mul3A_17 = arith.constant 128 : i32
    %mul3A_18 = arith.muli %arg1, %mul3A_17 : i32
    %dma_start3A = tpu.memref_slice %arg3[%mul3A_18] : memref<160000xi32, #tpu.memory_space<hbm>> -> memref<128xi32, #tpu.memory_space<hbm>>
    %dma_start3A_19 = tpu.memref_slice %arg3[%mul3A_18] : memref<160000xi32, #tpu.memory_space<hbm>> -> memref<128xi32, #tpu.memory_space<hbm>>
    tpu.enqueue_dma source(%dma_start3A_19 : memref<128xi32, #tpu.memory_space<hbm>>) target(%arg9 : memref<128xi32, #tpu.memory_space<vmem>>) target_semaphore(%arg11 : memref<!tpu.dma_semaphore, #tpu.memory_space<semaphore_mem>>)
    %mul3A_20 = arith.constant 160000 : i32
    %mul3A_21 = arith.muli %arg0, %mul3A_20 : i32
    %mul3A_22 = arith.constant 128 : i32
    %mul3A_23 = arith.muli %arg1, %mul3A_22 : i32
    %add3A_24 = arith.addi %mul3A_21, %mul3A_23 : i32
    %dma_start3A_25 = arith.constant 0 : i32
    %dma_start3A_26 = tpu.memref_slice %arg2[%add3A_24, %dma_start3A_25] : memref<320000x128xf32, #tpu.memory_space<hbm>> -> memref<128x128xf32, #tpu.memory_space<hbm>>
    %dma_start3A_27 = arith.constant 0 : i32
    %dma_start3A_28 = tpu.memref_slice %arg2[%add3A_24, %dma_start3A_27] : memref<320000x128xf32, #tpu.memory_space<hbm>> -> memref<128x128xf32, #tpu.memory_space<hbm>>
    tpu.enqueue_dma source(%dma_start3A_28 : memref<128x128xf32, #tpu.memory_space<hbm>>) target(%arg7 : memref<128x128xf32, #tpu.memory_space<vmem>>) target_semaphore(%arg11 : memref<!tpu.dma_semaphore, #tpu.memory_space<semaphore_mem>>)
    %scan3A_29 = arith.constant 0 : i32
    %scan3A_30 = arith.constant 0 : i32
    %scan3A_31 = arith.constant 39 : i32
    %scan3A_32 = arith.addi %scan3A_30, %scan3A_31 : i32
    %scan3A_33 = arith.constant 1 : i32
    scf.for %scan3A_119 = %scan3A_30 to %scan3A_32 step %scan3A_33  : i32 {
      %mul3A_120 = arith.constant 2 : i32
      %mul3A_121 = arith.muli %mul3A_120, %scan3A_119 : i32
      %mul3A_122 = arith.constant 16 : i32
      %mul3A_123 = arith.muli %mul3A_122, %mul3A_121 : i32
      %add3A_124 = arith.addi %arg1, %mul3A_123 : i32
      %mul3A_125 = arith.constant 2 : i32
      %mul3A_126 = arith.muli %mul3A_125, %scan3A_119 : i32
      %add3A_127 = arith.constant 1 : i32
      %add3A_128 = arith.addi %mul3A_126, %add3A_127 : i32
      %mul3A_129 = arith.constant 16 : i32
      %mul3A_130 = arith.muli %mul3A_129, %add3A_128 : i32
      %add3A_131 = arith.addi %arg1, %mul3A_130 : i32
      %gt3A = arith.constant 0 : i32
      %gt3A_132 = arith.cmpi sgt, %scan3A_119, %gt3A : i32
      %convert_element_type3A_133 = arith.extui %gt3A_132 : i1 to i32
      %cond3A_134 = arith.constant 0 : i32
      %cond3A_135 = arith.cmpi ne, %convert_element_type3A_133, %cond3A_134 : i32
      scf.if %cond3A_135 {
        %dma_wait3A_186 = arith.constant 0 : i32
        %dma_wait3A_187 = arith.constant 0 : i32
        %dma_wait3A_188 = tpu.memref_slice %arg6[%dma_wait3A_186, %dma_wait3A_187] : memref<10000x128xf32, #tpu.memory_space<vmem_shared>> -> memref<128x128xf32, #tpu.memory_space<vmem_shared>>
        %dma_wait3A_189 = arith.constant 0 : i32
        %dma_wait3A_190 = arith.constant 0 : i32
        %dma_wait3A_191 = tpu.memref_slice %arg6[%dma_wait3A_189, %dma_wait3A_190] : memref<10000x128xf32, #tpu.memory_space<vmem_shared>> -> memref<128x128xf32, #tpu.memory_space<vmem_shared>>
        tpu.wait_dma2 semaphore(%arg14 : memref<!tpu.dma_semaphore, #tpu.memory_space<semaphore_mem>>) src(%arg8 : memref<128x128xf32, #tpu.memory_space<vmem>>) dst(%dma_wait3A_191 : memref<128x128xf32, #tpu.memory_space<vmem_shared>>)
      } else {
      }
      %mul3A_136 = arith.constant 128 : i32
      %mul3A_137 = arith.muli %add3A_131, %mul3A_136 : i32
      %dma_start3A_138 = tpu.memref_slice %arg3[%mul3A_137] : memref<160000xi32, #tpu.memory_space<hbm>> -> memref<128xi32, #tpu.memory_space<hbm>>
      %dma_start3A_139 = tpu.memref_slice %arg3[%mul3A_137] : memref<160000xi32, #tpu.memory_space<hbm>> -> memref<128xi32, #tpu.memory_space<hbm>>
      tpu.enqueue_dma source(%dma_start3A_139 : memref<128xi32, #tpu.memory_space<hbm>>) target(%arg10 : memref<128xi32, #tpu.memory_space<vmem>>) target_semaphore(%arg12 : memref<!tpu.dma_semaphore, #tpu.memory_space<semaphore_mem>>)
      %mul3A_140 = arith.constant 160000 : i32
      %mul3A_141 = arith.muli %arg0, %mul3A_140 : i32
      %mul3A_142 = arith.constant 128 : i32
      %mul3A_143 = arith.muli %add3A_131, %mul3A_142 : i32
      %add3A_144 = arith.addi %mul3A_141, %mul3A_143 : i32
      %dma_start3A_145 = arith.constant 0 : i32
      %dma_start3A_146 = tpu.memref_slice %arg2[%add3A_144, %dma_start3A_145] : memref<320000x128xf32, #tpu.memory_space<hbm>> -> memref<128x128xf32, #tpu.memory_space<hbm>>
      %dma_start3A_147 = arith.constant 0 : i32
      %dma_start3A_148 = tpu.memref_slice %arg2[%add3A_144, %dma_start3A_147] : memref<320000x128xf32, #tpu.memory_space<hbm>> -> memref<128x128xf32, #tpu.memory_space<hbm>>
      tpu.enqueue_dma source(%dma_start3A_148 : memref<128x128xf32, #tpu.memory_space<hbm>>) target(%arg8 : memref<128x128xf32, #tpu.memory_space<vmem>>) target_semaphore(%arg12 : memref<!tpu.dma_semaphore, #tpu.memory_space<semaphore_mem>>)
      %dma_wait3A_149 = arith.constant 0 : i32
      %dma_wait3A_150 = tpu.memref_slice %arg3[%dma_wait3A_149] : memref<160000xi32, #tpu.memory_space<hbm>> -> memref<128xi32, #tpu.memory_space<hbm>>
      %dma_wait3A_151 = arith.constant 0 : i32
      %dma_wait3A_152 = tpu.memref_slice %arg3[%dma_wait3A_151] : memref<160000xi32, #tpu.memory_space<hbm>> -> memref<128xi32, #tpu.memory_space<hbm>>
      tpu.wait_dma2 semaphore(%arg11 : memref<!tpu.dma_semaphore, #tpu.memory_space<semaphore_mem>>) src(%dma_wait3A_152 : memref<128xi32, #tpu.memory_space<hbm>>) dst(%arg9 : memref<128xi32, #tpu.memory_space<vmem>>)
      %dma_wait3A_153 = arith.constant 0 : i32
      %dma_wait3A_154 = arith.constant 0 : i32
      %dma_wait3A_155 = tpu.memref_slice %arg2[%dma_wait3A_153, %dma_wait3A_154] : memref<320000x128xf32, #tpu.memory_space<hbm>> -> memref<128x128xf32, #tpu.memory_space<hbm>>
      %dma_wait3A_156 = arith.constant 0 : i32
      %dma_wait3A_157 = arith.constant 0 : i32
      %dma_wait3A_158 = tpu.memref_slice %arg2[%dma_wait3A_156, %dma_wait3A_157] : memref<320000x128xf32, #tpu.memory_space<hbm>> -> memref<128x128xf32, #tpu.memory_space<hbm>>
      tpu.wait_dma2 semaphore(%arg11 : memref<!tpu.dma_semaphore, #tpu.memory_space<semaphore_mem>>) src(%dma_wait3A_158 : memref<128x128xf32, #tpu.memory_space<hbm>>) dst(%arg7 : memref<128x128xf32, #tpu.memory_space<vmem>>)
      %dma_start3A_159 = arith.constant 0 : i32
      %dma_start3A_160 = arith.constant 0 : i32
      %dma_start3A_161 = tpu.memref_slice %arg6[%dma_start3A_159, %dma_start3A_160] : memref<10000x128xf32, #tpu.memory_space<vmem_shared>> -> memref<10000x128xf32, #tpu.memory_space<vmem_shared>>
      tpu.enqueue_indirect_dma source(%arg7 : memref<128x128xf32, #tpu.memory_space<vmem>>) target(%dma_start3A_161 : memref<10000x128xf32, #tpu.memory_space<vmem_shared>>) offsets(%arg9 : memref<128xi32, #tpu.memory_space<vmem>>) semaphore(%arg13 : memref<!tpu.dma_semaphore, #tpu.memory_space<semaphore_mem>>) {add = true}
      %dma_wait3A_162 = arith.constant 0 : i32
      %dma_wait3A_163 = tpu.memref_slice %arg3[%dma_wait3A_162] : memref<160000xi32, #tpu.memory_space<hbm>> -> memref<128xi32, #tpu.memory_space<hbm>>
      %dma_wait3A_164 = arith.constant 0 : i32
      %dma_wait3A_165 = tpu.memref_slice %arg3[%dma_wait3A_164] : memref<160000xi32, #tpu.memory_space<hbm>> -> memref<128xi32, #tpu.memory_space<hbm>>
      tpu.wait_dma2 semaphore(%arg12 : memref<!tpu.dma_semaphore, #tpu.memory_space<semaphore_mem>>) src(%dma_wait3A_165 : memref<128xi32, #tpu.memory_space<hbm>>) dst(%arg10 : memref<128xi32, #tpu.memory_space<vmem>>)
      %dma_wait3A_166 = arith.constant 0 : i32
      %dma_wait3A_167 = arith.constant 0 : i32
      %dma_wait3A_168 = tpu.memref_slice %arg2[%dma_wait3A_166, %dma_wait3A_167] : memref<320000x128xf32, #tpu.memory_space<hbm>> -> memref<128x128xf32, #tpu.memory_space<hbm>>
      %dma_wait3A_169 = arith.constant 0 : i32
      %dma_wait3A_170 = arith.constant 0 : i32
      %dma_wait3A_171 = tpu.memref_slice %arg2[%dma_wait3A_169, %dma_wait3A_170] : memref<320000x128xf32, #tpu.memory_space<hbm>> -> memref<128x128xf32, #tpu.memory_space<hbm>>
      tpu.wait_dma2 semaphore(%arg12 : memref<!tpu.dma_semaphore, #tpu.memory_space<semaphore_mem>>) src(%dma_wait3A_171 : memref<128x128xf32, #tpu.memory_space<hbm>>) dst(%arg8 : memref<128x128xf32, #tpu.memory_space<vmem>>)
      %dma_wait3A_172 = arith.constant 0 : i32
      %dma_wait3A_173 = arith.constant 0 : i32
      %dma_wait3A_174 = tpu.memref_slice %arg6[%dma_wait3A_172, %dma_wait3A_173] : memref<10000x128xf32, #tpu.memory_space<vmem_shared>> -> memref<128x128xf32, #tpu.memory_space<vmem_shared>>
      %dma_wait3A_175 = arith.constant 0 : i32
      %dma_wait3A_176 = arith.constant 0 : i32
      %dma_wait3A_177 = tpu.memref_slice %arg6[%dma_wait3A_175, %dma_wait3A_176] : memref<10000x128xf32, #tpu.memory_space<vmem_shared>> -> memref<128x128xf32, #tpu.memory_space<vmem_shared>>
      tpu.wait_dma2 semaphore(%arg13 : memref<!tpu.dma_semaphore, #tpu.memory_space<semaphore_mem>>) src(%arg7 : memref<128x128xf32, #tpu.memory_space<vmem>>) dst(%dma_wait3A_177 : memref<128x128xf32, #tpu.memory_space<vmem_shared>>)
      %lt3A_178 = arith.constant 38 : i32
      %lt3A_179 = arith.cmpi slt, %scan3A_119, %lt3A_178 : i32
      %convert_element_type3A_180 = arith.extui %lt3A_179 : i1 to i32
      %cond3A_181 = arith.constant 0 : i32
      %cond3A_182 = arith.cmpi ne, %convert_element_type3A_180, %cond3A_181 : i32
      scf.if %cond3A_182 {
        %add3A_186 = arith.constant 32 : i32
        %add3A_187 = arith.addi %add3A_124, %add3A_186 : i32
        %mul3A_188 = arith.constant 128 : i32
        %mul3A_189 = arith.muli %add3A_187, %mul3A_188 : i32
        %dma_start3A_190 = tpu.memref_slice %arg3[%mul3A_189] : memref<160000xi32, #tpu.memory_space<hbm>> -> memref<128xi32, #tpu.memory_space<hbm>>
        %dma_start3A_191 = tpu.memref_slice %arg3[%mul3A_189] : memref<160000xi32, #tpu.memory_space<hbm>> -> memref<128xi32, #tpu.memory_space<hbm>>
        tpu.enqueue_dma source(%dma_start3A_191 : memref<128xi32, #tpu.memory_space<hbm>>) target(%arg9 : memref<128xi32, #tpu.memory_space<vmem>>) target_semaphore(%arg11 : memref<!tpu.dma_semaphore, #tpu.memory_space<semaphore_mem>>)
        %add3A_192 = arith.constant 32 : i32
        %add3A_193 = arith.addi %add3A_124, %add3A_192 : i32
        %mul3A_194 = arith.constant 160000 : i32
        %mul3A_195 = arith.muli %arg0, %mul3A_194 : i32
        %mul3A_196 = arith.constant 128 : i32
        %mul3A_197 = arith.muli %add3A_193, %mul3A_196 : i32
        %add3A_198 = arith.addi %mul3A_195, %mul3A_197 : i32
        %dma_start3A_199 = arith.constant 0 : i32
        %dma_start3A_200 = tpu.memref_slice %arg2[%add3A_198, %dma_start3A_199] : memref<320000x128xf32, #tpu.memory_space<hbm>> -> memref<128x128xf32, #tpu.memory_space<hbm>>
        %dma_start3A_201 = arith.constant 0 : i32
        %dma_start3A_202 = tpu.memref_slice %arg2[%add3A_198, %dma_start3A_201] : memref<320000x128xf32, #tpu.memory_space<hbm>> -> memref<128x128xf32, #tpu.memory_space<hbm>>
        tpu.enqueue_dma source(%dma_start3A_202 : memref<128x128xf32, #tpu.memory_space<hbm>>) target(%arg7 : memref<128x128xf32, #tpu.memory_space<vmem>>) target_semaphore(%arg11 : memref<!tpu.dma_semaphore, #tpu.memory_space<semaphore_mem>>)
      } else {
      }
      %dma_start3A_183 = arith.constant 0 : i32
      %dma_start3A_184 = arith.constant 0 : i32
      %dma_start3A_185 = tpu.memref_slice %arg6[%dma_start3A_183, %dma_start3A_184] : memref<10000x128xf32, #tpu.memory_space<vmem_shared>> -> memref<10000x128xf32, #tpu.memory_space<vmem_shared>>
      tpu.enqueue_indirect_dma source(%arg8 : memref<128x128xf32, #tpu.memory_space<vmem>>) target(%dma_start3A_185 : memref<10000x128xf32, #tpu.memory_space<vmem_shared>>) offsets(%arg10 : memref<128xi32, #tpu.memory_space<vmem>>) semaphore(%arg14 : memref<!tpu.dma_semaphore, #tpu.memory_space<semaphore_mem>>) {add = true}
    }
    %scan3A_34 = arith.constant 39 : i32
    %dma_wait3A = arith.constant 0 : i32
    %dma_wait3A_35 = arith.constant 0 : i32
    %dma_wait3A_36 = tpu.memref_slice %arg6[%dma_wait3A, %dma_wait3A_35] : memref<10000x128xf32, #tpu.memory_space<vmem_shared>> -> memref<128x128xf32, #tpu.memory_space<vmem_shared>>
    %dma_wait3A_37 = arith.constant 0 : i32
    %dma_wait3A_38 = arith.constant 0 : i32
    %dma_wait3A_39 = tpu.memref_slice %arg6[%dma_wait3A_37, %dma_wait3A_38] : memref<10000x128xf32, #tpu.memory_space<vmem_shared>> -> memref<128x128xf32, #tpu.memory_space<vmem_shared>>
    tpu.wait_dma2 semaphore(%arg14 : memref<!tpu.dma_semaphore, #tpu.memory_space<semaphore_mem>>) src(%arg8 : memref<128x128xf32, #tpu.memory_space<vmem>>) dst(%dma_wait3A_39 : memref<128x128xf32, #tpu.memory_space<vmem_shared>>)
    %lt3A = arith.constant 2 : i32
    %lt3A_40 = arith.cmpi slt, %arg1, %lt3A : i32
    %convert_element_type3A_41 = arith.extui %lt3A_40 : i1 to i32
    %cond3A_42 = arith.constant 0 : i32
    %cond3A_43 = arith.cmpi ne, %convert_element_type3A_41, %cond3A_42 : i32
    scf.if %cond3A_43 {
      %add3A_119 = arith.constant 1248 : i32
      %add3A_120 = arith.addi %add3A_119, %arg1 : i32
      %mul3A_121 = arith.constant 128 : i32
      %mul3A_122 = arith.muli %add3A_120, %mul3A_121 : i32
      "tpu.region"() ({
        %run_scoped3A = tpu.sem_alloc : memref<!tpu.dma_semaphore, #tpu.memory_space<semaphore_mem>>
        %dma_start3A_128 = tpu.memref_slice %arg3[%mul3A_122] : memref<160000xi32, #tpu.memory_space<hbm>> -> memref<128xi32, #tpu.memory_space<hbm>>
        %dma_start3A_129 = tpu.memref_slice %arg3[%mul3A_122] : memref<160000xi32, #tpu.memory_space<hbm>> -> memref<128xi32, #tpu.memory_space<hbm>>
        tpu.enqueue_dma source(%dma_start3A_129 : memref<128xi32, #tpu.memory_space<hbm>>) target(%arg9 : memref<128xi32, #tpu.memory_space<vmem>>) target_semaphore(%run_scoped3A : memref<!tpu.dma_semaphore, #tpu.memory_space<semaphore_mem>>)
        %dma_wait3A_130 = tpu.memref_slice %arg3[%mul3A_122] : memref<160000xi32, #tpu.memory_space<hbm>> -> memref<128xi32, #tpu.memory_space<hbm>>
        %dma_wait3A_131 = tpu.memref_slice %arg3[%mul3A_122] : memref<160000xi32, #tpu.memory_space<hbm>> -> memref<128xi32, #tpu.memory_space<hbm>>
        tpu.wait_dma2 semaphore(%run_scoped3A : memref<!tpu.dma_semaphore, #tpu.memory_space<semaphore_mem>>) src(%dma_wait3A_131 : memref<128xi32, #tpu.memory_space<hbm>>) dst(%arg9 : memref<128xi32, #tpu.memory_space<vmem>>)
        tpu.yield
      }) : () -> ()
      %mul3A_123 = arith.constant 160000 : i32
      %mul3A_124 = arith.muli %arg0, %mul3A_123 : i32
      %mul3A_125 = arith.constant 128 : i32
      %mul3A_126 = arith.muli %add3A_120, %mul3A_125 : i32
      %add3A_127 = arith.addi %mul3A_124, %mul3A_126 : i32
      "tpu.region"() ({
        %run_scoped3A = tpu.sem_alloc : memref<!tpu.dma_semaphore, #tpu.memory_space<semaphore_mem>>
        %dma_start3A_128 = arith.constant 0 : i32
        %dma_start3A_129 = tpu.memref_slice %arg2[%add3A_127, %dma_start3A_128] : memref<320000x128xf32, #tpu.memory_space<hbm>> -> memref<128x128xf32, #tpu.memory_space<hbm>>
        %dma_start3A_130 = arith.constant 0 : i32
        %dma_start3A_131 = tpu.memref_slice %arg2[%add3A_127, %dma_start3A_130] : memref<320000x128xf32, #tpu.memory_space<hbm>> -> memref<128x128xf32, #tpu.memory_space<hbm>>
        tpu.enqueue_dma source(%dma_start3A_131 : memref<128x128xf32, #tpu.memory_space<hbm>>) target(%arg7 : memref<128x128xf32, #tpu.memory_space<vmem>>) target_semaphore(%run_scoped3A : memref<!tpu.dma_semaphore, #tpu.memory_space<semaphore_mem>>)
        %dma_wait3A_132 = arith.constant 0 : i32
        %dma_wait3A_133 = tpu.memref_slice %arg2[%add3A_127, %dma_wait3A_132] : memref<320000x128xf32, #tpu.memory_space<hbm>> -> memref<128x128xf32, #tpu.memory_space<hbm>>
        %dma_wait3A_134 = arith.constant 0 : i32
        %dma_wait3A_135 = tpu.memref_slice %arg2[%add3A_127, %dma_wait3A_134] : memref<320000x128xf32, #tpu.memory_space<hbm>> -> memref<128x128xf32, #tpu.memory_space<hbm>>
        tpu.wait_dma2 semaphore(%run_scoped3A : memref<!tpu.dma_semaphore, #tpu.memory_space<semaphore_mem>>) src(%dma_wait3A_135 : memref<128x128xf32, #tpu.memory_space<hbm>>) dst(%arg7 : memref<128x128xf32, #tpu.memory_space<vmem>>)
        tpu.yield
      }) : () -> ()
      "tpu.region"() ({
        %run_scoped3A = tpu.sem_alloc : memref<!tpu.dma_semaphore, #tpu.memory_space<semaphore_mem>>
        %dma_start3A_128 = arith.constant 0 : i32
        %dma_start3A_129 = arith.constant 0 : i32
        %dma_start3A_130 = tpu.memref_slice %arg6[%dma_start3A_128, %dma_start3A_129] : memref<10000x128xf32, #tpu.memory_space<vmem_shared>> -> memref<10000x128xf32, #tpu.memory_space<vmem_shared>>
        tpu.enqueue_indirect_dma source(%arg7 : memref<128x128xf32, #tpu.memory_space<vmem>>) target(%dma_start3A_130 : memref<10000x128xf32, #tpu.memory_space<vmem_shared>>) offsets(%arg9 : memref<128xi32, #tpu.memory_space<vmem>>) semaphore(%run_scoped3A : memref<!tpu.dma_semaphore, #tpu.memory_space<semaphore_mem>>) {add = true}
        %dma_wait3A_131 = arith.constant 0 : i32
        %dma_wait3A_132 = arith.constant 0 : i32
        %dma_wait3A_133 = tpu.memref_slice %arg6[%dma_wait3A_131, %dma_wait3A_132] : memref<10000x128xf32, #tpu.memory_space<vmem_shared>> -> memref<10000x128xf32, #tpu.memory_space<vmem_shared>>
        tpu.wait_indirect_dma semaphore(%run_scoped3A : memref<!tpu.dma_semaphore, #tpu.memory_space<semaphore_mem>>) src(%arg7 : memref<128x128xf32, #tpu.memory_space<vmem>>) dst(%dma_wait3A_133 : memref<10000x128xf32, #tpu.memory_space<vmem_shared>>)
        tpu.yield
      }) : () -> ()
    } else {
    }
    %barrier3A_44 = arith.constant 0 : index
    tpu.barrier barrier_id(%barrier3A_44)
    %mul3A_45 = arith.constant 10000 : i32
    %mul3A_46 = arith.muli %arg0, %mul3A_45 : i32
    %add3A_47 = arith.addi %mul3A_46, %mul3A_0 : i32
    "tpu.region"() ({
      %run_scoped3A = tpu.sem_alloc : memref<!tpu.dma_semaphore, #tpu.memory_space<semaphore_mem>>
      %dma_start3A_119 = arith.constant 0 : i32
      %dma_start3A_120 = tpu.memref_slice %arg4[%add3A_47, %dma_start3A_119] : memref<20000x128xf32, #tpu.memory_space<hbm>> -> memref<624x128xf32, #tpu.memory_space<hbm>>
      %dma_start3A_121 = arith.constant 0 : i32
      %dma_start3A_122 = tpu.memref_slice %arg6[%mul3A_0, %dma_start3A_121] : memref<10000x128xf32, #tpu.memory_space<vmem_shared>> -> memref<624x128xf32, #tpu.memory_space<vmem_shared>>
      tpu.enqueue_dma source(%dma_start3A_122 : memref<624x128xf32, #tpu.memory_space<vmem_shared>>) target(%dma_start3A_120 : memref<624x128xf32, #tpu.memory_space<hbm>>) target_semaphore(%run_scoped3A : memref<!tpu.dma_semaphore, #tpu.memory_space<semaphore_mem>>)
      %dma_wait3A_123 = arith.constant 0 : i32
      %dma_wait3A_124 = tpu.memref_slice %arg4[%add3A_47, %dma_wait3A_123] : memref<20000x128xf32, #tpu.memory_space<hbm>> -> memref<624x128xf32, #tpu.memory_space<hbm>>
      %dma_wait3A_125 = arith.constant 0 : i32
      %dma_wait3A_126 = tpu.memref_slice %arg6[%mul3A_0, %dma_wait3A_125] : memref<10000x128xf32, #tpu.memory_space<vmem_shared>> -> memref<624x128xf32, #tpu.memory_space<vmem_shared>>
      tpu.wait_dma2 semaphore(%run_scoped3A : memref<!tpu.dma_semaphore, #tpu.memory_space<semaphore_mem>>) src(%dma_wait3A_126 : memref<624x128xf32, #tpu.memory_space<vmem_shared>>) dst(%dma_wait3A_124 : memref<624x128xf32, #tpu.memory_space<hbm>>)
      tpu.yield
    }) : () -> ()
    %eq3A_48 = arith.constant 0 : i32
    %eq3A_49 = arith.cmpi eq, %arg1, %eq3A_48 : i32
    %convert_element_type3A_50 = arith.extui %eq3A_49 : i1 to i32
    %cond3A_51 = arith.constant 0 : i32
    %cond3A_52 = arith.cmpi ne, %convert_element_type3A_50, %cond3A_51 : i32
    scf.if %cond3A_52 {
      %mul3A_119 = arith.constant 10000 : i32
      %mul3A_120 = arith.muli %arg0, %mul3A_119 : i32
      %add3A_121 = arith.constant 9984 : i32
      %add3A_122 = arith.addi %mul3A_120, %add3A_121 : i32
      "tpu.region"() ({
        %run_scoped3A = tpu.sem_alloc : memref<!tpu.dma_semaphore, #tpu.memory_space<semaphore_mem>>
        %dma_start3A_123 = arith.constant 0 : i32
        %dma_start3A_124 = tpu.memref_slice %arg4[%add3A_122, %dma_start3A_123] : memref<20000x128xf32, #tpu.memory_space<hbm>> -> memref<16x128xf32, #tpu.memory_space<hbm>>
        %dma_start3A_125 = arith.constant 9984 : i32
        %dma_start3A_126 = arith.constant 0 : i32
        %dma_start3A_127 = tpu.memref_slice %arg6[%dma_start3A_125, %dma_start3A_126] : memref<10000x128xf32, #tpu.memory_space<vmem_shared>> -> memref<16x128xf32, #tpu.memory_space<vmem_shared>>
        tpu.enqueue_dma source(%dma_start3A_127 : memref<16x128xf32, #tpu.memory_space<vmem_shared>>) target(%dma_start3A_124 : memref<16x128xf32, #tpu.memory_space<hbm>>) target_semaphore(%run_scoped3A : memref<!tpu.dma_semaphore, #tpu.memory_space<semaphore_mem>>)
        %dma_wait3A_128 = arith.constant 0 : i32
        %dma_wait3A_129 = tpu.memref_slice %arg4[%add3A_122, %dma_wait3A_128] : memref<20000x128xf32, #tpu.memory_space<hbm>> -> memref<16x128xf32, #tpu.memory_space<hbm>>
        %dma_wait3A_130 = arith.constant 9984 : i32
        %dma_wait3A_131 = arith.constant 0 : i32
        %dma_wait3A_132 = tpu.memref_slice %arg6[%dma_wait3A_130, %dma_wait3A_131] : memref<10000x128xf32, #tpu.memory_space<vmem_shared>> -> memref<16x128xf32, #tpu.memory_space<vmem_shared>>
        tpu.wait_dma2 semaphore(%run_scoped3A : memref<!tpu.dma_semaphore, #tpu.memory_space<semaphore_mem>>) src(%dma_wait3A_132 : memref<16x128xf32, #tpu.memory_space<vmem_shared>>) dst(%dma_wait3A_129 : memref<16x128xf32, #tpu.memory_space<hbm>>)
        tpu.yield
      }) : () -> ()
    } else {
    }
    %barrier3A_53 = arith.constant 0 : index
    tpu.barrier barrier_id(%barrier3A_53)
    %scan3A_54 = arith.constant 0 : i32
    %scan3A_55 = arith.constant 0 : i32
    %scan3A_56 = arith.constant 1024 : i32
    %scan3A_57 = arith.addi %scan3A_55, %scan3A_56 : i32
    %scan3A_58 = arith.constant 1 : i32
    scf.for %scan3A_119 = %scan3A_55 to %scan3A_57 step %scan3A_58  : i32 {
      %broadcast_in_dim3A = arith.constant 0.000000e+00 : f32
      %broadcast_in_dim3A_120 = vector.broadcast %broadcast_in_dim3A : f32 to vector<16xf32>
      %jit3A = arith.constant 8 : i32
      %div3A = arith.divsi %scan3A_119, %jit3A : i32
      %sign3A = arith.constant 0 : i32
      %sign3A_121 = arith.cmpi sgt, %scan3A_119, %sign3A : i32
      %sign3A_122 = arith.extui %sign3A_121 : i1 to i32
      %sign3A_123 = arith.constant 0 : i32
      %sign3A_124 = arith.cmpi slt, %scan3A_119, %sign3A_123 : i32
      %sign3A_125 = arith.extui %sign3A_124 : i1 to i32
      %sign3A_126 = arith.subi %sign3A_122, %sign3A_125 : i32
      %sign3A_127 = arith.constant 0 : i32
      %sign3A_128 = arith.cmpi sgt, %jit3A, %sign3A_127 : i32
      %sign3A_129 = arith.extui %sign3A_128 : i1 to i32
      %sign3A_130 = arith.constant 0 : i32
      %sign3A_131 = arith.cmpi slt, %jit3A, %sign3A_130 : i32
      %sign3A_132 = arith.extui %sign3A_131 : i1 to i32
      %sign3A_133 = arith.subi %sign3A_129, %sign3A_132 : i32
      %ne3A = arith.cmpi ne, %sign3A_126, %sign3A_133 : i32
      %rem3A = arith.remsi %scan3A_119, %jit3A : i32
      %ne3A_134 = arith.constant 0 : i32
      %ne3A_135 = arith.cmpi ne, %rem3A, %ne3A_134 : i32
      %and3A = arith.andi %ne3A, %ne3A_135 : i1
      %sub3A = arith.constant 1 : i32
      %sub3A_136 = arith.subi %div3A, %sub3A : i32
      %select_n3A = arith.select %and3A, %sub3A_136, %div3A : i32
      %jit3A_137 = arith.constant 8 : i32
      %eq3A_138 = arith.constant 0 : i32
      %eq3A_139 = arith.cmpi eq, %jit3A_137, %eq3A_138 : i32
      %jit3A_140 = arith.constant 1 : i32
      %select_n3A_141 = arith.select %eq3A_139, %jit3A_140, %jit3A_137 : i32
      %rem3A_142 = arith.remsi %scan3A_119, %select_n3A_141 : i32
      %ne3A_143 = arith.constant 0 : i32
      %ne3A_144 = arith.cmpi ne, %rem3A_142, %ne3A_143 : i32
      %lt3A_145 = arith.constant 0 : i32
      %lt3A_146 = arith.cmpi slt, %rem3A_142, %lt3A_145 : i32
      %lt3A_147 = arith.constant 0 : i32
      %lt3A_148 = arith.cmpi slt, %select_n3A_141, %lt3A_147 : i32
      %ne3A_149 = arith.xori %lt3A_146, %lt3A_148 : i1
      %and3A_150 = arith.andi %ne3A_149, %ne3A_144 : i1
      %add3A_151 = arith.addi %rem3A_142, %select_n3A_141 : i32
      %select_n3A_152 = arith.select %and3A_150, %add3A_151, %rem3A_142 : i32
      %mul3A_153 = arith.constant 16 : i32
      %mul3A_154 = arith.muli %select_n3A_152, %mul3A_153 : i32
      %swap3A = arith.index_cast %select_n3A : i32 to index
      %swap3A_155 = arith.index_cast %mul3A_154 : i32 to index
      %swap3A_156 = tpu.vector_load %arg7[%swap3A, %swap3A_155] {strides = array<i32>} : memref<128x128xf32, #tpu.memory_space<vmem>>, vector<1x16xf32>,
      %swap3A_157 = vector.shape_cast %swap3A_156 : vector<1x16xf32> to vector<16xf32>
      %swap3A_158 = vector.shape_cast %broadcast_in_dim3A_120 : vector<16xf32> to vector<1x16xf32>
      tpu.vector_store %arg7[%swap3A, %swap3A_155], %swap3A_158 {strides = array<i32>} : memref<128x128xf32, #tpu.memory_space<vmem>>, vector<1x16xf32>,
    }
    %scan3A_59 = arith.constant 1024 : i32
    %add3A_60 = arith.constant 0 : i32
    %add3A_61 = arith.addi %mul3A_0, %add3A_60 : i32
    "tpu.region"() ({
      %run_scoped3A = tpu.sem_alloc : memref<!tpu.dma_semaphore, #tpu.memory_space<semaphore_mem>>
      %dma_start3A_119 = arith.constant 0 : i32
      %dma_start3A_120 = arith.constant 0 : i32
      %dma_start3A_121 = tpu.memref_slice %arg7[%dma_start3A_119, %dma_start3A_120] : memref<128x128xf32, #tpu.memory_space<vmem>> -> memref<128x128xf32, #tpu.memory_space<vmem>>
      %dma_start3A_122 = arith.constant 0 : i32
      %dma_start3A_123 = tpu.memref_slice %arg6[%add3A_61, %dma_start3A_122] : memref<10000x128xf32, #tpu.memory_space<vmem_shared>> -> memref<128x128xf32, #tpu.memory_space<vmem_shared>>
      %dma_start3A_124 = arith.constant 0 : i32
      %dma_start3A_125 = tpu.memref_slice %arg6[%add3A_61, %dma_start3A_124] : memref<10000x128xf32, #tpu.memory_space<vmem_shared>> -> memref<128x128xf32, #tpu.memory_space<vmem_shared>>
      %dma_start3A_126 = arith.constant 0 : i32
      %dma_start3A_127 = arith.constant 0 : i32
      %dma_start3A_128 = tpu.memref_slice %arg7[%dma_start3A_126, %dma_start3A_127] : memref<128x128xf32, #tpu.memory_space<vmem>> -> memref<128x128xf32, #tpu.memory_space<vmem>>
      tpu.enqueue_dma source(%dma_start3A_128 : memref<128x128xf32, #tpu.memory_space<vmem>>) target(%dma_start3A_125 : memref<128x128xf32, #tpu.memory_space<vmem_shared>>) target_semaphore(%run_scoped3A : memref<!tpu.dma_semaphore, #tpu.memory_space<semaphore_mem>>)
      %dma_wait3A_129 = arith.constant 0 : i32
      %dma_wait3A_130 = arith.constant 0 : i32
      %dma_wait3A_131 = tpu.memref_slice %arg7[%dma_wait3A_129, %dma_wait3A_130] : memref<128x128xf32, #tpu.memory_space<vmem>> -> memref<128x128xf32, #tpu.memory_space<vmem>>
      %dma_wait3A_132 = arith.constant 0 : i32
      %dma_wait3A_133 = tpu.memref_slice %arg6[%add3A_61, %dma_wait3A_132] : memref<10000x128xf32, #tpu.memory_space<vmem_shared>> -> memref<128x128xf32, #tpu.memory_space<vmem_shared>>
      %dma_wait3A_134 = arith.constant 0 : i32
      %dma_wait3A_135 = tpu.memref_slice %arg6[%add3A_61, %dma_wait3A_134] : memref<10000x128xf32, #tpu.memory_space<vmem_shared>> -> memref<128x128xf32, #tpu.memory_space<vmem_shared>>
      %dma_wait3A_136 = arith.constant 0 : i32
      %dma_wait3A_137 = arith.constant 0 : i32
      %dma_wait3A_138 = tpu.memref_slice %arg7[%dma_wait3A_136, %dma_wait3A_137] : memref<128x128xf32, #tpu.memory_space<vmem>> -> memref<128x128xf32, #tpu.memory_space<vmem>>
      tpu.wait_dma2 semaphore(%run_scoped3A : memref<!tpu.dma_semaphore, #tpu.memory_space<semaphore_mem>>) src(%dma_wait3A_138 : memref<128x128xf32, #tpu.memory_space<vmem>>) dst(%dma_wait3A_135 : memref<128x128xf32, #tpu.memory_space<vmem_shared>>)
      tpu.yield
    }) : () -> ()
    %add3A_62 = arith.constant 128 : i32
    %add3A_63 = arith.addi %mul3A_0, %add3A_62 : i32
    "tpu.region"() ({
      %run_scoped3A = tpu.sem_alloc : memref<!tpu.dma_semaphore, #tpu.memory_space<semaphore_mem>>
      %dma_start3A_119 = arith.constant 0 : i32
      %dma_start3A_120 = arith.constant 0 : i32
      %dma_start3A_121 = tpu.memref_slice %arg7[%dma_start3A_119, %dma_start3A_120] : memref<128x128xf32, #tpu.memory_space<vmem>> -> memref<128x128xf32, #tpu.memory_space<vmem>>
      %dma_start3A_122 = arith.constant 0 : i32
      %dma_start3A_123 = tpu.memref_slice %arg6[%add3A_63, %dma_start3A_122] : memref<10000x128xf32, #tpu.memory_space<vmem_shared>> -> memref<128x128xf32, #tpu.memory_space<vmem_shared>>
      %dma_start3A_124 = arith.constant 0 : i32
      %dma_start3A_125 = tpu.memref_slice %arg6[%add3A_63, %dma_start3A_124] : memref<10000x128xf32, #tpu.memory_space<vmem_shared>> -> memref<128x128xf32, #tpu.memory_space<vmem_shared>>
      %dma_start3A_126 = arith.constant 0 : i32
      %dma_start3A_127 = arith.constant 0 : i32
      %dma_start3A_128 = tpu.memref_slice %arg7[%dma_start3A_126, %dma_start3A_127] : memref<128x128xf32, #tpu.memory_space<vmem>> -> memref<128x128xf32, #tpu.memory_space<vmem>>
      tpu.enqueue_dma source(%dma_start3A_128 : memref<128x128xf32, #tpu.memory_space<vmem>>) target(%dma_start3A_125 : memref<128x128xf32, #tpu.memory_space<vmem_shared>>) target_semaphore(%run_scoped3A : memref<!tpu.dma_semaphore, #tpu.memory_space<semaphore_mem>>)
      %dma_wait3A_129 = arith.constant 0 : i32
      %dma_wait3A_130 = arith.constant 0 : i32
      %dma_wait3A_131 = tpu.memref_slice %arg7[%dma_wait3A_129, %dma_wait3A_130] : memref<128x128xf32, #tpu.memory_space<vmem>> -> memref<128x128xf32, #tpu.memory_space<vmem>>
      %dma_wait3A_132 = arith.constant 0 : i32
      %dma_wait3A_133 = tpu.memref_slice %arg6[%add3A_63, %dma_wait3A_132] : memref<10000x128xf32, #tpu.memory_space<vmem_shared>> -> memref<128x128xf32, #tpu.memory_space<vmem_shared>>
      %dma_wait3A_134 = arith.constant 0 : i32
      %dma_wait3A_135 = tpu.memref_slice %arg6[%add3A_63, %dma_wait3A_134] : memref<10000x128xf32, #tpu.memory_space<vmem_shared>> -> memref<128x128xf32, #tpu.memory_space<vmem_shared>>
      %dma_wait3A_136 = arith.constant 0 : i32
      %dma_wait3A_137 = arith.constant 0 : i32
      %dma_wait3A_138 = tpu.memref_slice %arg7[%dma_wait3A_136, %dma_wait3A_137] : memref<128x128xf32, #tpu.memory_space<vmem>> -> memref<128x128xf32, #tpu.memory_space<vmem>>
      tpu.wait_dma2 semaphore(%run_scoped3A : memref<!tpu.dma_semaphore, #tpu.memory_space<semaphore_mem>>) src(%dma_wait3A_138 : memref<128x128xf32, #tpu.memory_space<vmem>>) dst(%dma_wait3A_135 : memref<128x128xf32, #tpu.memory_space<vmem_shared>>)
      tpu.yield
    }) : () -> ()
    %add3A_64 = arith.constant 256 : i32
    %add3A_65 = arith.addi %mul3A_0, %add3A_64 : i32
    "tpu.region"() ({
      %run_scoped3A = tpu.sem_alloc : memref<!tpu.dma_semaphore, #tpu.memory_space<semaphore_mem>>
      %dma_start3A_119 = arith.constant 0 : i32
      %dma_start3A_120 = arith.constant 0 : i32
      %dma_start3A_121 = tpu.memref_slice %arg7[%dma_start3A_119, %dma_start3A_120] : memref<128x128xf32, #tpu.memory_space<vmem>> -> memref<128x128xf32, #tpu.memory_space<vmem>>
      %dma_start3A_122 = arith.constant 0 : i32
      %dma_start3A_123 = tpu.memref_slice %arg6[%add3A_65, %dma_start3A_122] : memref<10000x128xf32, #tpu.memory_space<vmem_shared>> -> memref<128x128xf32, #tpu.memory_space<vmem_shared>>
      %dma_start3A_124 = arith.constant 0 : i32
      %dma_start3A_125 = tpu.memref_slice %arg6[%add3A_65, %dma_start3A_124] : memref<10000x128xf32, #tpu.memory_space<vmem_shared>> -> memref<128x128xf32, #tpu.memory_space<vmem_shared>>
      %dma_start3A_126 = arith.constant 0 : i32
      %dma_start3A_127 = arith.constant 0 : i32
      %dma_start3A_128 = tpu.memref_slice %arg7[%dma_start3A_126, %dma_start3A_127] : memref<128x128xf32, #tpu.memory_space<vmem>> -> memref<128x128xf32, #tpu.memory_space<vmem>>
      tpu.enqueue_dma source(%dma_start3A_128 : memref<128x128xf32, #tpu.memory_space<vmem>>) target(%dma_start3A_125 : memref<128x128xf32, #tpu.memory_space<vmem_shared>>) target_semaphore(%run_scoped3A : memref<!tpu.dma_semaphore, #tpu.memory_space<semaphore_mem>>)
      %dma_wait3A_129 = arith.constant 0 : i32
      %dma_wait3A_130 = arith.constant 0 : i32
      %dma_wait3A_131 = tpu.memref_slice %arg7[%dma_wait3A_129, %dma_wait3A_130] : memref<128x128xf32, #tpu.memory_space<vmem>> -> memref<128x128xf32, #tpu.memory_space<vmem>>
      %dma_wait3A_132 = arith.constant 0 : i32
      %dma_wait3A_133 = tpu.memref_slice %arg6[%add3A_65, %dma_wait3A_132] : memref<10000x128xf32, #tpu.memory_space<vmem_shared>> -> memref<128x128xf32, #tpu.memory_space<vmem_shared>>
      %dma_wait3A_134 = arith.constant 0 : i32
      %dma_wait3A_135 = tpu.memref_slice %arg6[%add3A_65, %dma_wait3A_134] : memref<10000x128xf32, #tpu.memory_space<vmem_shared>> -> memref<128x128xf32, #tpu.memory_space<vmem_shared>>
      %dma_wait3A_136 = arith.constant 0 : i32
      %dma_wait3A_137 = arith.constant 0 : i32
      %dma_wait3A_138 = tpu.memref_slice %arg7[%dma_wait3A_136, %dma_wait3A_137] : memref<128x128xf32, #tpu.memory_space<vmem>> -> memref<128x128xf32, #tpu.memory_space<vmem>>
      tpu.wait_dma2 semaphore(%run_scoped3A : memref<!tpu.dma_semaphore, #tpu.memory_space<semaphore_mem>>) src(%dma_wait3A_138 : memref<128x128xf32, #tpu.memory_space<vmem>>) dst(%dma_wait3A_135 : memref<128x128xf32, #tpu.memory_space<vmem_shared>>)
      tpu.yield
    }) : () -> ()
    %add3A_66 = arith.constant 384 : i32
    %add3A_67 = arith.addi %mul3A_0, %add3A_66 : i32
    "tpu.region"() ({
      %run_scoped3A = tpu.sem_alloc : memref<!tpu.dma_semaphore, #tpu.memory_space<semaphore_mem>>
      %dma_start3A_119 = arith.constant 0 : i32
      %dma_start3A_120 = arith.constant 0 : i32
      %dma_start3A_121 = tpu.memref_slice %arg7[%dma_start3A_119, %dma_start3A_120] : memref<128x128xf32, #tpu.memory_space<vmem>> -> memref<128x128xf32, #tpu.memory_space<vmem>>
      %dma_start3A_122 = arith.constant 0 : i32
      %dma_start3A_123 = tpu.memref_slice %arg6[%add3A_67, %dma_start3A_122] : memref<10000x128xf32, #tpu.memory_space<vmem_shared>> -> memref<128x128xf32, #tpu.memory_space<vmem_shared>>
      %dma_start3A_124 = arith.constant 0 : i32
      %dma_start3A_125 = tpu.memref_slice %arg6[%add3A_67, %dma_start3A_124] : memref<10000x128xf32, #tpu.memory_space<vmem_shared>> -> memref<128x128xf32, #tpu.memory_space<vmem_shared>>
      %dma_start3A_126 = arith.constant 0 : i32
      %dma_start3A_127 = arith.constant 0 : i32
      %dma_start3A_128 = tpu.memref_slice %arg7[%dma_start3A_126, %dma_start3A_127] : memref<128x128xf32, #tpu.memory_space<vmem>> -> memref<128x128xf32, #tpu.memory_space<vmem>>
      tpu.enqueue_dma source(%dma_start3A_128 : memref<128x128xf32, #tpu.memory_space<vmem>>) target(%dma_start3A_125 : memref<128x128xf32, #tpu.memory_space<vmem_shared>>) target_semaphore(%run_scoped3A : memref<!tpu.dma_semaphore, #tpu.memory_space<semaphore_mem>>)
      %dma_wait3A_129 = arith.constant 0 : i32
      %dma_wait3A_130 = arith.constant 0 : i32
      %dma_wait3A_131 = tpu.memref_slice %arg7[%dma_wait3A_129, %dma_wait3A_130] : memref<128x128xf32, #tpu.memory_space<vmem>> -> memref<128x128xf32, #tpu.memory_space<vmem>>
      %dma_wait3A_132 = arith.constant 0 : i32
      %dma_wait3A_133 = tpu.memref_slice %arg6[%add3A_67, %dma_wait3A_132] : memref<10000x128xf32, #tpu.memory_space<vmem_shared>> -> memref<128x128xf32, #tpu.memory_space<vmem_shared>>
      %dma_wait3A_134 = arith.constant 0 : i32
      %dma_wait3A_135 = tpu.memref_slice %arg6[%add3A_67, %dma_wait3A_134] : memref<10000x128xf32, #tpu.memory_space<vmem_shared>> -> memref<128x128xf32, #tpu.memory_space<vmem_shared>>
      %dma_wait3A_136 = arith.constant 0 : i32
      %dma_wait3A_137 = arith.constant 0 : i32
      %dma_wait3A_138 = tpu.memref_slice %arg7[%dma_wait3A_136, %dma_wait3A_137] : memref<128x128xf32, #tpu.memory_space<vmem>> -> memref<128x128xf32, #tpu.memory_space<vmem>>
      tpu.wait_dma2 semaphore(%run_scoped3A : memref<!tpu.dma_semaphore, #tpu.memory_space<semaphore_mem>>) src(%dma_wait3A_138 : memref<128x128xf32, #tpu.memory_space<vmem>>) dst(%dma_wait3A_135 : memref<128x128xf32, #tpu.memory_space<vmem_shared>>)
      tpu.yield
    }) : () -> ()
    %add3A_68 = arith.constant 512 : i32
    %add3A_69 = arith.addi %mul3A_0, %add3A_68 : i32
    "tpu.region"() ({
      %run_scoped3A = tpu.sem_alloc : memref<!tpu.dma_semaphore, #tpu.memory_space<semaphore_mem>>
      %dma_start3A_119 = arith.constant 0 : i32
      %dma_start3A_120 = arith.constant 0 : i32
      %dma_start3A_121 = tpu.memref_slice %arg7[%dma_start3A_119, %dma_start3A_120] : memref<128x128xf32, #tpu.memory_space<vmem>> -> memref<112x128xf32, #tpu.memory_space<vmem>>
      %dma_start3A_122 = arith.constant 0 : i32
      %dma_start3A_123 = tpu.memref_slice %arg6[%add3A_69, %dma_start3A_122] : memref<10000x128xf32, #tpu.memory_space<vmem_shared>> -> memref<112x128xf32, #tpu.memory_space<vmem_shared>>
      %dma_start3A_124 = arith.constant 0 : i32
      %dma_start3A_125 = tpu.memref_slice %arg6[%add3A_69, %dma_start3A_124] : memref<10000x128xf32, #tpu.memory_space<vmem_shared>> -> memref<112x128xf32, #tpu.memory_space<vmem_shared>>
      %dma_start3A_126 = arith.constant 0 : i32
      %dma_start3A_127 = arith.constant 0 : i32
      %dma_start3A_128 = tpu.memref_slice %arg7[%dma_start3A_126, %dma_start3A_127] : memref<128x128xf32, #tpu.memory_space<vmem>> -> memref<112x128xf32, #tpu.memory_space<vmem>>
      tpu.enqueue_dma source(%dma_start3A_128 : memref<112x128xf32, #tpu.memory_space<vmem>>) target(%dma_start3A_125 : memref<112x128xf32, #tpu.memory_space<vmem_shared>>) target_semaphore(%run_scoped3A : memref<!tpu.dma_semaphore, #tpu.memory_space<semaphore_mem>>)
      %dma_wait3A_129 = arith.constant 0 : i32
      %dma_wait3A_130 = arith.constant 0 : i32
      %dma_wait3A_131 = tpu.memref_slice %arg7[%dma_wait3A_129, %dma_wait3A_130] : memref<128x128xf32, #tpu.memory_space<vmem>> -> memref<112x128xf32, #tpu.memory_space<vmem>>
      %dma_wait3A_132 = arith.constant 0 : i32
      %dma_wait3A_133 = tpu.memref_slice %arg6[%add3A_69, %dma_wait3A_132] : memref<10000x128xf32, #tpu.memory_space<vmem_shared>> -> memref<112x128xf32, #tpu.memory_space<vmem_shared>>
      %dma_wait3A_134 = arith.constant 0 : i32
      %dma_wait3A_135 = tpu.memref_slice %arg6[%add3A_69, %dma_wait3A_134] : memref<10000x128xf32, #tpu.memory_space<vmem_shared>> -> memref<112x128xf32, #tpu.memory_space<vmem_shared>>
      %dma_wait3A_136 = arith.constant 0 : i32
      %dma_wait3A_137 = arith.constant 0 : i32
      %dma_wait3A_138 = tpu.memref_slice %arg7[%dma_wait3A_136, %dma_wait3A_137] : memref<128x128xf32, #tpu.memory_space<vmem>> -> memref<112x128xf32, #tpu.memory_space<vmem>>
      tpu.wait_dma2 semaphore(%run_scoped3A : memref<!tpu.dma_semaphore, #tpu.memory_space<semaphore_mem>>) src(%dma_wait3A_138 : memref<112x128xf32, #tpu.memory_space<vmem>>) dst(%dma_wait3A_135 : memref<112x128xf32, #tpu.memory_space<vmem_shared>>)
      tpu.yield
    }) : () -> ()
    %eq3A_70 = arith.constant 0 : i32
    %eq3A_71 = arith.cmpi eq, %arg1, %eq3A_70 : i32
    %convert_element_type3A_72 = arith.extui %eq3A_71 : i1 to i32
    %cond3A_73 = arith.constant 0 : i32
    %cond3A_74 = arith.cmpi ne, %convert_element_type3A_72, %cond3A_73 : i32
    scf.if %cond3A_74 {
      "tpu.region"() ({
        %run_scoped3A = tpu.sem_alloc : memref<!tpu.dma_semaphore, #tpu.memory_space<semaphore_mem>>
        %dma_start3A_119 = arith.constant 0 : i32
        %dma_start3A_120 = arith.constant 0 : i32
        %dma_start3A_121 = tpu.memref_slice %arg7[%dma_start3A_119, %dma_start3A_120] : memref<128x128xf32, #tpu.memory_space<vmem>> -> memref<16x128xf32, #tpu.memory_space<vmem>>
        %dma_start3A_122 = arith.constant 9984 : i32
        %dma_start3A_123 = arith.constant 0 : i32
        %dma_start3A_124 = tpu.memref_slice %arg6[%dma_start3A_122, %dma_start3A_123] : memref<10000x128xf32, #tpu.memory_space<vmem_shared>> -> memref<16x128xf32, #tpu.memory_space<vmem_shared>>
        %dma_start3A_125 = arith.constant 9984 : i32
        %dma_start3A_126 = arith.constant 0 : i32
        %dma_start3A_127 = tpu.memref_slice %arg6[%dma_start3A_125, %dma_start3A_126] : memref<10000x128xf32, #tpu.memory_space<vmem_shared>> -> memref<16x128xf32, #tpu.memory_space<vmem_shared>>
        %dma_start3A_128 = arith.constant 0 : i32
        %dma_start3A_129 = arith.constant 0 : i32
        %dma_start3A_130 = tpu.memref_slice %arg7[%dma_start3A_128, %dma_start3A_129] : memref<128x128xf32, #tpu.memory_space<vmem>> -> memref<16x128xf32, #tpu.memory_space<vmem>>
        tpu.enqueue_dma source(%dma_start3A_130 : memref<16x128xf32, #tpu.memory_space<vmem>>) target(%dma_start3A_127 : memref<16x128xf32, #tpu.memory_space<vmem_shared>>) target_semaphore(%run_scoped3A : memref<!tpu.dma_semaphore, #tpu.memory_space<semaphore_mem>>)
        %dma_wait3A_131 = arith.constant 0 : i32
        %dma_wait3A_132 = arith.constant 0 : i32
        %dma_wait3A_133 = tpu.memref_slice %arg7[%dma_wait3A_131, %dma_wait3A_132] : memref<128x128xf32, #tpu.memory_space<vmem>> -> memref<16x128xf32, #tpu.memory_space<vmem>>
        %dma_wait3A_134 = arith.constant 9984 : i32
        %dma_wait3A_135 = arith.constant 0 : i32
        %dma_wait3A_136 = tpu.memref_slice %arg6[%dma_wait3A_134, %dma_wait3A_135] : memref<10000x128xf32, #tpu.memory_space<vmem_shared>> -> memref<16x128xf32, #tpu.memory_space<vmem_shared>>
        %dma_wait3A_137 = arith.constant 9984 : i32
        %dma_wait3A_138 = arith.constant 0 : i32
        %dma_wait3A_139 = tpu.memref_slice %arg6[%dma_wait3A_137, %dma_wait3A_138] : memref<10000x128xf32, #tpu.memory_space<vmem_shared>> -> memref<16x128xf32, #tpu.memory_space<vmem_shared>>
        %dma_wait3A_140 = arith.constant 0 : i32
        %dma_wait3A_141 = arith.constant 0 : i32
        %dma_wait3A_142 = tpu.memref_slice %arg7[%dma_wait3A_140, %dma_wait3A_141] : memref<128x128xf32, #tpu.memory_space<vmem>> -> memref<16x128xf32, #tpu.memory_space<vmem>>
        tpu.wait_dma2 semaphore(%run_scoped3A : memref<!tpu.dma_semaphore, #tpu.memory_space<semaphore_mem>>) src(%dma_wait3A_142 : memref<16x128xf32, #tpu.memory_space<vmem>>) dst(%dma_wait3A_139 : memref<16x128xf32, #tpu.memory_space<vmem_shared>>)
        tpu.yield
      }) : () -> ()
    } else {
    }
    %barrier3A_75 = arith.constant 0 : index
    tpu.barrier barrier_id(%barrier3A_75)
    %scan3A_76 = arith.constant 0 : i32
    %scan3A_77 = arith.constant 0 : i32
    %scan3A_78 = arith.constant 1024 : i32
    %scan3A_79 = arith.addi %scan3A_77, %scan3A_78 : i32
    %scan3A_80 = arith.constant 1 : i32
    scf.for %scan3A_119 = %scan3A_77 to %scan3A_79 step %scan3A_80  : i32 {
      %broadcast_in_dim3A = arith.constant 1.000000e+00 : f32
      %broadcast_in_dim3A_120 = vector.broadcast %broadcast_in_dim3A : f32 to vector<16xf32>
      %jit3A = arith.constant 8 : i32
      %div3A = arith.divsi %scan3A_119, %jit3A : i32
      %sign3A = arith.constant 0 : i32
      %sign3A_121 = arith.cmpi sgt, %scan3A_119, %sign3A : i32
      %sign3A_122 = arith.extui %sign3A_121 : i1 to i32
      %sign3A_123 = arith.constant 0 : i32
      %sign3A_124 = arith.cmpi slt, %scan3A_119, %sign3A_123 : i32
      %sign3A_125 = arith.extui %sign3A_124 : i1 to i32
      %sign3A_126 = arith.subi %sign3A_122, %sign3A_125 : i32
      %sign3A_127 = arith.constant 0 : i32
      %sign3A_128 = arith.cmpi sgt, %jit3A, %sign3A_127 : i32
      %sign3A_129 = arith.extui %sign3A_128 : i1 to i32
      %sign3A_130 = arith.constant 0 : i32
      %sign3A_131 = arith.cmpi slt, %jit3A, %sign3A_130 : i32
      %sign3A_132 = arith.extui %sign3A_131 : i1 to i32
      %sign3A_133 = arith.subi %sign3A_129, %sign3A_132 : i32
      %ne3A = arith.cmpi ne, %sign3A_126, %sign3A_133 : i32
      %rem3A = arith.remsi %scan3A_119, %jit3A : i32
      %ne3A_134 = arith.constant 0 : i32
      %ne3A_135 = arith.cmpi ne, %rem3A, %ne3A_134 : i32
      %and3A = arith.andi %ne3A, %ne3A_135 : i1
      %sub3A = arith.constant 1 : i32
      %sub3A_136 = arith.subi %div3A, %sub3A : i32
      %select_n3A = arith.select %and3A, %sub3A_136, %div3A : i32
      %jit3A_137 = arith.constant 8 : i32
      %eq3A_138 = arith.constant 0 : i32
      %eq3A_139 = arith.cmpi eq, %jit3A_137, %eq3A_138 : i32
      %jit3A_140 = arith.constant 1 : i32
      %select_n3A_141 = arith.select %eq3A_139, %jit3A_140, %jit3A_137 : i32
      %rem3A_142 = arith.remsi %scan3A_119, %select_n3A_141 : i32
      %ne3A_143 = arith.constant 0 : i32
      %ne3A_144 = arith.cmpi ne, %rem3A_142, %ne3A_143 : i32
      %lt3A_145 = arith.constant 0 : i32
      %lt3A_146 = arith.cmpi slt, %rem3A_142, %lt3A_145 : i32
      %lt3A_147 = arith.constant 0 : i32
      %lt3A_148 = arith.cmpi slt, %select_n3A_141, %lt3A_147 : i32
      %ne3A_149 = arith.xori %lt3A_146, %lt3A_148 : i1
      %and3A_150 = arith.andi %ne3A_149, %ne3A_144 : i1
      %add3A_151 = arith.addi %rem3A_142, %select_n3A_141 : i32
      %select_n3A_152 = arith.select %and3A_150, %add3A_151, %rem3A_142 : i32
      %mul3A_153 = arith.constant 16 : i32
      %mul3A_154 = arith.muli %select_n3A_152, %mul3A_153 : i32
      %swap3A = arith.index_cast %select_n3A : i32 to index
      %swap3A_155 = arith.index_cast %mul3A_154 : i32 to index
      %swap3A_156 = tpu.vector_load %arg7[%swap3A, %swap3A_155] {strides = array<i32>} : memref<128x128xf32, #tpu.memory_space<vmem>>, vector<1x16xf32>,
      %swap3A_157 = vector.shape_cast %swap3A_156 : vector<1x16xf32> to vector<16xf32>
      %swap3A_158 = vector.shape_cast %broadcast_in_dim3A_120 : vector<16xf32> to vector<1x16xf32>
      tpu.vector_store %arg7[%swap3A, %swap3A_155], %swap3A_158 {strides = array<i32>} : memref<128x128xf32, #tpu.memory_space<vmem>>, vector<1x16xf32>,
    }
    %scan3A_81 = arith.constant 1024 : i32
    %mul3A_82 = arith.constant 625 : i32
    %mul3A_83 = arith.muli %arg0, %mul3A_82 : i32
    %add3A_84 = arith.addi %mul3A_83, %arg1 : i32
    %mul3A_85 = arith.constant 128 : i32
    %mul3A_86 = arith.muli %add3A_84, %mul3A_85 : i32
    %dma_start3A_87 = tpu.memref_slice %arg3[%mul3A_86] : memref<160000xi32, #tpu.memory_space<hbm>> -> memref<128xi32, #tpu.memory_space<hbm>>
    %dma_start3A_88 = tpu.memref_slice %arg3[%mul3A_86] : memref<160000xi32, #tpu.memory_space<hbm>> -> memref<128xi32, #tpu.memory_space<hbm>>
    tpu.enqueue_dma source(%dma_start3A_88 : memref<128xi32, #tpu.memory_space<hbm>>) target(%arg9 : memref<128xi32, #tpu.memory_space<vmem>>) target_semaphore(%arg11 : memref<!tpu.dma_semaphore, #tpu.memory_space<semaphore_mem>>)
    %scan3A_89 = arith.constant 0 : i32
    %scan3A_90 = arith.constant 0 : i32
    %scan3A_91 = arith.constant 19 : i32
    %scan3A_92 = arith.addi %scan3A_90, %scan3A_91 : i32
    %scan3A_93 = arith.constant 1 : i32
    scf.for %scan3A_119 = %scan3A_90 to %scan3A_92 step %scan3A_93  : i32 {
      %mul3A_120 = arith.constant 2 : i32
      %mul3A_121 = arith.muli %mul3A_120, %scan3A_119 : i32
      %mul3A_122 = arith.constant 16 : i32
      %mul3A_123 = arith.muli %mul3A_122, %mul3A_121 : i32
      %add3A_124 = arith.addi %add3A_84, %mul3A_123 : i32
      %mul3A_125 = arith.constant 2 : i32
      %mul3A_126 = arith.muli %mul3A_125, %scan3A_119 : i32
      %add3A_127 = arith.constant 1 : i32
      %add3A_128 = arith.addi %mul3A_126, %add3A_127 : i32
      %mul3A_129 = arith.constant 16 : i32
      %mul3A_130 = arith.muli %mul3A_129, %add3A_128 : i32
      %add3A_131 = arith.addi %add3A_84, %mul3A_130 : i32
      %gt3A = arith.constant 0 : i32
      %gt3A_132 = arith.cmpi sgt, %scan3A_119, %gt3A : i32
      %convert_element_type3A_133 = arith.extui %gt3A_132 : i1 to i32
      %cond3A_134 = arith.constant 0 : i32
      %cond3A_135 = arith.cmpi ne, %convert_element_type3A_133, %cond3A_134 : i32
      scf.if %cond3A_135 {
        %dma_wait3A_165 = arith.constant 0 : i32
        %dma_wait3A_166 = arith.constant 0 : i32
        %dma_wait3A_167 = tpu.memref_slice %arg6[%dma_wait3A_165, %dma_wait3A_166] : memref<10000x128xf32, #tpu.memory_space<vmem_shared>> -> memref<128x128xf32, #tpu.memory_space<vmem_shared>>
        %dma_wait3A_168 = arith.constant 0 : i32
        %dma_wait3A_169 = arith.constant 0 : i32
        %dma_wait3A_170 = tpu.memref_slice %arg6[%dma_wait3A_168, %dma_wait3A_169] : memref<10000x128xf32, #tpu.memory_space<vmem_shared>> -> memref<128x128xf32, #tpu.memory_space<vmem_shared>>
        tpu.wait_dma2 semaphore(%arg14 : memref<!tpu.dma_semaphore, #tpu.memory_space<semaphore_mem>>) src(%arg7 : memref<128x128xf32, #tpu.memory_space<vmem>>) dst(%dma_wait3A_170 : memref<128x128xf32, #tpu.memory_space<vmem_shared>>)
      } else {
      }
      %mul3A_136 = arith.constant 128 : i32
      %mul3A_137 = arith.muli %add3A_131, %mul3A_136 : i32
      %dma_start3A_138 = tpu.memref_slice %arg3[%mul3A_137] : memref<160000xi32, #tpu.memory_space<hbm>> -> memref<128xi32, #tpu.memory_space<hbm>>
      %dma_start3A_139 = tpu.memref_slice %arg3[%mul3A_137] : memref<160000xi32, #tpu.memory_space<hbm>> -> memref<128xi32, #tpu.memory_space<hbm>>
      tpu.enqueue_dma source(%dma_start3A_139 : memref<128xi32, #tpu.memory_space<hbm>>) target(%arg10 : memref<128xi32, #tpu.memory_space<vmem>>) target_semaphore(%arg12 : memref<!tpu.dma_semaphore, #tpu.memory_space<semaphore_mem>>)
      %dma_wait3A_140 = arith.constant 0 : i32
      %dma_wait3A_141 = tpu.memref_slice %arg3[%dma_wait3A_140] : memref<160000xi32, #tpu.memory_space<hbm>> -> memref<128xi32, #tpu.memory_space<hbm>>
      %dma_wait3A_142 = arith.constant 0 : i32
      %dma_wait3A_143 = tpu.memref_slice %arg3[%dma_wait3A_142] : memref<160000xi32, #tpu.memory_space<hbm>> -> memref<128xi32, #tpu.memory_space<hbm>>
      tpu.wait_dma2 semaphore(%arg11 : memref<!tpu.dma_semaphore, #tpu.memory_space<semaphore_mem>>) src(%dma_wait3A_143 : memref<128xi32, #tpu.memory_space<hbm>>) dst(%arg9 : memref<128xi32, #tpu.memory_space<vmem>>)
      %dma_start3A_144 = arith.constant 0 : i32
      %dma_start3A_145 = arith.constant 0 : i32
      %dma_start3A_146 = tpu.memref_slice %arg6[%dma_start3A_144, %dma_start3A_145] : memref<10000x128xf32, #tpu.memory_space<vmem_shared>> -> memref<10000x128xf32, #tpu.memory_space<vmem_shared>>
      tpu.enqueue_indirect_dma source(%arg7 : memref<128x128xf32, #tpu.memory_space<vmem>>) target(%dma_start3A_146 : memref<10000x128xf32, #tpu.memory_space<vmem_shared>>) offsets(%arg9 : memref<128xi32, #tpu.memory_space<vmem>>) semaphore(%arg13 : memref<!tpu.dma_semaphore, #tpu.memory_space<semaphore_mem>>) {add = true}
      %dma_wait3A_147 = arith.constant 0 : i32
      %dma_wait3A_148 = tpu.memref_slice %arg3[%dma_wait3A_147] : memref<160000xi32, #tpu.memory_space<hbm>> -> memref<128xi32, #tpu.memory_space<hbm>>
      %dma_wait3A_149 = arith.constant 0 : i32
      %dma_wait3A_150 = tpu.memref_slice %arg3[%dma_wait3A_149] : memref<160000xi32, #tpu.memory_space<hbm>> -> memref<128xi32, #tpu.memory_space<hbm>>
      tpu.wait_dma2 semaphore(%arg12 : memref<!tpu.dma_semaphore, #tpu.memory_space<semaphore_mem>>) src(%dma_wait3A_150 : memref<128xi32, #tpu.memory_space<hbm>>) dst(%arg10 : memref<128xi32, #tpu.memory_space<vmem>>)
      %dma_wait3A_151 = arith.constant 0 : i32
      %dma_wait3A_152 = arith.constant 0 : i32
      %dma_wait3A_153 = tpu.memref_slice %arg6[%dma_wait3A_151, %dma_wait3A_152] : memref<10000x128xf32, #tpu.memory_space<vmem_shared>> -> memref<128x128xf32, #tpu.memory_space<vmem_shared>>
      %dma_wait3A_154 = arith.constant 0 : i32
      %dma_wait3A_155 = arith.constant 0 : i32
      %dma_wait3A_156 = tpu.memref_slice %arg6[%dma_wait3A_154, %dma_wait3A_155] : memref<10000x128xf32, #tpu.memory_space<vmem_shared>> -> memref<128x128xf32, #tpu.memory_space<vmem_shared>>
      tpu.wait_dma2 semaphore(%arg13 : memref<!tpu.dma_semaphore, #tpu.memory_space<semaphore_mem>>) src(%arg7 : memref<128x128xf32, #tpu.memory_space<vmem>>) dst(%dma_wait3A_156 : memref<128x128xf32, #tpu.memory_space<vmem_shared>>)
      %lt3A_157 = arith.constant 18 : i32
      %lt3A_158 = arith.cmpi slt, %scan3A_119, %lt3A_157 : i32
      %convert_element_type3A_159 = arith.extui %lt3A_158 : i1 to i32
      %cond3A_160 = arith.constant 0 : i32
      %cond3A_161 = arith.cmpi ne, %convert_element_type3A_159, %cond3A_160 : i32
      scf.if %cond3A_161 {
        %add3A_165 = arith.constant 32 : i32
        %add3A_166 = arith.addi %add3A_124, %add3A_165 : i32
        %mul3A_167 = arith.constant 128 : i32
        %mul3A_168 = arith.muli %add3A_166, %mul3A_167 : i32
        %dma_start3A_169 = tpu.memref_slice %arg3[%mul3A_168] : memref<160000xi32, #tpu.memory_space<hbm>> -> memref<128xi32, #tpu.memory_space<hbm>>
        %dma_start3A_170 = tpu.memref_slice %arg3[%mul3A_168] : memref<160000xi32, #tpu.memory_space<hbm>> -> memref<128xi32, #tpu.memory_space<hbm>>
        tpu.enqueue_dma source(%dma_start3A_170 : memref<128xi32, #tpu.memory_space<hbm>>) target(%arg9 : memref<128xi32, #tpu.memory_space<vmem>>) target_semaphore(%arg11 : memref<!tpu.dma_semaphore, #tpu.memory_space<semaphore_mem>>)
      } else {
      }
      %dma_start3A_162 = arith.constant 0 : i32
      %dma_start3A_163 = arith.constant 0 : i32
      %dma_start3A_164 = tpu.memref_slice %arg6[%dma_start3A_162, %dma_start3A_163] : memref<10000x128xf32, #tpu.memory_space<vmem_shared>> -> memref<10000x128xf32, #tpu.memory_space<vmem_shared>>
      tpu.enqueue_indirect_dma source(%arg7 : memref<128x128xf32, #tpu.memory_space<vmem>>) target(%dma_start3A_164 : memref<10000x128xf32, #tpu.memory_space<vmem_shared>>) offsets(%arg10 : memref<128xi32, #tpu.memory_space<vmem>>) semaphore(%arg14 : memref<!tpu.dma_semaphore, #tpu.memory_space<semaphore_mem>>) {add = true}
    }
    %scan3A_94 = arith.constant 19 : i32
    %dma_wait3A_95 = arith.constant 0 : i32
    %dma_wait3A_96 = arith.constant 0 : i32
    %dma_wait3A_97 = tpu.memref_slice %arg6[%dma_wait3A_95, %dma_wait3A_96] : memref<10000x128xf32, #tpu.memory_space<vmem_shared>> -> memref<128x128xf32, #tpu.memory_space<vmem_shared>>
    %dma_wait3A_98 = arith.constant 0 : i32
    %dma_wait3A_99 = arith.constant 0 : i32
    %dma_wait3A_100 = tpu.memref_slice %arg6[%dma_wait3A_98, %dma_wait3A_99] : memref<10000x128xf32, #tpu.memory_space<vmem_shared>> -> memref<128x128xf32, #tpu.memory_space<vmem_shared>>
    tpu.wait_dma2 semaphore(%arg14 : memref<!tpu.dma_semaphore, #tpu.memory_space<semaphore_mem>>) src(%arg7 : memref<128x128xf32, #tpu.memory_space<vmem>>) dst(%dma_wait3A_100 : memref<128x128xf32, #tpu.memory_space<vmem_shared>>)
    %add3A_101 = arith.constant 608 : i32
    %add3A_102 = arith.addi %add3A_84, %add3A_101 : i32
    %mul3A_103 = arith.constant 128 : i32
    %mul3A_104 = arith.muli %add3A_102, %mul3A_103 : i32
    "tpu.region"() ({
      %run_scoped3A = tpu.sem_alloc : memref<!tpu.dma_semaphore, #tpu.memory_space<semaphore_mem>>
      %dma_start3A_119 = tpu.memref_slice %arg3[%mul3A_104] : memref<160000xi32, #tpu.memory_space<hbm>> -> memref<128xi32, #tpu.memory_space<hbm>>
      %dma_start3A_120 = tpu.memref_slice %arg3[%mul3A_104] : memref<160000xi32, #tpu.memory_space<hbm>> -> memref<128xi32, #tpu.memory_space<hbm>>
      tpu.enqueue_dma source(%dma_start3A_120 : memref<128xi32, #tpu.memory_space<hbm>>) target(%arg9 : memref<128xi32, #tpu.memory_space<vmem>>) target_semaphore(%run_scoped3A : memref<!tpu.dma_semaphore, #tpu.memory_space<semaphore_mem>>)
      %dma_wait3A_121 = tpu.memref_slice %arg3[%mul3A_104] : memref<160000xi32, #tpu.memory_space<hbm>> -> memref<128xi32, #tpu.memory_space<hbm>>
      %dma_wait3A_122 = tpu.memref_slice %arg3[%mul3A_104] : memref<160000xi32, #tpu.memory_space<hbm>> -> memref<128xi32, #tpu.memory_space<hbm>>
      tpu.wait_dma2 semaphore(%run_scoped3A : memref<!tpu.dma_semaphore, #tpu.memory_space<semaphore_mem>>) src(%dma_wait3A_122 : memref<128xi32, #tpu.memory_space<hbm>>) dst(%arg9 : memref<128xi32, #tpu.memory_space<vmem>>)
      tpu.yield
    }) : () -> ()
    "tpu.region"() ({
      %run_scoped3A = tpu.sem_alloc : memref<!tpu.dma_semaphore, #tpu.memory_space<semaphore_mem>>
      %dma_start3A_119 = arith.constant 0 : i32
      %dma_start3A_120 = arith.constant 0 : i32
      %dma_start3A_121 = tpu.memref_slice %arg6[%dma_start3A_119, %dma_start3A_120] : memref<10000x128xf32, #tpu.memory_space<vmem_shared>> -> memref<10000x128xf32, #tpu.memory_space<vmem_shared>>
      tpu.enqueue_indirect_dma source(%arg7 : memref<128x128xf32, #tpu.memory_space<vmem>>) target(%dma_start3A_121 : memref<10000x128xf32, #tpu.memory_space<vmem_shared>>) offsets(%arg9 : memref<128xi32, #tpu.memory_space<vmem>>) semaphore(%run_scoped3A : memref<!tpu.dma_semaphore, #tpu.memory_space<semaphore_mem>>) {add = true}
      %dma_wait3A_122 = arith.constant 0 : i32
      %dma_wait3A_123 = arith.constant 0 : i32
      %dma_wait3A_124 = tpu.memref_slice %arg6[%dma_wait3A_122, %dma_wait3A_123] : memref<10000x128xf32, #tpu.memory_space<vmem_shared>> -> memref<10000x128xf32, #tpu.memory_space<vmem_shared>>
      tpu.wait_indirect_dma semaphore(%run_scoped3A : memref<!tpu.dma_semaphore, #tpu.memory_space<semaphore_mem>>) src(%arg7 : memref<128x128xf32, #tpu.memory_space<vmem>>) dst(%dma_wait3A_124 : memref<10000x128xf32, #tpu.memory_space<vmem_shared>>)
      tpu.yield
    }) : () -> ()
    %eq3A_105 = arith.constant 0 : i32
    %eq3A_106 = arith.cmpi eq, %arg1, %eq3A_105 : i32
    %convert_element_type3A_107 = arith.extui %eq3A_106 : i1 to i32
    %cond3A_108 = arith.constant 0 : i32
    %cond3A_109 = arith.cmpi ne, %convert_element_type3A_107, %cond3A_108 : i32
    scf.if %cond3A_109 {
      %mul3A_119 = arith.constant 625 : i32
      %mul3A_120 = arith.muli %arg0, %mul3A_119 : i32
      %add3A_121 = arith.constant 625 : i32
      %add3A_122 = arith.addi %mul3A_120, %add3A_121 : i32
      %sub3A = arith.constant 1 : i32
      %sub3A_123 = arith.subi %add3A_122, %sub3A : i32
      %mul3A_124 = arith.constant 128 : i32
      %mul3A_125 = arith.muli %sub3A_123, %mul3A_124 : i32
      "tpu.region"() ({
        %run_scoped3A = tpu.sem_alloc : memref<!tpu.dma_semaphore, #tpu.memory_space<semaphore_mem>>
        %dma_start3A_126 = tpu.memref_slice %arg3[%mul3A_125] : memref<160000xi32, #tpu.memory_space<hbm>> -> memref<128xi32, #tpu.memory_space<hbm>>
        %dma_start3A_127 = tpu.memref_slice %arg3[%mul3A_125] : memref<160000xi32, #tpu.memory_space<hbm>> -> memref<128xi32, #tpu.memory_space<hbm>>
        tpu.enqueue_dma source(%dma_start3A_127 : memref<128xi32, #tpu.memory_space<hbm>>) target(%arg9 : memref<128xi32, #tpu.memory_space<vmem>>) target_semaphore(%run_scoped3A : memref<!tpu.dma_semaphore, #tpu.memory_space<semaphore_mem>>)
        %dma_wait3A_128 = tpu.memref_slice %arg3[%mul3A_125] : memref<160000xi32, #tpu.memory_space<hbm>> -> memref<128xi32, #tpu.memory_space<hbm>>
        %dma_wait3A_129 = tpu.memref_slice %arg3[%mul3A_125] : memref<160000xi32, #tpu.memory_space<hbm>> -> memref<128xi32, #tpu.memory_space<hbm>>
        tpu.wait_dma2 semaphore(%run_scoped3A : memref<!tpu.dma_semaphore, #tpu.memory_space<semaphore_mem>>) src(%dma_wait3A_129 : memref<128xi32, #tpu.memory_space<hbm>>) dst(%arg9 : memref<128xi32, #tpu.memory_space<vmem>>)
        tpu.yield
      }) : () -> ()
      "tpu.region"() ({
        %run_scoped3A = tpu.sem_alloc : memref<!tpu.dma_semaphore, #tpu.memory_space<semaphore_mem>>
        %dma_start3A_126 = arith.constant 0 : i32
        %dma_start3A_127 = arith.constant 0 : i32
        %dma_start3A_128 = tpu.memref_slice %arg6[%dma_start3A_126, %dma_start3A_127] : memref<10000x128xf32, #tpu.memory_space<vmem_shared>> -> memref<10000x128xf32, #tpu.memory_space<vmem_shared>>
        tpu.enqueue_indirect_dma source(%arg7 : memref<128x128xf32, #tpu.memory_space<vmem>>) target(%dma_start3A_128 : memref<10000x128xf32, #tpu.memory_space<vmem_shared>>) offsets(%arg9 : memref<128xi32, #tpu.memory_space<vmem>>) semaphore(%run_scoped3A : memref<!tpu.dma_semaphore, #tpu.memory_space<semaphore_mem>>) {add = true}
        %dma_wait3A_129 = arith.constant 0 : i32
        %dma_wait3A_130 = arith.constant 0 : i32
        %dma_wait3A_131 = tpu.memref_slice %arg6[%dma_wait3A_129, %dma_wait3A_130] : memref<10000x128xf32, #tpu.memory_space<vmem_shared>> -> memref<10000x128xf32, #tpu.memory_space<vmem_shared>>
        tpu.wait_indirect_dma semaphore(%run_scoped3A : memref<!tpu.dma_semaphore, #tpu.memory_space<semaphore_mem>>) src(%arg7 : memref<128x128xf32, #tpu.memory_space<vmem>>) dst(%dma_wait3A_131 : memref<10000x128xf32, #tpu.memory_space<vmem_shared>>)
        tpu.yield
      }) : () -> ()
    } else {
    }
    %barrier3A_110 = arith.constant 0 : index
    tpu.barrier barrier_id(%barrier3A_110)
    %mul3A_111 = arith.constant 10000 : i32
    %mul3A_112 = arith.muli %arg0, %mul3A_111 : i32
    %add3A_113 = arith.addi %mul3A_112, %mul3A_0 : i32
    "tpu.region"() ({
      %run_scoped3A = tpu.sem_alloc : memref<!tpu.dma_semaphore, #tpu.memory_space<semaphore_mem>>
      %dma_start3A_119 = arith.constant 0 : i32
      %dma_start3A_120 = tpu.memref_slice %arg5[%add3A_113, %dma_start3A_119] : memref<20000x128xf32, #tpu.memory_space<hbm>> -> memref<624x128xf32, #tpu.memory_space<hbm>>
      %dma_start3A_121 = arith.constant 0 : i32
      %dma_start3A_122 = tpu.memref_slice %arg6[%mul3A_0, %dma_start3A_121] : memref<10000x128xf32, #tpu.memory_space<vmem_shared>> -> memref<624x128xf32, #tpu.memory_space<vmem_shared>>
      tpu.enqueue_dma source(%dma_start3A_122 : memref<624x128xf32, #tpu.memory_space<vmem_shared>>) target(%dma_start3A_120 : memref<624x128xf32, #tpu.memory_space<hbm>>) target_semaphore(%run_scoped3A : memref<!tpu.dma_semaphore, #tpu.memory_space<semaphore_mem>>)
      %dma_wait3A_123 = arith.constant 0 : i32
      %dma_wait3A_124 = tpu.memref_slice %arg5[%add3A_113, %dma_wait3A_123] : memref<20000x128xf32, #tpu.memory_space<hbm>> -> memref<624x128xf32, #tpu.memory_space<hbm>>
      %dma_wait3A_125 = arith.constant 0 : i32
      %dma_wait3A_126 = tpu.memref_slice %arg6[%mul3A_0, %dma_wait3A_125] : memref<10000x128xf32, #tpu.memory_space<vmem_shared>> -> memref<624x128xf32, #tpu.memory_space<vmem_shared>>
      tpu.wait_dma2 semaphore(%run_scoped3A : memref<!tpu.dma_semaphore, #tpu.memory_space<semaphore_mem>>) src(%dma_wait3A_126 : memref<624x128xf32, #tpu.memory_space<vmem_shared>>) dst(%dma_wait3A_124 : memref<624x128xf32, #tpu.memory_space<hbm>>)
      tpu.yield
    }) : () -> ()
    %eq3A_114 = arith.constant 0 : i32
    %eq3A_115 = arith.cmpi eq, %arg1, %eq3A_114 : i32
    %convert_element_type3A_116 = arith.extui %eq3A_115 : i1 to i32
    %cond3A_117 = arith.constant 0 : i32
    %cond3A_118 = arith.cmpi ne, %convert_element_type3A_116, %cond3A_117 : i32
    scf.if %cond3A_118 {
      %mul3A_119 = arith.constant 10000 : i32
      %mul3A_120 = arith.muli %arg0, %mul3A_119 : i32
      %add3A_121 = arith.constant 9984 : i32
      %add3A_122 = arith.addi %mul3A_120, %add3A_121 : i32
      "tpu.region"() ({
        %run_scoped3A = tpu.sem_alloc : memref<!tpu.dma_semaphore, #tpu.memory_space<semaphore_mem>>
        %dma_start3A_123 = arith.constant 0 : i32
        %dma_start3A_124 = tpu.memref_slice %arg5[%add3A_122, %dma_start3A_123] : memref<20000x128xf32, #tpu.memory_space<hbm>> -> memref<16x128xf32, #tpu.memory_space<hbm>>
        %dma_start3A_125 = arith.constant 9984 : i32
        %dma_start3A_126 = arith.constant 0 : i32
        %dma_start3A_127 = tpu.memref_slice %arg6[%dma_start3A_125, %dma_start3A_126] : memref<10000x128xf32, #tpu.memory_space<vmem_shared>> -> memref<16x128xf32, #tpu.memory_space<vmem_shared>>
        tpu.enqueue_dma source(%dma_start3A_127 : memref<16x128xf32, #tpu.memory_space<vmem_shared>>) target(%dma_start3A_124 : memref<16x128xf32, #tpu.memory_space<hbm>>) target_semaphore(%run_scoped3A : memref<!tpu.dma_semaphore, #tpu.memory_space<semaphore_mem>>)
        %dma_wait3A_128 = arith.constant 0 : i32
        %dma_wait3A_129 = tpu.memref_slice %arg5[%add3A_122, %dma_wait3A_128] : memref<20000x128xf32, #tpu.memory_space<hbm>> -> memref<16x128xf32, #tpu.memory_space<hbm>>
        %dma_wait3A_130 = arith.constant 9984 : i32
        %dma_wait3A_131 = arith.constant 0 : i32
        %dma_wait3A_132 = tpu.memref_slice %arg6[%dma_wait3A_130, %dma_wait3A_131] : memref<10000x128xf32, #tpu.memory_space<vmem_shared>> -> memref<16x128xf32, #tpu.memory_space<vmem_shared>>
        tpu.wait_dma2 semaphore(%run_scoped3A : memref<!tpu.dma_semaphore, #tpu.memory_space<semaphore_mem>>) src(%dma_wait3A_132 : memref<16x128xf32, #tpu.memory_space<vmem_shared>>) dst(%dma_wait3A_129 : memref<16x128xf32, #tpu.memory_space<hbm>>)
        tpu.yield
      }) : () -> ()
    } else {
    }
    return
  }
}

module attributes {stable_mosaic.version = 14 : i64} {
  func.func @_proj_body(%arg0: i32, %arg1: memref<2000x256xf32, #tpu.memory_space<vmem>>, %arg2: memref<528x512xf32, #tpu.memory_space<vmem>>, %arg3: memref<8x2000x128xf32, #tpu.memory_space<vmem>>) attributes {dimension_semantics = [#tpu.dimension_semantics<arbitrary>], iteration_bounds = array<i64: 5>, scalar_prefetch = 0 : i64, scratch_operands = 0 : i64, tpu.core_type = #tpu.core_type<tc>, window_params = [{transform_indices = @transform_0, window_bounds = array<i64: 2000, 256>}, {pipeline_mode = #tpu.pipeline_mode<synchronous>, transform_indices = @transform_1, window_bounds = array<i64: 528, 512>}, {transform_indices = @transform_2, window_bounds = array<i64: 8, 2000, 128>}]} {
    %get3A = arith.constant 0 : index
    %get3A_0 = arith.constant 0 : index
    %get3A_1 = vector.load %arg1[%get3A, %get3A_0] : memref<2000x256xf32, #tpu.memory_space<vmem>>, vector<2000x256xf32>
    %get3A_2 = arith.constant 0 : index
    %get3A_3 = arith.constant 0 : index
    %get3A_4 = vector.load %arg2[%get3A_2, %get3A_3] : memref<528x512xf32, #tpu.memory_space<vmem>>, vector<256x128xf32>
    %dot_general3A = arith.constant dense<0.000000e+00> : vector<2000x128xf32>
    %dot_general3A_5 = tpu.matmul %get3A_1, %get3A_4, %dot_general3A {dimension_numbers = #tpu.dot_dimension_numbers<[1], [0], [0], [1], [0, 0, 1, 1], [], []>, transpose_lhs_hint = false} : vector<2000x256xf32>, vector<256x128xf32>, vector<2000x128xf32> -> vector<2000x128xf32>
    %swap3A = arith.constant 0 : index
    %swap3A_6 = arith.constant 0 : index
    %swap3A_7 = arith.constant 0 : index
    %swap3A_8 = vector.load %arg3[%swap3A, %swap3A_6, %swap3A_7] : memref<8x2000x128xf32, #tpu.memory_space<vmem>>, vector<1x2000x128xf32>
    %swap3A_9 = vector.shape_cast %swap3A_8 : vector<1x2000x128xf32> to vector<2000x128xf32>
    %swap3A_10 = vector.shape_cast %dot_general3A_5 : vector<2000x128xf32> to vector<1x2000x128xf32>
    tpu.vector_store %arg3[%swap3A, %swap3A_6, %swap3A_7], %swap3A_10 {strides = array<i32>} : memref<8x2000x128xf32, #tpu.memory_space<vmem>>, vector<1x2000x128xf32>,
    %get3A_11 = arith.constant 0 : index
    %get3A_12 = arith.constant 128 : index
    %get3A_13 = vector.load %arg2[%get3A_11, %get3A_12] : memref<528x512xf32, #tpu.memory_space<vmem>>, vector<256x128xf32>
    %dot_general3A_14 = arith.constant dense<0.000000e+00> : vector<2000x128xf32>
    %dot_general3A_15 = tpu.matmul %get3A_1, %get3A_13, %dot_general3A_14 {dimension_numbers = #tpu.dot_dimension_numbers<[1], [0], [0], [1], [0, 0, 1, 1], [], []>, transpose_lhs_hint = false} : vector<2000x256xf32>, vector<256x128xf32>, vector<2000x128xf32> -> vector<2000x128xf32>
    %swap3A_16 = arith.constant 1 : index
    %swap3A_17 = arith.constant 0 : index
    %swap3A_18 = arith.constant 0 : index
    %swap3A_19 = vector.load %arg3[%swap3A_16, %swap3A_17, %swap3A_18] : memref<8x2000x128xf32, #tpu.memory_space<vmem>>, vector<1x2000x128xf32>
    %swap3A_20 = vector.shape_cast %swap3A_19 : vector<1x2000x128xf32> to vector<2000x128xf32>
    %swap3A_21 = vector.shape_cast %dot_general3A_15 : vector<2000x128xf32> to vector<1x2000x128xf32>
    tpu.vector_store %arg3[%swap3A_16, %swap3A_17, %swap3A_18], %swap3A_21 {strides = array<i32>} : memref<8x2000x128xf32, #tpu.memory_space<vmem>>, vector<1x2000x128xf32>,
    %get3A_22 = arith.constant 0 : index
    %get3A_23 = arith.constant 256 : index
    %get3A_24 = vector.load %arg2[%get3A_22, %get3A_23] : memref<528x512xf32, #tpu.memory_space<vmem>>, vector<256x128xf32>
    %dot_general3A_25 = arith.constant dense<0.000000e+00> : vector<2000x128xf32>
    %dot_general3A_26 = tpu.matmul %get3A_1, %get3A_24, %dot_general3A_25 {dimension_numbers = #tpu.dot_dimension_numbers<[1], [0], [0], [1], [0, 0, 1, 1], [], []>, transpose_lhs_hint = false} : vector<2000x256xf32>, vector<256x128xf32>, vector<2000x128xf32> -> vector<2000x128xf32>
    %swap3A_27 = arith.constant 2 : index
    %swap3A_28 = arith.constant 0 : index
    %swap3A_29 = arith.constant 0 : index
    %swap3A_30 = vector.load %arg3[%swap3A_27, %swap3A_28, %swap3A_29] : memref<8x2000x128xf32, #tpu.memory_space<vmem>>, vector<1x2000x128xf32>
    %swap3A_31 = vector.shape_cast %swap3A_30 : vector<1x2000x128xf32> to vector<2000x128xf32>
    %swap3A_32 = vector.shape_cast %dot_general3A_26 : vector<2000x128xf32> to vector<1x2000x128xf32>
    tpu.vector_store %arg3[%swap3A_27, %swap3A_28, %swap3A_29], %swap3A_32 {strides = array<i32>} : memref<8x2000x128xf32, #tpu.memory_space<vmem>>, vector<1x2000x128xf32>,
    %get3A_33 = arith.constant 0 : index
    %get3A_34 = arith.constant 384 : index
    %get3A_35 = vector.load %arg2[%get3A_33, %get3A_34] : memref<528x512xf32, #tpu.memory_space<vmem>>, vector<256x128xf32>
    %dot_general3A_36 = arith.constant dense<0.000000e+00> : vector<2000x128xf32>
    %dot_general3A_37 = tpu.matmul %get3A_1, %get3A_35, %dot_general3A_36 {dimension_numbers = #tpu.dot_dimension_numbers<[1], [0], [0], [1], [0, 0, 1, 1], [], []>, transpose_lhs_hint = false} : vector<2000x256xf32>, vector<256x128xf32>, vector<2000x128xf32> -> vector<2000x128xf32>
    %swap3A_38 = arith.constant 3 : index
    %swap3A_39 = arith.constant 0 : index
    %swap3A_40 = arith.constant 0 : index
    %swap3A_41 = vector.load %arg3[%swap3A_38, %swap3A_39, %swap3A_40] : memref<8x2000x128xf32, #tpu.memory_space<vmem>>, vector<1x2000x128xf32>
    %swap3A_42 = vector.shape_cast %swap3A_41 : vector<1x2000x128xf32> to vector<2000x128xf32>
    %swap3A_43 = vector.shape_cast %dot_general3A_37 : vector<2000x128xf32> to vector<1x2000x128xf32>
    tpu.vector_store %arg3[%swap3A_38, %swap3A_39, %swap3A_40], %swap3A_43 {strides = array<i32>} : memref<8x2000x128xf32, #tpu.memory_space<vmem>>, vector<1x2000x128xf32>,
    %get3A_44 = arith.constant 256 : index
    %get3A_45 = arith.constant 0 : index
    %get3A_46 = vector.load %arg2[%get3A_44, %get3A_45] : memref<528x512xf32, #tpu.memory_space<vmem>>, vector<256x128xf32>
    %dot_general3A_47 = arith.constant dense<0.000000e+00> : vector<2000x128xf32>
    %dot_general3A_48 = tpu.matmul %get3A_1, %get3A_46, %dot_general3A_47 {dimension_numbers = #tpu.dot_dimension_numbers<[1], [0], [0], [1], [0, 0, 1, 1], [], []>, transpose_lhs_hint = false} : vector<2000x256xf32>, vector<256x128xf32>, vector<2000x128xf32> -> vector<2000x128xf32>
    %swap3A_49 = arith.constant 4 : index
    %swap3A_50 = arith.constant 0 : index
    %swap3A_51 = arith.constant 0 : index
    %swap3A_52 = vector.load %arg3[%swap3A_49, %swap3A_50, %swap3A_51] : memref<8x2000x128xf32, #tpu.memory_space<vmem>>, vector<1x2000x128xf32>
    %swap3A_53 = vector.shape_cast %swap3A_52 : vector<1x2000x128xf32> to vector<2000x128xf32>
    %swap3A_54 = vector.shape_cast %dot_general3A_48 : vector<2000x128xf32> to vector<1x2000x128xf32>
    tpu.vector_store %arg3[%swap3A_49, %swap3A_50, %swap3A_51], %swap3A_54 {strides = array<i32>} : memref<8x2000x128xf32, #tpu.memory_space<vmem>>, vector<1x2000x128xf32>,
    %get3A_55 = arith.constant 256 : index
    %get3A_56 = arith.constant 128 : index
    %get3A_57 = vector.load %arg2[%get3A_55, %get3A_56] : memref<528x512xf32, #tpu.memory_space<vmem>>, vector<256x128xf32>
    %dot_general3A_58 = arith.constant dense<0.000000e+00> : vector<2000x128xf32>
    %dot_general3A_59 = tpu.matmul %get3A_1, %get3A_57, %dot_general3A_58 {dimension_numbers = #tpu.dot_dimension_numbers<[1], [0], [0], [1], [0, 0, 1, 1], [], []>, transpose_lhs_hint = false} : vector<2000x256xf32>, vector<256x128xf32>, vector<2000x128xf32> -> vector<2000x128xf32>
    %swap3A_60 = arith.constant 5 : index
    %swap3A_61 = arith.constant 0 : index
    %swap3A_62 = arith.constant 0 : index
    %swap3A_63 = vector.load %arg3[%swap3A_60, %swap3A_61, %swap3A_62] : memref<8x2000x128xf32, #tpu.memory_space<vmem>>, vector<1x2000x128xf32>
    %swap3A_64 = vector.shape_cast %swap3A_63 : vector<1x2000x128xf32> to vector<2000x128xf32>
    %swap3A_65 = vector.shape_cast %dot_general3A_59 : vector<2000x128xf32> to vector<1x2000x128xf32>
    tpu.vector_store %arg3[%swap3A_60, %swap3A_61, %swap3A_62], %swap3A_65 {strides = array<i32>} : memref<8x2000x128xf32, #tpu.memory_space<vmem>>, vector<1x2000x128xf32>,
    %get3A_66 = arith.constant 256 : index
    %get3A_67 = arith.constant 256 : index
    %get3A_68 = vector.load %arg2[%get3A_66, %get3A_67] : memref<528x512xf32, #tpu.memory_space<vmem>>, vector<256x128xf32>
    %dot_general3A_69 = arith.constant dense<0.000000e+00> : vector<2000x128xf32>
    %dot_general3A_70 = tpu.matmul %get3A_1, %get3A_68, %dot_general3A_69 {dimension_numbers = #tpu.dot_dimension_numbers<[1], [0], [0], [1], [0, 0, 1, 1], [], []>, transpose_lhs_hint = false} : vector<2000x256xf32>, vector<256x128xf32>, vector<2000x128xf32> -> vector<2000x128xf32>
    %swap3A_71 = arith.constant 6 : index
    %swap3A_72 = arith.constant 0 : index
    %swap3A_73 = arith.constant 0 : index
    %swap3A_74 = vector.load %arg3[%swap3A_71, %swap3A_72, %swap3A_73] : memref<8x2000x128xf32, #tpu.memory_space<vmem>>, vector<1x2000x128xf32>
    %swap3A_75 = vector.shape_cast %swap3A_74 : vector<1x2000x128xf32> to vector<2000x128xf32>
    %swap3A_76 = vector.shape_cast %dot_general3A_70 : vector<2000x128xf32> to vector<1x2000x128xf32>
    tpu.vector_store %arg3[%swap3A_71, %swap3A_72, %swap3A_73], %swap3A_76 {strides = array<i32>} : memref<8x2000x128xf32, #tpu.memory_space<vmem>>, vector<1x2000x128xf32>,
    %get3A_77 = arith.constant 256 : index
    %get3A_78 = arith.constant 384 : index
    %get3A_79 = vector.load %arg2[%get3A_77, %get3A_78] : memref<528x512xf32, #tpu.memory_space<vmem>>, vector<256x128xf32>
    %dot_general3A_80 = arith.constant dense<0.000000e+00> : vector<2000x128xf32>
    %dot_general3A_81 = tpu.matmul %get3A_1, %get3A_79, %dot_general3A_80 {dimension_numbers = #tpu.dot_dimension_numbers<[1], [0], [0], [1], [0, 0, 1, 1], [], []>, transpose_lhs_hint = false} : vector<2000x256xf32>, vector<256x128xf32>, vector<2000x128xf32> -> vector<2000x128xf32>
    %swap3A_82 = arith.constant 7 : index
    %swap3A_83 = arith.constant 0 : index
    %swap3A_84 = arith.constant 0 : index
    %swap3A_85 = vector.load %arg3[%swap3A_82, %swap3A_83, %swap3A_84] : memref<8x2000x128xf32, #tpu.memory_space<vmem>>, vector<1x2000x128xf32>
    %swap3A_86 = vector.shape_cast %swap3A_85 : vector<1x2000x128xf32> to vector<2000x128xf32>
    %swap3A_87 = vector.shape_cast %dot_general3A_81 : vector<2000x128xf32> to vector<1x2000x128xf32>
    tpu.vector_store %arg3[%swap3A_82, %swap3A_83, %swap3A_84], %swap3A_87 {strides = array<i32>} : memref<8x2000x128xf32, #tpu.memory_space<vmem>>, vector<1x2000x128xf32>,
    return
  }
  func.func @transform_0(%arg0: i32) -> (i32, i32) {
    %c0_i32 = arith.constant 0 : i32
    %c0_i32_0 = arith.constant 0 : i32
    return %arg0, %c0_i32 : i32, i32
  }
  func.func @transform_1(%arg0: i32) -> (i32, i32) {
    %c0_i32 = arith.constant 0 : i32
    %c0_i32_0 = arith.constant 0 : i32
    %c0_i32_1 = arith.constant 0 : i32
    return %c0_i32, %c0_i32_0 : i32, i32
  }
  func.func @transform_2(%arg0: i32) -> (i32, i32, i32) {
    %c0_i32 = arith.constant 0 : i32
    %c0_i32_0 = arith.constant 0 : i32
    %c0_i32_1 = arith.constant 0 : i32
    return %c0_i32, %arg0, %c0_i32_0 : i32, i32, i32
  }
}

module attributes {stable_mosaic.version = 14 : i64} {
  func.func @_gelu_body(%arg0: i32, %arg1: memref<25x2x40x128xf32, #tpu.memory_space<vmem>>, %arg2: memref<1000x16xf32, #tpu.memory_space<vmem>>, %arg3: memref<16x256xf32, #tpu.memory_space<vmem>>, %arg4: memref<1x256xf32, #tpu.memory_space<vmem>>, %arg5: memref<2x1000x128xf32, #tpu.memory_space<vmem>>) attributes {dimension_semantics = [#tpu.dimension_semantics<arbitrary>], iteration_bounds = array<i64: 160>, scalar_prefetch = 0 : i64, scratch_operands = 0 : i64, tpu.core_type = #tpu.core_type<tc>, window_params = [{transform_indices = @transform_0, window_bounds = array<i64: 25, 2, 40, 128>}, {transform_indices = @transform_1, window_bounds = array<i64: 1000, 16>}, {pipeline_mode = #tpu.pipeline_mode<synchronous>, transform_indices = @transform_2, window_bounds = array<i64: 16, 256>}, {pipeline_mode = #tpu.pipeline_mode<synchronous>, transform_indices = @transform_3, window_bounds = array<i64: 1, 256>}, {transform_indices = @transform_4, window_bounds = array<i64: 2, 1000, 128>}]} {
    %get3A = arith.constant 0 : index
    %get3A_0 = arith.constant 0 : index
    %get3A_1 = vector.load %arg2[%get3A, %get3A_0] : memref<1000x16xf32, #tpu.memory_space<vmem>>, vector<1000x16xf32>
    %get3A_2 = arith.constant 0 : index
    %get3A_3 = arith.constant 0 : index
    %get3A_4 = arith.constant 0 : index
    %get3A_5 = arith.constant 0 : index
    %get3A_6 = vector.load %arg1[%get3A_2, %get3A_3, %get3A_4, %get3A_5] : memref<25x2x40x128xf32, #tpu.memory_space<vmem>>, vector<25x1x40x128xf32>
    %get3A_7 = vector.shape_cast %get3A_6 : vector<25x1x40x128xf32> to vector<25x40x128xf32>
    %reshape3A = vector.shape_cast %get3A_7 : vector<25x40x128xf32> to vector<1000x128xf32>
    %get3A_8 = arith.constant 0 : index
    %get3A_9 = arith.constant 0 : index
    %get3A_10 = vector.load %arg3[%get3A_8, %get3A_9] : memref<16x256xf32, #tpu.memory_space<vmem>>, vector<16x128xf32>
    %dot_general3A = arith.constant dense<0.000000e+00> : vector<1000x128xf32>
    %dot_general3A_11 = tpu.matmul %get3A_1, %get3A_10, %dot_general3A {dimension_numbers = #tpu.dot_dimension_numbers<[1], [0], [0], [1], [0, 0, 1, 1], [], []>, transpose_lhs_hint = false} : vector<1000x16xf32>, vector<16x128xf32>, vector<1000x128xf32> -> vector<1000x128xf32>
    %add3A = arith.addf %reshape3A, %dot_general3A_11 : vector<1000x128xf32>
    %get3A_12 = arith.constant 0 : index
    %get3A_13 = arith.constant 0 : index
    %get3A_14 = vector.load %arg4[%get3A_12, %get3A_13] : memref<1x256xf32, #tpu.memory_space<vmem>>, vector<1x128xf32>
    %get3A_15 = vector.shape_cast %get3A_14 : vector<1x128xf32> to vector<128xf32>
    %broadcast_in_dim3A = vector.shape_cast %get3A_15 : vector<128xf32> to vector<1x128xf32>
    %add3A_16 = vector.broadcast %broadcast_in_dim3A : vector<1x128xf32> to vector<1000x128xf32>
    %add3A_17 = arith.addf %add3A, %add3A_16 : vector<1000x128xf32>
    %mul3A = arith.constant 5.000000e-01 : f32
    %mul3A_18 = vector.broadcast %mul3A : f32 to vector<1000x128xf32>
    %mul3A_19 = arith.mulf %add3A_17, %mul3A_18 : vector<1000x128xf32>
    %mul3A_20 = arith.constant 0.707106769 : f32
    %mul3A_21 = vector.broadcast %mul3A_20 : f32 to vector<1000x128xf32>
    %mul3A_22 = arith.mulf %add3A_17, %mul3A_21 : vector<1000x128xf32>
    %erf3A = math.erf %mul3A_22 : vector<1000x128xf32>
    %add3A_23 = arith.constant 1.000000e+00 : f32
    %add3A_24 = vector.broadcast %add3A_23 : f32 to vector<1000x128xf32>
    %add3A_25 = arith.addf %add3A_24, %erf3A : vector<1000x128xf32>
    %mul3A_26 = arith.mulf %mul3A_19, %add3A_25 : vector<1000x128xf32>
    %swap3A = arith.constant 0 : index
    %swap3A_27 = arith.constant 0 : index
    %swap3A_28 = arith.constant 0 : index
    %swap3A_29 = vector.load %arg5[%swap3A, %swap3A_27, %swap3A_28] : memref<2x1000x128xf32, #tpu.memory_space<vmem>>, vector<1x1000x128xf32>
    %swap3A_30 = vector.shape_cast %swap3A_29 : vector<1x1000x128xf32> to vector<1000x128xf32>
    %swap3A_31 = vector.shape_cast %mul3A_26 : vector<1000x128xf32> to vector<1x1000x128xf32>
    tpu.vector_store %arg5[%swap3A, %swap3A_27, %swap3A_28], %swap3A_31 {strides = array<i32>} : memref<2x1000x128xf32, #tpu.memory_space<vmem>>, vector<1x1000x128xf32>,
    %get3A_32 = arith.constant 0 : index
    %get3A_33 = arith.constant 1 : index
    %get3A_34 = arith.constant 0 : index
    %get3A_35 = arith.constant 0 : index
    %get3A_36 = vector.load %arg1[%get3A_32, %get3A_33, %get3A_34, %get3A_35] : memref<25x2x40x128xf32, #tpu.memory_space<vmem>>, vector<25x1x40x128xf32>
    %get3A_37 = vector.shape_cast %get3A_36 : vector<25x1x40x128xf32> to vector<25x40x128xf32>
    %reshape3A_38 = vector.shape_cast %get3A_37 : vector<25x40x128xf32> to vector<1000x128xf32>
    %get3A_39 = arith.constant 0 : index
    %get3A_40 = arith.constant 128 : index
    %get3A_41 = vector.load %arg3[%get3A_39, %get3A_40] : memref<16x256xf32, #tpu.memory_space<vmem>>, vector<16x128xf32>
    %dot_general3A_42 = arith.constant dense<0.000000e+00> : vector<1000x128xf32>
    %dot_general3A_43 = tpu.matmul %get3A_1, %get3A_41, %dot_general3A_42 {dimension_numbers = #tpu.dot_dimension_numbers<[1], [0], [0], [1], [0, 0, 1, 1], [], []>, transpose_lhs_hint = false} : vector<1000x16xf32>, vector<16x128xf32>, vector<1000x128xf32> -> vector<1000x128xf32>
    %add3A_44 = arith.addf %reshape3A_38, %dot_general3A_43 : vector<1000x128xf32>
    %get3A_45 = arith.constant 0 : index
    %get3A_46 = arith.constant 128 : index
    %get3A_47 = vector.load %arg4[%get3A_45, %get3A_46] : memref<1x256xf32, #tpu.memory_space<vmem>>, vector<1x128xf32>
    %get3A_48 = vector.shape_cast %get3A_47 : vector<1x128xf32> to vector<128xf32>
    %broadcast_in_dim3A_49 = vector.shape_cast %get3A_48 : vector<128xf32> to vector<1x128xf32>
    %add3A_50 = vector.broadcast %broadcast_in_dim3A_49 : vector<1x128xf32> to vector<1000x128xf32>
    %add3A_51 = arith.addf %add3A_44, %add3A_50 : vector<1000x128xf32>
    %mul3A_52 = arith.constant 5.000000e-01 : f32
    %mul3A_53 = vector.broadcast %mul3A_52 : f32 to vector<1000x128xf32>
    %mul3A_54 = arith.mulf %add3A_51, %mul3A_53 : vector<1000x128xf32>
    %mul3A_55 = arith.constant 0.707106769 : f32
    %mul3A_56 = vector.broadcast %mul3A_55 : f32 to vector<1000x128xf32>
    %mul3A_57 = arith.mulf %add3A_51, %mul3A_56 : vector<1000x128xf32>
    %erf3A_58 = math.erf %mul3A_57 : vector<1000x128xf32>
    %add3A_59 = arith.constant 1.000000e+00 : f32
    %add3A_60 = vector.broadcast %add3A_59 : f32 to vector<1000x128xf32>
    %add3A_61 = arith.addf %add3A_60, %erf3A_58 : vector<1000x128xf32>
    %mul3A_62 = arith.mulf %mul3A_54, %add3A_61 : vector<1000x128xf32>
    %swap3A_63 = arith.constant 1 : index
    %swap3A_64 = arith.constant 0 : index
    %swap3A_65 = arith.constant 0 : index
    %swap3A_66 = vector.load %arg5[%swap3A_63, %swap3A_64, %swap3A_65] : memref<2x1000x128xf32, #tpu.memory_space<vmem>>, vector<1x1000x128xf32>
    %swap3A_67 = vector.shape_cast %swap3A_66 : vector<1x1000x128xf32> to vector<1000x128xf32>
    %swap3A_68 = vector.shape_cast %mul3A_62 : vector<1000x128xf32> to vector<1x1000x128xf32>
    tpu.vector_store %arg5[%swap3A_63, %swap3A_64, %swap3A_65], %swap3A_68 {strides = array<i32>} : memref<2x1000x128xf32, #tpu.memory_space<vmem>>, vector<1x1000x128xf32>,
    return
  }
  func.func @transform_0(%arg0: i32) -> (i32, i32, i32, i32) {
    %c0_i32 = arith.constant 0 : i32
    %c0_i32_0 = arith.constant 0 : i32
    %c0_i32_1 = arith.constant 0 : i32
    %c0_i32_2 = arith.constant 0 : i32
    return %arg0, %c0_i32, %c0_i32_0, %c0_i32_1 : i32, i32, i32, i32
  }
  func.func @transform_1(%arg0: i32) -> (i32, i32) {
    %c0_i32 = arith.constant 0 : i32
    %c0_i32_0 = arith.constant 0 : i32
    return %arg0, %c0_i32 : i32, i32
  }
  func.func @transform_2(%arg0: i32) -> (i32, i32) {
    %c0_i32 = arith.constant 0 : i32
    %c0_i32_0 = arith.constant 0 : i32
    %c0_i32_1 = arith.constant 0 : i32
    return %c0_i32, %c0_i32_0 : i32, i32
  }
  func.func @transform_3(%arg0: i32) -> (i32, i32) {
    %c0_i32 = arith.constant 0 : i32
    %c0_i32_0 = arith.constant 0 : i32
    %c0_i32_1 = arith.constant 0 : i32
    return %c0_i32, %c0_i32_0 : i32, i32
  }
  func.func @transform_4(%arg0: i32) -> (i32, i32, i32) {
    %c0_i32 = arith.constant 0 : i32
    %c0_i32_0 = arith.constant 0 : i32
    %c0_i32_1 = arith.constant 0 : i32
    return %c0_i32, %arg0, %c0_i32_0 : i32, i32, i32
  }
}

module attributes {stable_mosaic.version = 14 : i64} {
  func.func @_update_body(%arg0: i32, %arg1: memref<1000x256xf32, #tpu.memory_space<vmem>>, %arg2: memref<2x1000x128xf32, #tpu.memory_space<vmem>>, %arg3: memref<2x1000x128xf32, #tpu.memory_space<vmem>>, %arg4: memref<2x1000x128xf32, #tpu.memory_space<vmem>>, %arg5: memref<512x256xf32, #tpu.memory_space<vmem>>, %arg6: memref<1x256xf32, #tpu.memory_space<vmem>>, %arg7: memref<512x512xf32, #tpu.memory_space<vmem>>, %arg8: memref<1x512xf32, #tpu.memory_space<vmem>>, %arg9: memref<512x256xf32, #tpu.memory_space<vmem>>, %arg10: memref<1x256xf32, #tpu.memory_space<vmem>>, %arg11: memref<1x256xf32, #tpu.memory_space<vmem>>, %arg12: memref<1x256xf32, #tpu.memory_space<vmem>>, %arg13: memref<1000x256xf32, #tpu.memory_space<vmem>>) attributes {dimension_semantics = [#tpu.dimension_semantics<arbitrary>], iteration_bounds = array<i64: 10>, scalar_prefetch = 0 : i64, scratch_operands = 0 : i64, tpu.core_type = #tpu.core_type<tc>, window_params = [{transform_indices = @transform_0, window_bounds = array<i64: 1000, 256>}, {transform_indices = @transform_1, window_bounds = array<i64: 2, 1000, 128>}, {transform_indices = @transform_2, window_bounds = array<i64: 2, 1000, 128>}, {transform_indices = @transform_3, window_bounds = array<i64: 2, 1000, 128>}, {pipeline_mode = #tpu.pipeline_mode<synchronous>, transform_indices = @transform_4, window_bounds = array<i64: 512, 256>}, {pipeline_mode = #tpu.pipeline_mode<synchronous>, transform_indices = @transform_5, window_bounds = array<i64: 1, 256>}, {pipeline_mode = #tpu.pipeline_mode<synchronous>, transform_indices = @transform_6, window_bounds = array<i64: 512, 512>}, {pipeline_mode = #tpu.pipeline_mode<synchronous>, transform_indices = @transform_7, window_bounds = array<i64: 1, 512>}, {pipeline_mode = #tpu.pipeline_mode<synchronous>, transform_indices = @transform_8, window_bounds = array<i64: 512, 256>}, {pipeline_mode = #tpu.pipeline_mode<synchronous>, transform_indices = @transform_9, window_bounds = array<i64: 1, 256>}, {pipeline_mode = #tpu.pipeline_mode<synchronous>, transform_indices = @transform_10, window_bounds = array<i64: 1, 256>}, {pipeline_mode = #tpu.pipeline_mode<synchronous>, transform_indices = @transform_11, window_bounds = array<i64: 1, 256>}, {transform_indices = @transform_12, window_bounds = array<i64: 1000, 256>}]} {
    %get3A = arith.constant 0 : index
    %get3A_0 = arith.constant 0 : index
    %get3A_1 = vector.load %arg1[%get3A, %get3A_0] : memref<1000x256xf32, #tpu.memory_space<vmem>>, vector<1000x256xf32>
    %get3A_2 = arith.constant 0 : index
    %get3A_3 = arith.constant 0 : index
    %get3A_4 = arith.constant 0 : index
    %get3A_5 = vector.load %arg2[%get3A_2, %get3A_3, %get3A_4] : memref<2x1000x128xf32, #tpu.memory_space<vmem>>, vector<1x1000x128xf32>
    %get3A_6 = vector.shape_cast %get3A_5 : vector<1x1000x128xf32> to vector<1000x128xf32>
    %get3A_7 = arith.constant 0 : index
    %get3A_8 = arith.constant 0 : index
    %get3A_9 = vector.load %arg5[%get3A_7, %get3A_8] : memref<512x256xf32, #tpu.memory_space<vmem>>, vector<128x256xf32>
    %dot_general3A = arith.constant dense<0.000000e+00> : vector<1000x256xf32>
    %dot_general3A_10 = tpu.matmul %get3A_6, %get3A_9, %dot_general3A {dimension_numbers = #tpu.dot_dimension_numbers<[1], [0], [0], [1], [0, 0, 1, 1], [], []>, transpose_lhs_hint = false} : vector<1000x128xf32>, vector<128x256xf32>, vector<1000x256xf32> -> vector<1000x256xf32>
    %get3A_11 = arith.constant 1 : index
    %get3A_12 = arith.constant 0 : index
    %get3A_13 = arith.constant 0 : index
    %get3A_14 = vector.load %arg2[%get3A_11, %get3A_12, %get3A_13] : memref<2x1000x128xf32, #tpu.memory_space<vmem>>, vector<1x1000x128xf32>
    %get3A_15 = vector.shape_cast %get3A_14 : vector<1x1000x128xf32> to vector<1000x128xf32>
    %get3A_16 = arith.constant 128 : index
    %get3A_17 = arith.constant 0 : index
    %get3A_18 = vector.load %arg5[%get3A_16, %get3A_17] : memref<512x256xf32, #tpu.memory_space<vmem>>, vector<128x256xf32>
    %dot_general3A_19 = arith.constant dense<0.000000e+00> : vector<1000x256xf32>
    %dot_general3A_20 = tpu.matmul %get3A_15, %get3A_18, %dot_general3A_19 {dimension_numbers = #tpu.dot_dimension_numbers<[1], [0], [0], [1], [0, 0, 1, 1], [], []>, transpose_lhs_hint = false} : vector<1000x128xf32>, vector<128x256xf32>, vector<1000x256xf32> -> vector<1000x256xf32>
    %add3A = arith.addf %dot_general3A_10, %dot_general3A_20 : vector<1000x256xf32>
    %get3A_21 = arith.constant 0 : index
    %get3A_22 = arith.constant 0 : index
    %get3A_23 = arith.constant 0 : index
    %get3A_24 = vector.load %arg3[%get3A_21, %get3A_22, %get3A_23] : memref<2x1000x128xf32, #tpu.memory_space<vmem>>, vector<1x1000x128xf32>
    %get3A_25 = vector.shape_cast %get3A_24 : vector<1x1000x128xf32> to vector<1000x128xf32>
    %get3A_26 = arith.constant 256 : index
    %get3A_27 = arith.constant 0 : index
    %get3A_28 = vector.load %arg5[%get3A_26, %get3A_27] : memref<512x256xf32, #tpu.memory_space<vmem>>, vector<128x256xf32>
    %dot_general3A_29 = arith.constant dense<0.000000e+00> : vector<1000x256xf32>
    %dot_general3A_30 = tpu.matmul %get3A_25, %get3A_28, %dot_general3A_29 {dimension_numbers = #tpu.dot_dimension_numbers<[1], [0], [0], [1], [0, 0, 1, 1], [], []>, transpose_lhs_hint = false} : vector<1000x128xf32>, vector<128x256xf32>, vector<1000x256xf32> -> vector<1000x256xf32>
    %add3A_31 = arith.addf %add3A, %dot_general3A_30 : vector<1000x256xf32>
    %get3A_32 = arith.constant 1 : index
    %get3A_33 = arith.constant 0 : index
    %get3A_34 = arith.constant 0 : index
    %get3A_35 = vector.load %arg3[%get3A_32, %get3A_33, %get3A_34] : memref<2x1000x128xf32, #tpu.memory_space<vmem>>, vector<1x1000x128xf32>
    %get3A_36 = vector.shape_cast %get3A_35 : vector<1x1000x128xf32> to vector<1000x128xf32>
    %get3A_37 = arith.constant 384 : index
    %get3A_38 = arith.constant 0 : index
    %get3A_39 = vector.load %arg5[%get3A_37, %get3A_38] : memref<512x256xf32, #tpu.memory_space<vmem>>, vector<128x256xf32>
    %dot_general3A_40 = arith.constant dense<0.000000e+00> : vector<1000x256xf32>
    %dot_general3A_41 = tpu.matmul %get3A_36, %get3A_39, %dot_general3A_40 {dimension_numbers = #tpu.dot_dimension_numbers<[1], [0], [0], [1], [0, 0, 1, 1], [], []>, transpose_lhs_hint = false} : vector<1000x128xf32>, vector<128x256xf32>, vector<1000x256xf32> -> vector<1000x256xf32>
    %add3A_42 = arith.addf %add3A_31, %dot_general3A_41 : vector<1000x256xf32>
    %get3A_43 = arith.constant 0 : index
    %get3A_44 = arith.constant 0 : index
    %get3A_45 = arith.constant 0 : index
    %get3A_46 = vector.load %arg4[%get3A_43, %get3A_44, %get3A_45] : memref<2x1000x128xf32, #tpu.memory_space<vmem>>, vector<1x1000x1xf32>
    %get3A_47 = vector.shape_cast %get3A_46 : vector<1x1000x1xf32> to vector<1000x1xf32>
    %get3A_48 = arith.constant 1 : index
    %get3A_49 = arith.constant 0 : index
    %get3A_50 = arith.constant 0 : index
    %get3A_51 = vector.load %arg4[%get3A_48, %get3A_49, %get3A_50] : memref<2x1000x128xf32, #tpu.memory_space<vmem>>, vector<1x1000x1xf32>
    %get3A_52 = vector.shape_cast %get3A_51 : vector<1x1000x1xf32> to vector<1000x1xf32>
    %add3A_53 = arith.addf %get3A_47, %get3A_52 : vector<1000x1xf32>
    %max3A = arith.constant 1.000000e+00 : f32
    %max3A_54 = vector.broadcast %max3A : f32 to vector<1000x1xf32>
    %max3A_55 = arith.maximumf %add3A_53, %max3A_54 : vector<1000x1xf32>
    %div3A = vector.broadcast %max3A_55 : vector<1000x1xf32> to vector<1000x256xf32>
    %div3A_56 = arith.divf %add3A_42, %div3A : vector<1000x256xf32>
    %div3A_57 = arith.divf %add3A_53, %max3A_55 : vector<1000x1xf32>
    %get3A_58 = arith.constant 0 : index
    %get3A_59 = arith.constant 0 : index
    %get3A_60 = vector.load %arg6[%get3A_58, %get3A_59] : memref<1x256xf32, #tpu.memory_space<vmem>>, vector<1x256xf32>
    %mul3A = vector.broadcast %div3A_57 : vector<1000x1xf32> to vector<1000x256xf32>
    %mul3A_61 = vector.broadcast %get3A_60 : vector<1x256xf32> to vector<1000x256xf32>
    %mul3A_62 = arith.mulf %mul3A, %mul3A_61 : vector<1000x256xf32>
    %add3A_63 = arith.addf %div3A_56, %mul3A_62 : vector<1000x256xf32>
    %get3A_64 = arith.constant 0 : index
    %get3A_65 = arith.constant 0 : index
    %get3A_66 = vector.load %arg7[%get3A_64, %get3A_65] : memref<512x512xf32, #tpu.memory_space<vmem>>, vector<256x512xf32>
    %dot_general3A_67 = arith.constant dense<0.000000e+00> : vector<1000x512xf32>
    %dot_general3A_68 = tpu.matmul %get3A_1, %get3A_66, %dot_general3A_67 {dimension_numbers = #tpu.dot_dimension_numbers<[1], [0], [0], [1], [0, 0, 1, 1], [], []>, transpose_lhs_hint = false} : vector<1000x256xf32>, vector<256x512xf32>, vector<1000x512xf32> -> vector<1000x512xf32>
    %get3A_69 = arith.constant 256 : index
    %get3A_70 = arith.constant 0 : index
    %get3A_71 = vector.load %arg7[%get3A_69, %get3A_70] : memref<512x512xf32, #tpu.memory_space<vmem>>, vector<256x512xf32>
    %dot_general3A_72 = arith.constant dense<0.000000e+00> : vector<1000x512xf32>
    %dot_general3A_73 = tpu.matmul %add3A_63, %get3A_71, %dot_general3A_72 {dimension_numbers = #tpu.dot_dimension_numbers<[1], [0], [0], [1], [0, 0, 1, 1], [], []>, transpose_lhs_hint = false} : vector<1000x256xf32>, vector<256x512xf32>, vector<1000x512xf32> -> vector<1000x512xf32>
    %add3A_74 = arith.addf %dot_general3A_68, %dot_general3A_73 : vector<1000x512xf32>
    %get3A_75 = arith.constant 0 : index
    %get3A_76 = arith.constant 0 : index
    %get3A_77 = vector.load %arg8[%get3A_75, %get3A_76] : memref<1x512xf32, #tpu.memory_space<vmem>>, vector<1x512xf32>
    %add3A_78 = vector.broadcast %get3A_77 : vector<1x512xf32> to vector<1000x512xf32>
    %add3A_79 = arith.addf %add3A_74, %add3A_78 : vector<1000x512xf32>
    %mul3A_80 = arith.constant 5.000000e-01 : f32
    %mul3A_81 = vector.broadcast %mul3A_80 : f32 to vector<1000x512xf32>
    %mul3A_82 = arith.mulf %add3A_79, %mul3A_81 : vector<1000x512xf32>
    %mul3A_83 = arith.constant 0.707106769 : f32
    %mul3A_84 = vector.broadcast %mul3A_83 : f32 to vector<1000x512xf32>
    %mul3A_85 = arith.mulf %add3A_79, %mul3A_84 : vector<1000x512xf32>
    %erf3A = math.erf %mul3A_85 : vector<1000x512xf32>
    %add3A_86 = arith.constant 1.000000e+00 : f32
    %add3A_87 = vector.broadcast %add3A_86 : f32 to vector<1000x512xf32>
    %add3A_88 = arith.addf %add3A_87, %erf3A : vector<1000x512xf32>
    %mul3A_89 = arith.mulf %mul3A_82, %add3A_88 : vector<1000x512xf32>
    %get3A_90 = arith.constant 0 : index
    %get3A_91 = arith.constant 0 : index
    %get3A_92 = vector.load %arg9[%get3A_90, %get3A_91] : memref<512x256xf32, #tpu.memory_space<vmem>>, vector<512x256xf32>
    %dot_general3A_93 = arith.constant dense<0.000000e+00> : vector<1000x256xf32>
    %dot_general3A_94 = tpu.matmul %mul3A_89, %get3A_92, %dot_general3A_93 {dimension_numbers = #tpu.dot_dimension_numbers<[1], [0], [0], [1], [0, 0, 1, 1], [], []>, transpose_lhs_hint = false} : vector<1000x512xf32>, vector<512x256xf32>, vector<1000x256xf32> -> vector<1000x256xf32>
    %get3A_95 = arith.constant 0 : index
    %get3A_96 = arith.constant 0 : index
    %get3A_97 = vector.load %arg10[%get3A_95, %get3A_96] : memref<1x256xf32, #tpu.memory_space<vmem>>, vector<1x256xf32>
    %add3A_98 = vector.broadcast %get3A_97 : vector<1x256xf32> to vector<1000x256xf32>
    %add3A_99 = arith.addf %dot_general3A_94, %add3A_98 : vector<1000x256xf32>
    %add3A_100 = arith.addf %add3A_99, %get3A_1 : vector<1000x256xf32>
    %reduce_sum3A = arith.constant dense<0.000000e+00> : vector<1000xf32>
    %reduce_sum3A_101 = vector.multi_reduction <add>, %add3A_100, %reduce_sum3A [1] : vector<1000x256xf32> to vector<1000xf32>
    %broadcast_in_dim3A = vector.shape_cast %reduce_sum3A_101 : vector<1000xf32> to vector<1000x1xf32>
    %div3A_102 = arith.constant 2.560000e+02 : f32
    %div3A_103 = vector.broadcast %div3A_102 : f32 to vector<1000x1xf32>
    %div3A_104 = arith.divf %broadcast_in_dim3A, %div3A_103 : vector<1000x1xf32>
    %sub3A = vector.broadcast %div3A_104 : vector<1000x1xf32> to vector<1000x256xf32>
    %sub3A_105 = arith.subf %add3A_100, %sub3A : vector<1000x256xf32>
    %mul3A_106 = arith.mulf %sub3A_105, %sub3A_105 : vector<1000x256xf32>
    %reduce_sum3A_107 = arith.constant dense<0.000000e+00> : vector<1000xf32>
    %reduce_sum3A_108 = vector.multi_reduction <add>, %mul3A_106, %reduce_sum3A_107 [1] : vector<1000x256xf32> to vector<1000xf32>
    %broadcast_in_dim3A_109 = vector.shape_cast %reduce_sum3A_108 : vector<1000xf32> to vector<1000x1xf32>
    %div3A_110 = arith.constant 2.560000e+02 : f32
    %div3A_111 = vector.broadcast %div3A_110 : f32 to vector<1000x1xf32>
    %div3A_112 = arith.divf %broadcast_in_dim3A_109, %div3A_111 : vector<1000x1xf32>
    %add3A_113 = arith.constant 9.99999974E-6 : f32
    %add3A_114 = vector.broadcast %add3A_113 : f32 to vector<1000x1xf32>
    %add3A_115 = arith.addf %div3A_112, %add3A_114 : vector<1000x1xf32>
    %rsqrt3A = math.rsqrt %add3A_115 : vector<1000x1xf32>
    %mul3A_116 = vector.broadcast %rsqrt3A : vector<1000x1xf32> to vector<1000x256xf32>
    %mul3A_117 = arith.mulf %sub3A_105, %mul3A_116 : vector<1000x256xf32>
    %get3A_118 = arith.constant 0 : index
    %get3A_119 = arith.constant 0 : index
    %get3A_120 = vector.load %arg11[%get3A_118, %get3A_119] : memref<1x256xf32, #tpu.memory_space<vmem>>, vector<1x256xf32>
    %mul3A_121 = vector.broadcast %get3A_120 : vector<1x256xf32> to vector<1000x256xf32>
    %mul3A_122 = arith.mulf %mul3A_117, %mul3A_121 : vector<1000x256xf32>
    %get3A_123 = arith.constant 0 : index
    %get3A_124 = arith.constant 0 : index
    %get3A_125 = vector.load %arg12[%get3A_123, %get3A_124] : memref<1x256xf32, #tpu.memory_space<vmem>>, vector<1x256xf32>
    %add3A_126 = vector.broadcast %get3A_125 : vector<1x256xf32> to vector<1000x256xf32>
    %add3A_127 = arith.addf %mul3A_122, %add3A_126 : vector<1000x256xf32>
    %swap3A = arith.constant 0 : index
    %swap3A_128 = arith.constant 0 : index
    %swap3A_129 = vector.load %arg13[%swap3A, %swap3A_128] : memref<1000x256xf32, #tpu.memory_space<vmem>>, vector<1000x256xf32>
    tpu.vector_store %arg13[%swap3A, %swap3A_128], %add3A_127 {strides = array<i32>} : memref<1000x256xf32, #tpu.memory_space<vmem>>, vector<1000x256xf32>,
    return
  }
  func.func @transform_0(%arg0: i32) -> (i32, i32) {
    %c0_i32 = arith.constant 0 : i32
    %c0_i32_0 = arith.constant 0 : i32
    return %arg0, %c0_i32 : i32, i32
  }
  func.func @transform_1(%arg0: i32) -> (i32, i32, i32) {
    %c0_i32 = arith.constant 0 : i32
    %c0_i32_0 = arith.constant 0 : i32
    %c0_i32_1 = arith.constant 0 : i32
    return %c0_i32, %arg0, %c0_i32_0 : i32, i32, i32
  }
  func.func @transform_2(%arg0: i32) -> (i32, i32, i32) {
    %c0_i32 = arith.constant 0 : i32
    %c0_i32_0 = arith.constant 0 : i32
    %c0_i32_1 = arith.constant 0 : i32
    return %c0_i32, %arg0, %c0_i32_0 : i32, i32, i32
  }
  func.func @transform_3(%arg0: i32) -> (i32, i32, i32) {
    %c0_i32 = arith.constant 0 : i32
    %c0_i32_0 = arith.constant 0 : i32
    %c0_i32_1 = arith.constant 0 : i32
    return %c0_i32, %arg0, %c0_i32_0 : i32, i32, i32
  }
  func.func @transform_4(%arg0: i32) -> (i32, i32) {
    %c0_i32 = arith.constant 0 : i32
    %c0_i32_0 = arith.constant 0 : i32
    %c0_i32_1 = arith.constant 0 : i32
    return %c0_i32, %c0_i32_0 : i32, i32
  }
  func.func @transform_5(%arg0: i32) -> (i32, i32) {
    %c0_i32 = arith.constant 0 : i32
    %c0_i32_0 = arith.constant 0 : i32
    %c0_i32_1 = arith.constant 0 : i32
    return %c0_i32, %c0_i32_0 : i32, i32
  }
  func.func @transform_6(%arg0: i32) -> (i32, i32) {
    %c0_i32 = arith.constant 0 : i32
    %c0_i32_0 = arith.constant 0 : i32
    %c0_i32_1 = arith.constant 0 : i32
    return %c0_i32, %c0_i32_0 : i32, i32
  }
  func.func @transform_7(%arg0: i32) -> (i32, i32) {
    %c0_i32 = arith.constant 0 : i32
    %c0_i32_0 = arith.constant 0 : i32
    %c0_i32_1 = arith.constant 0 : i32
    return %c0_i32, %c0_i32_0 : i32, i32
  }
  func.func @transform_8(%arg0: i32) -> (i32, i32) {
    %c0_i32 = arith.constant 0 : i32
    %c0_i32_0 = arith.constant 0 : i32
    %c0_i32_1 = arith.constant 0 : i32
    return %c0_i32, %c0_i32_0 : i32, i32
  }
  func.func @transform_9(%arg0: i32) -> (i32, i32) {
    %c0_i32 = arith.constant 0 : i32
    %c0_i32_0 = arith.constant 0 : i32
    %c0_i32_1 = arith.constant 0 : i32
    return %c0_i32, %c0_i32_0 : i32, i32
  }
  func.func @transform_10(%arg0: i32) -> (i32, i32) {
    %c0_i32 = arith.constant 0 : i32
    %c0_i32_0 = arith.constant 0 : i32
    %c0_i32_1 = arith.constant 0 : i32
    return %c0_i32, %c0_i32_0 : i32, i32
  }
  func.func @transform_11(%arg0: i32) -> (i32, i32) {
    %c0_i32 = arith.constant 0 : i32
    %c0_i32_0 = arith.constant 0 : i32
    %c0_i32_1 = arith.constant 0 : i32
    return %c0_i32, %c0_i32_0 : i32, i32
  }
  func.func @transform_12(%arg0: i32) -> (i32, i32) {
    %c0_i32 = arith.constant 0 : i32
    %c0_i32_0 = arith.constant 0 : i32
    return %arg0, %c0_i32 : i32, i32
  }
}

</mosaic_0001>

<sc_bundles>
// kernel: kernel.10.cloned.1.call-start
scs
__scs_entry_jumppad:
0x0: {  	(pc) =	sbr.rel $0x88, $3  }
0x1: {  	(tag) =	ssettag $0x0;
	lr =	simm.s32 $0x1  }
0x2: {  	[smem:$0x3F94] =	sst lr;
	_ =	strace $0xD0000000  }
0x3: {  	_ = 	snop  }
0x4: {  	_ = 	snop  }
0x5: {  	_ = 	snop  }
0x6: {  	_ = 	snop  }
0x7: {  	_ = 	snop  }
__scs_overlays_trampoline_lowered:
0x8: {  	[smem:$0x3FA3] =	sst s0  }
0x9: {  	[smem:$0x3FA4] =	sst s1  }
0xa: {  	[smem:$0x3FA5] =	sst s2  }
0xb: {  	[smem:$0x3FA6] =	sst s3  }
0xc: {  	[smem:$0x3FA7] =	sst s4  }
0xd: {  	[smem:$0x3FA8] =	sst s5  }
0xe: {  	[smem:$0x3FA9] =	sst s6  }
0xf: {  	[smem:$0x3FAA] =	sst s7  }
0x10: {  	[smem:$0x3FAB] =	sst s8  }
0x11: {  	[smem:$0x3FAC] =	sst s9;
	s0 =	simm.s32 @!p0 $0x0  }
0x12: {  	s1 =	sld [smem:$0x3F92];
	s0 =	simm.s32 @p0 $0x1  }
0x13: {  	[smem:$0x3FAD] =	sst s0;
	s0 =	simm.s32 @!p1 $0x0  }
0x14: {  	s2 =	sld [smem:$0x3F91];
	s0 =	simm.s32 @p1 $0x1  }
0x15: {  	[smem:$0x3FAE] =	sst s0;
	s0 =	simm.s32 @!p2 $0x0  }
0x16: {  	s3 =	sld [smem:$0x3FDB];
	s0 =	simm.s32 @p2 $0x1  }
0x17: {  	s4 =	simm.s32 $0x1BF5;
	[smem:$0x3FB0] =	sst s0  }
0x18: {  	s0 =	sld [smem:$0x3F93];
	_ =	swait.ge [sflag:s4], $0x0  }
0x19: {  	s7 =	sld [smem:$0x3F94]  }
0x1a: {  	s8 =	sadd.s32 $0xFFFFE003, lr  }
0x1b: {  	s9 =	sadd.s32 $0xFFFFFEF7, lr;
	s5 =	simm.s32 $0xFFFFFFFF;
	p2 =	slt.u32 s8, $0xFFFFF086  }
0x1c: {  	p1 =	slt.u32 s9, $0xF7A;
	s5 =	simm.s32 @!p2 $0x0  }
0x1d: {  	s5 =	simm.s32 @p1 $0x1;
	p0 =	seq.s32 s7, s2  }
0x1e: {  	s7 =	smul.u32 @!p0 $0xF7A, s2;
	p2 =	seq.s32 @!p0 s5, $0x0  }
0x1f: {  	s9 =	smul.u32 $0xF7A, s1;
	s8 =	simm.s32 @!p0 $0x1BF5;
	p2 =	por !p2, p0  }
0x20: {  	[sflag:s8] =	ssyncset.s32 @!p0 $0xFFFFF086;
	s6 =	sadd.s32 @!p0 s3, s7;
	s7 =	simm.s32 @!p0 $0x108  }
0x21: {  	s3 =	sadd.s32 s3, s9;
	s6 =	sadd.s32 @!p0 $0x88, s6;
	s7 =	simm.s32 @p2 $0x1082  }
0x22: {  	[simem:s7], [sflag:s8] =	dma.local @!p0 [hbm:s6], $0xF7A  }
0x23: {  	s9 =	sor.u32 $0xD0000000, s2;
	s6 =	simm.s32 $0x108;
	_ =	swait.ge @!p0 [sflag:s8], $0x0  }
0x24: {  	s3 =	sadd.s32 $0x88, s3;
	s6 =	simm.s32 @!p1 $0x1082;
	[sflag:s4] =	ssyncset.s32 $0xFFFFF086  }
0x25: {  	[simem:s6], [sflag:s4] =	dma.local [hbm:s3], $0xF7A  }
0x26: {  	[smem:$0x3F94] =	sst s1;
	(tag) =	ssettag s2;
	_ =	strace s9  }
0x27: {  	s1 =	sld [smem:$0x3FA4]  }
0x28: {  	s2 =	sld [smem:$0x3FA5]  }
0x29: {  	s4 =	sld [smem:$0x3FA7]  }
0x2a: {  	p0 =	seq.s32 s5, $0x0;
	s5 =	sld [smem:$0x3FA8]  }
0x2b: {  	s6 =	sld [smem:$0x3FA9]  }
0x2c: {  	s7 =	sld [smem:$0x3FAA]  }
0x2d: {  	s3 =	simm.s32 $0x108;
	s8 =	sld [smem:$0x3FAB]  }
0x2e: {  	s3 =	simm.s32 @!p0 $0x1082;
	s9 =	sld [smem:$0x3FAC]  }
0x2f: {  	lr =	sadd.s32 s0, s3;
	s0 =	sld [smem:$0x3FA3]  }
0x30: {  	s3 =	sld [smem:$0x3FA6]  }
0x31: {  	[smem:$0x3FAF] =	sst s10  }
0x32: {  	s10 =	sld [smem:$0x3FAD];
	_ =	sdelay $0x3  }
0x33: {  	p0 =	seq.s32 s10, $0x1;
	s10 =	sld [smem:$0x3FAF];
	_ =	sdelay $0x3  }
0x34: {  	[smem:$0x3FAF] =	sst s10  }
0x35: {  	s10 =	sld [smem:$0x3FAE];
	_ =	sdelay $0x3  }
0x36: {  	p1 =	seq.s32 s10, $0x1;
	s10 =	sld [smem:$0x3FAF];
	_ =	sdelay $0x3  }
0x37: {  	[smem:$0x3FAF] =	sst s10  }
0x38: {  	s10 =	sld [smem:$0x3FB0]  }
0x39: {  	_ = 	snop;
	(pc) =	sbr.ind lr, $3  }
0x3a: {  	_ = 	snop  }
0x3b: {  	_ = 	snop  }
0x3c: {  	p2 =	seq.s32 s10, $0x1;
	s10 =	sld [smem:$0x3FAF]  }
0x3d: {  	_ =	shalt  }
0x3e: {  	_ =	shalt  }
0x3f: {  	_ =	shalt  }
0x40: {  	_ =	shalt  }
0x41: {  	_ =	shalt  }
0x42: {  	_ =	shalt  }
0x43: {  	_ =	shalt  }
0x44: {  	_ =	shalt  }
0x45: {  	_ =	shalt  }
0x46: {  	_ =	shalt  }
0x47: {  	_ =	shalt  }
0x48: {  	_ =	shalt  }
0x49: {  	_ =	shalt  }
0x4a: {  	_ =	shalt  }
0x4b: {  	_ =	shalt  }
0x4c: {  	_ =	shalt  }
0x4d: {  	_ =	shalt  }
0x4e: {  	_ =	shalt  }
0x4f: {  	_ =	shalt  }
0x50: {  	_ =	shalt  }
0x51: {  	_ =	shalt  }
0x52: {  	_ =	shalt  }
0x53: {  	_ =	shalt  }
0x54: {  	_ =	shalt  }
0x55: {  	_ =	shalt  }
0x56: {  	_ =	shalt  }
0x57: {  	_ =	shalt  }
0x58: {  	_ =	shalt  }
0x59: {  	_ =	shalt  }
0x5a: {  	_ =	shalt  }
0x5b: {  	_ =	shalt  }
0x5c: {  	_ =	shalt  }
0x5d: {  	_ =	shalt  }
0x5e: {  	_ =	shalt  }
0x5f: {  	_ =	shalt  }
0x60: {  	_ =	shalt  }
0x61: {  	_ =	shalt  }
0x62: {  	_ =	shalt  }
0x63: {  	_ =	shalt  }
0x64: {  	_ =	shalt  }
0x65: {  	_ =	shalt  }
0x66: {  	_ =	shalt  }
0x67: {  	_ =	shalt  }
0x68: {  	_ =	shalt  }
0x69: {  	_ =	shalt  }
0x6a: {  	_ =	shalt  }
0x6b: {  	_ =	shalt  }
0x6c: {  	_ =	shalt  }
0x6d: {  	_ =	shalt  }
0x6e: {  	_ =	shalt  }
0x6f: {  	_ =	shalt  }
0x70: {  	_ =	shalt  }
0x71: {  	_ =	shalt  }
0x72: {  	_ =	shalt  }
0x73: {  	_ =	shalt  }
0x74: {  	_ =	shalt  }
0x75: {  	_ =	shalt  }
0x76: {  	_ =	shalt  }
0x77: {  	_ =	shalt  }
0x78: {  	_ =	shalt  }
0x79: {  	_ =	shalt  }
0x7a: {  	_ =	shalt  }
0x7b: {  	_ =	shalt  }
0x7c: {  	_ =	shalt  }
0x7d: {  	_ =	shalt  }
0x7e: {  	_ =	shalt  }
0x7f: {  	_ =	shalt  }
0x80: {  	_ =	shalt  }
0x81: {  	_ =	shalt  }
0x82: {  	_ =	shalt  }
0x83: {  	_ =	shalt  }
0x84: {  	_ =	shalt  }
0x85: {  	_ =	shalt  }
0x86: {  	_ =	shalt  }
0x87: {  	_ =	shalt  }
.Lfunc_end0:
.L_simem_size_0:
called_computation_lowered:
.L_overlay_start_0:
0x88: {  	s2 =	sld [smem:$0x3FD9]  }
0x89: {  	s3 =	sld [smem:$0x3FFE];
	_ =	sdelay $0x1  }
0x8a: {  	s1 =	srdreg.scid  }
0x8b: {  	s0 =	sand.u32 $0x1, s1  }
0x8c: {  	s17 =	sshll.u32 s0, $0xA;
	s2 =	sadd.s32 s3, s2  }
0x8d: {  	s2 =	sadd.s32 s2, s17  }
0x8e: {  	[smem:$0x3FBB] =	sst s2  }
0x8f: {  	_ = 	snop  }
0x90: {  	s18 =	sld [smem:$0x3FD0];
	(tm) =	ssettm $0x1  }
0x91: {  	s19 =	sld [smem:$0x3FFB];
	_ =	sdelay $0x3  }
0x92: {  	_ =	strace s19  }
0x93: {  	s2 =	sld [smem:$0x3FFC];
	_ =	sdelay $0x3  }
0x94: {  	_ =	strace s2  }
0x95: {  	s2 =	sld [smem:$0x3FFD];
	_ =	sdelay $0x3  }
0x96: {  	_ =	strace s2  }
0x97: {  	_ =	strace $0x8FFFFFFF  }
0x98: {  	s20 =	sld [smem:$0x3FDB];
	_ =	sdelay $0x1  }
0x99: {  	s4 =	simm.s32 $_scs_section_size  }
0x9a: {  	s5 =	simm.s32 $_size__tile_overlayer_lowered;
	s6 =	simm.s32 $_tile_overlayer_lowered  }
0x9b: {  	s7 =	simm.s32 $0x1BFF;
	s21 =	sshll.u32 s6, $0x1;
	s4 =	sadd.s32 s4, s20  }
0x9c: {  	s22 =	simm.s32 $0x0;
	s5 =	sshll.u32 s5, $0x1;
	s6 =	sadd.s32 s21, s4  }
0x9d: {  	[timem:s22], [sflag:s7] =	dma.local [hbm:s6], s5  }
0x9e: {  	_ =	swait.ge [sflag:s7], s5  }
0x9f: {  	s5 =	ssub.s32 $0x0, s5;
	[sflag:s7] =	ssyncset.done $0x0  }
0xa0: {  	[sflag:s7] =	ssyncadd.s32 s5;
	_ =	sdelay $0x1  }
0xa1: {  	s23 =	simm.s32 $0x1B8B  }
0xa2: {  	_ =	swait.ge [sflag:s23], $0x1  }
0xa3: {  	[sflag:s23] =	ssyncset.done $0x0  }
0xa4: {  	[sflag:s23] =	ssyncadd.s32 $0xFFFFFFFF  }
0xa5: {  	s5 =	sld [smem:$0x0]  }
0xa6: {  	s6 =	sand.u32 $0xFFFFFFFE, s1  }
0xa7: {  	p0 =	sne.s32 s1, s6  }
0xa8: {  	s6 =	sshll.u32 @p0 s6, $0xE  }
0xa9: {  	s6 =	sadd.s32 @p0 $0x11B8D, s6;
	s7 =	sshll.u32 @p0 s5, $0x11  }
0xaa: {  	s6 =	sor.u32 @p0 s7, s6  }
0xab: {  	[sflag:s6] =	ssyncadd.remote.s32 @p0 $0x1;
	_ =	sdelay $0x1  }
0xac: {  	s6 =	simm.s32 @p0 $0x1B8D  }
0xad: {  	_ =	swait.eq @p0 [sflag:s6], $0x1  }
0xae: {  	[sflag:s6] =	ssyncadd.s32 @p0 $0xFFFFFFFF  }
0xaf: {  	s7 =	sshll.u32 @!p0 s1, $0xE  }
0xb0: {  	s7 =	sor.u32 @!p0 $0x4000, s7;
	s6 =	simm.s32 @!p0 $0x1B8D  }
0xb1: {  	s5 =	sshll.u32 @!p0 s5, $0x11;
	s7 =	sadd.s32 @!p0 $0x11B8D, s7;
	_ =	swait.eq @!p0 [sflag:s6], $0x1  }
0xb2: {  	s5 =	sor.u32 @!p0 s5, s7;
	[sflag:s6] =	ssyncadd.s32 @!p0 $0xFFFFFFFF  }
0xb3: {  	s25 =	simm.s32 $0x1B8E;
	s24 =	sld [smem:$0x3FFE];
	[sflag:s5] =	ssyncadd.remote.s32 @!p0 $0x1  }
0xb4: {  	s26 =	simm.s32 $execute0_lowered;
	[smem:$0x3FD2] =	sst s25  }
0xb5: {  	s6 =	sshll.u32 s26, $0x1;
	_ =	strace $0x80000049;
	[dreg:$0x1] =	wrdreg $0xFFFFFFFF  }
0xb6: {  	s28 =	simm.s32 $_size_execute0_lowered;
	s4 =	sadd.s32 s4, s6;
	[dreg:$0x0] =	wrdreg $0x0  }
0xb7: {  	s6 =	sshll.u32 s28, $0x1;
	[dreg:$0x2] =	wrdreg s4  }
0xb8: {  	[dreg:$0x3] =	wrdreg s6  }
0xb9: {  	[dreg:$0x4] =	wrdreg $0xC0  }
0xba: {  	_ =	task [dreg:s22], $0x5FFFF  }
0xbb: {  	[dreg:$0x1] =	wrdreg $0xFFFFFFFF  }
0xbc: {  	[dreg:$0x0] =	wrdreg $0x60  }
0xbd: {  	[dreg:$0x2] =	wrdreg s24  }
0xbe: {  	[dreg:$0x3] =	wrdreg s18  }
0xbf: {  	[dreg:$0x4] =	wrdreg $0x9  }
0xc0: {  	_ =	task.clear_ibuf [dreg:s22], $0x5FFFF;
	_ =	strace $0x90000049  }
0xc1: {  	s29 =	simm.s32 $0x9;
	_ =	strace $0x8000004B  }
0xc2: {  	_ =	swait.ge [sflag:s29], $0x1  }
0xc3: {  	[sflag:s29] =	ssyncadd.s32 $0xFFFFFFFF  }
0xc4: {  	_ =	strace $0x9000004B  }
0xc5: {  	_ =	sfence  }
0xc6: {  	s30 =	sld [smem:$0x0];
	_ =	sdelay $0x2  }
0xc7: {  	s31 =	sshll.u32 s1, $0xD;
	s1 =	sshrl.u32 s1, $0x2  }
0xc8: {  	s4 =	sand.u32 $0x4000, s31;
	s1 =	sadd.s32 s1, s30  }
0xc9: {  	s0 =	sor.u32 s4, s0;
	s1 =	sshll.u32 s1, $0x11  }
0xca: {  	s0 =	sor.u32 s1, s0  }
0xcb: {  	s0 =	sadd.s32 $0x8F2B, s0  }
0xcc: {  	[sflag:s0] =	ssyncadd.remote.s32 $0x1  }
0xcd: {  	_ =	sfence.sel $0xFFFF  }
0xce: {  	[dreg:$0x0] =	wrdreg $0xFFFFFFFF;
	(pc) =	sbr.abs _section_cstart, $3  }
0xcf: {  	[dreg:$0x1] =	wrdreg $0xFFFFFFFF  }
0xd0: {  	_ =	task.clear_ibuf [dreg:s22], $0x2FFFF;
	_ =	strace $0x9FFFFFFF  }
0xd1: {  	(tm) =	ssettm $0x7FFFFFFF  }
tec
execute0_lowered:
.L_overlay_start_1:
0x0: {  	(tag) =	ssettag $0x1  }
0x1: {  	s0 =	rddreg [dreg:$0x0]  }
0x2: {  	s2 =	rddreg [dreg:$0x1]  }
0x3: {  	s1 =	srdreg.scid;
	s4 =	stileid.u32  }
0x4: {  	s3 =	simm.s32 $0x0;
	s11 =	simm.s32 $0x5;
	s12 =	simm.s32 $0x28  }
0x5: {  	s13 =	simm.s32 $0x200;
	s14 =	simm.s32 $0x1600;
	s15 =	simm.s32 $0x50  }
0x6: {  	s16 =	simm.s32 $0x2A00;
	s17 =	simm.s32 $0x78;
	s18 =	simm.s32 $0x3E00  }
0x7: {  	s19 =	simm.s32 $0x100;
	s20 =	simm.s32 $0x5200;
	s21 =	simm.s32 $0x128  }
0x8: {  	s22 =	simm.s32 $0x6600;
	s23 =	simm.s32 $0x150;
	s24 =	simm.s32 $0x7A00  }
0x9: {  	s28 =	simm.s32 $0x1;
	s1 =	sand.u32 $0x1, s1;
	s4 =	sshll.u32 s4, $0x1  }
0xa: {  	s29 =	simm.s32 $0x2;
	s30 =	simm.s32 $0x3;
	s4 =	sor.u32 s1, s4  }
0xb: {  	[smem:$0x7FF] =	sst s3;
	s1 =	ssub.s32 $0x2, s1;
	s7 =	smul.u32 $0x2800, s4  }
0xc: {  	s5 =	sadd.s32 $0x38000, s0;
	s8 =	smul.u32 $0x14, s4;
	s25 =	sshrl.u32 s1, $0x1  }
0xd: {  	s6 =	sadd.s32 $0x652800, s0;
	_ =	strace $0x8000004A;
	s0 =	ssub.s32 s1, s25  }
0xe: {  	s25 =	simm.s32 $0x178;
	s7 =	sshrl.u32 s7, $0x3;
	s26 =	sadd.s32 s2, s8  }
0xf: {  	s0 =	smax.u32 s0, $0x1;
	[dreg:$0x3] =	wrdreg s26;
	s31 =	sadd.s32 s6, s7  }
0x10: {  	s8 =	sor.u32 $0x40, s4;
	[dreg:$0x5] =	wrdreg s0;
	s1 =	sadd.s32 $0x4D8000, s31  }
0x11: {  	s26 =	simm.s32 $0x8E00;
	[dreg:$0x4] =	wrdreg s1;
	s1 =	simm.s32 $0x0  }
.LBB2_1:
0x12: {  	[dreg:$0x6] =	wrdreg s1  }
0x13: {  	s0 =	rddreg [dreg:$0x3]  }
0x14: {  	[tilespmem:s3], [sflag:$0x5] =	stream.linear.gather [hbm4b:s0+s3], $0xA0, $0x38;
	[tilespmem:$0xA200] =	vst v63  }
0x15: {  	_ =	swait.ge [sflag:s11], $0xA0  }
0x16: {  	[sflag:s11] =	ssyncset.done $0x0  }
0x17: {  	[sflag:s11] =	ssyncadd.s32 $0xFFFFFF60  }
0x18: {  	[tilespmem:s13], [sflag:$0x1] =	stream.indirect.gather [hbm4b:s5+s12], $0x80, s3, s12, $0xb8;
	[tilespmem:$0xA200] =	vst v63  }
0x19: {  	_ = 	snop  }
0x1a: {  	[tilespmem:s14], [sflag:$0x1] =	stream.indirect.gather [hbm4b:s5+s12], $0x80, s12, s12, $0xb8;
	[tilespmem:$0xA200] =	vst v63  }
0x1b: {  	_ = 	snop  }
0x1c: {  	[tilespmem:s16], [sflag:$0x1] =	stream.indirect.gather [hbm4b:s5+s12], $0x80, s15, s12, $0xb8;
	[tilespmem:$0xA200] =	vst v63  }
0x1d: {  	s1 =	simm.s32 $0x0  }
0x1e: {  	[tilespmem:s18], [sflag:$0x1] =	stream.indirect.gather [hbm4b:s5+s12], $0x80, s17, s12, $0xb8;
	[tilespmem:$0xA200] =	vst v63  }
.LBB2_2:
0x1f: {  	s7 =	sshll.u32 s1, $0x6  }
0x20: {  	p0 =	seq.s32 s1, $0x0;
	s10 =	sor.u32 s7, s4  }
0x21: {  	s0 =	simm.s32 @!p0 $0x4;
	s9 =	sor.u32 $0x20, s10  }
0x22: {  	_ =	swait.ge @!p0 [sflag:s0], $0x2800;
	s31 =	smul.u32 $0x14, s9  }
0x23: {  	[sflag:s0] =	ssyncset.done @!p0 $0x0  }
0x24: {  	[sflag:s0] =	ssyncadd.s32 @!p0 $0xFFFFD800;
	s0 =	sadd.s32 s2, s31;
	s31 =	simm.s32 $0x0  }
0x25: {  	[tilespmem:s19], [sflag:$0x5] =	stream.linear.gather [hbm4b:s0+s31], $0xA0, $0x38;
	[tilespmem:$0xA200] =	vst v63  }
0x26: {  	_ =	swait.ge [sflag:s11], $0xA0  }
0x27: {  	[sflag:s11] =	ssyncset.done $0x0  }
0x28: {  	[sflag:s11] =	ssyncadd.s32 $0xFFFFFF60  }
0x29: {  	[tilespmem:s20], [sflag:$0x2] =	stream.indirect.gather [hbm4b:s5+s12], $0x80, s19, s12, $0xb8;
	[tilespmem:$0xA200] =	vst v63  }
0x2a: {  	_ = 	snop  }
0x2b: {  	[tilespmem:s22], [sflag:$0x2] =	stream.indirect.gather [hbm4b:s5+s12], $0x80, s21, s12, $0xb8;
	[tilespmem:$0xA200] =	vst v63  }
0x2c: {  	_ = 	snop  }
0x2d: {  	[tilespmem:s24], [sflag:$0x2] =	stream.indirect.gather [hbm4b:s5+s12], $0x80, s23, s12, $0xb8;
	[tilespmem:$0xA200] =	vst v63  }
0x2e: {  	_ = 	snop  }
0x2f: {  	[tilespmem:s26], [sflag:$0x2] =	stream.indirect.gather [hbm4b:s5+s12], $0x80, s25, s12, $0xb8;
	[tilespmem:$0xA200] =	vst v63  }
0x30: {  	_ =	swait.ge [sflag:s28], $0x5000  }
0x31: {  	[sflag:s28] =	ssyncset.done $0x0  }
0x32: {  	s31 =	simm.s32 $0x0;
	s0 =	simm.s32 $0x200;
	[sflag:s28] =	ssyncadd.s32 $0xFFFFB000  }
.LBB2_3:
0x33: {  	p0 =	sne.s32 s0, $0x4E00;
	v0 =	vld [tilespmem:s31+$0x3E70]  }
0x34: {  	v1 =	vld [tilespmem:s31+$0x2A00]  }
0x35: {  	v2 =	vld [tilespmem:s31+$0x2A10]  }
0x36: {  	v3 =	vld [tilespmem:s31+$0x2A20]  }
0x37: {  	v4 =	vld [tilespmem:s31+$0x2A30]  }
0x38: {  	[tilespmem:s31+$0x1670] =	vst.add.f32.msk $0xffff, v0  }
0x39: {  	v0 =	vld [tilespmem:s31+$0x2A40]  }
0x3a: {  	v5 =	vld [tilespmem:s31+$0x2A50]  }
0x3b: {  	v6 =	vld [tilespmem:s31+$0x2A60]  }
0x3c: {  	v7 =	vld [tilespmem:s31+$0x2A70]  }
0x3d: {  	v8 =	vld [tilespmem:s31+$0x3E00]  }
0x3e: {  	v9 =	vld [tilespmem:s31+$0x3E10]  }
0x3f: {  	v10 =	vld [tilespmem:s31+$0x3E20]  }
0x40: {  	v11 =	vld [tilespmem:s31+$0x3E30]  }
0x41: {  	v12 =	vld [tilespmem:s31+$0x3E40]  }
0x42: {  	v13 =	vld [tilespmem:s31+$0x3E50]  }
0x43: {  	v14 =	vld [tilespmem:s31+$0x3E60]  }
0x44: {  	[tilespmem:s31+$0x200] =	vst.add.f32.msk $0xffff, v1  }
0x45: {  	[tilespmem:s31+$0x210] =	vst.add.f32.msk $0xffff, v2  }
0x46: {  	[tilespmem:s31+$0x220] =	vst.add.f32.msk $0xffff, v3  }
0x47: {  	[tilespmem:s31+$0x230] =	vst.add.f32.msk $0xffff, v4  }
0x48: {  	[tilespmem:s31+$0x240] =	vst.add.f32.msk $0xffff, v0  }
0x49: {  	[tilespmem:s31+$0x250] =	vst.add.f32.msk $0xffff, v5  }
0x4a: {  	[tilespmem:s31+$0x260] =	vst.add.f32.msk $0xffff, v6  }
0x4b: {  	[tilespmem:s31+$0x270] =	vst.add.f32.msk $0xffff, v7  }
0x4c: {  	[tilespmem:s31+$0x1600] =	vst.add.f32.msk $0xffff, v8  }
0x4d: {  	[tilespmem:s31+$0x1610] =	vst.add.f32.msk $0xffff, v9  }
.Ltmp0:
0x4e: {  	[tilespmem:s31+$0x1620] =	vst.add.f32.msk $0xffff, v10;
	(pc) =	sbr.rel @p0 .LBB2_3-.Ltmp0, $4  }
0x4f: {  	[tilespmem:s31+$0x1630] =	vst.add.f32.msk $0xffff, v11  }
0x50: {  	[tilespmem:s31+$0x1640] =	vst.add.f32.msk $0xffff, v12  }
0x51: {  	[tilespmem:s31+$0x1650] =	vst.add.f32.msk $0xffff, v13  }
0x52: {  	[tilespmem:s31+$0x1660] =	vst.add.f32.msk $0xffff, v14;
	s31 =	sshra.s32 s0, $0x2;
	s0 =	sadd.s32 $0x200, s0  }
0x53: {  	v0 =	vld [tilespmem:s31+$0x3E70]  }
0x54: {  	v1 =	vld [tilespmem:s31+$0x2A00]  }
0x55: {  	v2 =	vld [tilespmem:s31+$0x2A10]  }
0x56: {  	v3 =	vld [tilespmem:s31+$0x2A20]  }
0x57: {  	v4 =	vld [tilespmem:s31+$0x2A30]  }
0x58: {  	v63 =	vld [tilespmem:s31+$0x2A40]  }
0x59: {  	v5 =	vld [tilespmem:s31+$0x2A50]  }
0x5a: {  	v6 =	vld [tilespmem:s31+$0x2A60]  }
0x5b: {  	v7 =	vld [tilespmem:s31+$0x2A70]  }
0x5c: {  	v8 =	vld [tilespmem:s31+$0x3E00]  }
0x5d: {  	v9 =	vld [tilespmem:s31+$0x3E10]  }
0x5e: {  	v10 =	vld [tilespmem:s31+$0x3E20]  }
0x5f: {  	v11 =	vld [tilespmem:s31+$0x3E30]  }
0x60: {  	v12 =	vld [tilespmem:s31+$0x3E40]  }
0x61: {  	v13 =	vld [tilespmem:s31+$0x3E50]  }
0x62: {  	v14 =	vld [tilespmem:s31+$0x3E60]  }
0x63: {  	[tilespmem:s31+$0x1670] =	vst.add.f32.msk $0xffff, v0  }
0x64: {  	[tilespmem:s31+$0x200] =	vst.add.f32.msk $0xffff, v1  }
0x65: {  	[tilespmem:s31+$0x210] =	vst.add.f32.msk $0xffff, v2  }
0x66: {  	[tilespmem:s31+$0x220] =	vst.add.f32.msk $0xffff, v3  }
0x67: {  	[tilespmem:s31+$0x230] =	vst.add.f32.msk $0xffff, v4  }
0x68: {  	[tilespmem:s31+$0x240] =	vst.add.f32.msk $0xffff, v63  }
0x69: {  	[tilespmem:s31+$0x250] =	vst.add.f32.msk $0xffff, v5  }
0x6a: {  	[tilespmem:s31+$0x260] =	vst.add.f32.msk $0xffff, v6  }
0x6b: {  	[tilespmem:s31+$0x270] =	vst.add.f32.msk $0xffff, v7  }
0x6c: {  	[tilespmem:s31+$0x1600] =	vst.add.f32.msk $0xffff, v8  }
0x6d: {  	[tilespmem:s31+$0x1610] =	vst.add.f32.msk $0xffff, v9  }
0x6e: {  	[tilespmem:s31+$0x1620] =	vst.add.f32.msk $0xffff, v10  }
0x6f: {  	[tilespmem:s31+$0x1630] =	vst.add.f32.msk $0xffff, v11  }
0x70: {  	s0 =	smul.u32 $0x500, s10;
	[tilespmem:s31+$0x1640] =	vst.add.f32.msk $0xffff, v12  }
0x71: {  	[tilespmem:s31+$0x1650] =	vst.add.f32.msk $0xffff, v13  }
0x72: {  	s0 =	sadd.s32 s6, s0;
	[tilespmem:s31+$0x1660] =	vst.add.f32.msk $0xffff, v14;
	s31 =	simm.s32 $0x0  }
0x73: {  	[hbm4b:s0+s31] =	stream.linear.scatter [tilespmem:s13], [sflag:$0x3], $0x2800, $0x38;
	[tilespmem:$0xA200] =	vst v63  }
0x74: {  	_ =	swait.ge [sflag:s29], $0x5000  }
0x75: {  	[sflag:s29] =	ssyncset.done $0x0  }
0x76: {  	s10 =	simm.s32 $0x0;
	s0 =	simm.s32 $0x200;
	[sflag:s29] =	ssyncadd.s32 $0xFFFFB000  }
.LBB2_5:
0x77: {  	p0 =	sne.s32 s0, $0x4E00;
	v0 =	vld [tilespmem:s10+$0x8E70]  }
0x78: {  	v1 =	vld [tilespmem:s10+$0x7A00]  }
0x79: {  	v2 =	vld [tilespmem:s10+$0x7A10]  }
0x7a: {  	v3 =	vld [tilespmem:s10+$0x7A20]  }
0x7b: {  	v4 =	vld [tilespmem:s10+$0x7A30]  }
0x7c: {  	[tilespmem:s10+$0x6670] =	vst.add.f32.msk $0xffff, v0  }
0x7d: {  	v0 =	vld [tilespmem:s10+$0x7A40]  }
0x7e: {  	v5 =	vld [tilespmem:s10+$0x7A50]  }
0x7f: {  	v6 =	vld [tilespmem:s10+$0x7A60]  }
0x80: {  	v7 =	vld [tilespmem:s10+$0x7A70]  }
0x81: {  	v8 =	vld [tilespmem:s10+$0x8E00]  }
0x82: {  	v9 =	vld [tilespmem:s10+$0x8E10]  }
0x83: {  	v10 =	vld [tilespmem:s10+$0x8E20]  }
0x84: {  	v11 =	vld [tilespmem:s10+$0x8E30]  }
0x85: {  	v12 =	vld [tilespmem:s10+$0x8E40]  }
0x86: {  	v13 =	vld [tilespmem:s10+$0x8E50]  }
0x87: {  	v14 =	vld [tilespmem:s10+$0x8E60]  }
0x88: {  	[tilespmem:s10+$0x5200] =	vst.add.f32.msk $0xffff, v1  }
0x89: {  	[tilespmem:s10+$0x5210] =	vst.add.f32.msk $0xffff, v2  }
0x8a: {  	[tilespmem:s10+$0x5220] =	vst.add.f32.msk $0xffff, v3  }
0x8b: {  	[tilespmem:s10+$0x5230] =	vst.add.f32.msk $0xffff, v4  }
0x8c: {  	[tilespmem:s10+$0x5240] =	vst.add.f32.msk $0xffff, v0  }
0x8d: {  	[tilespmem:s10+$0x5250] =	vst.add.f32.msk $0xffff, v5  }
0x8e: {  	[tilespmem:s10+$0x5260] =	vst.add.f32.msk $0xffff, v6  }
0x8f: {  	[tilespmem:s10+$0x5270] =	vst.add.f32.msk $0xffff, v7  }
0x90: {  	[tilespmem:s10+$0x6600] =	vst.add.f32.msk $0xffff, v8  }
0x91: {  	[tilespmem:s10+$0x6610] =	vst.add.f32.msk $0xffff, v9  }
.Ltmp1:
0x92: {  	[tilespmem:s10+$0x6620] =	vst.add.f32.msk $0xffff, v10;
	(pc) =	sbr.rel @p0 .LBB2_5-.Ltmp1, $4  }
0x93: {  	[tilespmem:s10+$0x6630] =	vst.add.f32.msk $0xffff, v11  }
0x94: {  	[tilespmem:s10+$0x6640] =	vst.add.f32.msk $0xffff, v12  }
0x95: {  	[tilespmem:s10+$0x6650] =	vst.add.f32.msk $0xffff, v13  }
0x96: {  	[tilespmem:s10+$0x6660] =	vst.add.f32.msk $0xffff, v14;
	s10 =	sshra.s32 s0, $0x2;
	s0 =	sadd.s32 $0x200, s0  }
0x97: {  	v0 =	vld [tilespmem:s10+$0x8E70]  }
0x98: {  	v1 =	vld [tilespmem:s10+$0x7A00]  }
0x99: {  	v2 =	vld [tilespmem:s10+$0x7A10]  }
0x9a: {  	v3 =	vld [tilespmem:s10+$0x7A20]  }
0x9b: {  	v4 =	vld [tilespmem:s10+$0x7A30]  }
0x9c: {  	v63 =	vld [tilespmem:s10+$0x7A40]  }
0x9d: {  	v5 =	vld [tilespmem:s10+$0x7A50]  }
0x9e: {  	v6 =	vld [tilespmem:s10+$0x7A60]  }
0x9f: {  	v7 =	vld [tilespmem:s10+$0x7A70]  }
0xa0: {  	v8 =	vld [tilespmem:s10+$0x8E00]  }
0xa1: {  	v9 =	vld [tilespmem:s10+$0x8E10]  }
0xa2: {  	v10 =	vld [tilespmem:s10+$0x8E20]  }
0xa3: {  	v11 =	vld [tilespmem:s10+$0x8E30]  }
0xa4: {  	v12 =	vld [tilespmem:s10+$0x8E40]  }
0xa5: {  	v13 =	vld [tilespmem:s10+$0x8E50]  }
0xa6: {  	v14 =	vld [tilespmem:s10+$0x8E60]  }
0xa7: {  	[tilespmem:s10+$0x6670] =	vst.add.f32.msk $0xffff, v0  }
0xa8: {  	[tilespmem:s10+$0x5200] =	vst.add.f32.msk $0xffff, v1  }
0xa9: {  	[tilespmem:s10+$0x5210] =	vst.add.f32.msk $0xffff, v2  }
0xaa: {  	[tilespmem:s10+$0x5220] =	vst.add.f32.msk $0xffff, v3  }
0xab: {  	[tilespmem:s10+$0x5230] =	vst.add.f32.msk $0xffff, v4  }
0xac: {  	[tilespmem:s10+$0x5240] =	vst.add.f32.msk $0xffff, v63  }
0xad: {  	[tilespmem:s10+$0x5250] =	vst.add.f32.msk $0xffff, v5  }
0xae: {  	[tilespmem:s10+$0x5260] =	vst.add.f32.msk $0xffff, v6  }
0xaf: {  	[tilespmem:s10+$0x5270] =	vst.add.f32.msk $0xffff, v7  }
0xb0: {  	[tilespmem:s10+$0x6600] =	vst.add.f32.msk $0xffff, v8  }
0xb1: {  	[tilespmem:s10+$0x6610] =	vst.add.f32.msk $0xffff, v9  }
0xb2: {  	[tilespmem:s10+$0x6620] =	vst.add.f32.msk $0xffff, v10  }
0xb3: {  	[tilespmem:s10+$0x6630] =	vst.add.f32.msk $0xffff, v11  }
0xb4: {  	s0 =	smul.u32 $0x500, s9;
	[tilespmem:s10+$0x6640] =	vst.add.f32.msk $0xffff, v12  }
0xb5: {  	[tilespmem:s10+$0x6650] =	vst.add.f32.msk $0xffff, v13  }
0xb6: {  	s31 =	sadd.s32 s8, s7;
	s0 =	sadd.s32 s6, s0;
	[tilespmem:s10+$0x6660] =	vst.add.f32.msk $0xffff, v14  }
0xb7: {  	[hbm4b:s0+s3] =	stream.linear.scatter [tilespmem:s20], [sflag:$0x4], $0x2800, $0x38;
	[tilespmem:$0xA200] =	vst v63  }
0xb8: {  	s0 =	smul.u32 $0x14, s31;
	_ =	swait.ge [sflag:s30], $0x2800  }
0xb9: {  	[sflag:s30] =	ssyncset.done $0x0  }
0xba: {  	s0 =	sadd.s32 s2, s0;
	[sflag:s30] =	ssyncadd.s32 $0xFFFFD800  }
0xbb: {  	[tilespmem:s3], [sflag:$0x5] =	stream.linear.gather [hbm4b:s0+s3], $0xA0, $0x38;
	[tilespmem:$0xA200] =	vst v63  }
0xbc: {  	_ =	swait.ge [sflag:s11], $0xA0  }
0xbd: {  	[sflag:s11] =	ssyncset.done $0x0  }
0xbe: {  	s1 =	sadd.s32 $0x1, s1;
	[sflag:s11] =	ssyncadd.s32 $0xFFFFFF60  }
0xbf: {  	[tilespmem:s13], [sflag:$0x1] =	stream.indirect.gather [hbm4b:s5+s12], $0x80, s3, s12, $0xb8;
	[tilespmem:$0xA200] =	vst v63  }
0xc0: {  	p0 =	sne.s32 s1, $0x3E  }
0xc1: {  	[tilespmem:s14], [sflag:$0x1] =	stream.indirect.gather [hbm4b:s5+s12], $0x80, s12, s12, $0xb8;
	[tilespmem:$0xA200] =	vst v63  }
.Ltmp2:
0xc2: {  	_ = 	snop;
	(pc) =	sbr.rel @p0 .LBB2_2-.Ltmp2, $4  }
0xc3: {  	_ = 	snop  }
0xc4: {  	[tilespmem:s16], [sflag:$0x1] =	stream.indirect.gather [hbm4b:s5+s12], $0x80, s15, s12, $0xb8;
	[tilespmem:$0xA200] =	vst v63  }
0xc5: {  	_ = 	snop  }
0xc6: {  	[tilespmem:s18], [sflag:$0x1] =	stream.indirect.gather [hbm4b:s5+s12], $0x80, s17, s12, $0xb8;
	[tilespmem:$0xA200] =	vst v63  }
0xc7: {  	_ =	swait.ge [sflag:s28], $0x5000  }
0xc8: {  	[sflag:s28] =	ssyncset.done $0x0  }
0xc9: {  	s1 =	simm.s32 $0x0;
	s0 =	simm.s32 $0x200;
	[sflag:s28] =	ssyncadd.s32 $0xFFFFB000  }
.LBB2_8:
0xca: {  	p0 =	sne.s32 s0, $0x4E00;
	v0 =	vld [tilespmem:s1+$0x3E70]  }
0xcb: {  	v1 =	vld [tilespmem:s1+$0x2A00]  }
0xcc: {  	v2 =	vld [tilespmem:s1+$0x2A10]  }
0xcd: {  	v3 =	vld [tilespmem:s1+$0x2A20]  }
0xce: {  	v4 =	vld [tilespmem:s1+$0x2A30]  }
0xcf: {  	[tilespmem:s1+$0x1670] =	vst.add.f32.msk $0xffff, v0  }
0xd0: {  	v0 =	vld [tilespmem:s1+$0x2A40]  }
0xd1: {  	v5 =	vld [tilespmem:s1+$0x2A50]  }
0xd2: {  	v6 =	vld [tilespmem:s1+$0x2A60]  }
0xd3: {  	v7 =	vld [tilespmem:s1+$0x2A70]  }
0xd4: {  	v8 =	vld [tilespmem:s1+$0x3E00]  }
0xd5: {  	v9 =	vld [tilespmem:s1+$0x3E10]  }
0xd6: {  	v10 =	vld [tilespmem:s1+$0x3E20]  }
0xd7: {  	v11 =	vld [tilespmem:s1+$0x3E30]  }
0xd8: {  	v12 =	vld [tilespmem:s1+$0x3E40]  }
0xd9: {  	v13 =	vld [tilespmem:s1+$0x3E50]  }
0xda: {  	v14 =	vld [tilespmem:s1+$0x3E60]  }
0xdb: {  	[tilespmem:s1+$0x200] =	vst.add.f32.msk $0xffff, v1  }
0xdc: {  	[tilespmem:s1+$0x210] =	vst.add.f32.msk $0xffff, v2  }
0xdd: {  	[tilespmem:s1+$0x220] =	vst.add.f32.msk $0xffff, v3  }
0xde: {  	[tilespmem:s1+$0x230] =	vst.add.f32.msk $0xffff, v4  }
0xdf: {  	[tilespmem:s1+$0x240] =	vst.add.f32.msk $0xffff, v0  }
0xe0: {  	[tilespmem:s1+$0x250] =	vst.add.f32.msk $0xffff, v5  }
0xe1: {  	[tilespmem:s1+$0x260] =	vst.add.f32.msk $0xffff, v6  }
0xe2: {  	[tilespmem:s1+$0x270] =	vst.add.f32.msk $0xffff, v7  }
0xe3: {  	[tilespmem:s1+$0x1600] =	vst.add.f32.msk $0xffff, v8  }
0xe4: {  	[tilespmem:s1+$0x1610] =	vst.add.f32.msk $0xffff, v9  }
.Ltmp3:
0xe5: {  	[tilespmem:s1+$0x1620] =	vst.add.f32.msk $0xffff, v10;
	(pc) =	sbr.rel @p0 .LBB2_8-.Ltmp3, $4  }
0xe6: {  	[tilespmem:s1+$0x1630] =	vst.add.f32.msk $0xffff, v11  }
0xe7: {  	[tilespmem:s1+$0x1640] =	vst.add.f32.msk $0xffff, v12  }
0xe8: {  	[tilespmem:s1+$0x1650] =	vst.add.f32.msk $0xffff, v13  }
0xe9: {  	[tilespmem:s1+$0x1660] =	vst.add.f32.msk $0xffff, v14;
	s1 =	sshra.s32 s0, $0x2;
	s0 =	sadd.s32 $0x200, s0  }
0xea: {  	v0 =	vld [tilespmem:s1+$0x3E70]  }
0xeb: {  	v1 =	vld [tilespmem:s1+$0x2A00]  }
0xec: {  	v2 =	vld [tilespmem:s1+$0x2A10]  }
0xed: {  	v3 =	vld [tilespmem:s1+$0x2A20]  }
0xee: {  	v4 =	vld [tilespmem:s1+$0x2A30]  }
0xef: {  	v63 =	vld [tilespmem:s1+$0x2A40]  }
0xf0: {  	v5 =	vld [tilespmem:s1+$0x2A50]  }
0xf1: {  	v6 =	vld [tilespmem:s1+$0x2A60]  }
0xf2: {  	v7 =	vld [tilespmem:s1+$0x2A70]  }
0xf3: {  	v8 =	vld [tilespmem:s1+$0x3E00]  }
0xf4: {  	v9 =	vld [tilespmem:s1+$0x3E10]  }
0xf5: {  	v10 =	vld [tilespmem:s1+$0x3E20]  }
0xf6: {  	v11 =	vld [tilespmem:s1+$0x3E30]  }
0xf7: {  	v12 =	vld [tilespmem:s1+$0x3E40]  }
0xf8: {  	v13 =	vld [tilespmem:s1+$0x3E50]  }
0xf9: {  	v14 =	vld [tilespmem:s1+$0x3E60]  }
0xfa: {  	[tilespmem:s1+$0x1670] =	vst.add.f32.msk $0xffff, v0  }
0xfb: {  	[tilespmem:s1+$0x200] =	vst.add.f32.msk $0xffff, v1  }
0xfc: {  	[tilespmem:s1+$0x210] =	vst.add.f32.msk $0xffff, v2  }
0xfd: {  	[tilespmem:s1+$0x220] =	vst.add.f32.msk $0xffff, v3  }
0xfe: {  	[tilespmem:s1+$0x230] =	vst.add.f32.msk $0xffff, v4  }
0xff: {  	[tilespmem:s1+$0x240] =	vst.add.f32.msk $0xffff, v63  }
0x100: {  	[tilespmem:s1+$0x250] =	vst.add.f32.msk $0xffff, v5  }
0x101: {  	[tilespmem:s1+$0x260] =	vst.add.f32.msk $0xffff, v6  }
0x102: {  	[tilespmem:s1+$0x270] =	vst.add.f32.msk $0xffff, v7  }
0x103: {  	[tilespmem:s1+$0x1600] =	vst.add.f32.msk $0xffff, v8  }
0x104: {  	[tilespmem:s1+$0x1610] =	vst.add.f32.msk $0xffff, v9  }
0x105: {  	[tilespmem:s1+$0x1620] =	vst.add.f32.msk $0xffff, v10  }
0x106: {  	[tilespmem:s1+$0x1630] =	vst.add.f32.msk $0xffff, v11  }
0x107: {  	[tilespmem:s1+$0x1640] =	vst.add.f32.msk $0xffff, v12  }
0x108: {  	[tilespmem:s1+$0x1650] =	vst.add.f32.msk $0xffff, v13  }
0x109: {  	s0 =	rddreg [dreg:$0x4];
	s9 =	simm.s32 $0x4;
	[tilespmem:s1+$0x1660] =	vst.add.f32.msk $0xffff, v14  }
0x10a: {  	[hbm4b:s0+s3] =	stream.linear.scatter [tilespmem:s13], [sflag:$0x3], $0x2800, $0x38;
	[tilespmem:$0xA200] =	vst v63  }
0x10b: {  	_ =	swait.ge [sflag:s9], $0x2800  }
0x10c: {  	[sflag:s9] =	ssyncset.done $0x0  }
0x10d: {  	[sflag:s9] =	ssyncadd.s32 $0xFFFFD800  }
0x10e: {  	_ =	swait.ge [sflag:s30], $0x2800  }
0x10f: {  	s10 =	rddreg [dreg:$0x6]  }
0x110: {  	s31 =	rddreg [dreg:$0x5];
	s1 =	sadd.s32 $0x1, s10  }
0x111: {  	p0 =	sne.s32 s1, s31  }
.Ltmp4:
0x112: {  	_ = 	snop;
	(pc) =	sbr.rel @p0 .LBB2_1-.Ltmp4, $3  }
0x113: {  	_ =	sdelay $0x1  }
0x114: {  	[sflag:s30] =	ssyncset.done $0x0  }
0x115: {  	[sflag:s30] =	ssyncadd.s32 $0xFFFFD800  }
0x116: {  	_ =	sfence.sel $0x180000  }
0x117: {  	[bflag:$0x0] =	sbarrier.arrive $0xFFFF  }
0x118: {  	_ =	strace $0x9000004A  }
0x119: {  	s0 =	stileid.u32;
	[bflag:$0x2] =	sbarrier.arrive $0xFFFF  }
0x11a: {  	p0 =	sne.s32 s0, $0x0;
	s0 =	rddreg [dreg:$0x2]  }
0x11b: {  	s0 =	sadd.s32 @!p0 $0x100000, s0  }
0x11c: {  	[sflag:s0] =	ssyncadd.tile.s32 @!p0 $0x1;
	_ =	shalt  }
.Lfunc_end2:
_tile_overlayer_lowered:
.L_overlay_start_2:
0x11d: {  	(tag) =	ssettag $0x2  }
0x11e: {  	s0 =	rddreg [dreg:$0x0];
	s2 =	stileid.u32  }
0x11f: {  	s1 =	rddreg [dreg:$0x1];
	p0 =	sne.s32 s2, $0x0  }
0x120: {  	s3 =	rddreg [dreg:$0x2];
	[bflag:$0x3] =	sbarrier.arrive $0xFFFF;
	s2 =	simm.s32 @!p0 $0x1C05  }
0x121: {  	[timem:s3], [sflag:s2] =	dma.local @!p0 [hbm:s0], s1  }
0x122: {  	s0 =	simm.s32 @!p0 $0x5  }
0x123: {  	_ =	swait.ge @!p0 [sflag:s0], s1  }
0x124: {  	s1 =	ssub.s32 @!p0 $0x0, s1;
	[sflag:s0] =	ssyncset.done @!p0 $0x0  }
0x125: {  	[sflag:s0] =	ssyncadd.s32 @!p0 s1  }
0x126: {  	[bflag:$0x3] =	sbarrier.arrive $0xFFFF  }
0x127: {  	_ =	shalt  }

// kernel: kernel.13.cloned.1.call-start
scs
__scs_entry_jumppad:
0x0: {  	(pc) =	sbr.rel $0x88, $3  }
0x1: {  	(tag) =	ssettag $0x0;
	lr =	simm.s32 $0x1  }
0x2: {  	[smem:$0x3F94] =	sst lr;
	_ =	strace $0xD0000000  }
0x3: {  	_ = 	snop  }
0x4: {  	_ = 	snop  }
0x5: {  	_ = 	snop  }
0x6: {  	_ = 	snop  }
0x7: {  	_ = 	snop  }
__scs_overlays_trampoline_lowered:
0x8: {  	[smem:$0x3FA3] =	sst s0  }
0x9: {  	[smem:$0x3FA4] =	sst s1  }
0xa: {  	[smem:$0x3FA5] =	sst s2  }
0xb: {  	[smem:$0x3FA6] =	sst s3  }
0xc: {  	[smem:$0x3FA7] =	sst s4  }
0xd: {  	[smem:$0x3FA8] =	sst s5  }
0xe: {  	[smem:$0x3FA9] =	sst s6  }
0xf: {  	[smem:$0x3FAA] =	sst s7  }
0x10: {  	[smem:$0x3FAB] =	sst s8  }
0x11: {  	[smem:$0x3FAC] =	sst s9;
	s0 =	simm.s32 @!p0 $0x0  }
0x12: {  	s1 =	sld [smem:$0x3F92];
	s0 =	simm.s32 @p0 $0x1  }
0x13: {  	[smem:$0x3FAD] =	sst s0;
	s0 =	simm.s32 @!p1 $0x0  }
0x14: {  	s2 =	sld [smem:$0x3F91];
	s0 =	simm.s32 @p1 $0x1  }
0x15: {  	[smem:$0x3FAE] =	sst s0;
	s0 =	simm.s32 @!p2 $0x0  }
0x16: {  	s3 =	sld [smem:$0x3FDB];
	s0 =	simm.s32 @p2 $0x1  }
0x17: {  	s4 =	simm.s32 $0x1BF5;
	[smem:$0x3FB0] =	sst s0  }
0x18: {  	s0 =	sld [smem:$0x3F93];
	_ =	swait.ge [sflag:s4], $0x0  }
0x19: {  	s7 =	sld [smem:$0x3F94]  }
0x1a: {  	s8 =	sadd.s32 $0xFFFFE003, lr  }
0x1b: {  	s9 =	sadd.s32 $0xFFFFFEF7, lr;
	s5 =	simm.s32 $0xFFFFFFFF;
	p2 =	slt.u32 s8, $0xFFFFF086  }
0x1c: {  	p1 =	slt.u32 s9, $0xF7A;
	s5 =	simm.s32 @!p2 $0x0  }
0x1d: {  	s5 =	simm.s32 @p1 $0x1;
	p0 =	seq.s32 s7, s2  }
0x1e: {  	s7 =	smul.u32 @!p0 $0xF7A, s2;
	p2 =	seq.s32 @!p0 s5, $0x0  }
0x1f: {  	s9 =	smul.u32 $0xF7A, s1;
	s8 =	simm.s32 @!p0 $0x1BF5;
	p2 =	por !p2, p0  }
0x20: {  	[sflag:s8] =	ssyncset.s32 @!p0 $0xFFFFF086;
	s6 =	sadd.s32 @!p0 s3, s7;
	s7 =	simm.s32 @!p0 $0x108  }
0x21: {  	s3 =	sadd.s32 s3, s9;
	s6 =	sadd.s32 @!p0 $0x88, s6;
	s7 =	simm.s32 @p2 $0x1082  }
0x22: {  	[simem:s7], [sflag:s8] =	dma.local @!p0 [hbm:s6], $0xF7A  }
0x23: {  	s9 =	sor.u32 $0xD0000000, s2;
	s6 =	simm.s32 $0x108;
	_ =	swait.ge @!p0 [sflag:s8], $0x0  }
0x24: {  	s3 =	sadd.s32 $0x88, s3;
	s6 =	simm.s32 @!p1 $0x1082;
	[sflag:s4] =	ssyncset.s32 $0xFFFFF086  }
0x25: {  	[simem:s6], [sflag:s4] =	dma.local [hbm:s3], $0xF7A  }
0x26: {  	[smem:$0x3F94] =	sst s1;
	(tag) =	ssettag s2;
	_ =	strace s9  }
0x27: {  	s1 =	sld [smem:$0x3FA4]  }
0x28: {  	s2 =	sld [smem:$0x3FA5]  }
0x29: {  	s4 =	sld [smem:$0x3FA7]  }
0x2a: {  	p0 =	seq.s32 s5, $0x0;
	s5 =	sld [smem:$0x3FA8]  }
0x2b: {  	s6 =	sld [smem:$0x3FA9]  }
0x2c: {  	s7 =	sld [smem:$0x3FAA]  }
0x2d: {  	s3 =	simm.s32 $0x108;
	s8 =	sld [smem:$0x3FAB]  }
0x2e: {  	s3 =	simm.s32 @!p0 $0x1082;
	s9 =	sld [smem:$0x3FAC]  }
0x2f: {  	lr =	sadd.s32 s0, s3;
	s0 =	sld [smem:$0x3FA3]  }
0x30: {  	s3 =	sld [smem:$0x3FA6]  }
0x31: {  	[smem:$0x3FAF] =	sst s10  }
0x32: {  	s10 =	sld [smem:$0x3FAD];
	_ =	sdelay $0x3  }
0x33: {  	p0 =	seq.s32 s10, $0x1;
	s10 =	sld [smem:$0x3FAF];
	_ =	sdelay $0x3  }
0x34: {  	[smem:$0x3FAF] =	sst s10  }
0x35: {  	s10 =	sld [smem:$0x3FAE];
	_ =	sdelay $0x3  }
0x36: {  	p1 =	seq.s32 s10, $0x1;
	s10 =	sld [smem:$0x3FAF];
	_ =	sdelay $0x3  }
0x37: {  	[smem:$0x3FAF] =	sst s10  }
0x38: {  	s10 =	sld [smem:$0x3FB0]  }
0x39: {  	_ = 	snop;
	(pc) =	sbr.ind lr, $3  }
0x3a: {  	_ = 	snop  }
0x3b: {  	_ = 	snop  }
0x3c: {  	p2 =	seq.s32 s10, $0x1;
	s10 =	sld [smem:$0x3FAF]  }
0x3d: {  	_ =	shalt  }
0x3e: {  	_ =	shalt  }
0x3f: {  	_ =	shalt  }
0x40: {  	_ =	shalt  }
0x41: {  	_ =	shalt  }
0x42: {  	_ =	shalt  }
0x43: {  	_ =	shalt  }
0x44: {  	_ =	shalt  }
0x45: {  	_ =	shalt  }
0x46: {  	_ =	shalt  }
0x47: {  	_ =	shalt  }
0x48: {  	_ =	shalt  }
0x49: {  	_ =	shalt  }
0x4a: {  	_ =	shalt  }
0x4b: {  	_ =	shalt  }
0x4c: {  	_ =	shalt  }
0x4d: {  	_ =	shalt  }
0x4e: {  	_ =	shalt  }
0x4f: {  	_ =	shalt  }
0x50: {  	_ =	shalt  }
0x51: {  	_ =	shalt  }
0x52: {  	_ =	shalt  }
0x53: {  	_ =	shalt  }
0x54: {  	_ =	shalt  }
0x55: {  	_ =	shalt  }
0x56: {  	_ =	shalt  }
0x57: {  	_ =	shalt  }
0x58: {  	_ =	shalt  }
0x59: {  	_ =	shalt  }
0x5a: {  	_ =	shalt  }
0x5b: {  	_ =	shalt  }
0x5c: {  	_ =	shalt  }
0x5d: {  	_ =	shalt  }
0x5e: {  	_ =	shalt  }
0x5f: {  	_ =	shalt  }
0x60: {  	_ =	shalt  }
0x61: {  	_ =	shalt  }
0x62: {  	_ =	shalt  }
0x63: {  	_ =	shalt  }
0x64: {  	_ =	shalt  }
0x65: {  	_ =	shalt  }
0x66: {  	_ =	shalt  }
0x67: {  	_ =	shalt  }
0x68: {  	_ =	shalt  }
0x69: {  	_ =	shalt  }
0x6a: {  	_ =	shalt  }
0x6b: {  	_ =	shalt  }
0x6c: {  	_ =	shalt  }
0x6d: {  	_ =	shalt  }
0x6e: {  	_ =	shalt  }
0x6f: {  	_ =	shalt  }
0x70: {  	_ =	shalt  }
0x71: {  	_ =	shalt  }
0x72: {  	_ =	shalt  }
0x73: {  	_ =	shalt  }
0x74: {  	_ =	shalt  }
0x75: {  	_ =	shalt  }
0x76: {  	_ =	shalt  }
0x77: {  	_ =	shalt  }
0x78: {  	_ =	shalt  }
0x79: {  	_ =	shalt  }
0x7a: {  	_ =	shalt  }
0x7b: {  	_ =	shalt  }
0x7c: {  	_ =	shalt  }
0x7d: {  	_ =	shalt  }
0x7e: {  	_ =	shalt  }
0x7f: {  	_ =	shalt  }
0x80: {  	_ =	shalt  }
0x81: {  	_ =	shalt  }
0x82: {  	_ =	shalt  }
0x83: {  	_ =	shalt  }
0x84: {  	_ =	shalt  }
0x85: {  	_ =	shalt  }
0x86: {  	_ =	shalt  }
0x87: {  	_ =	shalt  }
.Lfunc_end0:
.L_simem_size_0:
called_computation.1_lowered:
.L_overlay_start_0:
0x88: {  	s2 =	sld [smem:$0x3FD9]  }
0x89: {  	s3 =	sld [smem:$0x3FFE];
	_ =	sdelay $0x1  }
0x8a: {  	s1 =	srdreg.scid  }
0x8b: {  	s0 =	sand.u32 $0x1, s1  }
0x8c: {  	s16 =	sshll.u32 s0, $0xA;
	s2 =	sadd.s32 s3, s2  }
0x8d: {  	s2 =	sadd.s32 s2, s16  }
0x8e: {  	[smem:$0x3FBB] =	sst s2  }
0x8f: {  	_ = 	snop  }
0x90: {  	(tm) =	ssettm $0x1  }
0x91: {  	s17 =	sld [smem:$0x3FFB];
	_ =	sdelay $0x3  }
0x92: {  	_ =	strace s17  }
0x93: {  	s2 =	sld [smem:$0x3FFC];
	_ =	sdelay $0x3  }
0x94: {  	_ =	strace s2  }
0x95: {  	s2 =	sld [smem:$0x3FFD];
	_ =	sdelay $0x3  }
0x96: {  	_ =	strace s2  }
0x97: {  	_ =	strace $0x8FFFFFFF  }
0x98: {  	s18 =	sld [smem:$0x3FDB];
	_ =	sdelay $0x1  }
0x99: {  	s19 =	simm.s32 $_scs_section_size  }
0x9a: {  	s4 =	simm.s32 $_size__tile_overlayer_lowered;
	s5 =	simm.s32 $_tile_overlayer_lowered  }
0x9b: {  	s22 =	simm.s32 $0x1BFF;
	s21 =	sshll.u32 s5, $0x1;
	s2 =	sadd.s32 s19, s18  }
0x9c: {  	s6 =	simm.s32 $0x0;
	s20 =	sshll.u32 s4, $0x1;
	s4 =	sadd.s32 s21, s2  }
0x9d: {  	[timem:s6], [sflag:s22] =	dma.local [hbm:s4], s20  }
0x9e: {  	_ =	swait.ge [sflag:s22], s20  }
0x9f: {  	s3 =	ssub.s32 $0x0, s20;
	[sflag:s22] =	ssyncset.done $0x0  }
0xa0: {  	[sflag:s22] =	ssyncadd.s32 s3;
	_ =	sdelay $0x1  }
0xa1: {  	s23 =	simm.s32 $0x1B8B  }
0xa2: {  	_ =	swait.ge [sflag:s23], $0x1  }
0xa3: {  	[sflag:s23] =	ssyncset.done $0x0  }
0xa4: {  	s25 =	simm.s32 $0x1B8E;
	s24 =	sld [smem:$0x3FFE];
	[sflag:s23] =	ssyncadd.s32 $0xFFFFFFFF  }
0xa5: {  	s26 =	simm.s32 $execute0_lowered;
	[smem:$0x3FD2] =	sst s25  }
0xa6: {  	s4 =	sshll.u32 s26, $0x1;
	_ =	strace $0x80000046;
	[dreg:$0x1] =	wrdreg $0xFFFFFFFF  }
0xa7: {  	s28 =	simm.s32 $_size_execute0_lowered;
	s2 =	sadd.s32 s2, s4;
	[dreg:$0x0] =	wrdreg $0x0  }
0xa8: {  	s4 =	sshll.u32 s28, $0x1;
	[dreg:$0x2] =	wrdreg s2  }
0xa9: {  	[dreg:$0x3] =	wrdreg s4  }
0xaa: {  	[dreg:$0x4] =	wrdreg $0xC0  }
0xab: {  	_ =	task [dreg:s6], $0x5FFFF  }
0xac: {  	[dreg:$0x1] =	wrdreg $0xFFFFFFFF  }
0xad: {  	[dreg:$0x0] =	wrdreg $0x60  }
0xae: {  	[dreg:$0x2] =	wrdreg s24  }
0xaf: {  	[dreg:$0x3] =	wrdreg $0xA  }
0xb0: {  	_ =	task.clear_ibuf [dreg:s6], $0x4FFFF;
	_ =	strace $0x90000046  }
0xb1: {  	s29 =	simm.s32 $0xA;
	_ =	strace $0x80000048  }
0xb2: {  	_ =	swait.ge [sflag:s29], $0x1  }
0xb3: {  	[sflag:s29] =	ssyncadd.s32 $0xFFFFFFFF  }
0xb4: {  	_ =	strace $0x90000048  }
0xb5: {  	_ =	sfence  }
0xb6: {  	s30 =	sld [smem:$0x0];
	_ =	sdelay $0x2  }
0xb7: {  	s31 =	sshll.u32 s1, $0xD;
	s1 =	sshrl.u32 s1, $0x2  }
0xb8: {  	s3 =	sand.u32 $0x4000, s31;
	s1 =	sadd.s32 s1, s30  }
0xb9: {  	s0 =	sor.u32 s3, s0;
	s1 =	sshll.u32 s1, $0x11  }
0xba: {  	s0 =	sor.u32 s1, s0  }
0xbb: {  	s0 =	sadd.s32 $0x8F2B, s0  }
0xbc: {  	[sflag:s0] =	ssyncadd.remote.s32 $0x1  }
0xbd: {  	_ =	sfence.sel $0xFFFF  }
0xbe: {  	[dreg:$0x0] =	wrdreg $0xFFFFFFFF;
	(pc) =	sbr.abs _section_cstart, $3  }
0xbf: {  	[dreg:$0x1] =	wrdreg $0xFFFFFFFF  }
0xc0: {  	_ =	task.clear_ibuf [dreg:s6], $0x2FFFF;
	_ =	strace $0x9FFFFFFF  }
0xc1: {  	(tm) =	ssettm $0x7FFFFFFF  }
tec
execute0_lowered:
.L_overlay_start_1:
0x0: {  	(tag) =	ssettag $0x1  }
0x1: {  	s0 =	rddreg [dreg:$0x0]  }
0x2: {  	s1 =	srdreg.scid;
	s3 =	stileid.u32;
	s2 =	simm.s32 $0x0  }
0x3: {  	s11 =	simm.s32 $0x5;
	s12 =	simm.s32 $0x28;
	s13 =	simm.s32 $0x200  }
0x4: {  	s14 =	simm.s32 $0x1600;
	s15 =	simm.s32 $0x50;
	s16 =	simm.s32 $0x2A00  }
0x5: {  	s17 =	simm.s32 $0x78;
	s18 =	simm.s32 $0x3E00;
	s19 =	simm.s32 $0x100  }
0x6: {  	s20 =	simm.s32 $0x5200;
	s21 =	simm.s32 $0x128;
	s22 =	simm.s32 $0x6600  }
0x7: {  	s23 =	simm.s32 $0x150;
	s24 =	simm.s32 $0x7A00;
	s28 =	simm.s32 $0x1  }
0x8: {  	s29 =	simm.s32 $0x2;
	s1 =	sand.u32 $0x1, s1;
	s3 =	sshll.u32 s3, $0x1  }
0x9: {  	s30 =	simm.s32 $0x3;
	[smem:$0x7FF] =	sst s2;
	s3 =	sor.u32 s1, s3  }
0xa: {  	s4 =	sadd.s32 $0x38000, s0;
	s1 =	ssub.s32 $0x2, s1;
	s7 =	smul.u32 $0x2800, s3  }
0xb: {  	s5 =	sadd.s32 $0x24600, s0;
	s8 =	smul.u32 $0x14, s3;
	s25 =	sshrl.u32 s1, $0x1  }
0xc: {  	s6 =	sadd.s32 $0x170800, s0;
	_ =	strace $0x80000047;
	s0 =	ssub.s32 s1, s25  }
0xd: {  	s25 =	simm.s32 $0x178;
	s7 =	sshrl.u32 s7, $0x3;
	s26 =	sadd.s32 s5, s8  }
0xe: {  	s0 =	smax.u32 s0, $0x1;
	[dreg:$0x2] =	wrdreg s26;
	s31 =	sadd.s32 s6, s7  }
0xf: {  	s8 =	sor.u32 $0x40, s3;
	[dreg:$0x4] =	wrdreg s0;
	s1 =	sadd.s32 $0x4D8000, s31  }
0x10: {  	s26 =	simm.s32 $0x8E00;
	[dreg:$0x3] =	wrdreg s1;
	s1 =	simm.s32 $0x0  }
.LBB2_1:
0x11: {  	[dreg:$0x5] =	wrdreg s1  }
0x12: {  	s0 =	rddreg [dreg:$0x2]  }
0x13: {  	[tilespmem:s2], [sflag:$0x5] =	stream.linear.gather [hbm4b:s0+s2], $0xA0, $0x38;
	[tilespmem:$0xA200] =	vst v63  }
0x14: {  	_ =	swait.ge [sflag:s11], $0xA0  }
0x15: {  	[sflag:s11] =	ssyncset.done $0x0  }
0x16: {  	[sflag:s11] =	ssyncadd.s32 $0xFFFFFF60  }
0x17: {  	[tilespmem:s13], [sflag:$0x1] =	stream.indirect.gather [hbm4b:s4+s12], $0x80, s2, s12, $0xb8;
	[tilespmem:$0xA200] =	vst v63  }
0x18: {  	_ = 	snop  }
0x19: {  	[tilespmem:s14], [sflag:$0x1] =	stream.indirect.gather [hbm4b:s4+s12], $0x80, s12, s12, $0xb8;
	[tilespmem:$0xA200] =	vst v63  }
0x1a: {  	_ = 	snop  }
0x1b: {  	[tilespmem:s16], [sflag:$0x1] =	stream.indirect.gather [hbm4b:s4+s12], $0x80, s15, s12, $0xb8;
	[tilespmem:$0xA200] =	vst v63  }
0x1c: {  	s1 =	simm.s32 $0x0  }
0x1d: {  	[tilespmem:s18], [sflag:$0x1] =	stream.indirect.gather [hbm4b:s4+s12], $0x80, s17, s12, $0xb8;
	[tilespmem:$0xA200] =	vst v63  }
.LBB2_2:
0x1e: {  	s7 =	sshll.u32 s1, $0x6  }
0x1f: {  	p0 =	seq.s32 s1, $0x0;
	s10 =	sor.u32 s7, s3  }
0x20: {  	s0 =	simm.s32 @!p0 $0x4;
	s9 =	sor.u32 $0x20, s10  }
0x21: {  	_ =	swait.ge @!p0 [sflag:s0], $0x2800;
	s31 =	smul.u32 $0x14, s9  }
0x22: {  	[sflag:s0] =	ssyncset.done @!p0 $0x0  }
0x23: {  	[sflag:s0] =	ssyncadd.s32 @!p0 $0xFFFFD800;
	s0 =	sadd.s32 s5, s31;
	s31 =	simm.s32 $0x0  }
0x24: {  	[tilespmem:s19], [sflag:$0x5] =	stream.linear.gather [hbm4b:s0+s31], $0xA0, $0x38;
	[tilespmem:$0xA200] =	vst v63  }
0x25: {  	_ =	swait.ge [sflag:s11], $0xA0  }
0x26: {  	[sflag:s11] =	ssyncset.done $0x0  }
0x27: {  	[sflag:s11] =	ssyncadd.s32 $0xFFFFFF60  }
0x28: {  	[tilespmem:s20], [sflag:$0x2] =	stream.indirect.gather [hbm4b:s4+s12], $0x80, s19, s12, $0xb8;
	[tilespmem:$0xA200] =	vst v63  }
0x29: {  	_ = 	snop  }
0x2a: {  	[tilespmem:s22], [sflag:$0x2] =	stream.indirect.gather [hbm4b:s4+s12], $0x80, s21, s12, $0xb8;
	[tilespmem:$0xA200] =	vst v63  }
0x2b: {  	_ = 	snop  }
0x2c: {  	[tilespmem:s24], [sflag:$0x2] =	stream.indirect.gather [hbm4b:s4+s12], $0x80, s23, s12, $0xb8;
	[tilespmem:$0xA200] =	vst v63  }
0x2d: {  	_ = 	snop  }
0x2e: {  	[tilespmem:s26], [sflag:$0x2] =	stream.indirect.gather [hbm4b:s4+s12], $0x80, s25, s12, $0xb8;
	[tilespmem:$0xA200] =	vst v63  }
0x2f: {  	_ =	swait.ge [sflag:s28], $0x5000  }
0x30: {  	[sflag:s28] =	ssyncset.done $0x0  }
0x31: {  	s31 =	simm.s32 $0x0;
	s0 =	simm.s32 $0x200;
	[sflag:s28] =	ssyncadd.s32 $0xFFFFB000  }
.LBB2_3:
0x32: {  	p0 =	sne.s32 s0, $0x4E00;
	v0 =	vld [tilespmem:s31+$0x3E70]  }
0x33: {  	v1 =	vld [tilespmem:s31+$0x2A00]  }
0x34: {  	v2 =	vld [tilespmem:s31+$0x2A10]  }
0x35: {  	v3 =	vld [tilespmem:s31+$0x2A20]  }
0x36: {  	v4 =	vld [tilespmem:s31+$0x2A30]  }
0x37: {  	[tilespmem:s31+$0x1670] =	vst.add.f32.msk $0xffff, v0  }
0x38: {  	v0 =	vld [tilespmem:s31+$0x2A40]  }
0x39: {  	v5 =	vld [tilespmem:s31+$0x2A50]  }
0x3a: {  	v6 =	vld [tilespmem:s31+$0x2A60]  }
0x3b: {  	v7 =	vld [tilespmem:s31+$0x2A70]  }
0x3c: {  	v8 =	vld [tilespmem:s31+$0x3E00]  }
0x3d: {  	v9 =	vld [tilespmem:s31+$0x3E10]  }
0x3e: {  	v10 =	vld [tilespmem:s31+$0x3E20]  }
0x3f: {  	v11 =	vld [tilespmem:s31+$0x3E30]  }
0x40: {  	v12 =	vld [tilespmem:s31+$0x3E40]  }
0x41: {  	v13 =	vld [tilespmem:s31+$0x3E50]  }
0x42: {  	v14 =	vld [tilespmem:s31+$0x3E60]  }
0x43: {  	[tilespmem:s31+$0x200] =	vst.add.f32.msk $0xffff, v1  }
0x44: {  	[tilespmem:s31+$0x210] =	vst.add.f32.msk $0xffff, v2  }
0x45: {  	[tilespmem:s31+$0x220] =	vst.add.f32.msk $0xffff, v3  }
0x46: {  	[tilespmem:s31+$0x230] =	vst.add.f32.msk $0xffff, v4  }
0x47: {  	[tilespmem:s31+$0x240] =	vst.add.f32.msk $0xffff, v0  }
0x48: {  	[tilespmem:s31+$0x250] =	vst.add.f32.msk $0xffff, v5  }
0x49: {  	[tilespmem:s31+$0x260] =	vst.add.f32.msk $0xffff, v6  }
0x4a: {  	[tilespmem:s31+$0x270] =	vst.add.f32.msk $0xffff, v7  }
0x4b: {  	[tilespmem:s31+$0x1600] =	vst.add.f32.msk $0xffff, v8  }
0x4c: {  	[tilespmem:s31+$0x1610] =	vst.add.f32.msk $0xffff, v9  }
.Ltmp0:
0x4d: {  	[tilespmem:s31+$0x1620] =	vst.add.f32.msk $0xffff, v10;
	(pc) =	sbr.rel @p0 .LBB2_3-.Ltmp0, $4  }
0x4e: {  	[tilespmem:s31+$0x1630] =	vst.add.f32.msk $0xffff, v11  }
0x4f: {  	[tilespmem:s31+$0x1640] =	vst.add.f32.msk $0xffff, v12  }
0x50: {  	[tilespmem:s31+$0x1650] =	vst.add.f32.msk $0xffff, v13  }
0x51: {  	[tilespmem:s31+$0x1660] =	vst.add.f32.msk $0xffff, v14;
	s31 =	sshra.s32 s0, $0x2;
	s0 =	sadd.s32 $0x200, s0  }
0x52: {  	v0 =	vld [tilespmem:s31+$0x3E70]  }
0x53: {  	v1 =	vld [tilespmem:s31+$0x2A00]  }
0x54: {  	v2 =	vld [tilespmem:s31+$0x2A10]  }
0x55: {  	v3 =	vld [tilespmem:s31+$0x2A20]  }
0x56: {  	v4 =	vld [tilespmem:s31+$0x2A30]  }
0x57: {  	v63 =	vld [tilespmem:s31+$0x2A40]  }
0x58: {  	v5 =	vld [tilespmem:s31+$0x2A50]  }
0x59: {  	v6 =	vld [tilespmem:s31+$0x2A60]  }
0x5a: {  	v7 =	vld [tilespmem:s31+$0x2A70]  }
0x5b: {  	v8 =	vld [tilespmem:s31+$0x3E00]  }
0x5c: {  	v9 =	vld [tilespmem:s31+$0x3E10]  }
0x5d: {  	v10 =	vld [tilespmem:s31+$0x3E20]  }
0x5e: {  	v11 =	vld [tilespmem:s31+$0x3E30]  }
0x5f: {  	v12 =	vld [tilespmem:s31+$0x3E40]  }
0x60: {  	v13 =	vld [tilespmem:s31+$0x3E50]  }
0x61: {  	v14 =	vld [tilespmem:s31+$0x3E60]  }
0x62: {  	[tilespmem:s31+$0x1670] =	vst.add.f32.msk $0xffff, v0  }
0x63: {  	[tilespmem:s31+$0x200] =	vst.add.f32.msk $0xffff, v1  }
0x64: {  	[tilespmem:s31+$0x210] =	vst.add.f32.msk $0xffff, v2  }
0x65: {  	[tilespmem:s31+$0x220] =	vst.add.f32.msk $0xffff, v3  }
0x66: {  	[tilespmem:s31+$0x230] =	vst.add.f32.msk $0xffff, v4  }
0x67: {  	[tilespmem:s31+$0x240] =	vst.add.f32.msk $0xffff, v63  }
0x68: {  	[tilespmem:s31+$0x250] =	vst.add.f32.msk $0xffff, v5  }
0x69: {  	[tilespmem:s31+$0x260] =	vst.add.f32.msk $0xffff, v6  }
0x6a: {  	[tilespmem:s31+$0x270] =	vst.add.f32.msk $0xffff, v7  }
0x6b: {  	[tilespmem:s31+$0x1600] =	vst.add.f32.msk $0xffff, v8  }
0x6c: {  	[tilespmem:s31+$0x1610] =	vst.add.f32.msk $0xffff, v9  }
0x6d: {  	[tilespmem:s31+$0x1620] =	vst.add.f32.msk $0xffff, v10  }
0x6e: {  	[tilespmem:s31+$0x1630] =	vst.add.f32.msk $0xffff, v11  }
0x6f: {  	s0 =	smul.u32 $0x500, s10;
	[tilespmem:s31+$0x1640] =	vst.add.f32.msk $0xffff, v12  }
0x70: {  	[tilespmem:s31+$0x1650] =	vst.add.f32.msk $0xffff, v13  }
0x71: {  	s0 =	sadd.s32 s6, s0;
	[tilespmem:s31+$0x1660] =	vst.add.f32.msk $0xffff, v14;
	s31 =	simm.s32 $0x0  }
0x72: {  	[hbm4b:s0+s31] =	stream.linear.scatter [tilespmem:s13], [sflag:$0x3], $0x2800, $0x38;
	[tilespmem:$0xA200] =	vst v63  }
0x73: {  	_ =	swait.ge [sflag:s29], $0x5000  }
0x74: {  	[sflag:s29] =	ssyncset.done $0x0  }
0x75: {  	s10 =	simm.s32 $0x0;
	s0 =	simm.s32 $0x200;
	[sflag:s29] =	ssyncadd.s32 $0xFFFFB000  }
.LBB2_5:
0x76: {  	p0 =	sne.s32 s0, $0x4E00;
	v0 =	vld [tilespmem:s10+$0x8E70]  }
0x77: {  	v1 =	vld [tilespmem:s10+$0x7A00]  }
0x78: {  	v2 =	vld [tilespmem:s10+$0x7A10]  }
0x79: {  	v3 =	vld [tilespmem:s10+$0x7A20]  }
0x7a: {  	v4 =	vld [tilespmem:s10+$0x7A30]  }
0x7b: {  	[tilespmem:s10+$0x6670] =	vst.add.f32.msk $0xffff, v0  }
0x7c: {  	v0 =	vld [tilespmem:s10+$0x7A40]  }
0x7d: {  	v5 =	vld [tilespmem:s10+$0x7A50]  }
0x7e: {  	v6 =	vld [tilespmem:s10+$0x7A60]  }
0x7f: {  	v7 =	vld [tilespmem:s10+$0x7A70]  }
0x80: {  	v8 =	vld [tilespmem:s10+$0x8E00]  }
0x81: {  	v9 =	vld [tilespmem:s10+$0x8E10]  }
0x82: {  	v10 =	vld [tilespmem:s10+$0x8E20]  }
0x83: {  	v11 =	vld [tilespmem:s10+$0x8E30]  }
0x84: {  	v12 =	vld [tilespmem:s10+$0x8E40]  }
0x85: {  	v13 =	vld [tilespmem:s10+$0x8E50]  }
0x86: {  	v14 =	vld [tilespmem:s10+$0x8E60]  }
0x87: {  	[tilespmem:s10+$0x5200] =	vst.add.f32.msk $0xffff, v1  }
0x88: {  	[tilespmem:s10+$0x5210] =	vst.add.f32.msk $0xffff, v2  }
0x89: {  	[tilespmem:s10+$0x5220] =	vst.add.f32.msk $0xffff, v3  }
0x8a: {  	[tilespmem:s10+$0x5230] =	vst.add.f32.msk $0xffff, v4  }
0x8b: {  	[tilespmem:s10+$0x5240] =	vst.add.f32.msk $0xffff, v0  }
0x8c: {  	[tilespmem:s10+$0x5250] =	vst.add.f32.msk $0xffff, v5  }
0x8d: {  	[tilespmem:s10+$0x5260] =	vst.add.f32.msk $0xffff, v6  }
0x8e: {  	[tilespmem:s10+$0x5270] =	vst.add.f32.msk $0xffff, v7  }
0x8f: {  	[tilespmem:s10+$0x6600] =	vst.add.f32.msk $0xffff, v8  }
0x90: {  	[tilespmem:s10+$0x6610] =	vst.add.f32.msk $0xffff, v9  }
.Ltmp1:
0x91: {  	[tilespmem:s10+$0x6620] =	vst.add.f32.msk $0xffff, v10;
	(pc) =	sbr.rel @p0 .LBB2_5-.Ltmp1, $4  }
0x92: {  	[tilespmem:s10+$0x6630] =	vst.add.f32.msk $0xffff, v11  }
0x93: {  	[tilespmem:s10+$0x6640] =	vst.add.f32.msk $0xffff, v12  }
0x94: {  	[tilespmem:s10+$0x6650] =	vst.add.f32.msk $0xffff, v13  }
0x95: {  	[tilespmem:s10+$0x6660] =	vst.add.f32.msk $0xffff, v14;
	s10 =	sshra.s32 s0, $0x2;
	s0 =	sadd.s32 $0x200, s0  }
0x96: {  	v0 =	vld [tilespmem:s10+$0x8E70]  }
0x97: {  	v1 =	vld [tilespmem:s10+$0x7A00]  }
0x98: {  	v2 =	vld [tilespmem:s10+$0x7A10]  }
0x99: {  	v3 =	vld [tilespmem:s10+$0x7A20]  }
0x9a: {  	v4 =	vld [tilespmem:s10+$0x7A30]  }
0x9b: {  	v63 =	vld [tilespmem:s10+$0x7A40]  }
0x9c: {  	v5 =	vld [tilespmem:s10+$0x7A50]  }
0x9d: {  	v6 =	vld [tilespmem:s10+$0x7A60]  }
0x9e: {  	v7 =	vld [tilespmem:s10+$0x7A70]  }
0x9f: {  	v8 =	vld [tilespmem:s10+$0x8E00]  }
0xa0: {  	v9 =	vld [tilespmem:s10+$0x8E10]  }
0xa1: {  	v10 =	vld [tilespmem:s10+$0x8E20]  }
0xa2: {  	v11 =	vld [tilespmem:s10+$0x8E30]  }
0xa3: {  	v12 =	vld [tilespmem:s10+$0x8E40]  }
0xa4: {  	v13 =	vld [tilespmem:s10+$0x8E50]  }
0xa5: {  	v14 =	vld [tilespmem:s10+$0x8E60]  }
0xa6: {  	[tilespmem:s10+$0x6670] =	vst.add.f32.msk $0xffff, v0  }
0xa7: {  	[tilespmem:s10+$0x5200] =	vst.add.f32.msk $0xffff, v1  }
0xa8: {  	[tilespmem:s10+$0x5210] =	vst.add.f32.msk $0xffff, v2  }
0xa9: {  	[tilespmem:s10+$0x5220] =	vst.add.f32.msk $0xffff, v3  }
0xaa: {  	[tilespmem:s10+$0x5230] =	vst.add.f32.msk $0xffff, v4  }
0xab: {  	[tilespmem:s10+$0x5240] =	vst.add.f32.msk $0xffff, v63  }
0xac: {  	[tilespmem:s10+$0x5250] =	vst.add.f32.msk $0xffff, v5  }
0xad: {  	[tilespmem:s10+$0x5260] =	vst.add.f32.msk $0xffff, v6  }
0xae: {  	[tilespmem:s10+$0x5270] =	vst.add.f32.msk $0xffff, v7  }
0xaf: {  	[tilespmem:s10+$0x6600] =	vst.add.f32.msk $0xffff, v8  }
0xb0: {  	[tilespmem:s10+$0x6610] =	vst.add.f32.msk $0xffff, v9  }
0xb1: {  	[tilespmem:s10+$0x6620] =	vst.add.f32.msk $0xffff, v10  }
0xb2: {  	[tilespmem:s10+$0x6630] =	vst.add.f32.msk $0xffff, v11  }
0xb3: {  	s0 =	smul.u32 $0x500, s9;
	[tilespmem:s10+$0x6640] =	vst.add.f32.msk $0xffff, v12  }
0xb4: {  	[tilespmem:s10+$0x6650] =	vst.add.f32.msk $0xffff, v13  }
0xb5: {  	s31 =	sadd.s32 s8, s7;
	s0 =	sadd.s32 s6, s0;
	[tilespmem:s10+$0x6660] =	vst.add.f32.msk $0xffff, v14  }
0xb6: {  	[hbm4b:s0+s2] =	stream.linear.scatter [tilespmem:s20], [sflag:$0x4], $0x2800, $0x38;
	[tilespmem:$0xA200] =	vst v63  }
0xb7: {  	s0 =	smul.u32 $0x14, s31;
	_ =	swait.ge [sflag:s30], $0x2800  }
0xb8: {  	[sflag:s30] =	ssyncset.done $0x0  }
0xb9: {  	s0 =	sadd.s32 s5, s0;
	[sflag:s30] =	ssyncadd.s32 $0xFFFFD800  }
0xba: {  	[tilespmem:s2], [sflag:$0x5] =	stream.linear.gather [hbm4b:s0+s2], $0xA0, $0x38;
	[tilespmem:$0xA200] =	vst v63  }
0xbb: {  	_ =	swait.ge [sflag:s11], $0xA0  }
0xbc: {  	[sflag:s11] =	ssyncset.done $0x0  }
0xbd: {  	s1 =	sadd.s32 $0x1, s1;
	[sflag:s11] =	ssyncadd.s32 $0xFFFFFF60  }
0xbe: {  	[tilespmem:s13], [sflag:$0x1] =	stream.indirect.gather [hbm4b:s4+s12], $0x80, s2, s12, $0xb8;
	[tilespmem:$0xA200] =	vst v63  }
0xbf: {  	p0 =	sne.s32 s1, $0x3E  }
0xc0: {  	[tilespmem:s14], [sflag:$0x1] =	stream.indirect.gather [hbm4b:s4+s12], $0x80, s12, s12, $0xb8;
	[tilespmem:$0xA200] =	vst v63  }
.Ltmp2:
0xc1: {  	_ = 	snop;
	(pc) =	sbr.rel @p0 .LBB2_2-.Ltmp2, $4  }
0xc2: {  	_ = 	snop  }
0xc3: {  	[tilespmem:s16], [sflag:$0x1] =	stream.indirect.gather [hbm4b:s4+s12], $0x80, s15, s12, $0xb8;
	[tilespmem:$0xA200] =	vst v63  }
0xc4: {  	_ = 	snop  }
0xc5: {  	[tilespmem:s18], [sflag:$0x1] =	stream.indirect.gather [hbm4b:s4+s12], $0x80, s17, s12, $0xb8;
	[tilespmem:$0xA200] =	vst v63  }
0xc6: {  	_ =	swait.ge [sflag:s28], $0x5000  }
0xc7: {  	[sflag:s28] =	ssyncset.done $0x0  }
0xc8: {  	s1 =	simm.s32 $0x0;
	s0 =	simm.s32 $0x200;
	[sflag:s28] =	ssyncadd.s32 $0xFFFFB000  }
.LBB2_8:
0xc9: {  	p0 =	sne.s32 s0, $0x4E00;
	v0 =	vld [tilespmem:s1+$0x3E70]  }
0xca: {  	v1 =	vld [tilespmem:s1+$0x2A00]  }
0xcb: {  	v2 =	vld [tilespmem:s1+$0x2A10]  }
0xcc: {  	v3 =	vld [tilespmem:s1+$0x2A20]  }
0xcd: {  	v4 =	vld [tilespmem:s1+$0x2A30]  }
0xce: {  	[tilespmem:s1+$0x1670] =	vst.add.f32.msk $0xffff, v0  }
0xcf: {  	v0 =	vld [tilespmem:s1+$0x2A40]  }
0xd0: {  	v5 =	vld [tilespmem:s1+$0x2A50]  }
0xd1: {  	v6 =	vld [tilespmem:s1+$0x2A60]  }
0xd2: {  	v7 =	vld [tilespmem:s1+$0x2A70]  }
0xd3: {  	v8 =	vld [tilespmem:s1+$0x3E00]  }
0xd4: {  	v9 =	vld [tilespmem:s1+$0x3E10]  }
0xd5: {  	v10 =	vld [tilespmem:s1+$0x3E20]  }
0xd6: {  	v11 =	vld [tilespmem:s1+$0x3E30]  }
0xd7: {  	v12 =	vld [tilespmem:s1+$0x3E40]  }
0xd8: {  	v13 =	vld [tilespmem:s1+$0x3E50]  }
0xd9: {  	v14 =	vld [tilespmem:s1+$0x3E60]  }
0xda: {  	[tilespmem:s1+$0x200] =	vst.add.f32.msk $0xffff, v1  }
0xdb: {  	[tilespmem:s1+$0x210] =	vst.add.f32.msk $0xffff, v2  }
0xdc: {  	[tilespmem:s1+$0x220] =	vst.add.f32.msk $0xffff, v3  }
0xdd: {  	[tilespmem:s1+$0x230] =	vst.add.f32.msk $0xffff, v4  }
0xde: {  	[tilespmem:s1+$0x240] =	vst.add.f32.msk $0xffff, v0  }
0xdf: {  	[tilespmem:s1+$0x250] =	vst.add.f32.msk $0xffff, v5  }
0xe0: {  	[tilespmem:s1+$0x260] =	vst.add.f32.msk $0xffff, v6  }
0xe1: {  	[tilespmem:s1+$0x270] =	vst.add.f32.msk $0xffff, v7  }
0xe2: {  	[tilespmem:s1+$0x1600] =	vst.add.f32.msk $0xffff, v8  }
0xe3: {  	[tilespmem:s1+$0x1610] =	vst.add.f32.msk $0xffff, v9  }
.Ltmp3:
0xe4: {  	[tilespmem:s1+$0x1620] =	vst.add.f32.msk $0xffff, v10;
	(pc) =	sbr.rel @p0 .LBB2_8-.Ltmp3, $4  }
0xe5: {  	[tilespmem:s1+$0x1630] =	vst.add.f32.msk $0xffff, v11  }
0xe6: {  	[tilespmem:s1+$0x1640] =	vst.add.f32.msk $0xffff, v12  }
0xe7: {  	[tilespmem:s1+$0x1650] =	vst.add.f32.msk $0xffff, v13  }
0xe8: {  	[tilespmem:s1+$0x1660] =	vst.add.f32.msk $0xffff, v14;
	s1 =	sshra.s32 s0, $0x2;
	s0 =	sadd.s32 $0x200, s0  }
0xe9: {  	v0 =	vld [tilespmem:s1+$0x3E70]  }
0xea: {  	v1 =	vld [tilespmem:s1+$0x2A00]  }
0xeb: {  	v2 =	vld [tilespmem:s1+$0x2A10]  }
0xec: {  	v3 =	vld [tilespmem:s1+$0x2A20]  }
0xed: {  	v4 =	vld [tilespmem:s1+$0x2A30]  }
0xee: {  	v63 =	vld [tilespmem:s1+$0x2A40]  }
0xef: {  	v5 =	vld [tilespmem:s1+$0x2A50]  }
0xf0: {  	v6 =	vld [tilespmem:s1+$0x2A60]  }
0xf1: {  	v7 =	vld [tilespmem:s1+$0x2A70]  }
0xf2: {  	v8 =	vld [tilespmem:s1+$0x3E00]  }
0xf3: {  	v9 =	vld [tilespmem:s1+$0x3E10]  }
0xf4: {  	v10 =	vld [tilespmem:s1+$0x3E20]  }
0xf5: {  	v11 =	vld [tilespmem:s1+$0x3E30]  }
0xf6: {  	v12 =	vld [tilespmem:s1+$0x3E40]  }
0xf7: {  	v13 =	vld [tilespmem:s1+$0x3E50]  }
0xf8: {  	v14 =	vld [tilespmem:s1+$0x3E60]  }
0xf9: {  	[tilespmem:s1+$0x1670] =	vst.add.f32.msk $0xffff, v0  }
0xfa: {  	[tilespmem:s1+$0x200] =	vst.add.f32.msk $0xffff, v1  }
0xfb: {  	[tilespmem:s1+$0x210] =	vst.add.f32.msk $0xffff, v2  }
0xfc: {  	[tilespmem:s1+$0x220] =	vst.add.f32.msk $0xffff, v3  }
0xfd: {  	[tilespmem:s1+$0x230] =	vst.add.f32.msk $0xffff, v4  }
0xfe: {  	[tilespmem:s1+$0x240] =	vst.add.f32.msk $0xffff, v63  }
0xff: {  	[tilespmem:s1+$0x250] =	vst.add.f32.msk $0xffff, v5  }
0x100: {  	[tilespmem:s1+$0x260] =	vst.add.f32.msk $0xffff, v6  }
0x101: {  	[tilespmem:s1+$0x270] =	vst.add.f32.msk $0xffff, v7  }
0x102: {  	[tilespmem:s1+$0x1600] =	vst.add.f32.msk $0xffff, v8  }
0x103: {  	[tilespmem:s1+$0x1610] =	vst.add.f32.msk $0xffff, v9  }
0x104: {  	[tilespmem:s1+$0x1620] =	vst.add.f32.msk $0xffff, v10  }
0x105: {  	[tilespmem:s1+$0x1630] =	vst.add.f32.msk $0xffff, v11  }
0x106: {  	[tilespmem:s1+$0x1640] =	vst.add.f32.msk $0xffff, v12  }
0x107: {  	[tilespmem:s1+$0x1650] =	vst.add.f32.msk $0xffff, v13  }
0x108: {  	s0 =	rddreg [dreg:$0x3];
	s9 =	simm.s32 $0x4;
	[tilespmem:s1+$0x1660] =	vst.add.f32.msk $0xffff, v14  }
0x109: {  	[hbm4b:s0+s2] =	stream.linear.scatter [tilespmem:s13], [sflag:$0x3], $0x2800, $0x38;
	[tilespmem:$0xA200] =	vst v63  }
0x10a: {  	_ =	swait.ge [sflag:s9], $0x2800  }
0x10b: {  	[sflag:s9] =	ssyncset.done $0x0  }
0x10c: {  	[sflag:s9] =	ssyncadd.s32 $0xFFFFD800  }
0x10d: {  	_ =	swait.ge [sflag:s30], $0x2800  }
0x10e: {  	s10 =	rddreg [dreg:$0x5]  }
0x10f: {  	s31 =	rddreg [dreg:$0x4];
	s1 =	sadd.s32 $0x1, s10  }
0x110: {  	p0 =	sne.s32 s1, s31  }
.Ltmp4:
0x111: {  	_ = 	snop;
	(pc) =	sbr.rel @p0 .LBB2_1-.Ltmp4, $3  }
0x112: {  	_ =	sdelay $0x1  }
0x113: {  	[sflag:s30] =	ssyncset.done $0x0  }
0x114: {  	[sflag:s30] =	ssyncadd.s32 $0xFFFFD800  }
0x115: {  	_ =	sfence.sel $0x180000  }
0x116: {  	[bflag:$0x0] =	sbarrier.arrive $0xFFFF  }
0x117: {  	_ =	strace $0x90000047  }
0x118: {  	s0 =	stileid.u32;
	[bflag:$0x2] =	sbarrier.arrive $0xFFFF  }
0x119: {  	p0 =	sne.s32 s0, $0x0;
	s0 =	rddreg [dreg:$0x1]  }
0x11a: {  	s0 =	sadd.s32 @!p0 $0x100000, s0  }
0x11b: {  	[sflag:s0] =	ssyncadd.tile.s32 @!p0 $0x1;
	_ =	shalt  }
.Lfunc_end2:
_tile_overlayer_lowered:
.L_overlay_start_2:
0x11c: {  	(tag) =	ssettag $0x2  }
0x11d: {  	s0 =	rddreg [dreg:$0x0];
	s2 =	stileid.u32  }
0x11e: {  	s1 =	rddreg [dreg:$0x1];
	p0 =	sne.s32 s2, $0x0  }
0x11f: {  	s3 =	rddreg [dreg:$0x2];
	[bflag:$0x3] =	sbarrier.arrive $0xFFFF;
	s2 =	simm.s32 @!p0 $0x1C05  }
0x120: {  	[timem:s3], [sflag:s2] =	dma.local @!p0 [hbm:s0], s1  }
0x121: {  	s0 =	simm.s32 @!p0 $0x5  }
0x122: {  	_ =	swait.ge @!p0 [sflag:s0], s1  }
0x123: {  	s1 =	ssub.s32 @!p0 $0x0, s1;
	[sflag:s0] =	ssyncset.done @!p0 $0x0  }
0x124: {  	[sflag:s0] =	ssyncadd.s32 @!p0 s1  }
0x125: {  	[bflag:$0x3] =	sbarrier.arrive $0xFFFF  }
0x126: {  	_ =	shalt  }

// kernel: kernel.16.cloned.1.call-start
scs
__scs_entry_jumppad:
0x0: {  	(pc) =	sbr.rel $0x88, $3  }
0x1: {  	(tag) =	ssettag $0x0;
	lr =	simm.s32 $0x1  }
0x2: {  	[smem:$0x3F94] =	sst lr;
	_ =	strace $0xD0000000  }
0x3: {  	_ = 	snop  }
0x4: {  	_ = 	snop  }
0x5: {  	_ = 	snop  }
0x6: {  	_ = 	snop  }
0x7: {  	_ = 	snop  }
__scs_overlays_trampoline_lowered:
0x8: {  	[smem:$0x3FA3] =	sst s0  }
0x9: {  	[smem:$0x3FA4] =	sst s1  }
0xa: {  	[smem:$0x3FA5] =	sst s2  }
0xb: {  	[smem:$0x3FA6] =	sst s3  }
0xc: {  	[smem:$0x3FA7] =	sst s4  }
0xd: {  	[smem:$0x3FA8] =	sst s5  }
0xe: {  	[smem:$0x3FA9] =	sst s6  }
0xf: {  	[smem:$0x3FAA] =	sst s7  }
0x10: {  	[smem:$0x3FAB] =	sst s8  }
0x11: {  	[smem:$0x3FAC] =	sst s9;
	s0 =	simm.s32 @!p0 $0x0  }
0x12: {  	s1 =	sld [smem:$0x3F92];
	s0 =	simm.s32 @p0 $0x1  }
0x13: {  	[smem:$0x3FAD] =	sst s0;
	s0 =	simm.s32 @!p1 $0x0  }
0x14: {  	s2 =	sld [smem:$0x3F91];
	s0 =	simm.s32 @p1 $0x1  }
0x15: {  	[smem:$0x3FAE] =	sst s0;
	s0 =	simm.s32 @!p2 $0x0  }
0x16: {  	s3 =	sld [smem:$0x3FDB];
	s0 =	simm.s32 @p2 $0x1  }
0x17: {  	s4 =	simm.s32 $0x1BF5;
	[smem:$0x3FB0] =	sst s0  }
0x18: {  	s0 =	sld [smem:$0x3F93];
	_ =	swait.ge [sflag:s4], $0x0  }
0x19: {  	s7 =	sld [smem:$0x3F94]  }
0x1a: {  	s8 =	sadd.s32 $0xFFFFE003, lr  }
0x1b: {  	s9 =	sadd.s32 $0xFFFFFEF7, lr;
	s5 =	simm.s32 $0xFFFFFFFF;
	p2 =	slt.u32 s8, $0xFFFFF086  }
0x1c: {  	p1 =	slt.u32 s9, $0xF7A;
	s5 =	simm.s32 @!p2 $0x0  }
0x1d: {  	s5 =	simm.s32 @p1 $0x1;
	p0 =	seq.s32 s7, s2  }
0x1e: {  	s7 =	smul.u32 @!p0 $0xF7A, s2;
	p2 =	seq.s32 @!p0 s5, $0x0  }
0x1f: {  	s9 =	smul.u32 $0xF7A, s1;
	s8 =	simm.s32 @!p0 $0x1BF5;
	p2 =	por !p2, p0  }
0x20: {  	[sflag:s8] =	ssyncset.s32 @!p0 $0xFFFFF086;
	s6 =	sadd.s32 @!p0 s3, s7;
	s7 =	simm.s32 @!p0 $0x108  }
0x21: {  	s3 =	sadd.s32 s3, s9;
	s6 =	sadd.s32 @!p0 $0x88, s6;
	s7 =	simm.s32 @p2 $0x1082  }
0x22: {  	[simem:s7], [sflag:s8] =	dma.local @!p0 [hbm:s6], $0xF7A  }
0x23: {  	s9 =	sor.u32 $0xD0000000, s2;
	s6 =	simm.s32 $0x108;
	_ =	swait.ge @!p0 [sflag:s8], $0x0  }
0x24: {  	s3 =	sadd.s32 $0x88, s3;
	s6 =	simm.s32 @!p1 $0x1082;
	[sflag:s4] =	ssyncset.s32 $0xFFFFF086  }
0x25: {  	[simem:s6], [sflag:s4] =	dma.local [hbm:s3], $0xF7A  }
0x26: {  	[smem:$0x3F94] =	sst s1;
	(tag) =	ssettag s2;
	_ =	strace s9  }
0x27: {  	s1 =	sld [smem:$0x3FA4]  }
0x28: {  	s2 =	sld [smem:$0x3FA5]  }
0x29: {  	s4 =	sld [smem:$0x3FA7]  }
0x2a: {  	p0 =	seq.s32 s5, $0x0;
	s5 =	sld [smem:$0x3FA8]  }
0x2b: {  	s6 =	sld [smem:$0x3FA9]  }
0x2c: {  	s7 =	sld [smem:$0x3FAA]  }
0x2d: {  	s3 =	simm.s32 $0x108;
	s8 =	sld [smem:$0x3FAB]  }
0x2e: {  	s3 =	simm.s32 @!p0 $0x1082;
	s9 =	sld [smem:$0x3FAC]  }
0x2f: {  	lr =	sadd.s32 s0, s3;
	s0 =	sld [smem:$0x3FA3]  }
0x30: {  	s3 =	sld [smem:$0x3FA6]  }
0x31: {  	[smem:$0x3FAF] =	sst s10  }
0x32: {  	s10 =	sld [smem:$0x3FAD];
	_ =	sdelay $0x3  }
0x33: {  	p0 =	seq.s32 s10, $0x1;
	s10 =	sld [smem:$0x3FAF];
	_ =	sdelay $0x3  }
0x34: {  	[smem:$0x3FAF] =	sst s10  }
0x35: {  	s10 =	sld [smem:$0x3FAE];
	_ =	sdelay $0x3  }
0x36: {  	p1 =	seq.s32 s10, $0x1;
	s10 =	sld [smem:$0x3FAF];
	_ =	sdelay $0x3  }
0x37: {  	[smem:$0x3FAF] =	sst s10  }
0x38: {  	s10 =	sld [smem:$0x3FB0]  }
0x39: {  	_ = 	snop;
	(pc) =	sbr.ind lr, $3  }
0x3a: {  	_ = 	snop  }
0x3b: {  	_ = 	snop  }
0x3c: {  	p2 =	seq.s32 s10, $0x1;
	s10 =	sld [smem:$0x3FAF]  }
0x3d: {  	_ =	shalt  }
0x3e: {  	_ =	shalt  }
0x3f: {  	_ =	shalt  }
0x40: {  	_ =	shalt  }
0x41: {  	_ =	shalt  }
0x42: {  	_ =	shalt  }
0x43: {  	_ =	shalt  }
0x44: {  	_ =	shalt  }
0x45: {  	_ =	shalt  }
0x46: {  	_ =	shalt  }
0x47: {  	_ =	shalt  }
0x48: {  	_ =	shalt  }
0x49: {  	_ =	shalt  }
0x4a: {  	_ =	shalt  }
0x4b: {  	_ =	shalt  }
0x4c: {  	_ =	shalt  }
0x4d: {  	_ =	shalt  }
0x4e: {  	_ =	shalt  }
0x4f: {  	_ =	shalt  }
0x50: {  	_ =	shalt  }
0x51: {  	_ =	shalt  }
0x52: {  	_ =	shalt  }
0x53: {  	_ =	shalt  }
0x54: {  	_ =	shalt  }
0x55: {  	_ =	shalt  }
0x56: {  	_ =	shalt  }
0x57: {  	_ =	shalt  }
0x58: {  	_ =	shalt  }
0x59: {  	_ =	shalt  }
0x5a: {  	_ =	shalt  }
0x5b: {  	_ =	shalt  }
0x5c: {  	_ =	shalt  }
0x5d: {  	_ =	shalt  }
0x5e: {  	_ =	shalt  }
0x5f: {  	_ =	shalt  }
0x60: {  	_ =	shalt  }
0x61: {  	_ =	shalt  }
0x62: {  	_ =	shalt  }
0x63: {  	_ =	shalt  }
0x64: {  	_ =	shalt  }
0x65: {  	_ =	shalt  }
0x66: {  	_ =	shalt  }
0x67: {  	_ =	shalt  }
0x68: {  	_ =	shalt  }
0x69: {  	_ =	shalt  }
0x6a: {  	_ =	shalt  }
0x6b: {  	_ =	shalt  }
0x6c: {  	_ =	shalt  }
0x6d: {  	_ =	shalt  }
0x6e: {  	_ =	shalt  }
0x6f: {  	_ =	shalt  }
0x70: {  	_ =	shalt  }
0x71: {  	_ =	shalt  }
0x72: {  	_ =	shalt  }
0x73: {  	_ =	shalt  }
0x74: {  	_ =	shalt  }
0x75: {  	_ =	shalt  }
0x76: {  	_ =	shalt  }
0x77: {  	_ =	shalt  }
0x78: {  	_ =	shalt  }
0x79: {  	_ =	shalt  }
0x7a: {  	_ =	shalt  }
0x7b: {  	_ =	shalt  }
0x7c: {  	_ =	shalt  }
0x7d: {  	_ =	shalt  }
0x7e: {  	_ =	shalt  }
0x7f: {  	_ =	shalt  }
0x80: {  	_ =	shalt  }
0x81: {  	_ =	shalt  }
0x82: {  	_ =	shalt  }
0x83: {  	_ =	shalt  }
0x84: {  	_ =	shalt  }
0x85: {  	_ =	shalt  }
0x86: {  	_ =	shalt  }
0x87: {  	_ =	shalt  }
.Lfunc_end0:
.L_simem_size_0:
called_computation.2_lowered:
.L_overlay_start_0:
0x88: {  	s2 =	sld [smem:$0x3FD9]  }
0x89: {  	s3 =	sld [smem:$0x3FFE];
	_ =	sdelay $0x1  }
0x8a: {  	s1 =	srdreg.scid  }
0x8b: {  	s0 =	sand.u32 $0x1, s1  }
0x8c: {  	s17 =	sshll.u32 s0, $0xA;
	s2 =	sadd.s32 s3, s2  }
0x8d: {  	s2 =	sadd.s32 s2, s17  }
0x8e: {  	[smem:$0x3FBB] =	sst s2  }
0x8f: {  	_ = 	snop  }
0x90: {  	s18 =	sld [smem:$0x3FD0];
	(tm) =	ssettm $0x1  }
0x91: {  	s19 =	sld [smem:$0x3FFB];
	_ =	sdelay $0x3  }
0x92: {  	_ =	strace s19  }
0x93: {  	s2 =	sld [smem:$0x3FFC];
	_ =	sdelay $0x3  }
0x94: {  	_ =	strace s2  }
0x95: {  	s2 =	sld [smem:$0x3FFD];
	_ =	sdelay $0x3  }
0x96: {  	_ =	strace s2  }
0x97: {  	_ =	strace $0x8FFFFFFF  }
0x98: {  	s20 =	sld [smem:$0x3FDB];
	_ =	sdelay $0x1  }
0x99: {  	s4 =	simm.s32 $_scs_section_size  }
0x9a: {  	s5 =	simm.s32 $_size__tile_overlayer_lowered;
	s6 =	simm.s32 $_tile_overlayer_lowered  }
0x9b: {  	s7 =	simm.s32 $0x1BFF;
	s21 =	sshll.u32 s6, $0x1;
	s4 =	sadd.s32 s4, s20  }
0x9c: {  	s22 =	simm.s32 $0x0;
	s5 =	sshll.u32 s5, $0x1;
	s6 =	sadd.s32 s21, s4  }
0x9d: {  	[timem:s22], [sflag:s7] =	dma.local [hbm:s6], s5  }
0x9e: {  	_ =	swait.ge [sflag:s7], s5  }
0x9f: {  	s5 =	ssub.s32 $0x0, s5;
	[sflag:s7] =	ssyncset.done $0x0  }
0xa0: {  	[sflag:s7] =	ssyncadd.s32 s5;
	_ =	sdelay $0x1  }
0xa1: {  	s23 =	simm.s32 $0x1B8B  }
0xa2: {  	_ =	swait.ge [sflag:s23], $0x1  }
0xa3: {  	[sflag:s23] =	ssyncset.done $0x0  }
0xa4: {  	[sflag:s23] =	ssyncadd.s32 $0xFFFFFFFF  }
0xa5: {  	s5 =	sld [smem:$0x0]  }
0xa6: {  	s6 =	sand.u32 $0xFFFFFFFE, s1  }
0xa7: {  	p0 =	sne.s32 s1, s6  }
0xa8: {  	s6 =	sshll.u32 @p0 s6, $0xE  }
0xa9: {  	s6 =	sadd.s32 @p0 $0x11B8D, s6;
	s7 =	sshll.u32 @p0 s5, $0x11  }
0xaa: {  	s6 =	sor.u32 @p0 s7, s6  }
0xab: {  	[sflag:s6] =	ssyncadd.remote.s32 @p0 $0x1;
	_ =	sdelay $0x1  }
0xac: {  	s6 =	simm.s32 @p0 $0x1B8D  }
0xad: {  	_ =	swait.eq @p0 [sflag:s6], $0x1  }
0xae: {  	[sflag:s6] =	ssyncadd.s32 @p0 $0xFFFFFFFF  }
0xaf: {  	s7 =	sshll.u32 @!p0 s1, $0xE  }
0xb0: {  	s7 =	sor.u32 @!p0 $0x4000, s7;
	s6 =	simm.s32 @!p0 $0x1B8D  }
0xb1: {  	s5 =	sshll.u32 @!p0 s5, $0x11;
	s7 =	sadd.s32 @!p0 $0x11B8D, s7;
	_ =	swait.eq @!p0 [sflag:s6], $0x1  }
0xb2: {  	s5 =	sor.u32 @!p0 s5, s7;
	[sflag:s6] =	ssyncadd.s32 @!p0 $0xFFFFFFFF  }
0xb3: {  	s25 =	simm.s32 $0x1B8E;
	s24 =	sld [smem:$0x3FFE];
	[sflag:s5] =	ssyncadd.remote.s32 @!p0 $0x1  }
0xb4: {  	s26 =	simm.s32 $execute0_lowered;
	[smem:$0x3FD2] =	sst s25  }
0xb5: {  	s6 =	sshll.u32 s26, $0x1;
	_ =	strace $0x8000004F;
	[dreg:$0x1] =	wrdreg $0xFFFFFFFF  }
0xb6: {  	s28 =	simm.s32 $_size_execute0_lowered;
	s4 =	sadd.s32 s4, s6;
	[dreg:$0x0] =	wrdreg $0x0  }
0xb7: {  	s6 =	sshll.u32 s28, $0x1;
	[dreg:$0x2] =	wrdreg s4  }
0xb8: {  	[dreg:$0x3] =	wrdreg s6  }
0xb9: {  	[dreg:$0x4] =	wrdreg $0xC0  }
0xba: {  	_ =	task [dreg:s22], $0x5FFFF  }
0xbb: {  	[dreg:$0x1] =	wrdreg $0xFFFFFFFF  }
0xbc: {  	[dreg:$0x0] =	wrdreg $0x60  }
0xbd: {  	[dreg:$0x2] =	wrdreg s24  }
0xbe: {  	[dreg:$0x3] =	wrdreg s18  }
0xbf: {  	[dreg:$0x4] =	wrdreg $0x0  }
0xc0: {  	[dreg:$0x5] =	wrdreg $0x9  }
0xc1: {  	_ =	task.clear_ibuf [dreg:s22], $0x6FFFF;
	_ =	strace $0x9000004F  }
0xc2: {  	s29 =	simm.s32 $0x9;
	_ =	strace $0x80000051  }
0xc3: {  	_ =	swait.ge [sflag:s29], $0x1  }
0xc4: {  	[sflag:s29] =	ssyncadd.s32 $0xFFFFFFFF  }
0xc5: {  	_ =	strace $0x90000051  }
0xc6: {  	_ =	sfence  }
0xc7: {  	s30 =	sld [smem:$0x0];
	_ =	sdelay $0x2  }
0xc8: {  	s31 =	sshll.u32 s1, $0xD;
	s1 =	sshrl.u32 s1, $0x2  }
0xc9: {  	s4 =	sand.u32 $0x4000, s31;
	s1 =	sadd.s32 s1, s30  }
0xca: {  	s0 =	sor.u32 s4, s0;
	s1 =	sshll.u32 s1, $0x11  }
0xcb: {  	s0 =	sor.u32 s1, s0  }
0xcc: {  	s0 =	sadd.s32 $0x8F2B, s0  }
0xcd: {  	[sflag:s0] =	ssyncadd.remote.s32 $0x1  }
0xce: {  	_ =	sfence.sel $0xFFFF  }
0xcf: {  	[dreg:$0x0] =	wrdreg $0xFFFFFFFF;
	(pc) =	sbr.abs _section_cstart, $3  }
0xd0: {  	[dreg:$0x1] =	wrdreg $0xFFFFFFFF  }
0xd1: {  	_ =	task.clear_ibuf [dreg:s22], $0x2FFFF;
	_ =	strace $0x9FFFFFFF  }
0xd2: {  	(tm) =	ssettm $0x7FFFFFFF  }
0xd3: {  	_ =	shalt  }
tec
execute0_lowered:
.L_overlay_start_1:
0x0: {  	(tag) =	ssettag $0x1  }
0x1: {  	s0 =	rddreg [dreg:$0x0]  }
0x2: {  	s3 =	rddreg [dreg:$0x1]  }
0x3: {  	s1 =	rddreg [dreg:$0x2];
	s2 =	simm.s32 $0x0  }
0x4: {  	s26 =	stileid.u32;
	s4 =	srdreg.scid;
	s28 =	simm.s32 $0x1B900  }
0x5: {  	s29 =	simm.s32 $0x17880;
	s30 =	simm.s32 $0x1;
	s31 =	simm.s32 $0x80  }
0x6: {  	[smem:$0x7FF] =	sst s2;
	s5 =	smul.u32 $0x4E000, s26;
	s6 =	sadd.s32 $0x1287800, s0  }
0x7: {  	s7 =	sand.u32 $0x1, s4;
	s0 =	sadd.s32 $0x5400, s0;
	s11 =	smul.u32 $0x2700, s26  }
0x8: {  	s22 =	sshll.u32 s26, $0xE;
	s23 =	sshll.u32 s26, $0x4;
	s24 =	sshll.u32 s26, $0x7  }
0x9: {  	p0 =	sne.s32 s26, $0x0;
	p1 =	sgt.u32 s26, $0x1;
	_ =	strace $0x80000050  }
0xa: {  	s8 =	ssub.s32 $0x2, s7;
	s20 =	smul.u32 $0x1388000, s7;
	s13 =	sor.u32 $0x27000, s24  }
0xb: {  	s14 =	smul.u32 $0x138800, s7;
	s17 =	sshrl.u32 s5, $0x2;
	s18 =	sshrl.u32 s8, $0x1  }
0xc: {  	s25 =	sshrl.u32 s13, $0x3;
	s4 =	sadd.s32 s17, s1;
	s5 =	ssub.s32 s8, s18  }
0xd: {  	s18 =	smul.u32 $0x27100, s7;
	s17 =	sor.u32 $0x10, s26;
	s19 =	sadd.s32 $0x4000, s4  }
0xe: {  	s14 =	sshrl.u32 s14, $0x3;
	s9 =	sadd.s32 $0x8000, s4;
	[dreg:$0x4] =	wrdreg s19  }
0xf: {  	s7 =	smul.u32 $0x271000, s7;
	s21 =	sadd.s32 $0xC000, s4;
	[dreg:$0x5] =	wrdreg s9  }
0x10: {  	s10 =	sadd.s32 $0x10000, s4;
	s15 =	sadd.s32 s3, s14;
	[dreg:$0x6] =	wrdreg s21  }
0x11: {  	s16 =	smax.u32 s5, $0x1;
	[dreg:$0x7] =	wrdreg s10;
	s21 =	sadd.s32 s20, s22  }
0x12: {  	s9 =	sadd.s32 $0x138000, s1;
	s10 =	sadd.s32 s0, s23;
	s19 =	sor.u32 $0x1000, s24  }
0x13: {  	s13 =	sadd.s32 s18, s13;
	s11 =	sadd.s32 s11, s18;
	s15 =	sadd.s32 $0x27000, s15  }
0x14: {  	s22 =	sadd.s32 s7, s6;
	s23 =	sshll.u32 s26, $0xB;
	s26 =	simm.s32 $0x1B880  }
0x15: {  	s12 =	sshrl.u32 s21, $0x3;
	s13 =	sshll.u32 s13, $0x4;
	s14 =	sadd.s32 s3, s11  }
0x16: {  	s18 =	sadd.s32 s18, s19;
	s24 =	sadd.s32 $0xC0000, s21;
	s8 =	sadd.s32 $0x400, s10  }
0x17: {  	s12 =	sadd.s32 s6, s12;
	s13 =	sadd.s32 s6, s13;
	s5 =	sshll.u32 s18, $0x4  }
0x18: {  	[dreg:$0x8] =	wrdreg s12;
	s12 =	sadd.s32 s0, s25;
	s25 =	sshrl.u32 s24, $0x3  }
0x19: {  	[dreg:$0x9] =	wrdreg s12;
	s12 =	sshll.u32 s17, $0xE;
	s17 =	sshll.u32 s17, $0x4  }
0x1a: {  	s24 =	simm.s32 $0x13880;
	s3 =	sadd.s32 s20, s12;
	s17 =	sadd.s32 s0, s17  }
.Ltmp0:
0x1b: {  	s20 =	sshrl.u32 s19, $0x3;
	s12 =	smov.u32 s10;
	(pc) =	sbr.rel .LBB2_1-.Ltmp0, $4  }
0x1c: {  	s3 =	sshrl.u32 s3, $0x3;
	s19 =	sadd.s32 s0, s20;
	s20 =	sadd.s32 s6, s5  }
0x1d: {  	s0 =	sadd.s32 s23, s22;
	s23 =	sadd.s32 s25, s6;
	s25 =	simm.s32 $0x5  }
0x1e: {  	s5 =	simm.s32 $0x4;
	s18 =	sadd.s32 s6, s3;
	s22 =	sadd.s32 $0x20000, s0  }
0x1f: {  	v0 =	vimm.f32 $0.0e+00;
	s0 =	simm.s32 $0x2;
	s3 =	simm.s32 $0x3;
	s6 =	simm.s32 $0x0  }
.LBB2_6:
0x20: {  	[spmem:s1] =	stream.indirect.scatter.add.f32 [tilespmem:s29], [sflag:$0x4], $0x80, s28, s31, $0xb8;
	[tilespmem:$0x1B980] =	vst v63  }
0x21: {  	_ =	swait.ge [sflag:s5], $0x4000  }
0x22: {  	s7 =	simm.s32 @!p1 $0x0;
	[sflag:s5] =	ssyncset.done $0x0  }
0x23: {  	s10 =	simm.s32 @!p1 $0x1B880;
	s11 =	rddreg [dreg:$0x9];
	[sflag:s5] =	ssyncadd.s32 $0xFFFFC000  }
0x24: {  	[tilespmem:s10], [sflag:$0x5] =	stream.linear.gather @!p1 [hbm4b:s11+s7], $0x80, $0x38;
	[tilespmem:$0x1B980] =	vst v63  }
0x25: {  	s11 =	simm.s32 @!p1 $0x5  }
0x26: {  	_ =	swait.ge @!p1 [sflag:s11], $0x80  }
0x27: {  	[sflag:s11] =	ssyncset.done @!p1 $0x0  }
0x28: {  	s21 =	simm.s32 @!p1 $0x13880;
	[sflag:s11] =	ssyncadd.s32 @!p1 $0xFFFFFF80  }
0x29: {  	[tilespmem:s21], [sflag:$0x5] =	stream.linear.gather @!p1 [hbm4b:s13+s7], $0x4000, $0x38;
	[tilespmem:$0x1B980] =	vst v63  }
0x2a: {  	_ =	swait.ge @!p1 [sflag:s11], $0x4000  }
0x2b: {  	[sflag:s11] =	ssyncset.done @!p1 $0x0  }
0x2c: {  	s7 =	simm.s32 @!p1 $0x80;
	[sflag:s11] =	ssyncadd.s32 @!p1 $0xFFFFC000  }
0x2d: {  	[spmem:s1] =	stream.indirect.scatter.add.f32 @!p1 [tilespmem:s21], [sflag:$0x5], $0x80, s10, s7, $0xb8;
	[tilespmem:$0x1B980] =	vst v63  }
0x2e: {  	_ =	swait.ge @!p1 [sflag:s11], $0x4000  }
0x2f: {  	[sflag:s11] =	ssyncset.done @!p1 $0x0  }
0x30: {  	[sflag:s11] =	ssyncadd.s32 @!p1 $0xFFFFC000;
	s11 =	stileid.u32  }
0x31: {  	s7 =	sshll.u32 s11, $0x6  }
0x32: {  	s21 =	sshrl.u32 s4, $0x3;
	[bflag:$0x0] =	sbarrier.arrive $0xFFFF;
	s7 =	sor.u32 $0x1C05, s7  }
0x33: {  	[hbm:s14], [sflag:s7] =	dma.local [spmem:s21], $0x2700  }
0x34: {  	_ =	swait.ge [sflag:s25], $0x2700  }
0x35: {  	s6 =	sadd.s32 $0x1, s6;
	[sflag:s25] =	ssyncset.done $0x0  }
0x36: {  	p2 =	sne.s32 s6, s16;
	s10 =	sshrl.u32 @!p0 s9, $0x3;
	[sflag:s25] =	ssyncadd.s32 $0xFFFFD900  }
0x37: {  	[hbm:s15], [sflag:s7] =	dma.local @!p0 [spmem:s10], $0x100  }
.Ltmp1:
0x38: {  	_ = 	snop;
	(pc) =	sbr.rel @!p2 .LBB2_7-.Ltmp1, $4  }
0x39: {  	s7 =	simm.s32 @!p0 $0x5  }
0x3a: {  	_ =	swait.ge @!p0 [sflag:s7], $0x100  }
0x3b: {  	[sflag:s7] =	ssyncset.done @!p0 $0x0  }
0x3c: {  	[sflag:s7] =	ssyncadd.s32 @!p0 $0xFFFFFF00  }
.LBB2_1:
0x3d: {  	s7 =	sand.u32 $0xFE00, s2  }
0x3e: {  	s11 =	sand.u32 $0x70, s2;
	s21 =	sshrl.u32 s7, $0x2  }
0x3f: {  	s7 =	simm.s32 $0x40;
	s11 =	sor.u32 s11, s21;
	s21 =	simm.s32 $0x0  }
.LBB2_2:
0x40: {  	p2 =	sne.s32 s7, $0xFFC0  }
0x41: {  	[tilespmem:s11+$0x13880] =	vst v0;
	s21 =	sadd.s32 $0x10, s21;
	s11 =	smov.u32 s7;
	s7 =	sadd.s32 $0x40, s7  }
.Ltmp2:
0x42: {  	(pc) =	sbr.rel @p2 .LBB2_2-.Ltmp2, $4  }
0x43: {  	_ = 	snop  }
0x44: {  	s11 =	sand.u32 $0xFE00, s11  }
0x45: {  	s10 =	sand.u32 $0x70, s21;
	s11 =	sshrl.u32 s11, $0x2  }
0x46: {  	s11 =	sor.u32 s10, s11  }
0x47: {  	[tilespmem:s11+$0x13880] =	vst v0  }
0x48: {  	[spmem:s4] =	stream.linear.scatter [tilespmem:s24], [sflag:$0x5], $0x4000, $0x38;
	[tilespmem:$0x1B980] =	vst v63  }
0x49: {  	_ =	swait.ge [sflag:s25], $0x4000  }
0x4a: {  	[sflag:s25] =	ssyncset.done $0x0  }
0x4b: {  	s7 =	rddreg [dreg:$0x4];
	[sflag:s25] =	ssyncadd.s32 $0xFFFFC000  }
0x4c: {  	[spmem:s7] =	stream.linear.scatter [tilespmem:s24], [sflag:$0x5], $0x4000, $0x38;
	[tilespmem:$0x1B980] =	vst v63  }
0x4d: {  	_ =	swait.ge [sflag:s25], $0x4000  }
0x4e: {  	[sflag:s25] =	ssyncset.done $0x0  }
0x4f: {  	s10 =	rddreg [dreg:$0x5];
	[sflag:s25] =	ssyncadd.s32 $0xFFFFC000  }
0x50: {  	[spmem:s10] =	stream.linear.scatter [tilespmem:s24], [sflag:$0x5], $0x4000, $0x38;
	[tilespmem:$0x1B980] =	vst v63  }
0x51: {  	_ =	swait.ge [sflag:s25], $0x4000  }
0x52: {  	[sflag:s25] =	ssyncset.done $0x0  }
0x53: {  	s11 =	rddreg [dreg:$0x6];
	[sflag:s25] =	ssyncadd.s32 $0xFFFFC000  }
0x54: {  	[spmem:s11] =	stream.linear.scatter [tilespmem:s24], [sflag:$0x5], $0x4000, $0x38;
	[tilespmem:$0x1B980] =	vst v63  }
0x55: {  	_ =	swait.ge [sflag:s25], $0x4000  }
0x56: {  	[sflag:s25] =	ssyncset.done $0x0  }
0x57: {  	s21 =	rddreg [dreg:$0x7];
	[sflag:s25] =	ssyncadd.s32 $0xFFFFC000  }
0x58: {  	[spmem:s21] =	stream.linear.scatter [tilespmem:s24], [sflag:$0x5], $0x3800, $0x38;
	[tilespmem:$0x1B980] =	vst v63  }
0x59: {  	_ =	swait.ge [sflag:s25], $0x3800  }
0x5a: {  	[sflag:s25] =	ssyncset.done $0x0  }
0x5b: {  	s7 =	simm.s32 @!p0 $0x13880;
	[sflag:s25] =	ssyncadd.s32 $0xFFFFC800  }
0x5c: {  	[spmem:s9] =	stream.linear.scatter @!p0 [tilespmem:s7], [sflag:$0x5], $0x800, $0x38;
	[tilespmem:$0x1B980] =	vst v63  }
0x5d: {  	s7 =	simm.s32 @!p0 $0x5  }
0x5e: {  	_ =	swait.ge @!p0 [sflag:s7], $0x800  }
0x5f: {  	[sflag:s7] =	ssyncset.done @!p0 $0x0  }
0x60: {  	[sflag:s7] =	ssyncadd.s32 @!p0 $0xFFFFF800  }
0x61: {  	s7 =	simm.s32 $0x0;
	[bflag:$0x0] =	sbarrier.arrive $0xFFFF  }
0x62: {  	[tilespmem:s26], [sflag:$0x1] =	stream.linear.gather [hbm4b:s12+s7], $0x80, $0x38;
	[tilespmem:$0x1B980] =	vst v63  }
0x63: {  	s10 =	rddreg [dreg:$0x8]  }
0x64: {  	[tilespmem:s24], [sflag:$0x1] =	stream.linear.gather [hbm4b:s10+s7], $0x4000, $0x38;
	[tilespmem:$0x1B980] =	vst v63  }
0x65: {  	_ = 	snop  }
0x66: {  	[tilespmem:s28], [sflag:$0x2] =	stream.linear.gather [hbm4b:s17+s7], $0x80, $0x38;
	[tilespmem:$0x1B980] =	vst v63  }
0x67: {  	_ = 	snop  }
0x68: {  	[tilespmem:s29], [sflag:$0x2] =	stream.linear.gather [hbm4b:s18+s7], $0x4000, $0x38;
	[tilespmem:$0x1B980] =	vst v63  }
0x69: {  	_ =	swait.ge [sflag:s30], $0x80  }
0x6a: {  	[sflag:s30] =	ssyncset.done $0x0  }
0x6b: {  	[sflag:s30] =	ssyncadd.s32 $0xFFFFFF80  }
0x6c: {  	_ =	swait.ge [sflag:s30], $0x4000  }
0x6d: {  	[sflag:s30] =	ssyncset.done $0x0  }
0x6e: {  	[sflag:s30] =	ssyncadd.s32 $0xFFFFC000  }
0x6f: {  	[spmem:s1] =	stream.indirect.scatter.add.f32 [tilespmem:s24], [sflag:$0x3], $0x80, s26, s31, $0xb8;
	[tilespmem:$0x1B980] =	vst v63  }
0x70: {  	_ =	swait.ge [sflag:s0], $0x80  }
0x71: {  	[sflag:s0] =	ssyncset.done $0x0  }
0x72: {  	[sflag:s0] =	ssyncadd.s32 $0xFFFFFF80  }
0x73: {  	_ =	swait.ge [sflag:s0], $0x4000  }
0x74: {  	[sflag:s0] =	ssyncset.done $0x0  }
0x75: {  	[sflag:s0] =	ssyncadd.s32 $0xFFFFC000  }
0x76: {  	_ =	swait.ge [sflag:s3], $0x4000  }
0x77: {  	[sflag:s3] =	ssyncset.done $0x0  }
0x78: {  	[sflag:s3] =	ssyncadd.s32 $0xFFFFC000  }
0x79: {  	[tilespmem:s26], [sflag:$0x1] =	stream.linear.gather [hbm4b:s19+s7], $0x80, $0x38;
	[tilespmem:$0x1B980] =	vst v63  }
0x7a: {  	_ = 	snop  }
0x7b: {  	[tilespmem:s24], [sflag:$0x1] =	stream.linear.gather [hbm4b:s20+s7], $0x4000, $0x38;
	[tilespmem:$0x1B980] =	vst v63  }
0x7c: {  	s21 =	smov.u32 s8  }
0x7d: {  	[spmem:s1] =	stream.indirect.scatter.add.f32 [tilespmem:s29], [sflag:$0x4], $0x80, s28, s31, $0xb8;
	[tilespmem:$0x1B980] =	vst v63  }
.LBB2_4:
0x7e: {  	_ =	swait.ge [sflag:s5], $0x4000  }
0x7f: {  	[sflag:s5] =	ssyncset.done $0x0  }
0x80: {  	s10 =	sadd.s32 $0xFFFFFF00, s21;
	[sflag:s5] =	ssyncadd.s32 $0xFFFFC000  }
0x81: {  	[tilespmem:s28], [sflag:$0x2] =	stream.linear.gather [hbm4b:s10+s2], $0x80, $0x38;
	[tilespmem:$0x1B980] =	vst v63  }
0x82: {  	s11 =	sadd.s32 s7, s23  }
0x83: {  	[tilespmem:s29], [sflag:$0x2] =	stream.linear.gather [hbm4b:s11+s2], $0x4000, $0x38;
	[tilespmem:$0x1B980] =	vst v63  }
0x84: {  	_ =	swait.ge [sflag:s30], $0x80  }
0x85: {  	[sflag:s30] =	ssyncset.done $0x0  }
0x86: {  	[sflag:s30] =	ssyncadd.s32 $0xFFFFFF80  }
0x87: {  	_ =	swait.ge [sflag:s30], $0x4000  }
0x88: {  	[sflag:s30] =	ssyncset.done $0x0  }
0x89: {  	[sflag:s30] =	ssyncadd.s32 $0xFFFFC000  }
0x8a: {  	[spmem:s1] =	stream.indirect.scatter.add.f32 [tilespmem:s24], [sflag:$0x3], $0x80, s26, s31, $0xb8;
	[tilespmem:$0x1B980] =	vst v63  }
0x8b: {  	_ =	swait.ge [sflag:s0], $0x80  }
0x8c: {  	[sflag:s0] =	ssyncset.done $0x0  }
0x8d: {  	[sflag:s0] =	ssyncadd.s32 $0xFFFFFF80  }
0x8e: {  	p2 =	seq.s32 s7, $0x250000;
	_ =	swait.ge [sflag:s0], $0x4000  }
.Ltmp3:
0x8f: {  	[sflag:s0] =	ssyncset.done $0x0;
	(pc) =	sbr.rel @p2 .LBB2_6-.Ltmp3, $4  }
0x90: {  	[sflag:s0] =	ssyncadd.s32 $0xFFFFC000  }
0x91: {  	_ =	swait.ge [sflag:s3], $0x4000  }
0x92: {  	[sflag:s3] =	ssyncset.done $0x0  }
0x93: {  	[sflag:s3] =	ssyncadd.s32 $0xFFFFC000  }
0x94: {  	[tilespmem:s26], [sflag:$0x1] =	stream.linear.gather [hbm4b:s21+s2], $0x80, $0x38;
	[tilespmem:$0x1B980] =	vst v63  }
.Ltmp4:
0x95: {  	_ = 	snop;
	(pc) =	sbr.rel .LBB2_4-.Ltmp4, $4  }
0x96: {  	s10 =	sadd.s32 s7, s22  }
0x97: {  	[tilespmem:s24], [sflag:$0x1] =	stream.linear.gather [hbm4b:s10+s2], $0x4000, $0x38;
	[tilespmem:$0x1B980] =	vst v63  }
0x98: {  	s21 =	sadd.s32 $0x200, s21;
	s7 =	sadd.s32 $0x10000, s7  }
0x99: {  	[spmem:s1] =	stream.indirect.scatter.add.f32 [tilespmem:s29], [sflag:$0x4], $0x80, s28, s31, $0xb8;
	[tilespmem:$0x1B980] =	vst v63  }
.LBB2_7:
0x9a: {  	_ =	sfence.sel $0x180000  }
0x9b: {  	[bflag:$0x0] =	sbarrier.arrive $0xFFFF  }
0x9c: {  	_ =	strace $0x90000050  }
0x9d: {  	[bflag:$0x2] =	sbarrier.arrive $0xFFFF  }
0x9e: {  	s0 =	rddreg [dreg:$0x3]  }
0x9f: {  	s0 =	sadd.s32 @!p0 $0x100000, s0  }
0xa0: {  	[sflag:s0] =	ssyncadd.tile.s32 @!p0 $0x1;
	_ =	shalt  }
.Lfunc_end2:
_tile_overlayer_lowered:
.L_overlay_start_2:
0xa1: {  	(tag) =	ssettag $0x2  }
0xa2: {  	s0 =	rddreg [dreg:$0x0];
	s2 =	stileid.u32  }
0xa3: {  	s1 =	rddreg [dreg:$0x1];
	p0 =	sne.s32 s2, $0x0  }
0xa4: {  	s3 =	rddreg [dreg:$0x2];
	[bflag:$0x3] =	sbarrier.arrive $0xFFFF;
	s2 =	simm.s32 @!p0 $0x1C05  }
0xa5: {  	[timem:s3], [sflag:s2] =	dma.local @!p0 [hbm:s0], s1  }
0xa6: {  	s0 =	simm.s32 @!p0 $0x5  }
0xa7: {  	_ =	swait.ge @!p0 [sflag:s0], s1  }
0xa8: {  	s1 =	ssub.s32 @!p0 $0x0, s1;
	[sflag:s0] =	ssyncset.done @!p0 $0x0  }
0xa9: {  	[sflag:s0] =	ssyncadd.s32 @!p0 s1  }
0xaa: {  	[bflag:$0x3] =	sbarrier.arrive $0xFFFF  }
0xab: {  	_ =	shalt  }

// kernel: kernel.19.cloned.1.call-start
scs
__scs_entry_jumppad:
0x0: {  	(pc) =	sbr.rel $0x88, $3  }
0x1: {  	(tag) =	ssettag $0x0;
	lr =	simm.s32 $0x1  }
0x2: {  	[smem:$0x3F94] =	sst lr;
	_ =	strace $0xD0000000  }
0x3: {  	_ = 	snop  }
0x4: {  	_ = 	snop  }
0x5: {  	_ = 	snop  }
0x6: {  	_ = 	snop  }
0x7: {  	_ = 	snop  }
__scs_overlays_trampoline_lowered:
0x8: {  	[smem:$0x3FA3] =	sst s0  }
0x9: {  	[smem:$0x3FA4] =	sst s1  }
0xa: {  	[smem:$0x3FA5] =	sst s2  }
0xb: {  	[smem:$0x3FA6] =	sst s3  }
0xc: {  	[smem:$0x3FA7] =	sst s4  }
0xd: {  	[smem:$0x3FA8] =	sst s5  }
0xe: {  	[smem:$0x3FA9] =	sst s6  }
0xf: {  	[smem:$0x3FAA] =	sst s7  }
0x10: {  	[smem:$0x3FAB] =	sst s8  }
0x11: {  	[smem:$0x3FAC] =	sst s9;
	s0 =	simm.s32 @!p0 $0x0  }
0x12: {  	s1 =	sld [smem:$0x3F92];
	s0 =	simm.s32 @p0 $0x1  }
0x13: {  	[smem:$0x3FAD] =	sst s0;
	s0 =	simm.s32 @!p1 $0x0  }
0x14: {  	s2 =	sld [smem:$0x3F91];
	s0 =	simm.s32 @p1 $0x1  }
0x15: {  	[smem:$0x3FAE] =	sst s0;
	s0 =	simm.s32 @!p2 $0x0  }
0x16: {  	s3 =	sld [smem:$0x3FDB];
	s0 =	simm.s32 @p2 $0x1  }
0x17: {  	s4 =	simm.s32 $0x1BF5;
	[smem:$0x3FB0] =	sst s0  }
0x18: {  	s0 =	sld [smem:$0x3F93];
	_ =	swait.ge [sflag:s4], $0x0  }
0x19: {  	s7 =	sld [smem:$0x3F94]  }
0x1a: {  	s8 =	sadd.s32 $0xFFFFE003, lr  }
0x1b: {  	s9 =	sadd.s32 $0xFFFFFEF7, lr;
	s5 =	simm.s32 $0xFFFFFFFF;
	p2 =	slt.u32 s8, $0xFFFFF086  }
0x1c: {  	p1 =	slt.u32 s9, $0xF7A;
	s5 =	simm.s32 @!p2 $0x0  }
0x1d: {  	s5 =	simm.s32 @p1 $0x1;
	p0 =	seq.s32 s7, s2  }
0x1e: {  	s7 =	smul.u32 @!p0 $0xF7A, s2;
	p2 =	seq.s32 @!p0 s5, $0x0  }
0x1f: {  	s9 =	smul.u32 $0xF7A, s1;
	s8 =	simm.s32 @!p0 $0x1BF5;
	p2 =	por !p2, p0  }
0x20: {  	[sflag:s8] =	ssyncset.s32 @!p0 $0xFFFFF086;
	s6 =	sadd.s32 @!p0 s3, s7;
	s7 =	simm.s32 @!p0 $0x108  }
0x21: {  	s3 =	sadd.s32 s3, s9;
	s6 =	sadd.s32 @!p0 $0x88, s6;
	s7 =	simm.s32 @p2 $0x1082  }
0x22: {  	[simem:s7], [sflag:s8] =	dma.local @!p0 [hbm:s6], $0xF7A  }
0x23: {  	s9 =	sor.u32 $0xD0000000, s2;
	s6 =	simm.s32 $0x108;
	_ =	swait.ge @!p0 [sflag:s8], $0x0  }
0x24: {  	s3 =	sadd.s32 $0x88, s3;
	s6 =	simm.s32 @!p1 $0x1082;
	[sflag:s4] =	ssyncset.s32 $0xFFFFF086  }
0x25: {  	[simem:s6], [sflag:s4] =	dma.local [hbm:s3], $0xF7A  }
0x26: {  	[smem:$0x3F94] =	sst s1;
	(tag) =	ssettag s2;
	_ =	strace s9  }
0x27: {  	s1 =	sld [smem:$0x3FA4]  }
0x28: {  	s2 =	sld [smem:$0x3FA5]  }
0x29: {  	s4 =	sld [smem:$0x3FA7]  }
0x2a: {  	p0 =	seq.s32 s5, $0x0;
	s5 =	sld [smem:$0x3FA8]  }
0x2b: {  	s6 =	sld [smem:$0x3FA9]  }
0x2c: {  	s7 =	sld [smem:$0x3FAA]  }
0x2d: {  	s3 =	simm.s32 $0x108;
	s8 =	sld [smem:$0x3FAB]  }
0x2e: {  	s3 =	simm.s32 @!p0 $0x1082;
	s9 =	sld [smem:$0x3FAC]  }
0x2f: {  	lr =	sadd.s32 s0, s3;
	s0 =	sld [smem:$0x3FA3]  }
0x30: {  	s3 =	sld [smem:$0x3FA6]  }
0x31: {  	[smem:$0x3FAF] =	sst s10  }
0x32: {  	s10 =	sld [smem:$0x3FAD];
	_ =	sdelay $0x3  }
0x33: {  	p0 =	seq.s32 s10, $0x1;
	s10 =	sld [smem:$0x3FAF];
	_ =	sdelay $0x3  }
0x34: {  	[smem:$0x3FAF] =	sst s10  }
0x35: {  	s10 =	sld [smem:$0x3FAE];
	_ =	sdelay $0x3  }
0x36: {  	p1 =	seq.s32 s10, $0x1;
	s10 =	sld [smem:$0x3FAF];
	_ =	sdelay $0x3  }
0x37: {  	[smem:$0x3FAF] =	sst s10  }
0x38: {  	s10 =	sld [smem:$0x3FB0]  }
0x39: {  	_ = 	snop;
	(pc) =	sbr.ind lr, $3  }
0x3a: {  	_ = 	snop  }
0x3b: {  	_ = 	snop  }
0x3c: {  	p2 =	seq.s32 s10, $0x1;
	s10 =	sld [smem:$0x3FAF]  }
0x3d: {  	_ =	shalt  }
0x3e: {  	_ =	shalt  }
0x3f: {  	_ =	shalt  }
0x40: {  	_ =	shalt  }
0x41: {  	_ =	shalt  }
0x42: {  	_ =	shalt  }
0x43: {  	_ =	shalt  }
0x44: {  	_ =	shalt  }
0x45: {  	_ =	shalt  }
0x46: {  	_ =	shalt  }
0x47: {  	_ =	shalt  }
0x48: {  	_ =	shalt  }
0x49: {  	_ =	shalt  }
0x4a: {  	_ =	shalt  }
0x4b: {  	_ =	shalt  }
0x4c: {  	_ =	shalt  }
0x4d: {  	_ =	shalt  }
0x4e: {  	_ =	shalt  }
0x4f: {  	_ =	shalt  }
0x50: {  	_ =	shalt  }
0x51: {  	_ =	shalt  }
0x52: {  	_ =	shalt  }
0x53: {  	_ =	shalt  }
0x54: {  	_ =	shalt  }
0x55: {  	_ =	shalt  }
0x56: {  	_ =	shalt  }
0x57: {  	_ =	shalt  }
0x58: {  	_ =	shalt  }
0x59: {  	_ =	shalt  }
0x5a: {  	_ =	shalt  }
0x5b: {  	_ =	shalt  }
0x5c: {  	_ =	shalt  }
0x5d: {  	_ =	shalt  }
0x5e: {  	_ =	shalt  }
0x5f: {  	_ =	shalt  }
0x60: {  	_ =	shalt  }
0x61: {  	_ =	shalt  }
0x62: {  	_ =	shalt  }
0x63: {  	_ =	shalt  }
0x64: {  	_ =	shalt  }
0x65: {  	_ =	shalt  }
0x66: {  	_ =	shalt  }
0x67: {  	_ =	shalt  }
0x68: {  	_ =	shalt  }
0x69: {  	_ =	shalt  }
0x6a: {  	_ =	shalt  }
0x6b: {  	_ =	shalt  }
0x6c: {  	_ =	shalt  }
0x6d: {  	_ =	shalt  }
0x6e: {  	_ =	shalt  }
0x6f: {  	_ =	shalt  }
0x70: {  	_ =	shalt  }
0x71: {  	_ =	shalt  }
0x72: {  	_ =	shalt  }
0x73: {  	_ =	shalt  }
0x74: {  	_ =	shalt  }
0x75: {  	_ =	shalt  }
0x76: {  	_ =	shalt  }
0x77: {  	_ =	shalt  }
0x78: {  	_ =	shalt  }
0x79: {  	_ =	shalt  }
0x7a: {  	_ =	shalt  }
0x7b: {  	_ =	shalt  }
0x7c: {  	_ =	shalt  }
0x7d: {  	_ =	shalt  }
0x7e: {  	_ =	shalt  }
0x7f: {  	_ =	shalt  }
0x80: {  	_ =	shalt  }
0x81: {  	_ =	shalt  }
0x82: {  	_ =	shalt  }
0x83: {  	_ =	shalt  }
0x84: {  	_ =	shalt  }
0x85: {  	_ =	shalt  }
0x86: {  	_ =	shalt  }
0x87: {  	_ =	shalt  }
.Lfunc_end0:
.L_simem_size_0:
called_computation.3_lowered:
.L_overlay_start_0:
0x88: {  	s2 =	sld [smem:$0x3FD9]  }
0x89: {  	s3 =	sld [smem:$0x3FFE];
	_ =	sdelay $0x1  }
0x8a: {  	s1 =	srdreg.scid  }
0x8b: {  	s0 =	sand.u32 $0x1, s1  }
0x8c: {  	s17 =	sshll.u32 s0, $0xA;
	s2 =	sadd.s32 s3, s2  }
0x8d: {  	s2 =	sadd.s32 s2, s17  }
0x8e: {  	[smem:$0x3FBB] =	sst s2  }
0x8f: {  	_ = 	snop  }
0x90: {  	(tm) =	ssettm $0x1  }
0x91: {  	s18 =	sld [smem:$0x3FFB];
	_ =	sdelay $0x3  }
0x92: {  	_ =	strace s18  }
0x93: {  	s2 =	sld [smem:$0x3FFC];
	_ =	sdelay $0x3  }
0x94: {  	_ =	strace s2  }
0x95: {  	s2 =	sld [smem:$0x3FFD];
	_ =	sdelay $0x3  }
0x96: {  	_ =	strace s2  }
0x97: {  	_ =	strace $0x8FFFFFFF  }
0x98: {  	s19 =	sld [smem:$0x3FDB];
	_ =	sdelay $0x1  }
0x99: {  	s20 =	simm.s32 $_scs_section_size  }
0x9a: {  	s4 =	simm.s32 $_size__tile_overlayer_lowered;
	s5 =	simm.s32 $_tile_overlayer_lowered  }
0x9b: {  	s6 =	simm.s32 $0x1BFF;
	s21 =	sshll.u32 s5, $0x1;
	s3 =	sadd.s32 s20, s19  }
0x9c: {  	s22 =	simm.s32 $0x0;
	s4 =	sshll.u32 s4, $0x1;
	s5 =	sadd.s32 s21, s3  }
0x9d: {  	[timem:s22], [sflag:s6] =	dma.local [hbm:s5], s4  }
0x9e: {  	_ =	swait.ge [sflag:s6], s4  }
0x9f: {  	s4 =	ssub.s32 $0x0, s4;
	[sflag:s6] =	ssyncset.done $0x0  }
0xa0: {  	[sflag:s6] =	ssyncadd.s32 s4;
	_ =	sdelay $0x1  }
0xa1: {  	s23 =	simm.s32 $0x1B8B  }
0xa2: {  	_ =	swait.ge [sflag:s23], $0x1  }
0xa3: {  	[sflag:s23] =	ssyncset.done $0x0  }
0xa4: {  	[sflag:s23] =	ssyncadd.s32 $0xFFFFFFFF  }
0xa5: {  	s4 =	sld [smem:$0x0]  }
0xa6: {  	s5 =	sand.u32 $0xFFFFFFFE, s1  }
0xa7: {  	p0 =	sne.s32 s1, s5  }
0xa8: {  	s5 =	sshll.u32 @p0 s5, $0xE  }
0xa9: {  	s5 =	sadd.s32 @p0 $0x11B8D, s5;
	s6 =	sshll.u32 @p0 s4, $0x11  }
0xaa: {  	s5 =	sor.u32 @p0 s6, s5  }
0xab: {  	[sflag:s5] =	ssyncadd.remote.s32 @p0 $0x1;
	_ =	sdelay $0x1  }
0xac: {  	s5 =	simm.s32 @p0 $0x1B8D  }
0xad: {  	_ =	swait.eq @p0 [sflag:s5], $0x1  }
0xae: {  	[sflag:s5] =	ssyncadd.s32 @p0 $0xFFFFFFFF  }
0xaf: {  	s6 =	sshll.u32 @!p0 s1, $0xE  }
0xb0: {  	s6 =	sor.u32 @!p0 $0x4000, s6;
	s5 =	simm.s32 @!p0 $0x1B8D  }
0xb1: {  	s4 =	sshll.u32 @!p0 s4, $0x11;
	s6 =	sadd.s32 @!p0 $0x11B8D, s6;
	_ =	swait.eq @!p0 [sflag:s5], $0x1  }
0xb2: {  	s4 =	sor.u32 @!p0 s4, s6;
	[sflag:s5] =	ssyncadd.s32 @!p0 $0xFFFFFFFF  }
0xb3: {  	s25 =	simm.s32 $0x1B8E;
	s24 =	sld [smem:$0x3FFE];
	[sflag:s4] =	ssyncadd.remote.s32 @!p0 $0x1  }
0xb4: {  	s26 =	simm.s32 $execute0_lowered;
	[smem:$0x3FD2] =	sst s25  }
0xb5: {  	s5 =	sshll.u32 s26, $0x1;
	_ =	strace $0x8000004C;
	[dreg:$0x1] =	wrdreg $0xFFFFFFFF  }
0xb6: {  	s28 =	simm.s32 $_size_execute0_lowered;
	s3 =	sadd.s32 s3, s5;
	[dreg:$0x0] =	wrdreg $0x0  }
0xb7: {  	s5 =	sshll.u32 s28, $0x1;
	[dreg:$0x2] =	wrdreg s3  }
0xb8: {  	[dreg:$0x3] =	wrdreg s5  }
0xb9: {  	[dreg:$0x4] =	wrdreg $0xC0  }
0xba: {  	_ =	task [dreg:s22], $0x5FFFF  }
0xbb: {  	[dreg:$0x1] =	wrdreg $0xFFFFFFFF  }
0xbc: {  	[dreg:$0x0] =	wrdreg $0x60  }
0xbd: {  	[dreg:$0x2] =	wrdreg s24  }
0xbe: {  	[dreg:$0x3] =	wrdreg $0x0  }
0xbf: {  	[dreg:$0x4] =	wrdreg $0xA  }
0xc0: {  	_ =	task.clear_ibuf [dreg:s22], $0x5FFFF;
	_ =	strace $0x9000004C  }
0xc1: {  	s29 =	simm.s32 $0xA;
	_ =	strace $0x8000004E  }
0xc2: {  	_ =	swait.ge [sflag:s29], $0x1  }
0xc3: {  	[sflag:s29] =	ssyncadd.s32 $0xFFFFFFFF  }
0xc4: {  	_ =	strace $0x9000004E  }
0xc5: {  	_ =	sfence  }
0xc6: {  	s30 =	sld [smem:$0x0];
	_ =	sdelay $0x2  }
0xc7: {  	s31 =	sshll.u32 s1, $0xD;
	s1 =	sshrl.u32 s1, $0x2  }
0xc8: {  	s4 =	sand.u32 $0x4000, s31;
	s1 =	sadd.s32 s1, s30  }
0xc9: {  	s0 =	sor.u32 s4, s0;
	s1 =	sshll.u32 s1, $0x11  }
0xca: {  	s0 =	sor.u32 s1, s0  }
0xcb: {  	s0 =	sadd.s32 $0x8F2B, s0  }
0xcc: {  	[sflag:s0] =	ssyncadd.remote.s32 $0x1  }
0xcd: {  	_ =	sfence.sel $0xFFFF  }
0xce: {  	[dreg:$0x0] =	wrdreg $0xFFFFFFFF;
	(pc) =	sbr.abs _section_cstart, $3  }
0xcf: {  	[dreg:$0x1] =	wrdreg $0xFFFFFFFF  }
0xd0: {  	_ =	task.clear_ibuf [dreg:s22], $0x2FFFF;
	_ =	strace $0x9FFFFFFF  }
0xd1: {  	(tm) =	ssettm $0x7FFFFFFF  }
tec
execute0_lowered:
.L_overlay_start_1:
0x0: {  	(tag) =	ssettag $0x1  }
0x1: {  	s3 =	rddreg [dreg:$0x0]  }
0x2: {  	s1 =	rddreg [dreg:$0x1];
	s2 =	simm.s32 $0x0;
	s4 =	srdreg.scid  }
0x3: {  	s22 =	stileid.u32;
	[smem:$0x7FF] =	sst s2;
	s0 =	sadd.s32 $0xDA5800, s3  }
0x4: {  	s6 =	sand.u32 $0x1, s4;
	s25 =	smul.u32 $0x4E000, s22;
	s8 =	sadd.s32 $0x170800, s3  }
0x5: {  	s7 =	sadd.s32 $0x5400, s3;
	s3 =	sadd.s32 $0x1BEA00, s3;
	s10 =	smul.u32 $0x270, s22  }
0x6: {  	s11 =	sshll.u32 s22, $0x4;
	s26 =	sshll.u32 s22, $0xE;
	s29 =	sshll.u32 s22, $0x7  }
0x7: {  	s15 =	sor.u32 $0x10, s22;
	p0 =	sne.s32 s22, $0x0;
	s12 =	smul.u32 $0x1388000, s6  }
0x8: {  	p1 =	sgt.u32 s22, $0x1;
	s28 =	sadd.s32 $0x138000, s1;
	s13 =	smul.u32 $0x27100, s6  }
0x9: {  	_ =	strace $0x8000004D;
	s5 =	ssub.s32 $0x2, s6;
	s16 =	smul.u32 $0x2710, s6  }
0xa: {  	s23 =	sadd.s32 s7, s11;
	s17 =	sor.u32 $0x27000, s29;
	s18 =	smul.u32 $0x138800, s6  }
0xb: {  	s20 =	smul.u32 $0x271, s6;
	s21 =	sor.u32 $0x1000, s29;
	s9 =	sshrl.u32 s5, $0x1  }
0xc: {  	s4 =	sshrl.u32 s25, $0x2;
	s19 =	sshrl.u32 s17, $0x3;
	s31 =	smov.u32 s23  }
0xd: {  	s9 =	ssub.s32 s5, s9;
	s4 =	sadd.s32 s4, s1;
	s14 =	sadd.s32 s12, s26  }
0xe: {  	s10 =	sadd.s32 s10, s16;
	s30 =	sadd.s32 s7, s19;
	s24 =	sshrl.u32 s18, $0x3  }
0xf: {  	s25 =	sadd.s32 s22, s20;
	s18 =	sshll.u32 s15, $0x4;
	s20 =	sshrl.u32 s21, $0x3  }
0x10: {  	s5 =	sadd.s32 $0x4000, s4;
	[dreg:$0x3] =	wrdreg s30;
	s10 =	sshll.u32 s10, $0x4  }
0x11: {  	s26 =	sadd.s32 $0x27000, s24;
	s29 =	sshll.u32 s25, $0x4;
	s30 =	smul.u32 $0x13880, s6  }
0x12: {  	s6 =	smul.u32 $0x271000, s6;
	s24 =	sadd.s32 s13, s17;
	s25 =	sadd.s32 s13, s21  }
0x13: {  	s13 =	sadd.s32 $0xC0000, s14;
	s21 =	sadd.s32 $0xC000, s4;
	s19 =	sadd.s32 s8, s10  }
0x14: {  	s8 =	sadd.s32 s8, s26;
	s29 =	sadd.s32 s7, s29;
	[dreg:$0x4] =	wrdreg s19  }
0x15: {  	s11 =	sadd.s32 s3, s10;
	s3 =	sadd.s32 s3, s26;
	[dreg:$0x5] =	wrdreg s8  }
0x16: {  	s26 =	sshll.u32 s22, $0xB;
	s10 =	sshrl.u32 s30, $0x3;
	[dreg:$0x7] =	wrdreg s3  }
0x17: {  	s3 =	sadd.s32 s7, s18;
	s19 =	sshll.u32 s15, $0xE;
	s15 =	sadd.s32 $0x8000, s4  }
0x18: {  	s6 =	sadd.s32 s6, s0;
	s30 =	sshrl.u32 s14, $0x3;
	s18 =	smax.u32 s9, $0x1  }
0x19: {  	s22 =	sadd.s32 $0x2600, s29;
	[dreg:$0x6] =	wrdreg s29;
	s9 =	simm.s32 $0x1B900  }
0x1a: {  	s8 =	sadd.s32 s7, s10;
	[dreg:$0x8] =	wrdreg s3;
	s3 =	sadd.s32 s12, s19  }
0x1b: {  	s7 =	sadd.s32 s7, s20;
	s6 =	sadd.s32 s26, s6;
	s12 =	sadd.s32 s0, s30  }
0x1c: {  	s10 =	sshll.u32 s25, $0x4;
	[dreg:$0xf] =	wrdreg s18;
	s25 =	sadd.s32 s16, s23  }
0x1d: {  	s26 =	sadd.s32 $0x10000, s4;
	s19 =	sadd.s32 $0x200, s29;
	[dreg:$0x11] =	wrdreg s22  }
0x1e: {  	s30 =	sadd.s32 $0x100, s29;
	s16 =	simm.s32 $0x3;
	[dreg:$0x9] =	wrdreg s7  }
0x1f: {  	s18 =	simm.s32 $0x0;
	s7 =	sshll.u32 s24, $0x4;
	[dreg:$0xa] =	wrdreg s12  }
0x20: {  	s3 =	sshrl.u32 s3, $0x3;
	s14 =	sadd.s32 s0, s10;
	[dreg:$0x10] =	wrdreg s19  }
0x21: {  	s17 =	sadd.s32 $0x2700, s8;
	s24 =	sadd.s32 $0x20000, s6;
	[dreg:$0x12] =	wrdreg s30  }
0x22: {  	s8 =	simm.s32 $0x1B880;
	s6 =	simm.s32 $0x17880;
	s12 =	simm.s32 $0x1  }
.Ltmp0:
0x23: {  	s7 =	sadd.s32 s0, s7;
	[dreg:$0xd] =	wrdreg s14;
	(pc) =	sbr.rel .LBB2_1-.Ltmp0, $4  }
0x24: {  	s3 =	sadd.s32 s0, s3;
	[dreg:$0xe] =	wrdreg s17;
	s14 =	simm.s32 $0x2  }
0x25: {  	s17 =	simm.s32 $0x4;
	[dreg:$0xb] =	wrdreg s7;
	s7 =	sshrl.u32 s13, $0x3  }
0x26: {  	[dreg:$0xc] =	wrdreg s3;
	s3 =	simm.s32 $0x13880;
	s13 =	simm.s32 $0x80  }
0x27: {  	v0 =	vimm.f32 $0.0e+00;
	v1 =	vimm.f32 $1.000000000e+00;
	s20 =	sadd.s32 s7, s0;
	s0 =	sadd.s32 $0x400, s23;
	s7 =	simm.s32 $0x5  }
.LBB2_13:
0x28: {  	[spmem:s1] =	stream.indirect.scatter.add.f32 [tilespmem:s3], [sflag:$0x4], $0x80, s9, s13, $0xb8;
	[tilespmem:$0x1B980] =	vst v63  }
0x29: {  	_ =	swait.ge [sflag:s17], $0x4000  }
0x2a: {  	[sflag:s17] =	ssyncset.done $0x0  }
0x2b: {  	s10 =	rddreg [dreg:$0x11];
	[sflag:s17] =	ssyncadd.s32 $0xFFFFC000  }
0x2c: {  	[tilespmem:s8], [sflag:$0x5] =	stream.linear.gather [hbm4b:s10+s2], $0x80, $0x38;
	[tilespmem:$0x1B980] =	vst v63  }
0x2d: {  	_ =	swait.ge [sflag:s7], $0x80  }
0x2e: {  	[sflag:s7] =	ssyncset.done $0x0  }
0x2f: {  	[sflag:s7] =	ssyncadd.s32 $0xFFFFFF80  }
0x30: {  	[spmem:s1] =	stream.indirect.scatter.add.f32 [tilespmem:s3], [sflag:$0x5], $0x80, s8, s13, $0xb8;
	[tilespmem:$0x1B980] =	vst v63  }
0x31: {  	_ =	swait.ge [sflag:s7], $0x4000  }
0x32: {  	[sflag:s7] =	ssyncset.done $0x0  }
0x33: {  	[sflag:s7] =	ssyncadd.s32 $0xFFFFC000  }
0x34: {  	s10 =	sshrl.u32 @p0 s4, $0x3;
	[bflag:$0x0] =	sbarrier.arrive @p0 $0xFFFF  }
0x35: {  	[hbm:s11], [sflag:s19] =	dma.local @p0 [spmem:s10], $0x2700  }
0x36: {  	s10 =	simm.s32 @p0 $0x5  }
0x37: {  	_ =	swait.ge @p0 [sflag:s10], $0x2700  }
0x38: {  	s23 =	simm.s32 @!p0 $0x1B880;
	[sflag:s10] =	ssyncset.done @p0 $0x0  }
0x39: {  	s29 =	rddreg [dreg:$0xe];
	[sflag:s10] =	ssyncadd.s32 @p0 $0xFFFFD900;
	s10 =	simm.s32 @!p0 $0x0  }
0x3a: {  	[tilespmem:s23], [sflag:$0x5] =	stream.linear.gather @!p0 [hbm4b:s29+s10], $0x80, $0x38;
	[tilespmem:$0x1B980] =	vst v63  }
0x3b: {  	s10 =	simm.s32 @!p0 $0x5  }
0x3c: {  	_ =	swait.ge @!p0 [sflag:s10], $0x80  }
0x3d: {  	[sflag:s10] =	ssyncset.done @!p0 $0x0  }
0x3e: {  	s30 =	simm.s32 @!p0 $0x13880;
	s29 =	simm.s32 @!p0 $0x80;
	[sflag:s10] =	ssyncadd.s32 @!p0 $0xFFFFFF80  }
0x3f: {  	[spmem:s1] =	stream.indirect.scatter.add.f32 @!p0 [tilespmem:s30], [sflag:$0x5], $0x80, s23, s29, $0xb8;
	[tilespmem:$0x1B980] =	vst v63  }
0x40: {  	_ =	swait.ge @!p0 [sflag:s10], $0x4000  }
0x41: {  	[sflag:s10] =	ssyncset.done @!p0 $0x0  }
0x42: {  	[sflag:s10] =	ssyncadd.s32 @!p0 $0xFFFFC000  }
0x43: {  	s23 =	sshrl.u32 @!p0 s4, $0x3;
	[bflag:$0x0] =	sbarrier.arrive @!p0 $0xFFFF  }
0x44: {  	[hbm:s11], [sflag:s19] =	dma.local @!p0 [spmem:s23], $0x2700  }
0x45: {  	_ =	swait.ge @!p0 [sflag:s10], $0x2700  }
0x46: {  	[sflag:s10] =	ssyncset.done @!p0 $0x0  }
0x47: {  	s23 =	rddreg [dreg:$0x7];
	[sflag:s10] =	ssyncadd.s32 @!p0 $0xFFFFD900  }
0x48: {  	[hbm:s23], [sflag:s19] =	dma.local @!p0 [spmem:s22], $0x100  }
0x49: {  	_ =	swait.ge @!p0 [sflag:s10], $0x100  }
0x4a: {  	s18 =	sadd.s32 $0x1, s18;
	s30 =	rddreg [dreg:$0xf]  }
0x4b: {  	p2 =	sne.s32 s18, s30  }
.Ltmp1:
0x4c: {  	_ = 	snop;
	(pc) =	sbr.rel @!p2 .LBB2_14-.Ltmp1, $3  }
0x4d: {  	_ =	sdelay $0x1  }
0x4e: {  	[sflag:s10] =	ssyncset.done @!p0 $0x0  }
0x4f: {  	[sflag:s10] =	ssyncadd.s32 @!p0 $0xFFFFFF00  }
.LBB2_1:
0x50: {  	s10 =	sand.u32 $0xFE00, s2  }
0x51: {  	s22 =	sand.u32 $0x70, s2;
	s10 =	sshrl.u32 s10, $0x2  }
0x52: {  	s19 =	simm.s32 $0x40;
	s22 =	sor.u32 s22, s10;
	s10 =	simm.s32 $0x0  }
.LBB2_2:
0x53: {  	p2 =	sne.s32 s19, $0xFFC0  }
0x54: {  	[tilespmem:s22+$0x13880] =	vst v0;
	s10 =	sadd.s32 $0x10, s10;
	s22 =	smov.u32 s19;
	s19 =	sadd.s32 $0x40, s19  }
.Ltmp2:
0x55: {  	(pc) =	sbr.rel @p2 .LBB2_2-.Ltmp2, $4  }
0x56: {  	_ = 	snop  }
0x57: {  	s22 =	sand.u32 $0xFE00, s22  }
0x58: {  	s23 =	sand.u32 $0x70, s10;
	s22 =	sshrl.u32 s22, $0x2  }
0x59: {  	s22 =	sor.u32 s23, s22  }
0x5a: {  	[tilespmem:s22+$0x13880] =	vst v0  }
0x5b: {  	[spmem:s4] =	stream.linear.scatter [tilespmem:s3], [sflag:$0x5], $0x4000, $0x38;
	[tilespmem:$0x1B980] =	vst v63  }
0x5c: {  	_ =	swait.ge [sflag:s7], $0x4000  }
0x5d: {  	[sflag:s7] =	ssyncset.done $0x0  }
0x5e: {  	[sflag:s7] =	ssyncadd.s32 $0xFFFFC000  }
0x5f: {  	[spmem:s5] =	stream.linear.scatter [tilespmem:s3], [sflag:$0x5], $0x4000, $0x38;
	[tilespmem:$0x1B980] =	vst v63  }
0x60: {  	_ =	swait.ge [sflag:s7], $0x4000  }
0x61: {  	[sflag:s7] =	ssyncset.done $0x0  }
0x62: {  	[sflag:s7] =	ssyncadd.s32 $0xFFFFC000  }
0x63: {  	[spmem:s15] =	stream.linear.scatter [tilespmem:s3], [sflag:$0x5], $0x4000, $0x38;
	[tilespmem:$0x1B980] =	vst v63  }
0x64: {  	_ =	swait.ge [sflag:s7], $0x4000  }
0x65: {  	[sflag:s7] =	ssyncset.done $0x0  }
0x66: {  	[sflag:s7] =	ssyncadd.s32 $0xFFFFC000  }
0x67: {  	[spmem:s21] =	stream.linear.scatter [tilespmem:s3], [sflag:$0x5], $0x4000, $0x38;
	[tilespmem:$0x1B980] =	vst v63  }
0x68: {  	_ =	swait.ge [sflag:s7], $0x4000  }
0x69: {  	[sflag:s7] =	ssyncset.done $0x0  }
0x6a: {  	[sflag:s7] =	ssyncadd.s32 $0xFFFFC000  }
0x6b: {  	[spmem:s26] =	stream.linear.scatter [tilespmem:s3], [sflag:$0x5], $0x3800, $0x38;
	[tilespmem:$0x1B980] =	vst v63  }
0x6c: {  	_ =	swait.ge [sflag:s7], $0x3800  }
0x6d: {  	[sflag:s7] =	ssyncset.done $0x0  }
0x6e: {  	s10 =	simm.s32 @!p0 $0x13880;
	[sflag:s7] =	ssyncadd.s32 $0xFFFFC800  }
0x6f: {  	[spmem:s28] =	stream.linear.scatter @!p0 [tilespmem:s10], [sflag:$0x5], $0x800, $0x38;
	[tilespmem:$0x1B980] =	vst v63  }
0x70: {  	s10 =	simm.s32 @!p0 $0x5  }
0x71: {  	_ =	swait.ge @!p0 [sflag:s10], $0x800  }
0x72: {  	[sflag:s10] =	ssyncset.done @!p0 $0x0  }
0x73: {  	[sflag:s10] =	ssyncadd.s32 @!p0 $0xFFFFF800  }
0x74: {  	s19 =	simm.s32 $0x0;
	[bflag:$0x0] =	sbarrier.arrive $0xFFFF  }
0x75: {  	[tilespmem:s8], [sflag:$0x1] =	stream.linear.gather [hbm4b:s31+s19], $0x80, $0x38;
	[tilespmem:$0x1B980] =	vst v63  }
0x76: {  	s30 =	rddreg [dreg:$0xa]  }
0x77: {  	[tilespmem:s3], [sflag:$0x1] =	stream.linear.gather [hbm4b:s30+s19], $0x4000, $0x38;
	[tilespmem:$0x1B980] =	vst v63  }
0x78: {  	s22 =	rddreg [dreg:$0x8]  }
0x79: {  	[tilespmem:s9], [sflag:$0x2] =	stream.linear.gather [hbm4b:s22+s19], $0x80, $0x38;
	[tilespmem:$0x1B980] =	vst v63  }
0x7a: {  	s23 =	rddreg [dreg:$0xc]  }
0x7b: {  	[tilespmem:s6], [sflag:$0x2] =	stream.linear.gather [hbm4b:s23+s19], $0x4000, $0x38;
	[tilespmem:$0x1B980] =	vst v63  }
0x7c: {  	_ =	swait.ge [sflag:s12], $0x80  }
0x7d: {  	[sflag:s12] =	ssyncset.done $0x0  }
0x7e: {  	[sflag:s12] =	ssyncadd.s32 $0xFFFFFF80  }
0x7f: {  	_ =	swait.ge [sflag:s12], $0x4000  }
0x80: {  	[sflag:s12] =	ssyncset.done $0x0  }
0x81: {  	[sflag:s12] =	ssyncadd.s32 $0xFFFFC000  }
0x82: {  	[spmem:s1] =	stream.indirect.scatter.add.f32 [tilespmem:s3], [sflag:$0x3], $0x80, s8, s13, $0xb8;
	[tilespmem:$0x1B980] =	vst v63  }
0x83: {  	_ =	swait.ge [sflag:s14], $0x80  }
0x84: {  	[sflag:s14] =	ssyncset.done $0x0  }
0x85: {  	[sflag:s14] =	ssyncadd.s32 $0xFFFFFF80  }
0x86: {  	_ =	swait.ge [sflag:s14], $0x4000  }
0x87: {  	[sflag:s14] =	ssyncset.done $0x0  }
0x88: {  	[sflag:s14] =	ssyncadd.s32 $0xFFFFC000  }
0x89: {  	_ =	swait.ge [sflag:s16], $0x4000  }
0x8a: {  	[sflag:s16] =	ssyncset.done $0x0  }
0x8b: {  	s29 =	rddreg [dreg:$0x9];
	[sflag:s16] =	ssyncadd.s32 $0xFFFFC000  }
0x8c: {  	[tilespmem:s8], [sflag:$0x1] =	stream.linear.gather [hbm4b:s29+s19], $0x80, $0x38;
	[tilespmem:$0x1B980] =	vst v63  }
0x8d: {  	s30 =	rddreg [dreg:$0xd]  }
0x8e: {  	[tilespmem:s3], [sflag:$0x1] =	stream.linear.gather [hbm4b:s30+s19], $0x4000, $0x38;
	[tilespmem:$0x1B980] =	vst v63  }
0x8f: {  	s22 =	smov.u32 s0  }
0x90: {  	[spmem:s1] =	stream.indirect.scatter.add.f32 [tilespmem:s6], [sflag:$0x4], $0x80, s9, s13, $0xb8;
	[tilespmem:$0x1B980] =	vst v63  }
.LBB2_4:
0x91: {  	_ =	swait.ge [sflag:s17], $0x4000  }
0x92: {  	[sflag:s17] =	ssyncset.done $0x0  }
0x93: {  	s10 =	sadd.s32 $0xFFFFFF00, s22;
	[sflag:s17] =	ssyncadd.s32 $0xFFFFC000  }
0x94: {  	[tilespmem:s9], [sflag:$0x2] =	stream.linear.gather [hbm4b:s10+s2], $0x80, $0x38;
	[tilespmem:$0x1B980] =	vst v63  }
0x95: {  	s30 =	sadd.s32 s19, s20  }
0x96: {  	[tilespmem:s6], [sflag:$0x2] =	stream.linear.gather [hbm4b:s30+s2], $0x4000, $0x38;
	[tilespmem:$0x1B980] =	vst v63  }
0x97: {  	_ =	swait.ge [sflag:s12], $0x80  }
0x98: {  	[sflag:s12] =	ssyncset.done $0x0  }
0x99: {  	[sflag:s12] =	ssyncadd.s32 $0xFFFFFF80  }
0x9a: {  	_ =	swait.ge [sflag:s12], $0x4000  }
0x9b: {  	[sflag:s12] =	ssyncset.done $0x0  }
0x9c: {  	[sflag:s12] =	ssyncadd.s32 $0xFFFFC000  }
0x9d: {  	[spmem:s1] =	stream.indirect.scatter.add.f32 [tilespmem:s3], [sflag:$0x3], $0x80, s8, s13, $0xb8;
	[tilespmem:$0x1B980] =	vst v63  }
0x9e: {  	_ =	swait.ge [sflag:s14], $0x80  }
0x9f: {  	[sflag:s14] =	ssyncset.done $0x0  }
0xa0: {  	[sflag:s14] =	ssyncadd.s32 $0xFFFFFF80  }
0xa1: {  	p2 =	seq.s32 s19, $0x250000;
	_ =	swait.ge [sflag:s14], $0x4000  }
.Ltmp3:
0xa2: {  	[sflag:s14] =	ssyncset.done $0x0;
	(pc) =	sbr.rel @p2 .LBB2_6-.Ltmp3, $4  }
0xa3: {  	[sflag:s14] =	ssyncadd.s32 $0xFFFFC000  }
0xa4: {  	_ =	swait.ge [sflag:s16], $0x4000  }
0xa5: {  	[sflag:s16] =	ssyncset.done $0x0  }
0xa6: {  	[sflag:s16] =	ssyncadd.s32 $0xFFFFC000  }
0xa7: {  	[tilespmem:s8], [sflag:$0x1] =	stream.linear.gather [hbm4b:s22+s2], $0x80, $0x38;
	[tilespmem:$0x1B980] =	vst v63  }
.Ltmp4:
0xa8: {  	_ = 	snop;
	(pc) =	sbr.rel .LBB2_4-.Ltmp4, $4  }
0xa9: {  	s10 =	sadd.s32 s19, s24  }
0xaa: {  	[tilespmem:s3], [sflag:$0x1] =	stream.linear.gather [hbm4b:s10+s2], $0x4000, $0x38;
	[tilespmem:$0x1B980] =	vst v63  }
0xab: {  	s22 =	sadd.s32 $0x200, s22;
	s19 =	sadd.s32 $0x10000, s19  }
0xac: {  	[spmem:s1] =	stream.indirect.scatter.add.f32 [tilespmem:s6], [sflag:$0x4], $0x80, s9, s13, $0xb8;
	[tilespmem:$0x1B980] =	vst v63  }
.LBB2_6:
0xad: {  	[spmem:s1] =	stream.indirect.scatter.add.f32 [tilespmem:s6], [sflag:$0x4], $0x80, s9, s13, $0xb8;
	[tilespmem:$0x1B980] =	vst v63  }
0xae: {  	_ =	swait.ge [sflag:s17], $0x4000  }
0xaf: {  	s10 =	simm.s32 @!p1 $0x0;
	[sflag:s17] =	ssyncset.done $0x0  }
0xb0: {  	s19 =	simm.s32 @!p1 $0x1B880;
	s22 =	rddreg [dreg:$0x3];
	[sflag:s17] =	ssyncadd.s32 $0xFFFFC000  }
0xb1: {  	[tilespmem:s19], [sflag:$0x5] =	stream.linear.gather @!p1 [hbm4b:s22+s10], $0x80, $0x38;
	[tilespmem:$0x1B980] =	vst v63  }
0xb2: {  	s22 =	simm.s32 @!p1 $0x5  }
0xb3: {  	_ =	swait.ge @!p1 [sflag:s22], $0x80  }
0xb4: {  	[sflag:s22] =	ssyncset.done @!p1 $0x0  }
0xb5: {  	s23 =	simm.s32 @!p1 $0x13880;
	s29 =	rddreg [dreg:$0xb];
	[sflag:s22] =	ssyncadd.s32 @!p1 $0xFFFFFF80  }
0xb6: {  	[tilespmem:s23], [sflag:$0x5] =	stream.linear.gather @!p1 [hbm4b:s29+s10], $0x4000, $0x38;
	[tilespmem:$0x1B980] =	vst v63  }
0xb7: {  	_ =	swait.ge @!p1 [sflag:s22], $0x4000  }
0xb8: {  	[sflag:s22] =	ssyncset.done @!p1 $0x0  }
0xb9: {  	s10 =	simm.s32 @!p1 $0x80;
	[sflag:s22] =	ssyncadd.s32 @!p1 $0xFFFFC000  }
0xba: {  	[spmem:s1] =	stream.indirect.scatter.add.f32 @!p1 [tilespmem:s23], [sflag:$0x5], $0x80, s19, s10, $0xb8;
	[tilespmem:$0x1B980] =	vst v63  }
0xbb: {  	_ =	swait.ge @!p1 [sflag:s22], $0x4000  }
0xbc: {  	[sflag:s22] =	ssyncset.done @!p1 $0x0  }
0xbd: {  	[sflag:s22] =	ssyncadd.s32 @!p1 $0xFFFFC000;
	s22 =	stileid.u32  }
0xbe: {  	s10 =	sshll.u32 s22, $0x6;
	[bflag:$0x0] =	sbarrier.arrive $0xFFFF  }
0xbf: {  	s23 =	sshrl.u32 s4, $0x3;
	s19 =	sor.u32 $0x1C05, s10;
	s30 =	rddreg [dreg:$0x4]  }
0xc0: {  	[hbm:s30], [sflag:s19] =	dma.local [spmem:s23], $0x2700  }
0xc1: {  	_ =	swait.ge [sflag:s7], $0x2700  }
0xc2: {  	[sflag:s7] =	ssyncset.done $0x0  }
0xc3: {  	s22 =	sshrl.u32 @!p0 s28, $0x3;
	s10 =	rddreg [dreg:$0x5];
	[sflag:s7] =	ssyncadd.s32 $0xFFFFD900  }
0xc4: {  	[hbm:s10], [sflag:s19] =	dma.local @!p0 [spmem:s22], $0x100  }
0xc5: {  	s10 =	simm.s32 @!p0 $0x5  }
0xc6: {  	s23 =	simm.s32 $0x0;
	_ =	swait.ge @!p0 [sflag:s10], $0x100  }
0xc7: {  	s29 =	sand.u32 $0xFE00, s23;
	[sflag:s10] =	ssyncset.done @!p0 $0x0  }
0xc8: {  	s30 =	sand.u32 $0x70, s23;
	s29 =	sshrl.u32 s29, $0x2;
	[sflag:s10] =	ssyncadd.s32 @!p0 $0xFFFFFF00  }
0xc9: {  	s29 =	sor.u32 s30, s29;
	s10 =	simm.s32 $0x40;
	[bflag:$0x0] =	sbarrier.arrive $0xFFFF  }
.LBB2_7:
0xca: {  	p2 =	sne.s32 s10, $0xFFC0  }
0xcb: {  	[tilespmem:s29+$0x13880] =	vst v0;
	s23 =	sadd.s32 $0x10, s23;
	s29 =	smov.u32 s10;
	s10 =	sadd.s32 $0x40, s10  }
.Ltmp5:
0xcc: {  	(pc) =	sbr.rel @p2 .LBB2_7-.Ltmp5, $4  }
0xcd: {  	_ = 	snop  }
0xce: {  	s29 =	sand.u32 $0xFE00, s29  }
0xcf: {  	s30 =	sand.u32 $0x70, s23;
	s29 =	sshrl.u32 s29, $0x2  }
0xd0: {  	s29 =	sor.u32 s30, s29  }
0xd1: {  	[tilespmem:s29+$0x13880] =	vst v0  }
0xd2: {  	[spmem:s4] =	stream.linear.scatter [tilespmem:s3], [sflag:$0x5], $0x4000, $0x38;
	[tilespmem:$0x1B980] =	vst v63  }
0xd3: {  	_ =	swait.ge [sflag:s7], $0x4000  }
0xd4: {  	[sflag:s7] =	ssyncset.done $0x0  }
0xd5: {  	[sflag:s7] =	ssyncadd.s32 $0xFFFFC000  }
0xd6: {  	[spmem:s5] =	stream.linear.scatter [tilespmem:s3], [sflag:$0x5], $0x4000, $0x38;
	[tilespmem:$0x1B980] =	vst v63  }
0xd7: {  	_ =	swait.ge [sflag:s7], $0x4000  }
0xd8: {  	[sflag:s7] =	ssyncset.done $0x0  }
0xd9: {  	[sflag:s7] =	ssyncadd.s32 $0xFFFFC000  }
0xda: {  	[spmem:s15] =	stream.linear.scatter [tilespmem:s3], [sflag:$0x5], $0x4000, $0x38;
	[tilespmem:$0x1B980] =	vst v63  }
0xdb: {  	_ =	swait.ge [sflag:s7], $0x4000  }
0xdc: {  	[sflag:s7] =	ssyncset.done $0x0  }
0xdd: {  	[sflag:s7] =	ssyncadd.s32 $0xFFFFC000  }
0xde: {  	[spmem:s21] =	stream.linear.scatter [tilespmem:s3], [sflag:$0x5], $0x4000, $0x38;
	[tilespmem:$0x1B980] =	vst v63  }
0xdf: {  	_ =	swait.ge [sflag:s7], $0x4000  }
0xe0: {  	[sflag:s7] =	ssyncset.done $0x0  }
0xe1: {  	[sflag:s7] =	ssyncadd.s32 $0xFFFFC000  }
0xe2: {  	[spmem:s26] =	stream.linear.scatter [tilespmem:s3], [sflag:$0x5], $0x3800, $0x38;
	[tilespmem:$0x1B980] =	vst v63  }
0xe3: {  	_ =	swait.ge [sflag:s7], $0x3800  }
0xe4: {  	[sflag:s7] =	ssyncset.done $0x0  }
0xe5: {  	s10 =	simm.s32 @!p0 $0x13880;
	[sflag:s7] =	ssyncadd.s32 $0xFFFFC800  }
0xe6: {  	[spmem:s28] =	stream.linear.scatter @!p0 [tilespmem:s10], [sflag:$0x5], $0x800, $0x38;
	[tilespmem:$0x1B980] =	vst v63  }
0xe7: {  	s10 =	simm.s32 @!p0 $0x5  }
0xe8: {  	s23 =	simm.s32 $0x0;
	_ =	swait.ge @!p0 [sflag:s10], $0x800  }
0xe9: {  	s29 =	sand.u32 $0xFE00, s23;
	[sflag:s10] =	ssyncset.done @!p0 $0x0  }
0xea: {  	s30 =	sand.u32 $0x70, s23;
	s29 =	sshrl.u32 s29, $0x2;
	[sflag:s10] =	ssyncadd.s32 @!p0 $0xFFFFF800  }
0xeb: {  	s29 =	sor.u32 s30, s29;
	s10 =	simm.s32 $0x40;
	[bflag:$0x0] =	sbarrier.arrive $0xFFFF  }
.LBB2_9:
0xec: {  	p2 =	sne.s32 s10, $0xFFC0  }
0xed: {  	[tilespmem:s29+$0x13880] =	vst v1;
	s23 =	sadd.s32 $0x10, s23;
	s29 =	smov.u32 s10;
	s10 =	sadd.s32 $0x40, s10  }
.Ltmp6:
0xee: {  	(pc) =	sbr.rel @p2 .LBB2_9-.Ltmp6, $4  }
0xef: {  	_ = 	snop  }
0xf0: {  	s29 =	sand.u32 $0xFE00, s29  }
0xf1: {  	s30 =	sand.u32 $0x70, s23;
	s29 =	sshrl.u32 s29, $0x2  }
0xf2: {  	s29 =	sor.u32 s30, s29  }
0xf3: {  	[tilespmem:s29+$0x13880] =	vst v1;
	s10 =	rddreg [dreg:$0x6]  }
0xf4: {  	[tilespmem:s8], [sflag:$0x1] =	stream.linear.gather [hbm4b:s10+s2], $0x80, $0x38;
	[tilespmem:$0x1B980] =	vst v63  }
0xf5: {  	s29 =	rddreg [dreg:$0x12]  }
0xf6: {  	[tilespmem:s9], [sflag:$0x2] =	stream.linear.gather [hbm4b:s29+s2], $0x80, $0x38;
	[tilespmem:$0x1B980] =	vst v63  }
0xf7: {  	_ =	swait.ge [sflag:s12], $0x80  }
0xf8: {  	[sflag:s12] =	ssyncset.done $0x0  }
0xf9: {  	[sflag:s12] =	ssyncadd.s32 $0xFFFFFF80  }
0xfa: {  	[spmem:s1] =	stream.indirect.scatter.add.f32 [tilespmem:s3], [sflag:$0x3], $0x80, s8, s13, $0xb8;
	[tilespmem:$0x1B980] =	vst v63  }
0xfb: {  	_ =	swait.ge [sflag:s14], $0x80  }
0xfc: {  	[sflag:s14] =	ssyncset.done $0x0  }
0xfd: {  	[sflag:s14] =	ssyncadd.s32 $0xFFFFFF80  }
0xfe: {  	_ =	swait.ge [sflag:s16], $0x4000  }
0xff: {  	[sflag:s16] =	ssyncset.done $0x0  }
0x100: {  	s30 =	rddreg [dreg:$0x10];
	[sflag:s16] =	ssyncadd.s32 $0xFFFFC000  }
0x101: {  	[tilespmem:s8], [sflag:$0x1] =	stream.linear.gather [hbm4b:s30+s2], $0x80, $0x38;
	[tilespmem:$0x1B980] =	vst v63  }
0x102: {  	s23 =	simm.s32 $0xFFFFDE00  }
0x103: {  	[spmem:s1] =	stream.indirect.scatter.add.f32 [tilespmem:s3], [sflag:$0x4], $0x80, s9, s13, $0xb8;
	[tilespmem:$0x1B980] =	vst v63  }
.LBB2_11:
0x104: {  	_ =	swait.ge [sflag:s17], $0x4000  }
0x105: {  	s10 =	sadd.s32 s23, s25;
	[sflag:s17] =	ssyncset.done $0x0  }
0x106: {  	s29 =	sadd.s32 $0x2500, s10;
	[sflag:s17] =	ssyncadd.s32 $0xFFFFC000  }
0x107: {  	[tilespmem:s9], [sflag:$0x2] =	stream.linear.gather [hbm4b:s29+s2], $0x80, $0x38;
	[tilespmem:$0x1B980] =	vst v63  }
0x108: {  	_ =	swait.ge [sflag:s12], $0x80  }
0x109: {  	[sflag:s12] =	ssyncset.done $0x0  }
0x10a: {  	[sflag:s12] =	ssyncadd.s32 $0xFFFFFF80  }
0x10b: {  	[spmem:s1] =	stream.indirect.scatter.add.f32 [tilespmem:s3], [sflag:$0x3], $0x80, s8, s13, $0xb8;
	[tilespmem:$0x1B980] =	vst v63  }
0x10c: {  	p2 =	seq.s32 s23, $0x0;
	_ =	swait.ge [sflag:s14], $0x80  }
.Ltmp7:
0x10d: {  	[sflag:s14] =	ssyncset.done $0x0;
	(pc) =	sbr.rel @p2 .LBB2_13-.Ltmp7, $4  }
0x10e: {  	[sflag:s14] =	ssyncadd.s32 $0xFFFFFF80  }
0x10f: {  	_ =	swait.ge [sflag:s16], $0x4000  }
0x110: {  	[sflag:s16] =	ssyncset.done $0x0  }
0x111: {  	[sflag:s16] =	ssyncadd.s32 $0xFFFFC000  }
.Ltmp8:
0x112: {  	(pc) =	sbr.rel .LBB2_11-.Ltmp8, $4  }
0x113: {  	s10 =	sadd.s32 $0x2600, s10  }
0x114: {  	[tilespmem:s8], [sflag:$0x1] =	stream.linear.gather [hbm4b:s10+s2], $0x80, $0x38;
	[tilespmem:$0x1B980] =	vst v63  }
0x115: {  	s23 =	sadd.s32 $0x200, s23  }
0x116: {  	[spmem:s1] =	stream.indirect.scatter.add.f32 [tilespmem:s3], [sflag:$0x4], $0x80, s9, s13, $0xb8;
	[tilespmem:$0x1B980] =	vst v63  }
.LBB2_14:
0x117: {  	_ =	sfence.sel $0x180000  }
0x118: {  	[bflag:$0x0] =	sbarrier.arrive $0xFFFF  }
0x119: {  	_ =	strace $0x9000004D  }
0x11a: {  	[bflag:$0x2] =	sbarrier.arrive $0xFFFF  }
0x11b: {  	s0 =	rddreg [dreg:$0x2]  }
0x11c: {  	s0 =	sadd.s32 @!p0 $0x100000, s0  }
0x11d: {  	[sflag:s0] =	ssyncadd.tile.s32 @!p0 $0x1;
	_ =	shalt  }
.Lfunc_end2:
_tile_overlayer_lowered:
.L_overlay_start_2:
0x11e: {  	(tag) =	ssettag $0x2  }
0x11f: {  	s0 =	rddreg [dreg:$0x0];
	s2 =	stileid.u32  }
0x120: {  	s1 =	rddreg [dreg:$0x1];
	p0 =	sne.s32 s2, $0x0  }
0x121: {  	s3 =	rddreg [dreg:$0x2];
	[bflag:$0x3] =	sbarrier.arrive $0xFFFF;
	s2 =	simm.s32 @!p0 $0x1C05  }
0x122: {  	[timem:s3], [sflag:s2] =	dma.local @!p0 [hbm:s0], s1  }
0x123: {  	s0 =	simm.s32 @!p0 $0x5  }
0x124: {  	_ =	swait.ge @!p0 [sflag:s0], s1  }
0x125: {  	s1 =	ssub.s32 @!p0 $0x0, s1;
	[sflag:s0] =	ssyncset.done @!p0 $0x0  }
0x126: {  	[sflag:s0] =	ssyncadd.s32 @!p0 s1  }
0x127: {  	[bflag:$0x3] =	sbarrier.arrive $0xFFFF  }
0x128: {  	_ =	shalt  }

</sc_bundles>
